<compile_context>
chip_gen: v7x
topology: tpu7x:2x2x1
jax: 0.10.2.dev20260603
libtpu: 0.0.44.dev20260713+nightly
codegen_flags: <defaults>
</compile_context>

<pallas_src>
import functools

import jax
import jax.numpy as jnp
from jax import lax
from jax.experimental import pallas as pl
from jax.experimental.pallas import tpu as pltpu
from jax.experimental.pallas import tpu_sc as plsc

_N = 10000
_D = 128
_E = 100000
_B = 8192

_NC = 2
_NS = 16
_NW = _NC * _NS
_L = 16

_NPAD = 10240
_EPW = 3200
_EP = _EPW * _NW
_KCH = _EPW // 128
_KC2 = _EPW // 64
_RPT = _NPAD // _NS

@functools.cache
def _mesh():
    return plsc.VectorSubcoreMesh(core_axis_name="c", subcore_axis_name="s",
                                  num_cores=_NC, num_subcores=_NS)


def _zero_vmem(ref, nrows, ncols):
    z = jnp.zeros((_L,), jnp.float32)

    def body(i, _):
        for j in range(ncols // _L):
            ref[i, pl.ds(j * _L, _L)] = z
        return 0

    lax.fori_loop(0, nrows, body, 0)


@functools.cache
def _make_sc_degrees():
    return pl.kernel(
        _sc_degrees_body,
        out_type=jax.ShapeDtypeStruct((_NC, _NS, 6, _NPAD), jnp.float32),
        mesh=_mesh(),
        scratch_types=[pltpu.VMEM((_KCH, 128), jnp.int32)]
        + [pltpu.VMEM((_NPAD,), jnp.float32) for _ in range(6)],
        compiler_params=pltpu.CompilerParams(needs_layout_passes=False),
    )


def _sc_degrees_body(s0, s1, s2, d0, d1, d2, out, idx_v,
                     h0, h1, h2, h3, h4, h5):
    c = lax.axis_index("c")
    s = lax.axis_index("s")
    w = s * _NC + c
    hists = (h0, h1, h2, h3, h4, h5)

    zero = jnp.zeros((_L,), jnp.float32)
    ones = jnp.ones((_L,), jnp.float32)

    def zero_body(i, _):
        for h in hists:
            h[pl.ds(i * _L, _L)] = zero
        return 0

    lax.fori_loop(0, _NPAD // _L, zero_body, 0)

    for src_ref, h in zip((s0, s1, s2, d0, d1, d2), hists):
        pltpu.sync_copy(src_ref.at[w], idx_v)

        def grp(j, _):
            for k in range(8):
                iv = idx_v[j, pl.ds(k * _L, _L)]
                plsc.addupdate_scatter(h, [iv], ones)
            return 0

        lax.fori_loop(0, _KCH, grp, 0)

    for ai, h in enumerate(hists):
        pltpu.sync_copy(h, out.at[c, s, ai])


_NH = 1
_DH = _D // _NH


@functools.cache
def _make_sc_propagate():
    return pl.kernel(
        _sc_propagate_body,
        out_type=jax.ShapeDtypeStruct((_NC, 3, _NH, _NPAD, _DH),
                                      jnp.float32),
        mesh=_mesh(),
        scratch_types=[
            pltpu.VMEM((_KC2, 64), jnp.int32),
            pltpu.VMEM((_KC2, 64), jnp.int32),
            pltpu.VMEM((4, 64, _DH // 2), jnp.uint32),
            pltpu.VMEM((2, 64, _DH), jnp.float32),
            pltpu.VMEM((64, _DH), jnp.float32),
            pltpu.VMEM_SHARED((_NPAD, _DH), jnp.float32),
            pltpu.SemaphoreType.DMA,
            pltpu.SemaphoreType.DMA,
        ],
        compiler_params=pltpu.CompilerParams(needs_layout_passes=False,
                                             use_tc_tiling_on_sc=False),
    )


def _sc_propagate_body(x, s0, s1, s2, d0, d1, d2, out,
                       idx_s, idx_d, gbuf, fbuf, zero_v, acc, gsem, ssem):
    c = lax.axis_index("c")
    s = lax.axis_index("s")
    w = s * _NC + c

    _zero_vmem(zero_v, 64, _DH)

    for r, (sref, dref) in enumerate(zip((s0, s1, s2), (d0, d1, d2))):
        pltpu.sync_copy(sref.at[w], idx_s)
        pltpu.sync_copy(dref.at[w], idx_d)
        for h in range(_NH):
            table = x.at[r, h]
            def zero_blk(z, _):
                pltpu.sync_copy(zero_v,
                                acc.at[pl.ds(s * _RPT + z * 64, 64)])
                return 0

            lax.fori_loop(0, _RPT // 64, zero_blk, 0)
            plsc.subcore_barrier()

            pltpu.async_copy(table.at[idx_s.at[0]], gbuf.at[0], gsem)
            pltpu.async_copy(table.at[idx_s.at[1]], gbuf.at[1], gsem)
            pltpu.async_copy(table.at[idx_s.at[2]], gbuf.at[2], gsem)

            def chunk(j, _):
                p = lax.rem(j, 2)
                g = lax.rem(j, 4)

                @pl.when(j + 3 < _KC2)
                def _issue():
                    pltpu.async_copy(table.at[idx_s.at[j + 3]],
                                     gbuf.at[lax.rem(j + 3, 4)], gsem)

                pltpu.make_async_copy(table.at[idx_s.at[j]], gbuf.at[g],
                                      gsem).wait()

                @pl.when(j >= 2)
                def _drain():
                    pltpu.make_async_copy(fbuf.at[p],
                                          acc.at[idx_d.at[j - 2]],
                                          ssem).wait()

                def conv(i, _):
                    for b in range(4):
                        w = gbuf[g, i, pl.ds(b * 16, 16)]
                        lo, hi = plsc.unpack(
                            plsc.bitcast(w, jnp.bfloat16),
                            format=plsc.PackFormat.INTERLEAVED)
                        fbuf[p, i, pl.ds(b * 32, 16)] = lo
                        fbuf[p, i, pl.ds(b * 32 + 16, 16)] = hi
                    return 0

                lax.fori_loop(0, 64, conv, 0)
                pltpu.async_copy(fbuf.at[p], acc.at[idx_d.at[j]], ssem,
                                 add=True)
                return 0

            lax.fori_loop(0, _KC2, chunk, 0)
            pltpu.make_async_copy(fbuf.at[0], acc.at[idx_d.at[_KC2 - 2]],
                                  ssem).wait()
            pltpu.make_async_copy(fbuf.at[1], acc.at[idx_d.at[_KC2 - 1]],
                                  ssem).wait()
            plsc.subcore_barrier()
            pltpu.sync_copy(acc.at[pl.ds(s * _RPT, _RPT)],
                            out.at[c, r, h, pl.ds(s * _RPT, _RPT)])


@functools.cache
def _make_sc_gather_out():
    return pl.kernel(
        _sc_gather_out_body,
        out_type=(jax.ShapeDtypeStruct((_B, _D), jnp.float32),
                  jax.ShapeDtypeStruct((_B, _D), jnp.float32)),
        mesh=_mesh(),
        scratch_types=[
            pltpu.VMEM((_B // 128 // _NW, 128), jnp.int32),
            pltpu.VMEM((128, _D), jnp.float32),
            pltpu.SemaphoreType.DMA,
        ],
    )


def _sc_gather_out_body(h2, srcm, dstm, o1, o2, idx_v, rows_v, sem):
    c = lax.axis_index("c")
    s = lax.axis_index("s")
    w = s * _NC + c
    nrow = _B // 128 // _NW
    for idxm, out in ((srcm, o1), (dstm, o2)):
        pltpu.sync_copy(idxm.at[w], idx_v)
        for k in range(nrow):
            row = w * nrow + k
            pltpu.async_copy(h2.at[idx_v.at[k]], rows_v, sem).wait()
            pltpu.sync_copy(rows_v, out.at[pl.ds(row * 128, 128)])


_BLK = 512
_GRID = _NPAD // _BLK


def _pack_bf16_pairs(res):
    blocks = []
    for b in range(4):
        lo = res[:, b * 32:b * 32 + 16]
        hi = res[:, b * 32 + 16:b * 32 + 32]
        lo16 = lax.bitcast_convert_type(lo.astype(jnp.bfloat16),
                                        jnp.uint16).astype(jnp.uint32)
        hi16 = lax.bitcast_convert_type(hi.astype(jnp.bfloat16),
                                        jnp.uint16).astype(jnp.uint32)
        blocks.append((hi16 << 16) | lo16)
    return jnp.concatenate(blocks, axis=1)


def _tc1_body(emb_ref, w1_ref, degp_ref, x_ref, nout_ref, nin_ref):
    deg = jnp.sum(degp_ref[...], axis=(0, 1))
    nrm = lax.rsqrt(jnp.maximum(deg, 1.0))
    nout = nrm[0:3]
    nin = nrm[3:6]
    nout_ref[...] = nout
    nin_ref[...] = nin
    e = emb_ref[...]
    for r in range(3):
        res = jnp.dot(e, w1_ref[r], preferred_element_type=jnp.float32) \
            * nout[r][:, None]
        x_ref[r, 0] = _pack_bf16_pairs(res)


def _tc_transform1(emb, w1, degp):
    return pl.pallas_call(
        _tc1_body,
        grid=(_GRID,),
        in_specs=[
            pl.BlockSpec((_BLK, _D), lambda i: (i, 0)),
            pl.BlockSpec((3, _D, _D), lambda i: (0, 0, 0)),
            pl.BlockSpec((_NC, _NS, 6, _BLK), lambda i: (0, 0, 0, i)),
        ],
        out_specs=[
            pl.BlockSpec((3, _NH, _BLK, _DH // 2), lambda i: (0, 0, i, 0)),
            pl.BlockSpec((3, _BLK), lambda i: (0, i)),
            pl.BlockSpec((3, _BLK), lambda i: (0, i)),
        ],
        out_shape=[
            jax.ShapeDtypeStruct((3, _NH, _NPAD, _DH // 2), jnp.uint32),
            jax.ShapeDtypeStruct((3, _NPAD), jnp.float32),
            jax.ShapeDtypeStruct((3, _NPAD), jnp.float32),
        ],
    )(emb, w1, degp)


def _combine(p_ref, nin, bs_ref):
    halves = []
    for h in range(_NH):
        ph = bs_ref[...][:, h * _DH:(h + 1) * _DH] \
            * jnp.ones((_BLK, 1), jnp.float32)
        for r in range(3):
            ph = ph + (p_ref[0, r, h] + p_ref[1, r, h]) * nin[r][:, None]
        halves.append(ph)
    return jnp.tanh(jnp.concatenate(halves, axis=1))


def _tc2_body(p_ref, nin_ref, nout_ref, b1s_ref, w2_ref, x2_ref):
    nin = nin_ref[...]
    nout = nout_ref[...]
    h = _combine(p_ref, nin, b1s_ref)
    for r in range(3):
        res = jnp.dot(h, w2_ref[r], preferred_element_type=jnp.float32) \
            * nout[r][:, None]
        x2_ref[r, 0] = _pack_bf16_pairs(res)


def _tc_combine_transform(p1, nin, nout, b1s, w2):
    return pl.pallas_call(
        _tc2_body,
        grid=(_GRID,),
        in_specs=[
            pl.BlockSpec((_NC, 3, _NH, _BLK, _DH), lambda i: (0, 0, 0, i, 0)),
            pl.BlockSpec((3, _BLK), lambda i: (0, i)),
            pl.BlockSpec((3, _BLK), lambda i: (0, i)),
            pl.BlockSpec((1, _D), lambda i: (0, 0)),
            pl.BlockSpec((3, _D, _D), lambda i: (0, 0, 0)),
        ],
        out_specs=pl.BlockSpec((3, _NH, _BLK, _DH // 2),
                               lambda i: (0, 0, i, 0)),
        out_shape=jax.ShapeDtypeStruct((3, _NH, _NPAD, _DH // 2),
                                       jnp.uint32),
    )(p1, nin, nout, b1s, w2)


def _tc3_body(p_ref, nin_ref, b2s_ref, h2_ref):
    h2_ref[...] = _combine(p_ref, nin_ref[...], b2s_ref)


def _tc_combine2(p2, nin, b2s):
    return pl.pallas_call(
        _tc3_body,
        grid=(_GRID,),
        in_specs=[
            pl.BlockSpec((_NC, 3, _NH, _BLK, _DH), lambda i: (0, 0, 0, i, 0)),
            pl.BlockSpec((3, _BLK), lambda i: (0, i)),
            pl.BlockSpec((1, _D), lambda i: (0, 0)),
        ],
        out_specs=pl.BlockSpec((_BLK, _D), lambda i: (i, 0)),
        out_shape=jax.ShapeDtypeStruct((_NPAD, _D), jnp.float32),
    )(p2, nin, b2s)


def _pad_edges(e):
    pad = jnp.full((_EP - _E,), _N, jnp.int32)
    srow = jnp.concatenate([e[0].astype(jnp.int32), pad]).reshape(
        _NW, _KCH, 128)
    drow = jnp.concatenate([e[1].astype(jnp.int32), pad]).reshape(
        _NW, _KCH, 128)
    return srow, drow


def kernel(edge_index_r0, edge_index_r1, edge_index_r2, src, dst, emb,
           W1_r0, b1_r0, W1_r1, b1_r1, W1_r2, b1_r2,
           W2_r0, b2_r0, W2_r1, b2_r1, W2_r2, b2_r2):
    s0, d0 = _pad_edges(edge_index_r0)
    s1, d1 = _pad_edges(edge_index_r1)
    s2, d2 = _pad_edges(edge_index_r2)
    emb_p = jnp.pad(emb.astype(jnp.float32), ((0, _NPAD - _N), (0, 0)))
    w1 = jnp.stack([W1_r0, W1_r1, W1_r2]).astype(jnp.float32)
    w2 = jnp.stack([W2_r0, W2_r1, W2_r2]).astype(jnp.float32)
    b1s = (b1_r0 + b1_r1 + b1_r2).astype(jnp.float32).reshape(1, _D)
    b2s = (b2_r0 + b2_r1 + b2_r2).astype(jnp.float32).reshape(1, _D)
    srcm = src.astype(jnp.int32).reshape(_NW, -1, 128)
    dstm = dst.astype(jnp.int32).reshape(_NW, -1, 128)

    sc_degrees = _make_sc_degrees()
    sc_propagate = _make_sc_propagate()
    sc_gather_out = _make_sc_gather_out()

    s0p, d0p = [a.reshape(_NW, _KC2, 64) for a in (s0, d0)]
    s1p, d1p = [a.reshape(_NW, _KC2, 64) for a in (s1, d1)]
    s2p, d2p = [a.reshape(_NW, _KC2, 64) for a in (s2, d2)]
    degp = sc_degrees(s0, s1, s2, d0, d1, d2)
    x1, nout, nin = _tc_transform1(emb_p, w1, degp)
    p1 = sc_propagate(x1, s0p, s1p, s2p, d0p, d1p, d2p)
    x2 = _tc_combine_transform(p1, nin, nout, b1s, w2)
    p2 = sc_propagate(x2, s0p, s1p, s2p, d0p, d1p, d2p)
    h2 = _tc_combine2(p2, nin, b2s)
    o1, o2 = sc_gather_out(h2, srcm, dstm)
    return (o1, o2)

# --- scband reference (transcript-rebuilt; emitter-appended) ---
"""Pipeline reference for scband-rgcnmodel-24292335026208 (READ-ONLY COPY).

The authoritative reference and input builder live on the scoring server;
editing this copy changes nothing except your own understanding.
"""

import jax, jax.numpy as jnp
import numpy as np

N = 10000
D = 128
E = 100000
B = 8192


def _graphconv(feat, s, d, W, b):
    # DGL GraphConv with norm='both' on the relation subgraph:
    # h = D_out^{-1/2} feat ; aggregate-sum over edges ; rst = D_in^{-1/2} agg ; rst @ W + b
    out_deg = jnp.zeros((N,), jnp.float32).at[s].add(1.0)
    in_deg = jnp.zeros((N,), jnp.float32).at[d].add(1.0)
    norm_out = jax.lax.rsqrt(jnp.clip(out_deg, 1.0, None))
    norm_in = jax.lax.rsqrt(jnp.clip(in_deg, 1.0, None))
    h = feat * norm_out[:, None]
    agg = jnp.zeros((N, feat.shape[1]), feat.dtype).at[d].add(h[s])
    agg = agg * norm_in[:, None]
    return agg @ W + b


def setup_inputs(seed: int = 0) -> dict:
    key = jax.random.key(seed)
    ks = jax.random.split(key, 24)
    inp = {}
    inp['edge_index_r0'] = jax.random.randint(ks[0], (2, E), 0, N)
    inp['edge_index_r1'] = jax.random.randint(ks[1], (2, E), 0, N)
    inp['edge_index_r2'] = jax.random.randint(ks[2], (2, E), 0, N)
    inp['src'] = jax.random.randint(ks[3], (B,), 0, N)
    inp['dst'] = jax.random.randint(ks[4], (B,), 0, N)
    inp['emb'] = jax.random.normal(ks[5], (N, D), dtype=jnp.float32) * 0.02
    for i in range(3):
        inp[f'W1_r{i}'] = jax.random.normal(ks[6 + i], (D, D), dtype=jnp.float32) * 0.05
        inp[f'b1_r{i}'] = jnp.zeros((D,), jnp.float32)
        inp[f'W2_r{i}'] = jax.random.normal(ks[9 + i], (D, D), dtype=jnp.float32) * 0.05
        inp[f'b2_r{i}'] = jnp.zeros((D,), jnp.float32)
    return inp


def reference(edge_index_r0, edge_index_r1, edge_index_r2, src, dst, emb,
              W1_r0, b1_r0, W1_r1, b1_r1, W1_r2, b1_r2,
              W2_r0, b2_r0, W2_r1, b2_r1, W2_r2, b2_r2):
    rels = [edge_index_r0, edge_index_r1, edge_index_r2]
    p1 = [(W1_r0, b1_r0), (W1_r1, b1_r1), (W1_r2, b1_r2)]
    p2 = [(W2_r0, b2_r0), (W2_r1, b2_r1), (W2_r2, b2_r2)]
    # layer 1: HeteroGraphConv aggregate='sum' over relations, then tanh
    h = jnp.zeros((N, D), jnp.float32)
    for e, (W, b) in zip(rels, p1):
        h = h + _graphconv(emb, e[0], e[1], W, b)
    h = jnp.tanh(h)
    # layer 2
    h2 = jnp.zeros((N, D), jnp.float32)
    for e, (W, b) in zip(rels, p2):
        h2 = h2 + _graphconv(h, e[0], e[1], W, b)
    h2 = jnp.tanh(h2)
    return (h2[src], h2[dst])

if __name__ == "__main__":
    import jax
    _d = setup_inputs()
    print(jax.jit(kernel)(*tuple(_d.values())))

</pallas_src>

<mosaic_0001>
#map = affine_map<(d0, d1) -> (0, 0, 0, 0)>
#map1 = affine_map<(d0, d1) -> (0, 0, 0)>
#map2 = affine_map<(d0, d1) -> (0, 0, 0, 0, 0)>
module attributes {stable_mosaic.version = 14 : i64} {
  func.func @_sc_propagate_body(%arg0: i32, %arg1: i32, %arg2: memref<3x1x10240x64xi32, #tpu.memory_space<hbm>>, %arg3: memref<32x50x64xi32, #tpu.memory_space<hbm>>, %arg4: memref<32x50x64xi32, #tpu.memory_space<hbm>>, %arg5: memref<32x50x64xi32, #tpu.memory_space<hbm>>, %arg6: memref<32x50x64xi32, #tpu.memory_space<hbm>>, %arg7: memref<32x50x64xi32, #tpu.memory_space<hbm>>, %arg8: memref<32x50x64xi32, #tpu.memory_space<hbm>>, %arg9: memref<2x3x1x10240x128xf32, #tpu.memory_space<hbm>>, %arg10: memref<50x64xi32, #tpu.memory_space<vmem>>, %arg11: memref<50x64xi32, #tpu.memory_space<vmem>>, %arg12: memref<4x64x64xi32, #tpu.memory_space<vmem>>, %arg13: memref<2x64x128xf32, #tpu.memory_space<vmem>>, %arg14: memref<64x128xf32, #tpu.memory_space<vmem>>, %arg15: memref<10240x128xf32, #tpu.memory_space<vmem_shared>>, %arg16: memref<!tpu.dma_semaphore, #tpu.memory_space<semaphore_mem>>, %arg17: memref<!tpu.dma_semaphore, #tpu.memory_space<semaphore_mem>>) attributes {dimension_semantics = [#tpu.dimension_semantics<core_parallel>, #tpu.dimension_semantics<subcore_parallel>], iteration_bounds = array<i64: 2, 16>, scalar_prefetch = 0 : i64, scratch_operands = 8 : i64, tpu.core_type = #tpu.core_type<sc_vector_subcore>, window_params = [{transform_indices = #map}, {transform_indices = #map1}, {transform_indices = #map1}, {transform_indices = #map1}, {transform_indices = #map1}, {transform_indices = #map1}, {transform_indices = #map1}, {transform_indices = #map2}]} {
    %mul3A = arith.constant 2 : i32
    %mul3A_0 = arith.muli %arg1, %mul3A : i32
    %add3A = arith.addi %mul3A_0, %arg0 : i32
    %broadcast_in_dim3A = arith.constant 0.000000e+00 : f32
    %broadcast_in_dim3A_1 = vector.broadcast %broadcast_in_dim3A : f32 to vector<16xf32>
    %scan3A = arith.constant 0 : i32
    %scan3A_2 = arith.constant 0 : i32
    %scan3A_3 = arith.constant 64 : i32
    %scan3A_4 = arith.addi %scan3A_2, %scan3A_3 : i32
    %scan3A_5 = arith.constant 1 : i32
    %scan3A_6 = scf.for %scan3A_310 = %scan3A_2 to %scan3A_4 step %scan3A_5 iter_args(%scan3A_311 = %scan3A) -> (i32)  : i32 {
      %swap3A = arith.index_cast %scan3A_310 : i32 to index
      %swap3A_312 = arith.constant 0 : index
      %swap3A_313 = tpu.vector_load %arg14[%swap3A, %swap3A_312] {strides = array<i32>} : memref<64x128xf32, #tpu.memory_space<vmem>>, vector<16xf32>,
      tpu.vector_store %arg14[%swap3A, %swap3A_312], %broadcast_in_dim3A_1 {strides = array<i32>} : memref<64x128xf32, #tpu.memory_space<vmem>>, vector<16xf32>,
      %swap3A_314 = arith.index_cast %scan3A_310 : i32 to index
      %swap3A_315 = arith.constant 16 : index
      %swap3A_316 = tpu.vector_load %arg14[%swap3A_314, %swap3A_315] {strides = array<i32>} : memref<64x128xf32, #tpu.memory_space<vmem>>, vector<16xf32>,
      tpu.vector_store %arg14[%swap3A_314, %swap3A_315], %broadcast_in_dim3A_1 {strides = array<i32>} : memref<64x128xf32, #tpu.memory_space<vmem>>, vector<16xf32>,
      %swap3A_317 = arith.index_cast %scan3A_310 : i32 to index
      %swap3A_318 = arith.constant 32 : index
      %swap3A_319 = tpu.vector_load %arg14[%swap3A_317, %swap3A_318] {strides = array<i32>} : memref<64x128xf32, #tpu.memory_space<vmem>>, vector<16xf32>,
      tpu.vector_store %arg14[%swap3A_317, %swap3A_318], %broadcast_in_dim3A_1 {strides = array<i32>} : memref<64x128xf32, #tpu.memory_space<vmem>>, vector<16xf32>,
      %swap3A_320 = arith.index_cast %scan3A_310 : i32 to index
      %swap3A_321 = arith.constant 48 : index
      %swap3A_322 = tpu.vector_load %arg14[%swap3A_320, %swap3A_321] {strides = array<i32>} : memref<64x128xf32, #tpu.memory_space<vmem>>, vector<16xf32>,
      tpu.vector_store %arg14[%swap3A_320, %swap3A_321], %broadcast_in_dim3A_1 {strides = array<i32>} : memref<64x128xf32, #tpu.memory_space<vmem>>, vector<16xf32>,
      %swap3A_323 = arith.index_cast %scan3A_310 : i32 to index
      %swap3A_324 = arith.constant 64 : index
      %swap3A_325 = tpu.vector_load %arg14[%swap3A_323, %swap3A_324] {strides = array<i32>} : memref<64x128xf32, #tpu.memory_space<vmem>>, vector<16xf32>,
      tpu.vector_store %arg14[%swap3A_323, %swap3A_324], %broadcast_in_dim3A_1 {strides = array<i32>} : memref<64x128xf32, #tpu.memory_space<vmem>>, vector<16xf32>,
      %swap3A_326 = arith.index_cast %scan3A_310 : i32 to index
      %swap3A_327 = arith.constant 80 : index
      %swap3A_328 = tpu.vector_load %arg14[%swap3A_326, %swap3A_327] {strides = array<i32>} : memref<64x128xf32, #tpu.memory_space<vmem>>, vector<16xf32>,
      tpu.vector_store %arg14[%swap3A_326, %swap3A_327], %broadcast_in_dim3A_1 {strides = array<i32>} : memref<64x128xf32, #tpu.memory_space<vmem>>, vector<16xf32>,
      %swap3A_329 = arith.index_cast %scan3A_310 : i32 to index
      %swap3A_330 = arith.constant 96 : index
      %swap3A_331 = tpu.vector_load %arg14[%swap3A_329, %swap3A_330] {strides = array<i32>} : memref<64x128xf32, #tpu.memory_space<vmem>>, vector<16xf32>,
      tpu.vector_store %arg14[%swap3A_329, %swap3A_330], %broadcast_in_dim3A_1 {strides = array<i32>} : memref<64x128xf32, #tpu.memory_space<vmem>>, vector<16xf32>,
      %swap3A_332 = arith.index_cast %scan3A_310 : i32 to index
      %swap3A_333 = arith.constant 112 : index
      %swap3A_334 = tpu.vector_load %arg14[%swap3A_332, %swap3A_333] {strides = array<i32>} : memref<64x128xf32, #tpu.memory_space<vmem>>, vector<16xf32>,
      tpu.vector_store %arg14[%swap3A_332, %swap3A_333], %broadcast_in_dim3A_1 {strides = array<i32>} : memref<64x128xf32, #tpu.memory_space<vmem>>, vector<16xf32>,
      %scan3A_335 = arith.constant 0 : i32
      scf.yield %scan3A_335 : i32
    }
    %scan3A_7 = arith.constant 64 : i32
    "tpu.region"() ({
      %run_scoped3A_310 = tpu.sem_alloc : memref<!tpu.dma_semaphore, #tpu.memory_space<semaphore_mem>>
      %dma_start3A_311 = arith.constant 0 : i32
      %dma_start3A_312 = arith.constant 0 : i32
      %dma_start3A_313 = tpu.memref_slice %arg3[%add3A, %dma_start3A_311, %dma_start3A_312] : memref<32x50x64xi32, #tpu.memory_space<hbm>> -> memref<1x50x64xi32, #tpu.memory_space<hbm>>
      %dma_start3A_314 = tpu.memref_squeeze %dma_start3A_313 : memref<1x50x64xi32, #tpu.memory_space<hbm>> -> memref<50x64xi32, #tpu.memory_space<hbm>>
      %dma_start3A_315 = arith.constant 0 : i32
      %dma_start3A_316 = arith.constant 0 : i32
      %dma_start3A_317 = tpu.memref_slice %arg3[%add3A, %dma_start3A_315, %dma_start3A_316] : memref<32x50x64xi32, #tpu.memory_space<hbm>> -> memref<1x50x64xi32, #tpu.memory_space<hbm>>
      %dma_start3A_318 = tpu.memref_squeeze %dma_start3A_317 : memref<1x50x64xi32, #tpu.memory_space<hbm>> -> memref<50x64xi32, #tpu.memory_space<hbm>>
      tpu.enqueue_dma source(%dma_start3A_318 : memref<50x64xi32, #tpu.memory_space<hbm>>) target(%arg10 : memref<50x64xi32, #tpu.memory_space<vmem>>) target_semaphore(%run_scoped3A_310 : memref<!tpu.dma_semaphore, #tpu.memory_space<semaphore_mem>>)
      %dma_wait3A_319 = arith.constant 0 : i32
      %dma_wait3A_320 = arith.constant 0 : i32
      %dma_wait3A_321 = tpu.memref_slice %arg3[%add3A, %dma_wait3A_319, %dma_wait3A_320] : memref<32x50x64xi32, #tpu.memory_space<hbm>> -> memref<1x50x64xi32, #tpu.memory_space<hbm>>
      %dma_wait3A_322 = tpu.memref_squeeze %dma_wait3A_321 : memref<1x50x64xi32, #tpu.memory_space<hbm>> -> memref<50x64xi32, #tpu.memory_space<hbm>>
      %dma_wait3A_323 = arith.constant 0 : i32
      %dma_wait3A_324 = arith.constant 0 : i32
      %dma_wait3A_325 = tpu.memref_slice %arg3[%add3A, %dma_wait3A_323, %dma_wait3A_324] : memref<32x50x64xi32, #tpu.memory_space<hbm>> -> memref<1x50x64xi32, #tpu.memory_space<hbm>>
      %dma_wait3A_326 = tpu.memref_squeeze %dma_wait3A_325 : memref<1x50x64xi32, #tpu.memory_space<hbm>> -> memref<50x64xi32, #tpu.memory_space<hbm>>
      tpu.wait_dma2 semaphore(%run_scoped3A_310 : memref<!tpu.dma_semaphore, #tpu.memory_space<semaphore_mem>>) src(%dma_wait3A_326 : memref<50x64xi32, #tpu.memory_space<hbm>>) dst(%arg10 : memref<50x64xi32, #tpu.memory_space<vmem>>)
      tpu.yield
    }) : () -> ()
    "tpu.region"() ({
      %run_scoped3A_310 = tpu.sem_alloc : memref<!tpu.dma_semaphore, #tpu.memory_space<semaphore_mem>>
      %dma_start3A_311 = arith.constant 0 : i32
      %dma_start3A_312 = arith.constant 0 : i32
      %dma_start3A_313 = tpu.memref_slice %arg6[%add3A, %dma_start3A_311, %dma_start3A_312] : memref<32x50x64xi32, #tpu.memory_space<hbm>> -> memref<1x50x64xi32, #tpu.memory_space<hbm>>
      %dma_start3A_314 = tpu.memref_squeeze %dma_start3A_313 : memref<1x50x64xi32, #tpu.memory_space<hbm>> -> memref<50x64xi32, #tpu.memory_space<hbm>>
      %dma_start3A_315 = arith.constant 0 : i32
      %dma_start3A_316 = arith.constant 0 : i32
      %dma_start3A_317 = tpu.memref_slice %arg6[%add3A, %dma_start3A_315, %dma_start3A_316] : memref<32x50x64xi32, #tpu.memory_space<hbm>> -> memref<1x50x64xi32, #tpu.memory_space<hbm>>
      %dma_start3A_318 = tpu.memref_squeeze %dma_start3A_317 : memref<1x50x64xi32, #tpu.memory_space<hbm>> -> memref<50x64xi32, #tpu.memory_space<hbm>>
      tpu.enqueue_dma source(%dma_start3A_318 : memref<50x64xi32, #tpu.memory_space<hbm>>) target(%arg11 : memref<50x64xi32, #tpu.memory_space<vmem>>) target_semaphore(%run_scoped3A_310 : memref<!tpu.dma_semaphore, #tpu.memory_space<semaphore_mem>>)
      %dma_wait3A_319 = arith.constant 0 : i32
      %dma_wait3A_320 = arith.constant 0 : i32
      %dma_wait3A_321 = tpu.memref_slice %arg6[%add3A, %dma_wait3A_319, %dma_wait3A_320] : memref<32x50x64xi32, #tpu.memory_space<hbm>> -> memref<1x50x64xi32, #tpu.memory_space<hbm>>
      %dma_wait3A_322 = tpu.memref_squeeze %dma_wait3A_321 : memref<1x50x64xi32, #tpu.memory_space<hbm>> -> memref<50x64xi32, #tpu.memory_space<hbm>>
      %dma_wait3A_323 = arith.constant 0 : i32
      %dma_wait3A_324 = arith.constant 0 : i32
      %dma_wait3A_325 = tpu.memref_slice %arg6[%add3A, %dma_wait3A_323, %dma_wait3A_324] : memref<32x50x64xi32, #tpu.memory_space<hbm>> -> memref<1x50x64xi32, #tpu.memory_space<hbm>>
      %dma_wait3A_326 = tpu.memref_squeeze %dma_wait3A_325 : memref<1x50x64xi32, #tpu.memory_space<hbm>> -> memref<50x64xi32, #tpu.memory_space<hbm>>
      tpu.wait_dma2 semaphore(%run_scoped3A_310 : memref<!tpu.dma_semaphore, #tpu.memory_space<semaphore_mem>>) src(%dma_wait3A_326 : memref<50x64xi32, #tpu.memory_space<hbm>>) dst(%arg11 : memref<50x64xi32, #tpu.memory_space<vmem>>)
      tpu.yield
    }) : () -> ()
    %scan3A_8 = arith.constant 0 : i32
    %scan3A_9 = arith.constant 0 : i32
    %scan3A_10 = arith.constant 10 : i32
    %scan3A_11 = arith.addi %scan3A_9, %scan3A_10 : i32
    %scan3A_12 = arith.constant 1 : i32
    %scan3A_13 = scf.for %scan3A_310 = %scan3A_9 to %scan3A_11 step %scan3A_12 iter_args(%scan3A_311 = %scan3A_8) -> (i32)  : i32 {
      %mul3A_312 = arith.constant 640 : i32
      %mul3A_313 = arith.muli %arg1, %mul3A_312 : i32
      %mul3A_314 = arith.constant 64 : i32
      %mul3A_315 = arith.muli %scan3A_310, %mul3A_314 : i32
      %add3A_316 = arith.addi %mul3A_313, %mul3A_315 : i32
      "tpu.region"() ({
        %run_scoped3A_318 = tpu.sem_alloc : memref<!tpu.dma_semaphore, #tpu.memory_space<semaphore_mem>>
        %dma_start3A_319 = arith.constant 0 : i32
        %dma_start3A_320 = tpu.memref_slice %arg15[%add3A_316, %dma_start3A_319] : memref<10240x128xf32, #tpu.memory_space<vmem_shared>> -> memref<64x128xf32, #tpu.memory_space<vmem_shared>>
        %dma_start3A_321 = arith.constant 0 : i32
        %dma_start3A_322 = tpu.memref_slice %arg15[%add3A_316, %dma_start3A_321] : memref<10240x128xf32, #tpu.memory_space<vmem_shared>> -> memref<64x128xf32, #tpu.memory_space<vmem_shared>>
        tpu.enqueue_dma source(%arg14 : memref<64x128xf32, #tpu.memory_space<vmem>>) target(%dma_start3A_322 : memref<64x128xf32, #tpu.memory_space<vmem_shared>>) target_semaphore(%run_scoped3A_318 : memref<!tpu.dma_semaphore, #tpu.memory_space<semaphore_mem>>)
        %dma_wait3A_323 = arith.constant 0 : i32
        %dma_wait3A_324 = tpu.memref_slice %arg15[%add3A_316, %dma_wait3A_323] : memref<10240x128xf32, #tpu.memory_space<vmem_shared>> -> memref<64x128xf32, #tpu.memory_space<vmem_shared>>
        %dma_wait3A_325 = arith.constant 0 : i32
        %dma_wait3A_326 = tpu.memref_slice %arg15[%add3A_316, %dma_wait3A_325] : memref<10240x128xf32, #tpu.memory_space<vmem_shared>> -> memref<64x128xf32, #tpu.memory_space<vmem_shared>>
        tpu.wait_dma2 semaphore(%run_scoped3A_318 : memref<!tpu.dma_semaphore, #tpu.memory_space<semaphore_mem>>) src(%arg14 : memref<64x128xf32, #tpu.memory_space<vmem>>) dst(%dma_wait3A_326 : memref<64x128xf32, #tpu.memory_space<vmem_shared>>)
        tpu.yield
      }) : () -> ()
      %scan3A_317 = arith.constant 0 : i32
      scf.yield %scan3A_317 : i32
    }
    %scan3A_14 = arith.constant 10 : i32
    %barrier3A = arith.constant 0 : index
    tpu.barrier barrier_id(%barrier3A)
    %dma_start3A = arith.constant 0 : i32
    %dma_start3A_15 = arith.constant 0 : i32
    %dma_start3A_16 = arith.constant 0 : i32
    %dma_start3A_17 = arith.constant 0 : i32
    %dma_start3A_18 = arith.constant 0 : i32
    %dma_start3A_19 = arith.constant 0 : i32
    %dma_start3A_20 = tpu.memref_slice %arg12[%dma_start3A_17, %dma_start3A_18, %dma_start3A_19] : memref<4x64x64xi32, #tpu.memory_space<vmem>> -> memref<1x64x64xi32, #tpu.memory_space<vmem>>
    %dma_start3A_21 = tpu.memref_squeeze %dma_start3A_20 : memref<1x64x64xi32, #tpu.memory_space<vmem>> -> memref<64x64xi32, #tpu.memory_space<vmem>>
    %dma_start3A_22 = arith.constant 0 : i32
    %dma_start3A_23 = tpu.memref_slice %arg10[%dma_start3A_16, %dma_start3A_22] : memref<50x64xi32, #tpu.memory_space<vmem>> -> memref<1x64xi32, #tpu.memory_space<vmem>>
    %dma_start3A_24 = tpu.memref_squeeze %dma_start3A_23 : memref<1x64xi32, #tpu.memory_space<vmem>> -> memref<64xi32, #tpu.memory_space<vmem>>
    %dma_start3A_25 = arith.constant 0 : i32
    %dma_start3A_26 = arith.constant 0 : i32
    %dma_start3A_27 = tpu.memref_slice %arg2[%dma_start3A, %dma_start3A_15, %dma_start3A_25, %dma_start3A_26] : memref<3x1x10240x64xi32, #tpu.memory_space<hbm>> -> memref<1x1x10240x64xi32, #tpu.memory_space<hbm>>
    %dma_start3A_28 = tpu.memref_squeeze %dma_start3A_27 : memref<1x1x10240x64xi32, #tpu.memory_space<hbm>> -> memref<10240x64xi32, #tpu.memory_space<hbm>>
    %dma_start3A_29 = arith.constant 0 : i32
    %dma_start3A_30 = arith.constant 0 : i32
    %dma_start3A_31 = tpu.memref_slice %dma_start3A_28[%dma_start3A_29, %dma_start3A_30] : memref<10240x64xi32, #tpu.memory_space<hbm>> -> memref<10240x64xi32, #tpu.memory_space<hbm>>
    tpu.enqueue_indirect_dma source(%dma_start3A_31 : memref<10240x64xi32, #tpu.memory_space<hbm>>) target(%dma_start3A_21 : memref<64x64xi32, #tpu.memory_space<vmem>>) offsets(%dma_start3A_24 : memref<64xi32, #tpu.memory_space<vmem>>) semaphore(%arg16 : memref<!tpu.dma_semaphore, #tpu.memory_space<semaphore_mem>>)
    %dma_start3A_32 = arith.constant 0 : i32
    %dma_start3A_33 = arith.constant 0 : i32
    %dma_start3A_34 = arith.constant 1 : i32
    %dma_start3A_35 = arith.constant 1 : i32
    %dma_start3A_36 = arith.constant 0 : i32
    %dma_start3A_37 = arith.constant 0 : i32
    %dma_start3A_38 = tpu.memref_slice %arg12[%dma_start3A_35, %dma_start3A_36, %dma_start3A_37] : memref<4x64x64xi32, #tpu.memory_space<vmem>> -> memref<1x64x64xi32, #tpu.memory_space<vmem>>
    %dma_start3A_39 = tpu.memref_squeeze %dma_start3A_38 : memref<1x64x64xi32, #tpu.memory_space<vmem>> -> memref<64x64xi32, #tpu.memory_space<vmem>>
    %dma_start3A_40 = arith.constant 0 : i32
    %dma_start3A_41 = tpu.memref_slice %arg10[%dma_start3A_34, %dma_start3A_40] : memref<50x64xi32, #tpu.memory_space<vmem>> -> memref<1x64xi32, #tpu.memory_space<vmem>>
    %dma_start3A_42 = tpu.memref_squeeze %dma_start3A_41 : memref<1x64xi32, #tpu.memory_space<vmem>> -> memref<64xi32, #tpu.memory_space<vmem>>
    %dma_start3A_43 = arith.constant 0 : i32
    %dma_start3A_44 = arith.constant 0 : i32
    %dma_start3A_45 = tpu.memref_slice %arg2[%dma_start3A_32, %dma_start3A_33, %dma_start3A_43, %dma_start3A_44] : memref<3x1x10240x64xi32, #tpu.memory_space<hbm>> -> memref<1x1x10240x64xi32, #tpu.memory_space<hbm>>
    %dma_start3A_46 = tpu.memref_squeeze %dma_start3A_45 : memref<1x1x10240x64xi32, #tpu.memory_space<hbm>> -> memref<10240x64xi32, #tpu.memory_space<hbm>>
    %dma_start3A_47 = arith.constant 0 : i32
    %dma_start3A_48 = arith.constant 0 : i32
    %dma_start3A_49 = tpu.memref_slice %dma_start3A_46[%dma_start3A_47, %dma_start3A_48] : memref<10240x64xi32, #tpu.memory_space<hbm>> -> memref<10240x64xi32, #tpu.memory_space<hbm>>
    tpu.enqueue_indirect_dma source(%dma_start3A_49 : memref<10240x64xi32, #tpu.memory_space<hbm>>) target(%dma_start3A_39 : memref<64x64xi32, #tpu.memory_space<vmem>>) offsets(%dma_start3A_42 : memref<64xi32, #tpu.memory_space<vmem>>) semaphore(%arg16 : memref<!tpu.dma_semaphore, #tpu.memory_space<semaphore_mem>>)
    %dma_start3A_50 = arith.constant 0 : i32
    %dma_start3A_51 = arith.constant 0 : i32
    %dma_start3A_52 = arith.constant 2 : i32
    %dma_start3A_53 = arith.constant 2 : i32
    %dma_start3A_54 = arith.constant 0 : i32
    %dma_start3A_55 = arith.constant 0 : i32
    %dma_start3A_56 = tpu.memref_slice %arg12[%dma_start3A_53, %dma_start3A_54, %dma_start3A_55] : memref<4x64x64xi32, #tpu.memory_space<vmem>> -> memref<1x64x64xi32, #tpu.memory_space<vmem>>
    %dma_start3A_57 = tpu.memref_squeeze %dma_start3A_56 : memref<1x64x64xi32, #tpu.memory_space<vmem>> -> memref<64x64xi32, #tpu.memory_space<vmem>>
    %dma_start3A_58 = arith.constant 0 : i32
    %dma_start3A_59 = tpu.memref_slice %arg10[%dma_start3A_52, %dma_start3A_58] : memref<50x64xi32, #tpu.memory_space<vmem>> -> memref<1x64xi32, #tpu.memory_space<vmem>>
    %dma_start3A_60 = tpu.memref_squeeze %dma_start3A_59 : memref<1x64xi32, #tpu.memory_space<vmem>> -> memref<64xi32, #tpu.memory_space<vmem>>
    %dma_start3A_61 = arith.constant 0 : i32
    %dma_start3A_62 = arith.constant 0 : i32
    %dma_start3A_63 = tpu.memref_slice %arg2[%dma_start3A_50, %dma_start3A_51, %dma_start3A_61, %dma_start3A_62] : memref<3x1x10240x64xi32, #tpu.memory_space<hbm>> -> memref<1x1x10240x64xi32, #tpu.memory_space<hbm>>
    %dma_start3A_64 = tpu.memref_squeeze %dma_start3A_63 : memref<1x1x10240x64xi32, #tpu.memory_space<hbm>> -> memref<10240x64xi32, #tpu.memory_space<hbm>>
    %dma_start3A_65 = arith.constant 0 : i32
    %dma_start3A_66 = arith.constant 0 : i32
    %dma_start3A_67 = tpu.memref_slice %dma_start3A_64[%dma_start3A_65, %dma_start3A_66] : memref<10240x64xi32, #tpu.memory_space<hbm>> -> memref<10240x64xi32, #tpu.memory_space<hbm>>
    tpu.enqueue_indirect_dma source(%dma_start3A_67 : memref<10240x64xi32, #tpu.memory_space<hbm>>) target(%dma_start3A_57 : memref<64x64xi32, #tpu.memory_space<vmem>>) offsets(%dma_start3A_60 : memref<64xi32, #tpu.memory_space<vmem>>) semaphore(%arg16 : memref<!tpu.dma_semaphore, #tpu.memory_space<semaphore_mem>>)
    %scan3A_68 = arith.constant 0 : i32
    %scan3A_69 = arith.constant 0 : i32
    %scan3A_70 = arith.constant 0 : i32
    %scan3A_71 = arith.constant 0 : i32
    %scan3A_72 = arith.constant 50 : i32
    %scan3A_73 = arith.addi %scan3A_71, %scan3A_72 : i32
    %scan3A_74 = arith.constant 1 : i32
    %scan3A_75 = scf.for %scan3A_310 = %scan3A_71 to %scan3A_73 step %scan3A_74 iter_args(%scan3A_311 = %scan3A_70) -> (i32)  : i32 {
      %rem3A = arith.constant 2 : i32
      %rem3A_312 = arith.remsi %scan3A_310, %rem3A : i32
      %rem3A_313 = arith.constant 4 : i32
      %rem3A_314 = arith.remsi %scan3A_310, %rem3A_313 : i32
      %add3A_315 = arith.constant 3 : i32
      %add3A_316 = arith.addi %scan3A_310, %add3A_315 : i32
      %lt3A = arith.constant 50 : i32
      %lt3A_317 = arith.cmpi slt, %add3A_316, %lt3A : i32
      %convert_element_type3A = arith.extui %lt3A_317 : i1 to i32
      %cond3A = arith.constant 0 : i32
      %cond3A_318 = arith.cmpi ne, %convert_element_type3A, %cond3A : i32
      scf.if %cond3A_318 {
        %add3A_355 = arith.constant 3 : i32
        %add3A_356 = arith.addi %scan3A_310, %add3A_355 : i32
        %add3A_357 = arith.constant 3 : i32
        %add3A_358 = arith.addi %scan3A_310, %add3A_357 : i32
        %rem3A_359 = arith.constant 4 : i32
        %rem3A_360 = arith.remsi %add3A_358, %rem3A_359 : i32
        %dma_start3A_361 = arith.constant 0 : i32
        %dma_start3A_362 = arith.constant 0 : i32
        %dma_start3A_363 = tpu.memref_slice %arg12[%rem3A_360, %dma_start3A_361, %dma_start3A_362] : memref<4x64x64xi32, #tpu.memory_space<vmem>> -> memref<1x64x64xi32, #tpu.memory_space<vmem>>
        %dma_start3A_364 = tpu.memref_squeeze %dma_start3A_363 : memref<1x64x64xi32, #tpu.memory_space<vmem>> -> memref<64x64xi32, #tpu.memory_space<vmem>>
        %dma_start3A_365 = arith.constant 0 : i32
        %dma_start3A_366 = tpu.memref_slice %arg10[%add3A_356, %dma_start3A_365] : memref<50x64xi32, #tpu.memory_space<vmem>> -> memref<1x64xi32, #tpu.memory_space<vmem>>
        %dma_start3A_367 = tpu.memref_squeeze %dma_start3A_366 : memref<1x64xi32, #tpu.memory_space<vmem>> -> memref<64xi32, #tpu.memory_space<vmem>>
        %dma_start3A_368 = arith.constant 0 : i32
        %dma_start3A_369 = arith.constant 0 : i32
        %dma_start3A_370 = tpu.memref_slice %arg2[%scan3A_68, %scan3A_69, %dma_start3A_368, %dma_start3A_369] : memref<3x1x10240x64xi32, #tpu.memory_space<hbm>> -> memref<1x1x10240x64xi32, #tpu.memory_space<hbm>>
        %dma_start3A_371 = tpu.memref_squeeze %dma_start3A_370 : memref<1x1x10240x64xi32, #tpu.memory_space<hbm>> -> memref<10240x64xi32, #tpu.memory_space<hbm>>
        %dma_start3A_372 = arith.constant 0 : i32
        %dma_start3A_373 = arith.constant 0 : i32
        %dma_start3A_374 = tpu.memref_slice %dma_start3A_371[%dma_start3A_372, %dma_start3A_373] : memref<10240x64xi32, #tpu.memory_space<hbm>> -> memref<10240x64xi32, #tpu.memory_space<hbm>>
        tpu.enqueue_indirect_dma source(%dma_start3A_374 : memref<10240x64xi32, #tpu.memory_space<hbm>>) target(%dma_start3A_364 : memref<64x64xi32, #tpu.memory_space<vmem>>) offsets(%dma_start3A_367 : memref<64xi32, #tpu.memory_space<vmem>>) semaphore(%arg16 : memref<!tpu.dma_semaphore, #tpu.memory_space<semaphore_mem>>)
      } else {
      }
      %dma_wait3A_319 = arith.constant 0 : i32
      %dma_wait3A_320 = arith.constant 0 : i32
      %dma_wait3A_321 = tpu.memref_slice %arg12[%rem3A_314, %dma_wait3A_319, %dma_wait3A_320] : memref<4x64x64xi32, #tpu.memory_space<vmem>> -> memref<1x64x64xi32, #tpu.memory_space<vmem>>
      %dma_wait3A_322 = tpu.memref_squeeze %dma_wait3A_321 : memref<1x64x64xi32, #tpu.memory_space<vmem>> -> memref<64x64xi32, #tpu.memory_space<vmem>>
      %dma_wait3A_323 = arith.constant 0 : i32
      %dma_wait3A_324 = tpu.memref_slice %arg10[%scan3A_310, %dma_wait3A_323] : memref<50x64xi32, #tpu.memory_space<vmem>> -> memref<1x64xi32, #tpu.memory_space<vmem>>
      %dma_wait3A_325 = tpu.memref_squeeze %dma_wait3A_324 : memref<1x64xi32, #tpu.memory_space<vmem>> -> memref<64xi32, #tpu.memory_space<vmem>>
      %dma_wait3A_326 = arith.constant 0 : i32
      %dma_wait3A_327 = arith.constant 0 : i32
      %dma_wait3A_328 = tpu.memref_slice %arg2[%scan3A_68, %scan3A_69, %dma_wait3A_326, %dma_wait3A_327] : memref<3x1x10240x64xi32, #tpu.memory_space<hbm>> -> memref<1x1x10240x64xi32, #tpu.memory_space<hbm>>
      %dma_wait3A_329 = tpu.memref_squeeze %dma_wait3A_328 : memref<1x1x10240x64xi32, #tpu.memory_space<hbm>> -> memref<10240x64xi32, #tpu.memory_space<hbm>>
      %dma_wait3A_330 = arith.constant 0 : i32
      %dma_wait3A_331 = arith.constant 0 : i32
      %dma_wait3A_332 = tpu.memref_slice %dma_wait3A_329[%dma_wait3A_330, %dma_wait3A_331] : memref<10240x64xi32, #tpu.memory_space<hbm>> -> memref<10240x64xi32, #tpu.memory_space<hbm>>
      tpu.wait_indirect_dma semaphore(%arg16 : memref<!tpu.dma_semaphore, #tpu.memory_space<semaphore_mem>>) src(%dma_wait3A_332 : memref<10240x64xi32, #tpu.memory_space<hbm>>) dst(%dma_wait3A_322 : memref<64x64xi32, #tpu.memory_space<vmem>>)
      %ge3A = arith.constant 2 : i32
      %ge3A_333 = arith.cmpi sge, %scan3A_310, %ge3A : i32
      %convert_element_type3A_334 = arith.extui %ge3A_333 : i1 to i32
      %cond3A_335 = arith.constant 0 : i32
      %cond3A_336 = arith.cmpi ne, %convert_element_type3A_334, %cond3A_335 : i32
      scf.if %cond3A_336 {
        %sub3A = arith.constant 2 : i32
        %sub3A_355 = arith.subi %scan3A_310, %sub3A : i32
        %dma_wait3A_356 = arith.constant 0 : i32
        %dma_wait3A_357 = arith.constant 0 : i32
        %dma_wait3A_358 = tpu.memref_slice %arg13[%rem3A_312, %dma_wait3A_356, %dma_wait3A_357] : memref<2x64x128xf32, #tpu.memory_space<vmem>> -> memref<1x64x128xf32, #tpu.memory_space<vmem>>
        %dma_wait3A_359 = tpu.memref_squeeze %dma_wait3A_358 : memref<1x64x128xf32, #tpu.memory_space<vmem>> -> memref<64x128xf32, #tpu.memory_space<vmem>>
        %dma_wait3A_360 = arith.constant 0 : i32
        %dma_wait3A_361 = tpu.memref_slice %arg11[%sub3A_355, %dma_wait3A_360] : memref<50x64xi32, #tpu.memory_space<vmem>> -> memref<1x64xi32, #tpu.memory_space<vmem>>
        %dma_wait3A_362 = tpu.memref_squeeze %dma_wait3A_361 : memref<1x64xi32, #tpu.memory_space<vmem>> -> memref<64xi32, #tpu.memory_space<vmem>>
        %dma_wait3A_363 = arith.constant 0 : i32
        %dma_wait3A_364 = arith.constant 0 : i32
        %dma_wait3A_365 = tpu.memref_slice %arg15[%dma_wait3A_363, %dma_wait3A_364] : memref<10240x128xf32, #tpu.memory_space<vmem_shared>> -> memref<10240x128xf32, #tpu.memory_space<vmem_shared>>
        tpu.wait_indirect_dma semaphore(%arg17 : memref<!tpu.dma_semaphore, #tpu.memory_space<semaphore_mem>>) src(%dma_wait3A_359 : memref<64x128xf32, #tpu.memory_space<vmem>>) dst(%dma_wait3A_365 : memref<10240x128xf32, #tpu.memory_space<vmem_shared>>)
      } else {
      }
      %scan3A_337 = arith.constant 0 : i32
      %scan3A_338 = arith.constant 0 : i32
      %scan3A_339 = arith.constant 64 : i32
      %scan3A_340 = arith.addi %scan3A_338, %scan3A_339 : i32
      %scan3A_341 = arith.constant 1 : i32
      %scan3A_342 = scf.for %scan3A_355 = %scan3A_338 to %scan3A_340 step %scan3A_341 iter_args(%scan3A_356 = %scan3A_337) -> (i32)  : i32 {
        %get3A = arith.index_cast %rem3A_314 : i32 to index
        %get3A_357 = arith.index_cast %scan3A_355 : i32 to index
        %get3A_358 = arith.constant 0 : index
        %get3A_359 = tpu.vector_load %arg12[%get3A, %get3A_357, %get3A_358] {strides = array<i32>} : memref<4x64x64xi32, #tpu.memory_space<vmem>>, vector<16xi32>,
        %bitcast3A = vector.bitcast %get3A_359 : vector<16xi32> to vector<32xbf16>
        %unpack3A = tpu.unpack_subelements %bitcast3A, 0 {pack_format = #tpu.pack_format<interleaved>} : vector<32xbf16> -> vector<16xf32>
        %unpack3A_360 = tpu.unpack_subelements %bitcast3A, 1 {pack_format = #tpu.pack_format<interleaved>} : vector<32xbf16> -> vector<16xf32>
        %swap3A = arith.index_cast %rem3A_312 : i32 to index
        %swap3A_361 = arith.index_cast %scan3A_355 : i32 to index
        %swap3A_362 = arith.constant 0 : index
        %swap3A_363 = tpu.vector_load %arg13[%swap3A, %swap3A_361, %swap3A_362] {strides = array<i32>} : memref<2x64x128xf32, #tpu.memory_space<vmem>>, vector<16xf32>,
        tpu.vector_store %arg13[%swap3A, %swap3A_361, %swap3A_362], %unpack3A {strides = array<i32>} : memref<2x64x128xf32, #tpu.memory_space<vmem>>, vector<16xf32>,
        %swap3A_364 = arith.index_cast %rem3A_312 : i32 to index
        %swap3A_365 = arith.index_cast %scan3A_355 : i32 to index
        %swap3A_366 = arith.constant 16 : index
        %swap3A_367 = tpu.vector_load %arg13[%swap3A_364, %swap3A_365, %swap3A_366] {strides = array<i32>} : memref<2x64x128xf32, #tpu.memory_space<vmem>>, vector<16xf32>,
        tpu.vector_store %arg13[%swap3A_364, %swap3A_365, %swap3A_366], %unpack3A_360 {strides = array<i32>} : memref<2x64x128xf32, #tpu.memory_space<vmem>>, vector<16xf32>,
        %get3A_368 = arith.index_cast %rem3A_314 : i32 to index
        %get3A_369 = arith.index_cast %scan3A_355 : i32 to index
        %get3A_370 = arith.constant 16 : index
        %get3A_371 = tpu.vector_load %arg12[%get3A_368, %get3A_369, %get3A_370] {strides = array<i32>} : memref<4x64x64xi32, #tpu.memory_space<vmem>>, vector<16xi32>,
        %bitcast3A_372 = vector.bitcast %get3A_371 : vector<16xi32> to vector<32xbf16>
        %unpack3A_373 = tpu.unpack_subelements %bitcast3A_372, 0 {pack_format = #tpu.pack_format<interleaved>} : vector<32xbf16> -> vector<16xf32>
        %unpack3A_374 = tpu.unpack_subelements %bitcast3A_372, 1 {pack_format = #tpu.pack_format<interleaved>} : vector<32xbf16> -> vector<16xf32>
        %swap3A_375 = arith.index_cast %rem3A_312 : i32 to index
        %swap3A_376 = arith.index_cast %scan3A_355 : i32 to index
        %swap3A_377 = arith.constant 32 : index
        %swap3A_378 = tpu.vector_load %arg13[%swap3A_375, %swap3A_376, %swap3A_377] {strides = array<i32>} : memref<2x64x128xf32, #tpu.memory_space<vmem>>, vector<16xf32>,
        tpu.vector_store %arg13[%swap3A_375, %swap3A_376, %swap3A_377], %unpack3A_373 {strides = array<i32>} : memref<2x64x128xf32, #tpu.memory_space<vmem>>, vector<16xf32>,
        %swap3A_379 = arith.index_cast %rem3A_312 : i32 to index
        %swap3A_380 = arith.index_cast %scan3A_355 : i32 to index
        %swap3A_381 = arith.constant 48 : index
        %swap3A_382 = tpu.vector_load %arg13[%swap3A_379, %swap3A_380, %swap3A_381] {strides = array<i32>} : memref<2x64x128xf32, #tpu.memory_space<vmem>>, vector<16xf32>,
        tpu.vector_store %arg13[%swap3A_379, %swap3A_380, %swap3A_381], %unpack3A_374 {strides = array<i32>} : memref<2x64x128xf32, #tpu.memory_space<vmem>>, vector<16xf32>,
        %get3A_383 = arith.index_cast %rem3A_314 : i32 to index
        %get3A_384 = arith.index_cast %scan3A_355 : i32 to index
        %get3A_385 = arith.constant 32 : index
        %get3A_386 = tpu.vector_load %arg12[%get3A_383, %get3A_384, %get3A_385] {strides = array<i32>} : memref<4x64x64xi32, #tpu.memory_space<vmem>>, vector<16xi32>,
        %bitcast3A_387 = vector.bitcast %get3A_386 : vector<16xi32> to vector<32xbf16>
        %unpack3A_388 = tpu.unpack_subelements %bitcast3A_387, 0 {pack_format = #tpu.pack_format<interleaved>} : vector<32xbf16> -> vector<16xf32>
        %unpack3A_389 = tpu.unpack_subelements %bitcast3A_387, 1 {pack_format = #tpu.pack_format<interleaved>} : vector<32xbf16> -> vector<16xf32>
        %swap3A_390 = arith.index_cast %rem3A_312 : i32 to index
        %swap3A_391 = arith.index_cast %scan3A_355 : i32 to index
        %swap3A_392 = arith.constant 64 : index
        %swap3A_393 = tpu.vector_load %arg13[%swap3A_390, %swap3A_391, %swap3A_392] {strides = array<i32>} : memref<2x64x128xf32, #tpu.memory_space<vmem>>, vector<16xf32>,
        tpu.vector_store %arg13[%swap3A_390, %swap3A_391, %swap3A_392], %unpack3A_388 {strides = array<i32>} : memref<2x64x128xf32, #tpu.memory_space<vmem>>, vector<16xf32>,
        %swap3A_394 = arith.index_cast %rem3A_312 : i32 to index
        %swap3A_395 = arith.index_cast %scan3A_355 : i32 to index
        %swap3A_396 = arith.constant 80 : index
        %swap3A_397 = tpu.vector_load %arg13[%swap3A_394, %swap3A_395, %swap3A_396] {strides = array<i32>} : memref<2x64x128xf32, #tpu.memory_space<vmem>>, vector<16xf32>,
        tpu.vector_store %arg13[%swap3A_394, %swap3A_395, %swap3A_396], %unpack3A_389 {strides = array<i32>} : memref<2x64x128xf32, #tpu.memory_space<vmem>>, vector<16xf32>,
        %get3A_398 = arith.index_cast %rem3A_314 : i32 to index
        %get3A_399 = arith.index_cast %scan3A_355 : i32 to index
        %get3A_400 = arith.constant 48 : index
        %get3A_401 = tpu.vector_load %arg12[%get3A_398, %get3A_399, %get3A_400] {strides = array<i32>} : memref<4x64x64xi32, #tpu.memory_space<vmem>>, vector<16xi32>,
        %bitcast3A_402 = vector.bitcast %get3A_401 : vector<16xi32> to vector<32xbf16>
        %unpack3A_403 = tpu.unpack_subelements %bitcast3A_402, 0 {pack_format = #tpu.pack_format<interleaved>} : vector<32xbf16> -> vector<16xf32>
        %unpack3A_404 = tpu.unpack_subelements %bitcast3A_402, 1 {pack_format = #tpu.pack_format<interleaved>} : vector<32xbf16> -> vector<16xf32>
        %swap3A_405 = arith.index_cast %rem3A_312 : i32 to index
        %swap3A_406 = arith.index_cast %scan3A_355 : i32 to index
        %swap3A_407 = arith.constant 96 : index
        %swap3A_408 = tpu.vector_load %arg13[%swap3A_405, %swap3A_406, %swap3A_407] {strides = array<i32>} : memref<2x64x128xf32, #tpu.memory_space<vmem>>, vector<16xf32>,
        tpu.vector_store %arg13[%swap3A_405, %swap3A_406, %swap3A_407], %unpack3A_403 {strides = array<i32>} : memref<2x64x128xf32, #tpu.memory_space<vmem>>, vector<16xf32>,
        %swap3A_409 = arith.index_cast %rem3A_312 : i32 to index
        %swap3A_410 = arith.index_cast %scan3A_355 : i32 to index
        %swap3A_411 = arith.constant 112 : index
        %swap3A_412 = tpu.vector_load %arg13[%swap3A_409, %swap3A_410, %swap3A_411] {strides = array<i32>} : memref<2x64x128xf32, #tpu.memory_space<vmem>>, vector<16xf32>,
        tpu.vector_store %arg13[%swap3A_409, %swap3A_410, %swap3A_411], %unpack3A_404 {strides = array<i32>} : memref<2x64x128xf32, #tpu.memory_space<vmem>>, vector<16xf32>,
        %scan3A_413 = arith.constant 0 : i32
        scf.yield %scan3A_413 : i32
      }
      %scan3A_343 = arith.constant 64 : i32
      %dma_start3A_344 = arith.constant 0 : i32
      %dma_start3A_345 = arith.constant 0 : i32
      %dma_start3A_346 = tpu.memref_slice %arg13[%rem3A_312, %dma_start3A_344, %dma_start3A_345] : memref<2x64x128xf32, #tpu.memory_space<vmem>> -> memref<1x64x128xf32, #tpu.memory_space<vmem>>
      %dma_start3A_347 = tpu.memref_squeeze %dma_start3A_346 : memref<1x64x128xf32, #tpu.memory_space<vmem>> -> memref<64x128xf32, #tpu.memory_space<vmem>>
      %dma_start3A_348 = arith.constant 0 : i32
      %dma_start3A_349 = tpu.memref_slice %arg11[%scan3A_310, %dma_start3A_348] : memref<50x64xi32, #tpu.memory_space<vmem>> -> memref<1x64xi32, #tpu.memory_space<vmem>>
      %dma_start3A_350 = tpu.memref_squeeze %dma_start3A_349 : memref<1x64xi32, #tpu.memory_space<vmem>> -> memref<64xi32, #tpu.memory_space<vmem>>
      %dma_start3A_351 = arith.constant 0 : i32
      %dma_start3A_352 = arith.constant 0 : i32
      %dma_start3A_353 = tpu.memref_slice %arg15[%dma_start3A_351, %dma_start3A_352] : memref<10240x128xf32, #tpu.memory_space<vmem_shared>> -> memref<10240x128xf32, #tpu.memory_space<vmem_shared>>
      tpu.enqueue_indirect_dma source(%dma_start3A_347 : memref<64x128xf32, #tpu.memory_space<vmem>>) target(%dma_start3A_353 : memref<10240x128xf32, #tpu.memory_space<vmem_shared>>) offsets(%dma_start3A_350 : memref<64xi32, #tpu.memory_space<vmem>>) semaphore(%arg17 : memref<!tpu.dma_semaphore, #tpu.memory_space<semaphore_mem>>) {add = true}
      %scan3A_354 = arith.constant 0 : i32
      scf.yield %scan3A_354 : i32
    }
    %scan3A_76 = arith.constant 50 : i32
    %dma_wait3A = arith.constant 0 : i32
    %dma_wait3A_77 = arith.constant 48 : i32
    %dma_wait3A_78 = arith.constant 0 : i32
    %dma_wait3A_79 = arith.constant 0 : i32
    %dma_wait3A_80 = tpu.memref_slice %arg13[%dma_wait3A, %dma_wait3A_78, %dma_wait3A_79] : memref<2x64x128xf32, #tpu.memory_space<vmem>> -> memref<1x64x128xf32, #tpu.memory_space<vmem>>
    %dma_wait3A_81 = tpu.memref_squeeze %dma_wait3A_80 : memref<1x64x128xf32, #tpu.memory_space<vmem>> -> memref<64x128xf32, #tpu.memory_space<vmem>>
    %dma_wait3A_82 = arith.constant 0 : i32
    %dma_wait3A_83 = tpu.memref_slice %arg11[%dma_wait3A_77, %dma_wait3A_82] : memref<50x64xi32, #tpu.memory_space<vmem>> -> memref<1x64xi32, #tpu.memory_space<vmem>>
    %dma_wait3A_84 = tpu.memref_squeeze %dma_wait3A_83 : memref<1x64xi32, #tpu.memory_space<vmem>> -> memref<64xi32, #tpu.memory_space<vmem>>
    %dma_wait3A_85 = arith.constant 0 : i32
    %dma_wait3A_86 = arith.constant 0 : i32
    %dma_wait3A_87 = tpu.memref_slice %arg15[%dma_wait3A_85, %dma_wait3A_86] : memref<10240x128xf32, #tpu.memory_space<vmem_shared>> -> memref<10240x128xf32, #tpu.memory_space<vmem_shared>>
    tpu.wait_indirect_dma semaphore(%arg17 : memref<!tpu.dma_semaphore, #tpu.memory_space<semaphore_mem>>) src(%dma_wait3A_81 : memref<64x128xf32, #tpu.memory_space<vmem>>) dst(%dma_wait3A_87 : memref<10240x128xf32, #tpu.memory_space<vmem_shared>>)
    %dma_wait3A_88 = arith.constant 1 : i32
    %dma_wait3A_89 = arith.constant 49 : i32
    %dma_wait3A_90 = arith.constant 0 : i32
    %dma_wait3A_91 = arith.constant 0 : i32
    %dma_wait3A_92 = tpu.memref_slice %arg13[%dma_wait3A_88, %dma_wait3A_90, %dma_wait3A_91] : memref<2x64x128xf32, #tpu.memory_space<vmem>> -> memref<1x64x128xf32, #tpu.memory_space<vmem>>
    %dma_wait3A_93 = tpu.memref_squeeze %dma_wait3A_92 : memref<1x64x128xf32, #tpu.memory_space<vmem>> -> memref<64x128xf32, #tpu.memory_space<vmem>>
    %dma_wait3A_94 = arith.constant 0 : i32
    %dma_wait3A_95 = tpu.memref_slice %arg11[%dma_wait3A_89, %dma_wait3A_94] : memref<50x64xi32, #tpu.memory_space<vmem>> -> memref<1x64xi32, #tpu.memory_space<vmem>>
    %dma_wait3A_96 = tpu.memref_squeeze %dma_wait3A_95 : memref<1x64xi32, #tpu.memory_space<vmem>> -> memref<64xi32, #tpu.memory_space<vmem>>
    %dma_wait3A_97 = arith.constant 0 : i32
    %dma_wait3A_98 = arith.constant 0 : i32
    %dma_wait3A_99 = tpu.memref_slice %arg15[%dma_wait3A_97, %dma_wait3A_98] : memref<10240x128xf32, #tpu.memory_space<vmem_shared>> -> memref<10240x128xf32, #tpu.memory_space<vmem_shared>>
    tpu.wait_indirect_dma semaphore(%arg17 : memref<!tpu.dma_semaphore, #tpu.memory_space<semaphore_mem>>) src(%dma_wait3A_93 : memref<64x128xf32, #tpu.memory_space<vmem>>) dst(%dma_wait3A_99 : memref<10240x128xf32, #tpu.memory_space<vmem_shared>>)
    %barrier3A_100 = arith.constant 0 : index
    tpu.barrier barrier_id(%barrier3A_100)
    %mul3A_101 = arith.constant 640 : i32
    %mul3A_102 = arith.muli %arg1, %mul3A_101 : i32
    %mul3A_103 = arith.constant 640 : i32
    %mul3A_104 = arith.muli %arg1, %mul3A_103 : i32
    %run_scoped3A = arith.constant 0 : i32
    %run_scoped3A_105 = arith.constant 0 : i32
    "tpu.region"() ({
      %run_scoped3A_310 = tpu.sem_alloc : memref<!tpu.dma_semaphore, #tpu.memory_space<semaphore_mem>>
      %dma_start3A_311 = arith.constant 0 : i32
      %dma_start3A_312 = tpu.memref_slice %arg9[%arg0, %run_scoped3A, %run_scoped3A_105, %mul3A_104, %dma_start3A_311] : memref<2x3x1x10240x128xf32, #tpu.memory_space<hbm>> -> memref<1x1x1x640x128xf32, #tpu.memory_space<hbm>>
      %dma_start3A_313 = tpu.memref_squeeze %dma_start3A_312 : memref<1x1x1x640x128xf32, #tpu.memory_space<hbm>> -> memref<640x128xf32, #tpu.memory_space<hbm>>
      %dma_start3A_314 = arith.constant 0 : i32
      %dma_start3A_315 = tpu.memref_slice %arg15[%mul3A_102, %dma_start3A_314] : memref<10240x128xf32, #tpu.memory_space<vmem_shared>> -> memref<640x128xf32, #tpu.memory_space<vmem_shared>>
      tpu.enqueue_dma source(%dma_start3A_315 : memref<640x128xf32, #tpu.memory_space<vmem_shared>>) target(%dma_start3A_313 : memref<640x128xf32, #tpu.memory_space<hbm>>) target_semaphore(%run_scoped3A_310 : memref<!tpu.dma_semaphore, #tpu.memory_space<semaphore_mem>>)
      %dma_wait3A_316 = arith.constant 0 : i32
      %dma_wait3A_317 = tpu.memref_slice %arg9[%arg0, %run_scoped3A, %run_scoped3A_105, %mul3A_104, %dma_wait3A_316] : memref<2x3x1x10240x128xf32, #tpu.memory_space<hbm>> -> memref<1x1x1x640x128xf32, #tpu.memory_space<hbm>>
      %dma_wait3A_318 = tpu.memref_squeeze %dma_wait3A_317 : memref<1x1x1x640x128xf32, #tpu.memory_space<hbm>> -> memref<640x128xf32, #tpu.memory_space<hbm>>
      %dma_wait3A_319 = arith.constant 0 : i32
      %dma_wait3A_320 = tpu.memref_slice %arg15[%mul3A_102, %dma_wait3A_319] : memref<10240x128xf32, #tpu.memory_space<vmem_shared>> -> memref<640x128xf32, #tpu.memory_space<vmem_shared>>
      tpu.wait_dma2 semaphore(%run_scoped3A_310 : memref<!tpu.dma_semaphore, #tpu.memory_space<semaphore_mem>>) src(%dma_wait3A_320 : memref<640x128xf32, #tpu.memory_space<vmem_shared>>) dst(%dma_wait3A_318 : memref<640x128xf32, #tpu.memory_space<hbm>>)
      tpu.yield
    }) : () -> ()
    "tpu.region"() ({
      %run_scoped3A_310 = tpu.sem_alloc : memref<!tpu.dma_semaphore, #tpu.memory_space<semaphore_mem>>
      %dma_start3A_311 = arith.constant 0 : i32
      %dma_start3A_312 = arith.constant 0 : i32
      %dma_start3A_313 = tpu.memref_slice %arg4[%add3A, %dma_start3A_311, %dma_start3A_312] : memref<32x50x64xi32, #tpu.memory_space<hbm>> -> memref<1x50x64xi32, #tpu.memory_space<hbm>>
      %dma_start3A_314 = tpu.memref_squeeze %dma_start3A_313 : memref<1x50x64xi32, #tpu.memory_space<hbm>> -> memref<50x64xi32, #tpu.memory_space<hbm>>
      %dma_start3A_315 = arith.constant 0 : i32
      %dma_start3A_316 = arith.constant 0 : i32
      %dma_start3A_317 = tpu.memref_slice %arg4[%add3A, %dma_start3A_315, %dma_start3A_316] : memref<32x50x64xi32, #tpu.memory_space<hbm>> -> memref<1x50x64xi32, #tpu.memory_space<hbm>>
      %dma_start3A_318 = tpu.memref_squeeze %dma_start3A_317 : memref<1x50x64xi32, #tpu.memory_space<hbm>> -> memref<50x64xi32, #tpu.memory_space<hbm>>
      tpu.enqueue_dma source(%dma_start3A_318 : memref<50x64xi32, #tpu.memory_space<hbm>>) target(%arg10 : memref<50x64xi32, #tpu.memory_space<vmem>>) target_semaphore(%run_scoped3A_310 : memref<!tpu.dma_semaphore, #tpu.memory_space<semaphore_mem>>)
      %dma_wait3A_319 = arith.constant 0 : i32
      %dma_wait3A_320 = arith.constant 0 : i32
      %dma_wait3A_321 = tpu.memref_slice %arg4[%add3A, %dma_wait3A_319, %dma_wait3A_320] : memref<32x50x64xi32, #tpu.memory_space<hbm>> -> memref<1x50x64xi32, #tpu.memory_space<hbm>>
      %dma_wait3A_322 = tpu.memref_squeeze %dma_wait3A_321 : memref<1x50x64xi32, #tpu.memory_space<hbm>> -> memref<50x64xi32, #tpu.memory_space<hbm>>
      %dma_wait3A_323 = arith.constant 0 : i32
      %dma_wait3A_324 = arith.constant 0 : i32
      %dma_wait3A_325 = tpu.memref_slice %arg4[%add3A, %dma_wait3A_323, %dma_wait3A_324] : memref<32x50x64xi32, #tpu.memory_space<hbm>> -> memref<1x50x64xi32, #tpu.memory_space<hbm>>
      %dma_wait3A_326 = tpu.memref_squeeze %dma_wait3A_325 : memref<1x50x64xi32, #tpu.memory_space<hbm>> -> memref<50x64xi32, #tpu.memory_space<hbm>>
      tpu.wait_dma2 semaphore(%run_scoped3A_310 : memref<!tpu.dma_semaphore, #tpu.memory_space<semaphore_mem>>) src(%dma_wait3A_326 : memref<50x64xi32, #tpu.memory_space<hbm>>) dst(%arg10 : memref<50x64xi32, #tpu.memory_space<vmem>>)
      tpu.yield
    }) : () -> ()
    "tpu.region"() ({
      %run_scoped3A_310 = tpu.sem_alloc : memref<!tpu.dma_semaphore, #tpu.memory_space<semaphore_mem>>
      %dma_start3A_311 = arith.constant 0 : i32
      %dma_start3A_312 = arith.constant 0 : i32
      %dma_start3A_313 = tpu.memref_slice %arg7[%add3A, %dma_start3A_311, %dma_start3A_312] : memref<32x50x64xi32, #tpu.memory_space<hbm>> -> memref<1x50x64xi32, #tpu.memory_space<hbm>>
      %dma_start3A_314 = tpu.memref_squeeze %dma_start3A_313 : memref<1x50x64xi32, #tpu.memory_space<hbm>> -> memref<50x64xi32, #tpu.memory_space<hbm>>
      %dma_start3A_315 = arith.constant 0 : i32
      %dma_start3A_316 = arith.constant 0 : i32
      %dma_start3A_317 = tpu.memref_slice %arg7[%add3A, %dma_start3A_315, %dma_start3A_316] : memref<32x50x64xi32, #tpu.memory_space<hbm>> -> memref<1x50x64xi32, #tpu.memory_space<hbm>>
      %dma_start3A_318 = tpu.memref_squeeze %dma_start3A_317 : memref<1x50x64xi32, #tpu.memory_space<hbm>> -> memref<50x64xi32, #tpu.memory_space<hbm>>
      tpu.enqueue_dma source(%dma_start3A_318 : memref<50x64xi32, #tpu.memory_space<hbm>>) target(%arg11 : memref<50x64xi32, #tpu.memory_space<vmem>>) target_semaphore(%run_scoped3A_310 : memref<!tpu.dma_semaphore, #tpu.memory_space<semaphore_mem>>)
      %dma_wait3A_319 = arith.constant 0 : i32
      %dma_wait3A_320 = arith.constant 0 : i32
      %dma_wait3A_321 = tpu.memref_slice %arg7[%add3A, %dma_wait3A_319, %dma_wait3A_320] : memref<32x50x64xi32, #tpu.memory_space<hbm>> -> memref<1x50x64xi32, #tpu.memory_space<hbm>>
      %dma_wait3A_322 = tpu.memref_squeeze %dma_wait3A_321 : memref<1x50x64xi32, #tpu.memory_space<hbm>> -> memref<50x64xi32, #tpu.memory_space<hbm>>
      %dma_wait3A_323 = arith.constant 0 : i32
      %dma_wait3A_324 = arith.constant 0 : i32
      %dma_wait3A_325 = tpu.memref_slice %arg7[%add3A, %dma_wait3A_323, %dma_wait3A_324] : memref<32x50x64xi32, #tpu.memory_space<hbm>> -> memref<1x50x64xi32, #tpu.memory_space<hbm>>
      %dma_wait3A_326 = tpu.memref_squeeze %dma_wait3A_325 : memref<1x50x64xi32, #tpu.memory_space<hbm>> -> memref<50x64xi32, #tpu.memory_space<hbm>>
      tpu.wait_dma2 semaphore(%run_scoped3A_310 : memref<!tpu.dma_semaphore, #tpu.memory_space<semaphore_mem>>) src(%dma_wait3A_326 : memref<50x64xi32, #tpu.memory_space<hbm>>) dst(%arg11 : memref<50x64xi32, #tpu.memory_space<vmem>>)
      tpu.yield
    }) : () -> ()
    %scan3A_106 = arith.constant 0 : i32
    %scan3A_107 = arith.constant 0 : i32
    %scan3A_108 = arith.constant 10 : i32
    %scan3A_109 = arith.addi %scan3A_107, %scan3A_108 : i32
    %scan3A_110 = arith.constant 1 : i32
    %scan3A_111 = scf.for %scan3A_310 = %scan3A_107 to %scan3A_109 step %scan3A_110 iter_args(%scan3A_311 = %scan3A_106) -> (i32)  : i32 {
      %mul3A_312 = arith.constant 640 : i32
      %mul3A_313 = arith.muli %arg1, %mul3A_312 : i32
      %mul3A_314 = arith.constant 64 : i32
      %mul3A_315 = arith.muli %scan3A_310, %mul3A_314 : i32
      %add3A_316 = arith.addi %mul3A_313, %mul3A_315 : i32
      "tpu.region"() ({
        %run_scoped3A_318 = tpu.sem_alloc : memref<!tpu.dma_semaphore, #tpu.memory_space<semaphore_mem>>
        %dma_start3A_319 = arith.constant 0 : i32
        %dma_start3A_320 = tpu.memref_slice %arg15[%add3A_316, %dma_start3A_319] : memref<10240x128xf32, #tpu.memory_space<vmem_shared>> -> memref<64x128xf32, #tpu.memory_space<vmem_shared>>
        %dma_start3A_321 = arith.constant 0 : i32
        %dma_start3A_322 = tpu.memref_slice %arg15[%add3A_316, %dma_start3A_321] : memref<10240x128xf32, #tpu.memory_space<vmem_shared>> -> memref<64x128xf32, #tpu.memory_space<vmem_shared>>
        tpu.enqueue_dma source(%arg14 : memref<64x128xf32, #tpu.memory_space<vmem>>) target(%dma_start3A_322 : memref<64x128xf32, #tpu.memory_space<vmem_shared>>) target_semaphore(%run_scoped3A_318 : memref<!tpu.dma_semaphore, #tpu.memory_space<semaphore_mem>>)
        %dma_wait3A_323 = arith.constant 0 : i32
        %dma_wait3A_324 = tpu.memref_slice %arg15[%add3A_316, %dma_wait3A_323] : memref<10240x128xf32, #tpu.memory_space<vmem_shared>> -> memref<64x128xf32, #tpu.memory_space<vmem_shared>>
        %dma_wait3A_325 = arith.constant 0 : i32
        %dma_wait3A_326 = tpu.memref_slice %arg15[%add3A_316, %dma_wait3A_325] : memref<10240x128xf32, #tpu.memory_space<vmem_shared>> -> memref<64x128xf32, #tpu.memory_space<vmem_shared>>
        tpu.wait_dma2 semaphore(%run_scoped3A_318 : memref<!tpu.dma_semaphore, #tpu.memory_space<semaphore_mem>>) src(%arg14 : memref<64x128xf32, #tpu.memory_space<vmem>>) dst(%dma_wait3A_326 : memref<64x128xf32, #tpu.memory_space<vmem_shared>>)
        tpu.yield
      }) : () -> ()
      %scan3A_317 = arith.constant 0 : i32
      scf.yield %scan3A_317 : i32
    }
    %scan3A_112 = arith.constant 10 : i32
    %barrier3A_113 = arith.constant 0 : index
    tpu.barrier barrier_id(%barrier3A_113)
    %dma_start3A_114 = arith.constant 1 : i32
    %dma_start3A_115 = arith.constant 0 : i32
    %dma_start3A_116 = arith.constant 0 : i32
    %dma_start3A_117 = arith.constant 0 : i32
    %dma_start3A_118 = arith.constant 0 : i32
    %dma_start3A_119 = arith.constant 0 : i32
    %dma_start3A_120 = tpu.memref_slice %arg12[%dma_start3A_117, %dma_start3A_118, %dma_start3A_119] : memref<4x64x64xi32, #tpu.memory_space<vmem>> -> memref<1x64x64xi32, #tpu.memory_space<vmem>>
    %dma_start3A_121 = tpu.memref_squeeze %dma_start3A_120 : memref<1x64x64xi32, #tpu.memory_space<vmem>> -> memref<64x64xi32, #tpu.memory_space<vmem>>
    %dma_start3A_122 = arith.constant 0 : i32
    %dma_start3A_123 = tpu.memref_slice %arg10[%dma_start3A_116, %dma_start3A_122] : memref<50x64xi32, #tpu.memory_space<vmem>> -> memref<1x64xi32, #tpu.memory_space<vmem>>
    %dma_start3A_124 = tpu.memref_squeeze %dma_start3A_123 : memref<1x64xi32, #tpu.memory_space<vmem>> -> memref<64xi32, #tpu.memory_space<vmem>>
    %dma_start3A_125 = arith.constant 0 : i32
    %dma_start3A_126 = arith.constant 0 : i32
    %dma_start3A_127 = tpu.memref_slice %arg2[%dma_start3A_114, %dma_start3A_115, %dma_start3A_125, %dma_start3A_126] : memref<3x1x10240x64xi32, #tpu.memory_space<hbm>> -> memref<1x1x10240x64xi32, #tpu.memory_space<hbm>>
    %dma_start3A_128 = tpu.memref_squeeze %dma_start3A_127 : memref<1x1x10240x64xi32, #tpu.memory_space<hbm>> -> memref<10240x64xi32, #tpu.memory_space<hbm>>
    %dma_start3A_129 = arith.constant 0 : i32
    %dma_start3A_130 = arith.constant 0 : i32
    %dma_start3A_131 = tpu.memref_slice %dma_start3A_128[%dma_start3A_129, %dma_start3A_130] : memref<10240x64xi32, #tpu.memory_space<hbm>> -> memref<10240x64xi32, #tpu.memory_space<hbm>>
    tpu.enqueue_indirect_dma source(%dma_start3A_131 : memref<10240x64xi32, #tpu.memory_space<hbm>>) target(%dma_start3A_121 : memref<64x64xi32, #tpu.memory_space<vmem>>) offsets(%dma_start3A_124 : memref<64xi32, #tpu.memory_space<vmem>>) semaphore(%arg16 : memref<!tpu.dma_semaphore, #tpu.memory_space<semaphore_mem>>)
    %dma_start3A_132 = arith.constant 1 : i32
    %dma_start3A_133 = arith.constant 0 : i32
    %dma_start3A_134 = arith.constant 1 : i32
    %dma_start3A_135 = arith.constant 1 : i32
    %dma_start3A_136 = arith.constant 0 : i32
    %dma_start3A_137 = arith.constant 0 : i32
    %dma_start3A_138 = tpu.memref_slice %arg12[%dma_start3A_135, %dma_start3A_136, %dma_start3A_137] : memref<4x64x64xi32, #tpu.memory_space<vmem>> -> memref<1x64x64xi32, #tpu.memory_space<vmem>>
    %dma_start3A_139 = tpu.memref_squeeze %dma_start3A_138 : memref<1x64x64xi32, #tpu.memory_space<vmem>> -> memref<64x64xi32, #tpu.memory_space<vmem>>
    %dma_start3A_140 = arith.constant 0 : i32
    %dma_start3A_141 = tpu.memref_slice %arg10[%dma_start3A_134, %dma_start3A_140] : memref<50x64xi32, #tpu.memory_space<vmem>> -> memref<1x64xi32, #tpu.memory_space<vmem>>
    %dma_start3A_142 = tpu.memref_squeeze %dma_start3A_141 : memref<1x64xi32, #tpu.memory_space<vmem>> -> memref<64xi32, #tpu.memory_space<vmem>>
    %dma_start3A_143 = arith.constant 0 : i32
    %dma_start3A_144 = arith.constant 0 : i32
    %dma_start3A_145 = tpu.memref_slice %arg2[%dma_start3A_132, %dma_start3A_133, %dma_start3A_143, %dma_start3A_144] : memref<3x1x10240x64xi32, #tpu.memory_space<hbm>> -> memref<1x1x10240x64xi32, #tpu.memory_space<hbm>>
    %dma_start3A_146 = tpu.memref_squeeze %dma_start3A_145 : memref<1x1x10240x64xi32, #tpu.memory_space<hbm>> -> memref<10240x64xi32, #tpu.memory_space<hbm>>
    %dma_start3A_147 = arith.constant 0 : i32
    %dma_start3A_148 = arith.constant 0 : i32
    %dma_start3A_149 = tpu.memref_slice %dma_start3A_146[%dma_start3A_147, %dma_start3A_148] : memref<10240x64xi32, #tpu.memory_space<hbm>> -> memref<10240x64xi32, #tpu.memory_space<hbm>>
    tpu.enqueue_indirect_dma source(%dma_start3A_149 : memref<10240x64xi32, #tpu.memory_space<hbm>>) target(%dma_start3A_139 : memref<64x64xi32, #tpu.memory_space<vmem>>) offsets(%dma_start3A_142 : memref<64xi32, #tpu.memory_space<vmem>>) semaphore(%arg16 : memref<!tpu.dma_semaphore, #tpu.memory_space<semaphore_mem>>)
    %dma_start3A_150 = arith.constant 1 : i32
    %dma_start3A_151 = arith.constant 0 : i32
    %dma_start3A_152 = arith.constant 2 : i32
    %dma_start3A_153 = arith.constant 2 : i32
    %dma_start3A_154 = arith.constant 0 : i32
    %dma_start3A_155 = arith.constant 0 : i32
    %dma_start3A_156 = tpu.memref_slice %arg12[%dma_start3A_153, %dma_start3A_154, %dma_start3A_155] : memref<4x64x64xi32, #tpu.memory_space<vmem>> -> memref<1x64x64xi32, #tpu.memory_space<vmem>>
    %dma_start3A_157 = tpu.memref_squeeze %dma_start3A_156 : memref<1x64x64xi32, #tpu.memory_space<vmem>> -> memref<64x64xi32, #tpu.memory_space<vmem>>
    %dma_start3A_158 = arith.constant 0 : i32
    %dma_start3A_159 = tpu.memref_slice %arg10[%dma_start3A_152, %dma_start3A_158] : memref<50x64xi32, #tpu.memory_space<vmem>> -> memref<1x64xi32, #tpu.memory_space<vmem>>
    %dma_start3A_160 = tpu.memref_squeeze %dma_start3A_159 : memref<1x64xi32, #tpu.memory_space<vmem>> -> memref<64xi32, #tpu.memory_space<vmem>>
    %dma_start3A_161 = arith.constant 0 : i32
    %dma_start3A_162 = arith.constant 0 : i32
    %dma_start3A_163 = tpu.memref_slice %arg2[%dma_start3A_150, %dma_start3A_151, %dma_start3A_161, %dma_start3A_162] : memref<3x1x10240x64xi32, #tpu.memory_space<hbm>> -> memref<1x1x10240x64xi32, #tpu.memory_space<hbm>>
    %dma_start3A_164 = tpu.memref_squeeze %dma_start3A_163 : memref<1x1x10240x64xi32, #tpu.memory_space<hbm>> -> memref<10240x64xi32, #tpu.memory_space<hbm>>
    %dma_start3A_165 = arith.constant 0 : i32
    %dma_start3A_166 = arith.constant 0 : i32
    %dma_start3A_167 = tpu.memref_slice %dma_start3A_164[%dma_start3A_165, %dma_start3A_166] : memref<10240x64xi32, #tpu.memory_space<hbm>> -> memref<10240x64xi32, #tpu.memory_space<hbm>>
    tpu.enqueue_indirect_dma source(%dma_start3A_167 : memref<10240x64xi32, #tpu.memory_space<hbm>>) target(%dma_start3A_157 : memref<64x64xi32, #tpu.memory_space<vmem>>) offsets(%dma_start3A_160 : memref<64xi32, #tpu.memory_space<vmem>>) semaphore(%arg16 : memref<!tpu.dma_semaphore, #tpu.memory_space<semaphore_mem>>)
    %scan3A_168 = arith.constant 1 : i32
    %scan3A_169 = arith.constant 0 : i32
    %scan3A_170 = arith.constant 0 : i32
    %scan3A_171 = arith.constant 0 : i32
    %scan3A_172 = arith.constant 50 : i32
    %scan3A_173 = arith.addi %scan3A_171, %scan3A_172 : i32
    %scan3A_174 = arith.constant 1 : i32
    %scan3A_175 = scf.for %scan3A_310 = %scan3A_171 to %scan3A_173 step %scan3A_174 iter_args(%scan3A_311 = %scan3A_170) -> (i32)  : i32 {
      %rem3A = arith.constant 2 : i32
      %rem3A_312 = arith.remsi %scan3A_310, %rem3A : i32
      %rem3A_313 = arith.constant 4 : i32
      %rem3A_314 = arith.remsi %scan3A_310, %rem3A_313 : i32
      %add3A_315 = arith.constant 3 : i32
      %add3A_316 = arith.addi %scan3A_310, %add3A_315 : i32
      %lt3A = arith.constant 50 : i32
      %lt3A_317 = arith.cmpi slt, %add3A_316, %lt3A : i32
      %convert_element_type3A = arith.extui %lt3A_317 : i1 to i32
      %cond3A = arith.constant 0 : i32
      %cond3A_318 = arith.cmpi ne, %convert_element_type3A, %cond3A : i32
      scf.if %cond3A_318 {
        %add3A_355 = arith.constant 3 : i32
        %add3A_356 = arith.addi %scan3A_310, %add3A_355 : i32
        %add3A_357 = arith.constant 3 : i32
        %add3A_358 = arith.addi %scan3A_310, %add3A_357 : i32
        %rem3A_359 = arith.constant 4 : i32
        %rem3A_360 = arith.remsi %add3A_358, %rem3A_359 : i32
        %dma_start3A_361 = arith.constant 0 : i32
        %dma_start3A_362 = arith.constant 0 : i32
        %dma_start3A_363 = tpu.memref_slice %arg12[%rem3A_360, %dma_start3A_361, %dma_start3A_362] : memref<4x64x64xi32, #tpu.memory_space<vmem>> -> memref<1x64x64xi32, #tpu.memory_space<vmem>>
        %dma_start3A_364 = tpu.memref_squeeze %dma_start3A_363 : memref<1x64x64xi32, #tpu.memory_space<vmem>> -> memref<64x64xi32, #tpu.memory_space<vmem>>
        %dma_start3A_365 = arith.constant 0 : i32
        %dma_start3A_366 = tpu.memref_slice %arg10[%add3A_356, %dma_start3A_365] : memref<50x64xi32, #tpu.memory_space<vmem>> -> memref<1x64xi32, #tpu.memory_space<vmem>>
        %dma_start3A_367 = tpu.memref_squeeze %dma_start3A_366 : memref<1x64xi32, #tpu.memory_space<vmem>> -> memref<64xi32, #tpu.memory_space<vmem>>
        %dma_start3A_368 = arith.constant 0 : i32
        %dma_start3A_369 = arith.constant 0 : i32
        %dma_start3A_370 = tpu.memref_slice %arg2[%scan3A_168, %scan3A_169, %dma_start3A_368, %dma_start3A_369] : memref<3x1x10240x64xi32, #tpu.memory_space<hbm>> -> memref<1x1x10240x64xi32, #tpu.memory_space<hbm>>
        %dma_start3A_371 = tpu.memref_squeeze %dma_start3A_370 : memref<1x1x10240x64xi32, #tpu.memory_space<hbm>> -> memref<10240x64xi32, #tpu.memory_space<hbm>>
        %dma_start3A_372 = arith.constant 0 : i32
        %dma_start3A_373 = arith.constant 0 : i32
        %dma_start3A_374 = tpu.memref_slice %dma_start3A_371[%dma_start3A_372, %dma_start3A_373] : memref<10240x64xi32, #tpu.memory_space<hbm>> -> memref<10240x64xi32, #tpu.memory_space<hbm>>
        tpu.enqueue_indirect_dma source(%dma_start3A_374 : memref<10240x64xi32, #tpu.memory_space<hbm>>) target(%dma_start3A_364 : memref<64x64xi32, #tpu.memory_space<vmem>>) offsets(%dma_start3A_367 : memref<64xi32, #tpu.memory_space<vmem>>) semaphore(%arg16 : memref<!tpu.dma_semaphore, #tpu.memory_space<semaphore_mem>>)
      } else {
      }
      %dma_wait3A_319 = arith.constant 0 : i32
      %dma_wait3A_320 = arith.constant 0 : i32
      %dma_wait3A_321 = tpu.memref_slice %arg12[%rem3A_314, %dma_wait3A_319, %dma_wait3A_320] : memref<4x64x64xi32, #tpu.memory_space<vmem>> -> memref<1x64x64xi32, #tpu.memory_space<vmem>>
      %dma_wait3A_322 = tpu.memref_squeeze %dma_wait3A_321 : memref<1x64x64xi32, #tpu.memory_space<vmem>> -> memref<64x64xi32, #tpu.memory_space<vmem>>
      %dma_wait3A_323 = arith.constant 0 : i32
      %dma_wait3A_324 = tpu.memref_slice %arg10[%scan3A_310, %dma_wait3A_323] : memref<50x64xi32, #tpu.memory_space<vmem>> -> memref<1x64xi32, #tpu.memory_space<vmem>>
      %dma_wait3A_325 = tpu.memref_squeeze %dma_wait3A_324 : memref<1x64xi32, #tpu.memory_space<vmem>> -> memref<64xi32, #tpu.memory_space<vmem>>
      %dma_wait3A_326 = arith.constant 0 : i32
      %dma_wait3A_327 = arith.constant 0 : i32
      %dma_wait3A_328 = tpu.memref_slice %arg2[%scan3A_168, %scan3A_169, %dma_wait3A_326, %dma_wait3A_327] : memref<3x1x10240x64xi32, #tpu.memory_space<hbm>> -> memref<1x1x10240x64xi32, #tpu.memory_space<hbm>>
      %dma_wait3A_329 = tpu.memref_squeeze %dma_wait3A_328 : memref<1x1x10240x64xi32, #tpu.memory_space<hbm>> -> memref<10240x64xi32, #tpu.memory_space<hbm>>
      %dma_wait3A_330 = arith.constant 0 : i32
      %dma_wait3A_331 = arith.constant 0 : i32
      %dma_wait3A_332 = tpu.memref_slice %dma_wait3A_329[%dma_wait3A_330, %dma_wait3A_331] : memref<10240x64xi32, #tpu.memory_space<hbm>> -> memref<10240x64xi32, #tpu.memory_space<hbm>>
      tpu.wait_indirect_dma semaphore(%arg16 : memref<!tpu.dma_semaphore, #tpu.memory_space<semaphore_mem>>) src(%dma_wait3A_332 : memref<10240x64xi32, #tpu.memory_space<hbm>>) dst(%dma_wait3A_322 : memref<64x64xi32, #tpu.memory_space<vmem>>)
      %ge3A = arith.constant 2 : i32
      %ge3A_333 = arith.cmpi sge, %scan3A_310, %ge3A : i32
      %convert_element_type3A_334 = arith.extui %ge3A_333 : i1 to i32
      %cond3A_335 = arith.constant 0 : i32
      %cond3A_336 = arith.cmpi ne, %convert_element_type3A_334, %cond3A_335 : i32
      scf.if %cond3A_336 {
        %sub3A = arith.constant 2 : i32
        %sub3A_355 = arith.subi %scan3A_310, %sub3A : i32
        %dma_wait3A_356 = arith.constant 0 : i32
        %dma_wait3A_357 = arith.constant 0 : i32
        %dma_wait3A_358 = tpu.memref_slice %arg13[%rem3A_312, %dma_wait3A_356, %dma_wait3A_357] : memref<2x64x128xf32, #tpu.memory_space<vmem>> -> memref<1x64x128xf32, #tpu.memory_space<vmem>>
        %dma_wait3A_359 = tpu.memref_squeeze %dma_wait3A_358 : memref<1x64x128xf32, #tpu.memory_space<vmem>> -> memref<64x128xf32, #tpu.memory_space<vmem>>
        %dma_wait3A_360 = arith.constant 0 : i32
        %dma_wait3A_361 = tpu.memref_slice %arg11[%sub3A_355, %dma_wait3A_360] : memref<50x64xi32, #tpu.memory_space<vmem>> -> memref<1x64xi32, #tpu.memory_space<vmem>>
        %dma_wait3A_362 = tpu.memref_squeeze %dma_wait3A_361 : memref<1x64xi32, #tpu.memory_space<vmem>> -> memref<64xi32, #tpu.memory_space<vmem>>
        %dma_wait3A_363 = arith.constant 0 : i32
        %dma_wait3A_364 = arith.constant 0 : i32
        %dma_wait3A_365 = tpu.memref_slice %arg15[%dma_wait3A_363, %dma_wait3A_364] : memref<10240x128xf32, #tpu.memory_space<vmem_shared>> -> memref<10240x128xf32, #tpu.memory_space<vmem_shared>>
        tpu.wait_indirect_dma semaphore(%arg17 : memref<!tpu.dma_semaphore, #tpu.memory_space<semaphore_mem>>) src(%dma_wait3A_359 : memref<64x128xf32, #tpu.memory_space<vmem>>) dst(%dma_wait3A_365 : memref<10240x128xf32, #tpu.memory_space<vmem_shared>>)
      } else {
      }
      %scan3A_337 = arith.constant 0 : i32
      %scan3A_338 = arith.constant 0 : i32
      %scan3A_339 = arith.constant 64 : i32
      %scan3A_340 = arith.addi %scan3A_338, %scan3A_339 : i32
      %scan3A_341 = arith.constant 1 : i32
      %scan3A_342 = scf.for %scan3A_355 = %scan3A_338 to %scan3A_340 step %scan3A_341 iter_args(%scan3A_356 = %scan3A_337) -> (i32)  : i32 {
        %get3A = arith.index_cast %rem3A_314 : i32 to index
        %get3A_357 = arith.index_cast %scan3A_355 : i32 to index
        %get3A_358 = arith.constant 0 : index
        %get3A_359 = tpu.vector_load %arg12[%get3A, %get3A_357, %get3A_358] {strides = array<i32>} : memref<4x64x64xi32, #tpu.memory_space<vmem>>, vector<16xi32>,
        %bitcast3A = vector.bitcast %get3A_359 : vector<16xi32> to vector<32xbf16>
        %unpack3A = tpu.unpack_subelements %bitcast3A, 0 {pack_format = #tpu.pack_format<interleaved>} : vector<32xbf16> -> vector<16xf32>
        %unpack3A_360 = tpu.unpack_subelements %bitcast3A, 1 {pack_format = #tpu.pack_format<interleaved>} : vector<32xbf16> -> vector<16xf32>
        %swap3A = arith.index_cast %rem3A_312 : i32 to index
        %swap3A_361 = arith.index_cast %scan3A_355 : i32 to index
        %swap3A_362 = arith.constant 0 : index
        %swap3A_363 = tpu.vector_load %arg13[%swap3A, %swap3A_361, %swap3A_362] {strides = array<i32>} : memref<2x64x128xf32, #tpu.memory_space<vmem>>, vector<16xf32>,
        tpu.vector_store %arg13[%swap3A, %swap3A_361, %swap3A_362], %unpack3A {strides = array<i32>} : memref<2x64x128xf32, #tpu.memory_space<vmem>>, vector<16xf32>,
        %swap3A_364 = arith.index_cast %rem3A_312 : i32 to index
        %swap3A_365 = arith.index_cast %scan3A_355 : i32 to index
        %swap3A_366 = arith.constant 16 : index
        %swap3A_367 = tpu.vector_load %arg13[%swap3A_364, %swap3A_365, %swap3A_366] {strides = array<i32>} : memref<2x64x128xf32, #tpu.memory_space<vmem>>, vector<16xf32>,
        tpu.vector_store %arg13[%swap3A_364, %swap3A_365, %swap3A_366], %unpack3A_360 {strides = array<i32>} : memref<2x64x128xf32, #tpu.memory_space<vmem>>, vector<16xf32>,
        %get3A_368 = arith.index_cast %rem3A_314 : i32 to index
        %get3A_369 = arith.index_cast %scan3A_355 : i32 to index
        %get3A_370 = arith.constant 16 : index
        %get3A_371 = tpu.vector_load %arg12[%get3A_368, %get3A_369, %get3A_370] {strides = array<i32>} : memref<4x64x64xi32, #tpu.memory_space<vmem>>, vector<16xi32>,
        %bitcast3A_372 = vector.bitcast %get3A_371 : vector<16xi32> to vector<32xbf16>
        %unpack3A_373 = tpu.unpack_subelements %bitcast3A_372, 0 {pack_format = #tpu.pack_format<interleaved>} : vector<32xbf16> -> vector<16xf32>
        %unpack3A_374 = tpu.unpack_subelements %bitcast3A_372, 1 {pack_format = #tpu.pack_format<interleaved>} : vector<32xbf16> -> vector<16xf32>
        %swap3A_375 = arith.index_cast %rem3A_312 : i32 to index
        %swap3A_376 = arith.index_cast %scan3A_355 : i32 to index
        %swap3A_377 = arith.constant 32 : index
        %swap3A_378 = tpu.vector_load %arg13[%swap3A_375, %swap3A_376, %swap3A_377] {strides = array<i32>} : memref<2x64x128xf32, #tpu.memory_space<vmem>>, vector<16xf32>,
        tpu.vector_store %arg13[%swap3A_375, %swap3A_376, %swap3A_377], %unpack3A_373 {strides = array<i32>} : memref<2x64x128xf32, #tpu.memory_space<vmem>>, vector<16xf32>,
        %swap3A_379 = arith.index_cast %rem3A_312 : i32 to index
        %swap3A_380 = arith.index_cast %scan3A_355 : i32 to index
        %swap3A_381 = arith.constant 48 : index
        %swap3A_382 = tpu.vector_load %arg13[%swap3A_379, %swap3A_380, %swap3A_381] {strides = array<i32>} : memref<2x64x128xf32, #tpu.memory_space<vmem>>, vector<16xf32>,
        tpu.vector_store %arg13[%swap3A_379, %swap3A_380, %swap3A_381], %unpack3A_374 {strides = array<i32>} : memref<2x64x128xf32, #tpu.memory_space<vmem>>, vector<16xf32>,
        %get3A_383 = arith.index_cast %rem3A_314 : i32 to index
        %get3A_384 = arith.index_cast %scan3A_355 : i32 to index
        %get3A_385 = arith.constant 32 : index
        %get3A_386 = tpu.vector_load %arg12[%get3A_383, %get3A_384, %get3A_385] {strides = array<i32>} : memref<4x64x64xi32, #tpu.memory_space<vmem>>, vector<16xi32>,
        %bitcast3A_387 = vector.bitcast %get3A_386 : vector<16xi32> to vector<32xbf16>
        %unpack3A_388 = tpu.unpack_subelements %bitcast3A_387, 0 {pack_format = #tpu.pack_format<interleaved>} : vector<32xbf16> -> vector<16xf32>
        %unpack3A_389 = tpu.unpack_subelements %bitcast3A_387, 1 {pack_format = #tpu.pack_format<interleaved>} : vector<32xbf16> -> vector<16xf32>
        %swap3A_390 = arith.index_cast %rem3A_312 : i32 to index
        %swap3A_391 = arith.index_cast %scan3A_355 : i32 to index
        %swap3A_392 = arith.constant 64 : index
        %swap3A_393 = tpu.vector_load %arg13[%swap3A_390, %swap3A_391, %swap3A_392] {strides = array<i32>} : memref<2x64x128xf32, #tpu.memory_space<vmem>>, vector<16xf32>,
        tpu.vector_store %arg13[%swap3A_390, %swap3A_391, %swap3A_392], %unpack3A_388 {strides = array<i32>} : memref<2x64x128xf32, #tpu.memory_space<vmem>>, vector<16xf32>,
        %swap3A_394 = arith.index_cast %rem3A_312 : i32 to index
        %swap3A_395 = arith.index_cast %scan3A_355 : i32 to index
        %swap3A_396 = arith.constant 80 : index
        %swap3A_397 = tpu.vector_load %arg13[%swap3A_394, %swap3A_395, %swap3A_396] {strides = array<i32>} : memref<2x64x128xf32, #tpu.memory_space<vmem>>, vector<16xf32>,
        tpu.vector_store %arg13[%swap3A_394, %swap3A_395, %swap3A_396], %unpack3A_389 {strides = array<i32>} : memref<2x64x128xf32, #tpu.memory_space<vmem>>, vector<16xf32>,
        %get3A_398 = arith.index_cast %rem3A_314 : i32 to index
        %get3A_399 = arith.index_cast %scan3A_355 : i32 to index
        %get3A_400 = arith.constant 48 : index
        %get3A_401 = tpu.vector_load %arg12[%get3A_398, %get3A_399, %get3A_400] {strides = array<i32>} : memref<4x64x64xi32, #tpu.memory_space<vmem>>, vector<16xi32>,
        %bitcast3A_402 = vector.bitcast %get3A_401 : vector<16xi32> to vector<32xbf16>
        %unpack3A_403 = tpu.unpack_subelements %bitcast3A_402, 0 {pack_format = #tpu.pack_format<interleaved>} : vector<32xbf16> -> vector<16xf32>
        %unpack3A_404 = tpu.unpack_subelements %bitcast3A_402, 1 {pack_format = #tpu.pack_format<interleaved>} : vector<32xbf16> -> vector<16xf32>
        %swap3A_405 = arith.index_cast %rem3A_312 : i32 to index
        %swap3A_406 = arith.index_cast %scan3A_355 : i32 to index
        %swap3A_407 = arith.constant 96 : index
        %swap3A_408 = tpu.vector_load %arg13[%swap3A_405, %swap3A_406, %swap3A_407] {strides = array<i32>} : memref<2x64x128xf32, #tpu.memory_space<vmem>>, vector<16xf32>,
        tpu.vector_store %arg13[%swap3A_405, %swap3A_406, %swap3A_407], %unpack3A_403 {strides = array<i32>} : memref<2x64x128xf32, #tpu.memory_space<vmem>>, vector<16xf32>,
        %swap3A_409 = arith.index_cast %rem3A_312 : i32 to index
        %swap3A_410 = arith.index_cast %scan3A_355 : i32 to index
        %swap3A_411 = arith.constant 112 : index
        %swap3A_412 = tpu.vector_load %arg13[%swap3A_409, %swap3A_410, %swap3A_411] {strides = array<i32>} : memref<2x64x128xf32, #tpu.memory_space<vmem>>, vector<16xf32>,
        tpu.vector_store %arg13[%swap3A_409, %swap3A_410, %swap3A_411], %unpack3A_404 {strides = array<i32>} : memref<2x64x128xf32, #tpu.memory_space<vmem>>, vector<16xf32>,
        %scan3A_413 = arith.constant 0 : i32
        scf.yield %scan3A_413 : i32
      }
      %scan3A_343 = arith.constant 64 : i32
      %dma_start3A_344 = arith.constant 0 : i32
      %dma_start3A_345 = arith.constant 0 : i32
      %dma_start3A_346 = tpu.memref_slice %arg13[%rem3A_312, %dma_start3A_344, %dma_start3A_345] : memref<2x64x128xf32, #tpu.memory_space<vmem>> -> memref<1x64x128xf32, #tpu.memory_space<vmem>>
      %dma_start3A_347 = tpu.memref_squeeze %dma_start3A_346 : memref<1x64x128xf32, #tpu.memory_space<vmem>> -> memref<64x128xf32, #tpu.memory_space<vmem>>
      %dma_start3A_348 = arith.constant 0 : i32
      %dma_start3A_349 = tpu.memref_slice %arg11[%scan3A_310, %dma_start3A_348] : memref<50x64xi32, #tpu.memory_space<vmem>> -> memref<1x64xi32, #tpu.memory_space<vmem>>
      %dma_start3A_350 = tpu.memref_squeeze %dma_start3A_349 : memref<1x64xi32, #tpu.memory_space<vmem>> -> memref<64xi32, #tpu.memory_space<vmem>>
      %dma_start3A_351 = arith.constant 0 : i32
      %dma_start3A_352 = arith.constant 0 : i32
      %dma_start3A_353 = tpu.memref_slice %arg15[%dma_start3A_351, %dma_start3A_352] : memref<10240x128xf32, #tpu.memory_space<vmem_shared>> -> memref<10240x128xf32, #tpu.memory_space<vmem_shared>>
      tpu.enqueue_indirect_dma source(%dma_start3A_347 : memref<64x128xf32, #tpu.memory_space<vmem>>) target(%dma_start3A_353 : memref<10240x128xf32, #tpu.memory_space<vmem_shared>>) offsets(%dma_start3A_350 : memref<64xi32, #tpu.memory_space<vmem>>) semaphore(%arg17 : memref<!tpu.dma_semaphore, #tpu.memory_space<semaphore_mem>>) {add = true}
      %scan3A_354 = arith.constant 0 : i32
      scf.yield %scan3A_354 : i32
    }
    %scan3A_176 = arith.constant 50 : i32
    %dma_wait3A_177 = arith.constant 0 : i32
    %dma_wait3A_178 = arith.constant 48 : i32
    %dma_wait3A_179 = arith.constant 0 : i32
    %dma_wait3A_180 = arith.constant 0 : i32
    %dma_wait3A_181 = tpu.memref_slice %arg13[%dma_wait3A_177, %dma_wait3A_179, %dma_wait3A_180] : memref<2x64x128xf32, #tpu.memory_space<vmem>> -> memref<1x64x128xf32, #tpu.memory_space<vmem>>
    %dma_wait3A_182 = tpu.memref_squeeze %dma_wait3A_181 : memref<1x64x128xf32, #tpu.memory_space<vmem>> -> memref<64x128xf32, #tpu.memory_space<vmem>>
    %dma_wait3A_183 = arith.constant 0 : i32
    %dma_wait3A_184 = tpu.memref_slice %arg11[%dma_wait3A_178, %dma_wait3A_183] : memref<50x64xi32, #tpu.memory_space<vmem>> -> memref<1x64xi32, #tpu.memory_space<vmem>>
    %dma_wait3A_185 = tpu.memref_squeeze %dma_wait3A_184 : memref<1x64xi32, #tpu.memory_space<vmem>> -> memref<64xi32, #tpu.memory_space<vmem>>
    %dma_wait3A_186 = arith.constant 0 : i32
    %dma_wait3A_187 = arith.constant 0 : i32
    %dma_wait3A_188 = tpu.memref_slice %arg15[%dma_wait3A_186, %dma_wait3A_187] : memref<10240x128xf32, #tpu.memory_space<vmem_shared>> -> memref<10240x128xf32, #tpu.memory_space<vmem_shared>>
    tpu.wait_indirect_dma semaphore(%arg17 : memref<!tpu.dma_semaphore, #tpu.memory_space<semaphore_mem>>) src(%dma_wait3A_182 : memref<64x128xf32, #tpu.memory_space<vmem>>) dst(%dma_wait3A_188 : memref<10240x128xf32, #tpu.memory_space<vmem_shared>>)
    %dma_wait3A_189 = arith.constant 1 : i32
    %dma_wait3A_190 = arith.constant 49 : i32
    %dma_wait3A_191 = arith.constant 0 : i32
    %dma_wait3A_192 = arith.constant 0 : i32
    %dma_wait3A_193 = tpu.memref_slice %arg13[%dma_wait3A_189, %dma_wait3A_191, %dma_wait3A_192] : memref<2x64x128xf32, #tpu.memory_space<vmem>> -> memref<1x64x128xf32, #tpu.memory_space<vmem>>
    %dma_wait3A_194 = tpu.memref_squeeze %dma_wait3A_193 : memref<1x64x128xf32, #tpu.memory_space<vmem>> -> memref<64x128xf32, #tpu.memory_space<vmem>>
    %dma_wait3A_195 = arith.constant 0 : i32
    %dma_wait3A_196 = tpu.memref_slice %arg11[%dma_wait3A_190, %dma_wait3A_195] : memref<50x64xi32, #tpu.memory_space<vmem>> -> memref<1x64xi32, #tpu.memory_space<vmem>>
    %dma_wait3A_197 = tpu.memref_squeeze %dma_wait3A_196 : memref<1x64xi32, #tpu.memory_space<vmem>> -> memref<64xi32, #tpu.memory_space<vmem>>
    %dma_wait3A_198 = arith.constant 0 : i32
    %dma_wait3A_199 = arith.constant 0 : i32
    %dma_wait3A_200 = tpu.memref_slice %arg15[%dma_wait3A_198, %dma_wait3A_199] : memref<10240x128xf32, #tpu.memory_space<vmem_shared>> -> memref<10240x128xf32, #tpu.memory_space<vmem_shared>>
    tpu.wait_indirect_dma semaphore(%arg17 : memref<!tpu.dma_semaphore, #tpu.memory_space<semaphore_mem>>) src(%dma_wait3A_194 : memref<64x128xf32, #tpu.memory_space<vmem>>) dst(%dma_wait3A_200 : memref<10240x128xf32, #tpu.memory_space<vmem_shared>>)
    %barrier3A_201 = arith.constant 0 : index
    tpu.barrier barrier_id(%barrier3A_201)
    %mul3A_202 = arith.constant 640 : i32
    %mul3A_203 = arith.muli %arg1, %mul3A_202 : i32
    %mul3A_204 = arith.constant 640 : i32
    %mul3A_205 = arith.muli %arg1, %mul3A_204 : i32
    %run_scoped3A_206 = arith.constant 1 : i32
    %run_scoped3A_207 = arith.constant 0 : i32
    "tpu.region"() ({
      %run_scoped3A_310 = tpu.sem_alloc : memref<!tpu.dma_semaphore, #tpu.memory_space<semaphore_mem>>
      %dma_start3A_311 = arith.constant 0 : i32
      %dma_start3A_312 = tpu.memref_slice %arg9[%arg0, %run_scoped3A_206, %run_scoped3A_207, %mul3A_205, %dma_start3A_311] : memref<2x3x1x10240x128xf32, #tpu.memory_space<hbm>> -> memref<1x1x1x640x128xf32, #tpu.memory_space<hbm>>
      %dma_start3A_313 = tpu.memref_squeeze %dma_start3A_312 : memref<1x1x1x640x128xf32, #tpu.memory_space<hbm>> -> memref<640x128xf32, #tpu.memory_space<hbm>>
      %dma_start3A_314 = arith.constant 0 : i32
      %dma_start3A_315 = tpu.memref_slice %arg15[%mul3A_203, %dma_start3A_314] : memref<10240x128xf32, #tpu.memory_space<vmem_shared>> -> memref<640x128xf32, #tpu.memory_space<vmem_shared>>
      tpu.enqueue_dma source(%dma_start3A_315 : memref<640x128xf32, #tpu.memory_space<vmem_shared>>) target(%dma_start3A_313 : memref<640x128xf32, #tpu.memory_space<hbm>>) target_semaphore(%run_scoped3A_310 : memref<!tpu.dma_semaphore, #tpu.memory_space<semaphore_mem>>)
      %dma_wait3A_316 = arith.constant 0 : i32
      %dma_wait3A_317 = tpu.memref_slice %arg9[%arg0, %run_scoped3A_206, %run_scoped3A_207, %mul3A_205, %dma_wait3A_316] : memref<2x3x1x10240x128xf32, #tpu.memory_space<hbm>> -> memref<1x1x1x640x128xf32, #tpu.memory_space<hbm>>
      %dma_wait3A_318 = tpu.memref_squeeze %dma_wait3A_317 : memref<1x1x1x640x128xf32, #tpu.memory_space<hbm>> -> memref<640x128xf32, #tpu.memory_space<hbm>>
      %dma_wait3A_319 = arith.constant 0 : i32
      %dma_wait3A_320 = tpu.memref_slice %arg15[%mul3A_203, %dma_wait3A_319] : memref<10240x128xf32, #tpu.memory_space<vmem_shared>> -> memref<640x128xf32, #tpu.memory_space<vmem_shared>>
      tpu.wait_dma2 semaphore(%run_scoped3A_310 : memref<!tpu.dma_semaphore, #tpu.memory_space<semaphore_mem>>) src(%dma_wait3A_320 : memref<640x128xf32, #tpu.memory_space<vmem_shared>>) dst(%dma_wait3A_318 : memref<640x128xf32, #tpu.memory_space<hbm>>)
      tpu.yield
    }) : () -> ()
    "tpu.region"() ({
      %run_scoped3A_310 = tpu.sem_alloc : memref<!tpu.dma_semaphore, #tpu.memory_space<semaphore_mem>>
      %dma_start3A_311 = arith.constant 0 : i32
      %dma_start3A_312 = arith.constant 0 : i32
      %dma_start3A_313 = tpu.memref_slice %arg5[%add3A, %dma_start3A_311, %dma_start3A_312] : memref<32x50x64xi32, #tpu.memory_space<hbm>> -> memref<1x50x64xi32, #tpu.memory_space<hbm>>
      %dma_start3A_314 = tpu.memref_squeeze %dma_start3A_313 : memref<1x50x64xi32, #tpu.memory_space<hbm>> -> memref<50x64xi32, #tpu.memory_space<hbm>>
      %dma_start3A_315 = arith.constant 0 : i32
      %dma_start3A_316 = arith.constant 0 : i32
      %dma_start3A_317 = tpu.memref_slice %arg5[%add3A, %dma_start3A_315, %dma_start3A_316] : memref<32x50x64xi32, #tpu.memory_space<hbm>> -> memref<1x50x64xi32, #tpu.memory_space<hbm>>
      %dma_start3A_318 = tpu.memref_squeeze %dma_start3A_317 : memref<1x50x64xi32, #tpu.memory_space<hbm>> -> memref<50x64xi32, #tpu.memory_space<hbm>>
      tpu.enqueue_dma source(%dma_start3A_318 : memref<50x64xi32, #tpu.memory_space<hbm>>) target(%arg10 : memref<50x64xi32, #tpu.memory_space<vmem>>) target_semaphore(%run_scoped3A_310 : memref<!tpu.dma_semaphore, #tpu.memory_space<semaphore_mem>>)
      %dma_wait3A_319 = arith.constant 0 : i32
      %dma_wait3A_320 = arith.constant 0 : i32
      %dma_wait3A_321 = tpu.memref_slice %arg5[%add3A, %dma_wait3A_319, %dma_wait3A_320] : memref<32x50x64xi32, #tpu.memory_space<hbm>> -> memref<1x50x64xi32, #tpu.memory_space<hbm>>
      %dma_wait3A_322 = tpu.memref_squeeze %dma_wait3A_321 : memref<1x50x64xi32, #tpu.memory_space<hbm>> -> memref<50x64xi32, #tpu.memory_space<hbm>>
      %dma_wait3A_323 = arith.constant 0 : i32
      %dma_wait3A_324 = arith.constant 0 : i32
      %dma_wait3A_325 = tpu.memref_slice %arg5[%add3A, %dma_wait3A_323, %dma_wait3A_324] : memref<32x50x64xi32, #tpu.memory_space<hbm>> -> memref<1x50x64xi32, #tpu.memory_space<hbm>>
      %dma_wait3A_326 = tpu.memref_squeeze %dma_wait3A_325 : memref<1x50x64xi32, #tpu.memory_space<hbm>> -> memref<50x64xi32, #tpu.memory_space<hbm>>
      tpu.wait_dma2 semaphore(%run_scoped3A_310 : memref<!tpu.dma_semaphore, #tpu.memory_space<semaphore_mem>>) src(%dma_wait3A_326 : memref<50x64xi32, #tpu.memory_space<hbm>>) dst(%arg10 : memref<50x64xi32, #tpu.memory_space<vmem>>)
      tpu.yield
    }) : () -> ()
    "tpu.region"() ({
      %run_scoped3A_310 = tpu.sem_alloc : memref<!tpu.dma_semaphore, #tpu.memory_space<semaphore_mem>>
      %dma_start3A_311 = arith.constant 0 : i32
      %dma_start3A_312 = arith.constant 0 : i32
      %dma_start3A_313 = tpu.memref_slice %arg8[%add3A, %dma_start3A_311, %dma_start3A_312] : memref<32x50x64xi32, #tpu.memory_space<hbm>> -> memref<1x50x64xi32, #tpu.memory_space<hbm>>
      %dma_start3A_314 = tpu.memref_squeeze %dma_start3A_313 : memref<1x50x64xi32, #tpu.memory_space<hbm>> -> memref<50x64xi32, #tpu.memory_space<hbm>>
      %dma_start3A_315 = arith.constant 0 : i32
      %dma_start3A_316 = arith.constant 0 : i32
      %dma_start3A_317 = tpu.memref_slice %arg8[%add3A, %dma_start3A_315, %dma_start3A_316] : memref<32x50x64xi32, #tpu.memory_space<hbm>> -> memref<1x50x64xi32, #tpu.memory_space<hbm>>
      %dma_start3A_318 = tpu.memref_squeeze %dma_start3A_317 : memref<1x50x64xi32, #tpu.memory_space<hbm>> -> memref<50x64xi32, #tpu.memory_space<hbm>>
      tpu.enqueue_dma source(%dma_start3A_318 : memref<50x64xi32, #tpu.memory_space<hbm>>) target(%arg11 : memref<50x64xi32, #tpu.memory_space<vmem>>) target_semaphore(%run_scoped3A_310 : memref<!tpu.dma_semaphore, #tpu.memory_space<semaphore_mem>>)
      %dma_wait3A_319 = arith.constant 0 : i32
      %dma_wait3A_320 = arith.constant 0 : i32
      %dma_wait3A_321 = tpu.memref_slice %arg8[%add3A, %dma_wait3A_319, %dma_wait3A_320] : memref<32x50x64xi32, #tpu.memory_space<hbm>> -> memref<1x50x64xi32, #tpu.memory_space<hbm>>
      %dma_wait3A_322 = tpu.memref_squeeze %dma_wait3A_321 : memref<1x50x64xi32, #tpu.memory_space<hbm>> -> memref<50x64xi32, #tpu.memory_space<hbm>>
      %dma_wait3A_323 = arith.constant 0 : i32
      %dma_wait3A_324 = arith.constant 0 : i32
      %dma_wait3A_325 = tpu.memref_slice %arg8[%add3A, %dma_wait3A_323, %dma_wait3A_324] : memref<32x50x64xi32, #tpu.memory_space<hbm>> -> memref<1x50x64xi32, #tpu.memory_space<hbm>>
      %dma_wait3A_326 = tpu.memref_squeeze %dma_wait3A_325 : memref<1x50x64xi32, #tpu.memory_space<hbm>> -> memref<50x64xi32, #tpu.memory_space<hbm>>
      tpu.wait_dma2 semaphore(%run_scoped3A_310 : memref<!tpu.dma_semaphore, #tpu.memory_space<semaphore_mem>>) src(%dma_wait3A_326 : memref<50x64xi32, #tpu.memory_space<hbm>>) dst(%arg11 : memref<50x64xi32, #tpu.memory_space<vmem>>)
      tpu.yield
    }) : () -> ()
    %scan3A_208 = arith.constant 0 : i32
    %scan3A_209 = arith.constant 0 : i32
    %scan3A_210 = arith.constant 10 : i32
    %scan3A_211 = arith.addi %scan3A_209, %scan3A_210 : i32
    %scan3A_212 = arith.constant 1 : i32
    %scan3A_213 = scf.for %scan3A_310 = %scan3A_209 to %scan3A_211 step %scan3A_212 iter_args(%scan3A_311 = %scan3A_208) -> (i32)  : i32 {
      %mul3A_312 = arith.constant 640 : i32
      %mul3A_313 = arith.muli %arg1, %mul3A_312 : i32
      %mul3A_314 = arith.constant 64 : i32
      %mul3A_315 = arith.muli %scan3A_310, %mul3A_314 : i32
      %add3A_316 = arith.addi %mul3A_313, %mul3A_315 : i32
      "tpu.region"() ({
        %run_scoped3A_318 = tpu.sem_alloc : memref<!tpu.dma_semaphore, #tpu.memory_space<semaphore_mem>>
        %dma_start3A_319 = arith.constant 0 : i32
        %dma_start3A_320 = tpu.memref_slice %arg15[%add3A_316, %dma_start3A_319] : memref<10240x128xf32, #tpu.memory_space<vmem_shared>> -> memref<64x128xf32, #tpu.memory_space<vmem_shared>>
        %dma_start3A_321 = arith.constant 0 : i32
        %dma_start3A_322 = tpu.memref_slice %arg15[%add3A_316, %dma_start3A_321] : memref<10240x128xf32, #tpu.memory_space<vmem_shared>> -> memref<64x128xf32, #tpu.memory_space<vmem_shared>>
        tpu.enqueue_dma source(%arg14 : memref<64x128xf32, #tpu.memory_space<vmem>>) target(%dma_start3A_322 : memref<64x128xf32, #tpu.memory_space<vmem_shared>>) target_semaphore(%run_scoped3A_318 : memref<!tpu.dma_semaphore, #tpu.memory_space<semaphore_mem>>)
        %dma_wait3A_323 = arith.constant 0 : i32
        %dma_wait3A_324 = tpu.memref_slice %arg15[%add3A_316, %dma_wait3A_323] : memref<10240x128xf32, #tpu.memory_space<vmem_shared>> -> memref<64x128xf32, #tpu.memory_space<vmem_shared>>
        %dma_wait3A_325 = arith.constant 0 : i32
        %dma_wait3A_326 = tpu.memref_slice %arg15[%add3A_316, %dma_wait3A_325] : memref<10240x128xf32, #tpu.memory_space<vmem_shared>> -> memref<64x128xf32, #tpu.memory_space<vmem_shared>>
        tpu.wait_dma2 semaphore(%run_scoped3A_318 : memref<!tpu.dma_semaphore, #tpu.memory_space<semaphore_mem>>) src(%arg14 : memref<64x128xf32, #tpu.memory_space<vmem>>) dst(%dma_wait3A_326 : memref<64x128xf32, #tpu.memory_space<vmem_shared>>)
        tpu.yield
      }) : () -> ()
      %scan3A_317 = arith.constant 0 : i32
      scf.yield %scan3A_317 : i32
    }
    %scan3A_214 = arith.constant 10 : i32
    %barrier3A_215 = arith.constant 0 : index
    tpu.barrier barrier_id(%barrier3A_215)
    %dma_start3A_216 = arith.constant 2 : i32
    %dma_start3A_217 = arith.constant 0 : i32
    %dma_start3A_218 = arith.constant 0 : i32
    %dma_start3A_219 = arith.constant 0 : i32
    %dma_start3A_220 = arith.constant 0 : i32
    %dma_start3A_221 = arith.constant 0 : i32
    %dma_start3A_222 = tpu.memref_slice %arg12[%dma_start3A_219, %dma_start3A_220, %dma_start3A_221] : memref<4x64x64xi32, #tpu.memory_space<vmem>> -> memref<1x64x64xi32, #tpu.memory_space<vmem>>
    %dma_start3A_223 = tpu.memref_squeeze %dma_start3A_222 : memref<1x64x64xi32, #tpu.memory_space<vmem>> -> memref<64x64xi32, #tpu.memory_space<vmem>>
    %dma_start3A_224 = arith.constant 0 : i32
    %dma_start3A_225 = tpu.memref_slice %arg10[%dma_start3A_218, %dma_start3A_224] : memref<50x64xi32, #tpu.memory_space<vmem>> -> memref<1x64xi32, #tpu.memory_space<vmem>>
    %dma_start3A_226 = tpu.memref_squeeze %dma_start3A_225 : memref<1x64xi32, #tpu.memory_space<vmem>> -> memref<64xi32, #tpu.memory_space<vmem>>
    %dma_start3A_227 = arith.constant 0 : i32
    %dma_start3A_228 = arith.constant 0 : i32
    %dma_start3A_229 = tpu.memref_slice %arg2[%dma_start3A_216, %dma_start3A_217, %dma_start3A_227, %dma_start3A_228] : memref<3x1x10240x64xi32, #tpu.memory_space<hbm>> -> memref<1x1x10240x64xi32, #tpu.memory_space<hbm>>
    %dma_start3A_230 = tpu.memref_squeeze %dma_start3A_229 : memref<1x1x10240x64xi32, #tpu.memory_space<hbm>> -> memref<10240x64xi32, #tpu.memory_space<hbm>>
    %dma_start3A_231 = arith.constant 0 : i32
    %dma_start3A_232 = arith.constant 0 : i32
    %dma_start3A_233 = tpu.memref_slice %dma_start3A_230[%dma_start3A_231, %dma_start3A_232] : memref<10240x64xi32, #tpu.memory_space<hbm>> -> memref<10240x64xi32, #tpu.memory_space<hbm>>
    tpu.enqueue_indirect_dma source(%dma_start3A_233 : memref<10240x64xi32, #tpu.memory_space<hbm>>) target(%dma_start3A_223 : memref<64x64xi32, #tpu.memory_space<vmem>>) offsets(%dma_start3A_226 : memref<64xi32, #tpu.memory_space<vmem>>) semaphore(%arg16 : memref<!tpu.dma_semaphore, #tpu.memory_space<semaphore_mem>>)
    %dma_start3A_234 = arith.constant 2 : i32
    %dma_start3A_235 = arith.constant 0 : i32
    %dma_start3A_236 = arith.constant 1 : i32
    %dma_start3A_237 = arith.constant 1 : i32
    %dma_start3A_238 = arith.constant 0 : i32
    %dma_start3A_239 = arith.constant 0 : i32
    %dma_start3A_240 = tpu.memref_slice %arg12[%dma_start3A_237, %dma_start3A_238, %dma_start3A_239] : memref<4x64x64xi32, #tpu.memory_space<vmem>> -> memref<1x64x64xi32, #tpu.memory_space<vmem>>
    %dma_start3A_241 = tpu.memref_squeeze %dma_start3A_240 : memref<1x64x64xi32, #tpu.memory_space<vmem>> -> memref<64x64xi32, #tpu.memory_space<vmem>>
    %dma_start3A_242 = arith.constant 0 : i32
    %dma_start3A_243 = tpu.memref_slice %arg10[%dma_start3A_236, %dma_start3A_242] : memref<50x64xi32, #tpu.memory_space<vmem>> -> memref<1x64xi32, #tpu.memory_space<vmem>>
    %dma_start3A_244 = tpu.memref_squeeze %dma_start3A_243 : memref<1x64xi32, #tpu.memory_space<vmem>> -> memref<64xi32, #tpu.memory_space<vmem>>
    %dma_start3A_245 = arith.constant 0 : i32
    %dma_start3A_246 = arith.constant 0 : i32
    %dma_start3A_247 = tpu.memref_slice %arg2[%dma_start3A_234, %dma_start3A_235, %dma_start3A_245, %dma_start3A_246] : memref<3x1x10240x64xi32, #tpu.memory_space<hbm>> -> memref<1x1x10240x64xi32, #tpu.memory_space<hbm>>
    %dma_start3A_248 = tpu.memref_squeeze %dma_start3A_247 : memref<1x1x10240x64xi32, #tpu.memory_space<hbm>> -> memref<10240x64xi32, #tpu.memory_space<hbm>>
    %dma_start3A_249 = arith.constant 0 : i32
    %dma_start3A_250 = arith.constant 0 : i32
    %dma_start3A_251 = tpu.memref_slice %dma_start3A_248[%dma_start3A_249, %dma_start3A_250] : memref<10240x64xi32, #tpu.memory_space<hbm>> -> memref<10240x64xi32, #tpu.memory_space<hbm>>
    tpu.enqueue_indirect_dma source(%dma_start3A_251 : memref<10240x64xi32, #tpu.memory_space<hbm>>) target(%dma_start3A_241 : memref<64x64xi32, #tpu.memory_space<vmem>>) offsets(%dma_start3A_244 : memref<64xi32, #tpu.memory_space<vmem>>) semaphore(%arg16 : memref<!tpu.dma_semaphore, #tpu.memory_space<semaphore_mem>>)
    %dma_start3A_252 = arith.constant 2 : i32
    %dma_start3A_253 = arith.constant 0 : i32
    %dma_start3A_254 = arith.constant 2 : i32
    %dma_start3A_255 = arith.constant 2 : i32
    %dma_start3A_256 = arith.constant 0 : i32
    %dma_start3A_257 = arith.constant 0 : i32
    %dma_start3A_258 = tpu.memref_slice %arg12[%dma_start3A_255, %dma_start3A_256, %dma_start3A_257] : memref<4x64x64xi32, #tpu.memory_space<vmem>> -> memref<1x64x64xi32, #tpu.memory_space<vmem>>
    %dma_start3A_259 = tpu.memref_squeeze %dma_start3A_258 : memref<1x64x64xi32, #tpu.memory_space<vmem>> -> memref<64x64xi32, #tpu.memory_space<vmem>>
    %dma_start3A_260 = arith.constant 0 : i32
    %dma_start3A_261 = tpu.memref_slice %arg10[%dma_start3A_254, %dma_start3A_260] : memref<50x64xi32, #tpu.memory_space<vmem>> -> memref<1x64xi32, #tpu.memory_space<vmem>>
    %dma_start3A_262 = tpu.memref_squeeze %dma_start3A_261 : memref<1x64xi32, #tpu.memory_space<vmem>> -> memref<64xi32, #tpu.memory_space<vmem>>
    %dma_start3A_263 = arith.constant 0 : i32
    %dma_start3A_264 = arith.constant 0 : i32
    %dma_start3A_265 = tpu.memref_slice %arg2[%dma_start3A_252, %dma_start3A_253, %dma_start3A_263, %dma_start3A_264] : memref<3x1x10240x64xi32, #tpu.memory_space<hbm>> -> memref<1x1x10240x64xi32, #tpu.memory_space<hbm>>
    %dma_start3A_266 = tpu.memref_squeeze %dma_start3A_265 : memref<1x1x10240x64xi32, #tpu.memory_space<hbm>> -> memref<10240x64xi32, #tpu.memory_space<hbm>>
    %dma_start3A_267 = arith.constant 0 : i32
    %dma_start3A_268 = arith.constant 0 : i32
    %dma_start3A_269 = tpu.memref_slice %dma_start3A_266[%dma_start3A_267, %dma_start3A_268] : memref<10240x64xi32, #tpu.memory_space<hbm>> -> memref<10240x64xi32, #tpu.memory_space<hbm>>
    tpu.enqueue_indirect_dma source(%dma_start3A_269 : memref<10240x64xi32, #tpu.memory_space<hbm>>) target(%dma_start3A_259 : memref<64x64xi32, #tpu.memory_space<vmem>>) offsets(%dma_start3A_262 : memref<64xi32, #tpu.memory_space<vmem>>) semaphore(%arg16 : memref<!tpu.dma_semaphore, #tpu.memory_space<semaphore_mem>>)
    %scan3A_270 = arith.constant 2 : i32
    %scan3A_271 = arith.constant 0 : i32
    %scan3A_272 = arith.constant 0 : i32
    %scan3A_273 = arith.constant 0 : i32
    %scan3A_274 = arith.constant 50 : i32
    %scan3A_275 = arith.addi %scan3A_273, %scan3A_274 : i32
    %scan3A_276 = arith.constant 1 : i32
    %scan3A_277 = scf.for %scan3A_310 = %scan3A_273 to %scan3A_275 step %scan3A_276 iter_args(%scan3A_311 = %scan3A_272) -> (i32)  : i32 {
      %rem3A = arith.constant 2 : i32
      %rem3A_312 = arith.remsi %scan3A_310, %rem3A : i32
      %rem3A_313 = arith.constant 4 : i32
      %rem3A_314 = arith.remsi %scan3A_310, %rem3A_313 : i32
      %add3A_315 = arith.constant 3 : i32
      %add3A_316 = arith.addi %scan3A_310, %add3A_315 : i32
      %lt3A = arith.constant 50 : i32
      %lt3A_317 = arith.cmpi slt, %add3A_316, %lt3A : i32
      %convert_element_type3A = arith.extui %lt3A_317 : i1 to i32
      %cond3A = arith.constant 0 : i32
      %cond3A_318 = arith.cmpi ne, %convert_element_type3A, %cond3A : i32
      scf.if %cond3A_318 {
        %add3A_355 = arith.constant 3 : i32
        %add3A_356 = arith.addi %scan3A_310, %add3A_355 : i32
        %add3A_357 = arith.constant 3 : i32
        %add3A_358 = arith.addi %scan3A_310, %add3A_357 : i32
        %rem3A_359 = arith.constant 4 : i32
        %rem3A_360 = arith.remsi %add3A_358, %rem3A_359 : i32
        %dma_start3A_361 = arith.constant 0 : i32
        %dma_start3A_362 = arith.constant 0 : i32
        %dma_start3A_363 = tpu.memref_slice %arg12[%rem3A_360, %dma_start3A_361, %dma_start3A_362] : memref<4x64x64xi32, #tpu.memory_space<vmem>> -> memref<1x64x64xi32, #tpu.memory_space<vmem>>
        %dma_start3A_364 = tpu.memref_squeeze %dma_start3A_363 : memref<1x64x64xi32, #tpu.memory_space<vmem>> -> memref<64x64xi32, #tpu.memory_space<vmem>>
        %dma_start3A_365 = arith.constant 0 : i32
        %dma_start3A_366 = tpu.memref_slice %arg10[%add3A_356, %dma_start3A_365] : memref<50x64xi32, #tpu.memory_space<vmem>> -> memref<1x64xi32, #tpu.memory_space<vmem>>
        %dma_start3A_367 = tpu.memref_squeeze %dma_start3A_366 : memref<1x64xi32, #tpu.memory_space<vmem>> -> memref<64xi32, #tpu.memory_space<vmem>>
        %dma_start3A_368 = arith.constant 0 : i32
        %dma_start3A_369 = arith.constant 0 : i32
        %dma_start3A_370 = tpu.memref_slice %arg2[%scan3A_270, %scan3A_271, %dma_start3A_368, %dma_start3A_369] : memref<3x1x10240x64xi32, #tpu.memory_space<hbm>> -> memref<1x1x10240x64xi32, #tpu.memory_space<hbm>>
        %dma_start3A_371 = tpu.memref_squeeze %dma_start3A_370 : memref<1x1x10240x64xi32, #tpu.memory_space<hbm>> -> memref<10240x64xi32, #tpu.memory_space<hbm>>
        %dma_start3A_372 = arith.constant 0 : i32
        %dma_start3A_373 = arith.constant 0 : i32
        %dma_start3A_374 = tpu.memref_slice %dma_start3A_371[%dma_start3A_372, %dma_start3A_373] : memref<10240x64xi32, #tpu.memory_space<hbm>> -> memref<10240x64xi32, #tpu.memory_space<hbm>>
        tpu.enqueue_indirect_dma source(%dma_start3A_374 : memref<10240x64xi32, #tpu.memory_space<hbm>>) target(%dma_start3A_364 : memref<64x64xi32, #tpu.memory_space<vmem>>) offsets(%dma_start3A_367 : memref<64xi32, #tpu.memory_space<vmem>>) semaphore(%arg16 : memref<!tpu.dma_semaphore, #tpu.memory_space<semaphore_mem>>)
      } else {
      }
      %dma_wait3A_319 = arith.constant 0 : i32
      %dma_wait3A_320 = arith.constant 0 : i32
      %dma_wait3A_321 = tpu.memref_slice %arg12[%rem3A_314, %dma_wait3A_319, %dma_wait3A_320] : memref<4x64x64xi32, #tpu.memory_space<vmem>> -> memref<1x64x64xi32, #tpu.memory_space<vmem>>
      %dma_wait3A_322 = tpu.memref_squeeze %dma_wait3A_321 : memref<1x64x64xi32, #tpu.memory_space<vmem>> -> memref<64x64xi32, #tpu.memory_space<vmem>>
      %dma_wait3A_323 = arith.constant 0 : i32
      %dma_wait3A_324 = tpu.memref_slice %arg10[%scan3A_310, %dma_wait3A_323] : memref<50x64xi32, #tpu.memory_space<vmem>> -> memref<1x64xi32, #tpu.memory_space<vmem>>
      %dma_wait3A_325 = tpu.memref_squeeze %dma_wait3A_324 : memref<1x64xi32, #tpu.memory_space<vmem>> -> memref<64xi32, #tpu.memory_space<vmem>>
      %dma_wait3A_326 = arith.constant 0 : i32
      %dma_wait3A_327 = arith.constant 0 : i32
      %dma_wait3A_328 = tpu.memref_slice %arg2[%scan3A_270, %scan3A_271, %dma_wait3A_326, %dma_wait3A_327] : memref<3x1x10240x64xi32, #tpu.memory_space<hbm>> -> memref<1x1x10240x64xi32, #tpu.memory_space<hbm>>
      %dma_wait3A_329 = tpu.memref_squeeze %dma_wait3A_328 : memref<1x1x10240x64xi32, #tpu.memory_space<hbm>> -> memref<10240x64xi32, #tpu.memory_space<hbm>>
      %dma_wait3A_330 = arith.constant 0 : i32
      %dma_wait3A_331 = arith.constant 0 : i32
      %dma_wait3A_332 = tpu.memref_slice %dma_wait3A_329[%dma_wait3A_330, %dma_wait3A_331] : memref<10240x64xi32, #tpu.memory_space<hbm>> -> memref<10240x64xi32, #tpu.memory_space<hbm>>
      tpu.wait_indirect_dma semaphore(%arg16 : memref<!tpu.dma_semaphore, #tpu.memory_space<semaphore_mem>>) src(%dma_wait3A_332 : memref<10240x64xi32, #tpu.memory_space<hbm>>) dst(%dma_wait3A_322 : memref<64x64xi32, #tpu.memory_space<vmem>>)
      %ge3A = arith.constant 2 : i32
      %ge3A_333 = arith.cmpi sge, %scan3A_310, %ge3A : i32
      %convert_element_type3A_334 = arith.extui %ge3A_333 : i1 to i32
      %cond3A_335 = arith.constant 0 : i32
      %cond3A_336 = arith.cmpi ne, %convert_element_type3A_334, %cond3A_335 : i32
      scf.if %cond3A_336 {
        %sub3A = arith.constant 2 : i32
        %sub3A_355 = arith.subi %scan3A_310, %sub3A : i32
        %dma_wait3A_356 = arith.constant 0 : i32
        %dma_wait3A_357 = arith.constant 0 : i32
        %dma_wait3A_358 = tpu.memref_slice %arg13[%rem3A_312, %dma_wait3A_356, %dma_wait3A_357] : memref<2x64x128xf32, #tpu.memory_space<vmem>> -> memref<1x64x128xf32, #tpu.memory_space<vmem>>
        %dma_wait3A_359 = tpu.memref_squeeze %dma_wait3A_358 : memref<1x64x128xf32, #tpu.memory_space<vmem>> -> memref<64x128xf32, #tpu.memory_space<vmem>>
        %dma_wait3A_360 = arith.constant 0 : i32
        %dma_wait3A_361 = tpu.memref_slice %arg11[%sub3A_355, %dma_wait3A_360] : memref<50x64xi32, #tpu.memory_space<vmem>> -> memref<1x64xi32, #tpu.memory_space<vmem>>
        %dma_wait3A_362 = tpu.memref_squeeze %dma_wait3A_361 : memref<1x64xi32, #tpu.memory_space<vmem>> -> memref<64xi32, #tpu.memory_space<vmem>>
        %dma_wait3A_363 = arith.constant 0 : i32
        %dma_wait3A_364 = arith.constant 0 : i32
        %dma_wait3A_365 = tpu.memref_slice %arg15[%dma_wait3A_363, %dma_wait3A_364] : memref<10240x128xf32, #tpu.memory_space<vmem_shared>> -> memref<10240x128xf32, #tpu.memory_space<vmem_shared>>
        tpu.wait_indirect_dma semaphore(%arg17 : memref<!tpu.dma_semaphore, #tpu.memory_space<semaphore_mem>>) src(%dma_wait3A_359 : memref<64x128xf32, #tpu.memory_space<vmem>>) dst(%dma_wait3A_365 : memref<10240x128xf32, #tpu.memory_space<vmem_shared>>)
      } else {
      }
      %scan3A_337 = arith.constant 0 : i32
      %scan3A_338 = arith.constant 0 : i32
      %scan3A_339 = arith.constant 64 : i32
      %scan3A_340 = arith.addi %scan3A_338, %scan3A_339 : i32
      %scan3A_341 = arith.constant 1 : i32
      %scan3A_342 = scf.for %scan3A_355 = %scan3A_338 to %scan3A_340 step %scan3A_341 iter_args(%scan3A_356 = %scan3A_337) -> (i32)  : i32 {
        %get3A = arith.index_cast %rem3A_314 : i32 to index
        %get3A_357 = arith.index_cast %scan3A_355 : i32 to index
        %get3A_358 = arith.constant 0 : index
        %get3A_359 = tpu.vector_load %arg12[%get3A, %get3A_357, %get3A_358] {strides = array<i32>} : memref<4x64x64xi32, #tpu.memory_space<vmem>>, vector<16xi32>,
        %bitcast3A = vector.bitcast %get3A_359 : vector<16xi32> to vector<32xbf16>
        %unpack3A = tpu.unpack_subelements %bitcast3A, 0 {pack_format = #tpu.pack_format<interleaved>} : vector<32xbf16> -> vector<16xf32>
        %unpack3A_360 = tpu.unpack_subelements %bitcast3A, 1 {pack_format = #tpu.pack_format<interleaved>} : vector<32xbf16> -> vector<16xf32>
        %swap3A = arith.index_cast %rem3A_312 : i32 to index
        %swap3A_361 = arith.index_cast %scan3A_355 : i32 to index
        %swap3A_362 = arith.constant 0 : index
        %swap3A_363 = tpu.vector_load %arg13[%swap3A, %swap3A_361, %swap3A_362] {strides = array<i32>} : memref<2x64x128xf32, #tpu.memory_space<vmem>>, vector<16xf32>,
        tpu.vector_store %arg13[%swap3A, %swap3A_361, %swap3A_362], %unpack3A {strides = array<i32>} : memref<2x64x128xf32, #tpu.memory_space<vmem>>, vector<16xf32>,
        %swap3A_364 = arith.index_cast %rem3A_312 : i32 to index
        %swap3A_365 = arith.index_cast %scan3A_355 : i32 to index
        %swap3A_366 = arith.constant 16 : index
        %swap3A_367 = tpu.vector_load %arg13[%swap3A_364, %swap3A_365, %swap3A_366] {strides = array<i32>} : memref<2x64x128xf32, #tpu.memory_space<vmem>>, vector<16xf32>,
        tpu.vector_store %arg13[%swap3A_364, %swap3A_365, %swap3A_366], %unpack3A_360 {strides = array<i32>} : memref<2x64x128xf32, #tpu.memory_space<vmem>>, vector<16xf32>,
        %get3A_368 = arith.index_cast %rem3A_314 : i32 to index
        %get3A_369 = arith.index_cast %scan3A_355 : i32 to index
        %get3A_370 = arith.constant 16 : index
        %get3A_371 = tpu.vector_load %arg12[%get3A_368, %get3A_369, %get3A_370] {strides = array<i32>} : memref<4x64x64xi32, #tpu.memory_space<vmem>>, vector<16xi32>,
        %bitcast3A_372 = vector.bitcast %get3A_371 : vector<16xi32> to vector<32xbf16>
        %unpack3A_373 = tpu.unpack_subelements %bitcast3A_372, 0 {pack_format = #tpu.pack_format<interleaved>} : vector<32xbf16> -> vector<16xf32>
        %unpack3A_374 = tpu.unpack_subelements %bitcast3A_372, 1 {pack_format = #tpu.pack_format<interleaved>} : vector<32xbf16> -> vector<16xf32>
        %swap3A_375 = arith.index_cast %rem3A_312 : i32 to index
        %swap3A_376 = arith.index_cast %scan3A_355 : i32 to index
        %swap3A_377 = arith.constant 32 : index
        %swap3A_378 = tpu.vector_load %arg13[%swap3A_375, %swap3A_376, %swap3A_377] {strides = array<i32>} : memref<2x64x128xf32, #tpu.memory_space<vmem>>, vector<16xf32>,
        tpu.vector_store %arg13[%swap3A_375, %swap3A_376, %swap3A_377], %unpack3A_373 {strides = array<i32>} : memref<2x64x128xf32, #tpu.memory_space<vmem>>, vector<16xf32>,
        %swap3A_379 = arith.index_cast %rem3A_312 : i32 to index
        %swap3A_380 = arith.index_cast %scan3A_355 : i32 to index
        %swap3A_381 = arith.constant 48 : index
        %swap3A_382 = tpu.vector_load %arg13[%swap3A_379, %swap3A_380, %swap3A_381] {strides = array<i32>} : memref<2x64x128xf32, #tpu.memory_space<vmem>>, vector<16xf32>,
        tpu.vector_store %arg13[%swap3A_379, %swap3A_380, %swap3A_381], %unpack3A_374 {strides = array<i32>} : memref<2x64x128xf32, #tpu.memory_space<vmem>>, vector<16xf32>,
        %get3A_383 = arith.index_cast %rem3A_314 : i32 to index
        %get3A_384 = arith.index_cast %scan3A_355 : i32 to index
        %get3A_385 = arith.constant 32 : index
        %get3A_386 = tpu.vector_load %arg12[%get3A_383, %get3A_384, %get3A_385] {strides = array<i32>} : memref<4x64x64xi32, #tpu.memory_space<vmem>>, vector<16xi32>,
        %bitcast3A_387 = vector.bitcast %get3A_386 : vector<16xi32> to vector<32xbf16>
        %unpack3A_388 = tpu.unpack_subelements %bitcast3A_387, 0 {pack_format = #tpu.pack_format<interleaved>} : vector<32xbf16> -> vector<16xf32>
        %unpack3A_389 = tpu.unpack_subelements %bitcast3A_387, 1 {pack_format = #tpu.pack_format<interleaved>} : vector<32xbf16> -> vector<16xf32>
        %swap3A_390 = arith.index_cast %rem3A_312 : i32 to index
        %swap3A_391 = arith.index_cast %scan3A_355 : i32 to index
        %swap3A_392 = arith.constant 64 : index
        %swap3A_393 = tpu.vector_load %arg13[%swap3A_390, %swap3A_391, %swap3A_392] {strides = array<i32>} : memref<2x64x128xf32, #tpu.memory_space<vmem>>, vector<16xf32>,
        tpu.vector_store %arg13[%swap3A_390, %swap3A_391, %swap3A_392], %unpack3A_388 {strides = array<i32>} : memref<2x64x128xf32, #tpu.memory_space<vmem>>, vector<16xf32>,
        %swap3A_394 = arith.index_cast %rem3A_312 : i32 to index
        %swap3A_395 = arith.index_cast %scan3A_355 : i32 to index
        %swap3A_396 = arith.constant 80 : index
        %swap3A_397 = tpu.vector_load %arg13[%swap3A_394, %swap3A_395, %swap3A_396] {strides = array<i32>} : memref<2x64x128xf32, #tpu.memory_space<vmem>>, vector<16xf32>,
        tpu.vector_store %arg13[%swap3A_394, %swap3A_395, %swap3A_396], %unpack3A_389 {strides = array<i32>} : memref<2x64x128xf32, #tpu.memory_space<vmem>>, vector<16xf32>,
        %get3A_398 = arith.index_cast %rem3A_314 : i32 to index
        %get3A_399 = arith.index_cast %scan3A_355 : i32 to index
        %get3A_400 = arith.constant 48 : index
        %get3A_401 = tpu.vector_load %arg12[%get3A_398, %get3A_399, %get3A_400] {strides = array<i32>} : memref<4x64x64xi32, #tpu.memory_space<vmem>>, vector<16xi32>,
        %bitcast3A_402 = vector.bitcast %get3A_401 : vector<16xi32> to vector<32xbf16>
        %unpack3A_403 = tpu.unpack_subelements %bitcast3A_402, 0 {pack_format = #tpu.pack_format<interleaved>} : vector<32xbf16> -> vector<16xf32>
        %unpack3A_404 = tpu.unpack_subelements %bitcast3A_402, 1 {pack_format = #tpu.pack_format<interleaved>} : vector<32xbf16> -> vector<16xf32>
        %swap3A_405 = arith.index_cast %rem3A_312 : i32 to index
        %swap3A_406 = arith.index_cast %scan3A_355 : i32 to index
        %swap3A_407 = arith.constant 96 : index
        %swap3A_408 = tpu.vector_load %arg13[%swap3A_405, %swap3A_406, %swap3A_407] {strides = array<i32>} : memref<2x64x128xf32, #tpu.memory_space<vmem>>, vector<16xf32>,
        tpu.vector_store %arg13[%swap3A_405, %swap3A_406, %swap3A_407], %unpack3A_403 {strides = array<i32>} : memref<2x64x128xf32, #tpu.memory_space<vmem>>, vector<16xf32>,
        %swap3A_409 = arith.index_cast %rem3A_312 : i32 to index
        %swap3A_410 = arith.index_cast %scan3A_355 : i32 to index
        %swap3A_411 = arith.constant 112 : index
        %swap3A_412 = tpu.vector_load %arg13[%swap3A_409, %swap3A_410, %swap3A_411] {strides = array<i32>} : memref<2x64x128xf32, #tpu.memory_space<vmem>>, vector<16xf32>,
        tpu.vector_store %arg13[%swap3A_409, %swap3A_410, %swap3A_411], %unpack3A_404 {strides = array<i32>} : memref<2x64x128xf32, #tpu.memory_space<vmem>>, vector<16xf32>,
        %scan3A_413 = arith.constant 0 : i32
        scf.yield %scan3A_413 : i32
      }
      %scan3A_343 = arith.constant 64 : i32
      %dma_start3A_344 = arith.constant 0 : i32
      %dma_start3A_345 = arith.constant 0 : i32
      %dma_start3A_346 = tpu.memref_slice %arg13[%rem3A_312, %dma_start3A_344, %dma_start3A_345] : memref<2x64x128xf32, #tpu.memory_space<vmem>> -> memref<1x64x128xf32, #tpu.memory_space<vmem>>
      %dma_start3A_347 = tpu.memref_squeeze %dma_start3A_346 : memref<1x64x128xf32, #tpu.memory_space<vmem>> -> memref<64x128xf32, #tpu.memory_space<vmem>>
      %dma_start3A_348 = arith.constant 0 : i32
      %dma_start3A_349 = tpu.memref_slice %arg11[%scan3A_310, %dma_start3A_348] : memref<50x64xi32, #tpu.memory_space<vmem>> -> memref<1x64xi32, #tpu.memory_space<vmem>>
      %dma_start3A_350 = tpu.memref_squeeze %dma_start3A_349 : memref<1x64xi32, #tpu.memory_space<vmem>> -> memref<64xi32, #tpu.memory_space<vmem>>
      %dma_start3A_351 = arith.constant 0 : i32
      %dma_start3A_352 = arith.constant 0 : i32
      %dma_start3A_353 = tpu.memref_slice %arg15[%dma_start3A_351, %dma_start3A_352] : memref<10240x128xf32, #tpu.memory_space<vmem_shared>> -> memref<10240x128xf32, #tpu.memory_space<vmem_shared>>
      tpu.enqueue_indirect_dma source(%dma_start3A_347 : memref<64x128xf32, #tpu.memory_space<vmem>>) target(%dma_start3A_353 : memref<10240x128xf32, #tpu.memory_space<vmem_shared>>) offsets(%dma_start3A_350 : memref<64xi32, #tpu.memory_space<vmem>>) semaphore(%arg17 : memref<!tpu.dma_semaphore, #tpu.memory_space<semaphore_mem>>) {add = true}
      %scan3A_354 = arith.constant 0 : i32
      scf.yield %scan3A_354 : i32
    }
    %scan3A_278 = arith.constant 50 : i32
    %dma_wait3A_279 = arith.constant 0 : i32
    %dma_wait3A_280 = arith.constant 48 : i32
    %dma_wait3A_281 = arith.constant 0 : i32
    %dma_wait3A_282 = arith.constant 0 : i32
    %dma_wait3A_283 = tpu.memref_slice %arg13[%dma_wait3A_279, %dma_wait3A_281, %dma_wait3A_282] : memref<2x64x128xf32, #tpu.memory_space<vmem>> -> memref<1x64x128xf32, #tpu.memory_space<vmem>>
    %dma_wait3A_284 = tpu.memref_squeeze %dma_wait3A_283 : memref<1x64x128xf32, #tpu.memory_space<vmem>> -> memref<64x128xf32, #tpu.memory_space<vmem>>
    %dma_wait3A_285 = arith.constant 0 : i32
    %dma_wait3A_286 = tpu.memref_slice %arg11[%dma_wait3A_280, %dma_wait3A_285] : memref<50x64xi32, #tpu.memory_space<vmem>> -> memref<1x64xi32, #tpu.memory_space<vmem>>
    %dma_wait3A_287 = tpu.memref_squeeze %dma_wait3A_286 : memref<1x64xi32, #tpu.memory_space<vmem>> -> memref<64xi32, #tpu.memory_space<vmem>>
    %dma_wait3A_288 = arith.constant 0 : i32
    %dma_wait3A_289 = arith.constant 0 : i32
    %dma_wait3A_290 = tpu.memref_slice %arg15[%dma_wait3A_288, %dma_wait3A_289] : memref<10240x128xf32, #tpu.memory_space<vmem_shared>> -> memref<10240x128xf32, #tpu.memory_space<vmem_shared>>
    tpu.wait_indirect_dma semaphore(%arg17 : memref<!tpu.dma_semaphore, #tpu.memory_space<semaphore_mem>>) src(%dma_wait3A_284 : memref<64x128xf32, #tpu.memory_space<vmem>>) dst(%dma_wait3A_290 : memref<10240x128xf32, #tpu.memory_space<vmem_shared>>)
    %dma_wait3A_291 = arith.constant 1 : i32
    %dma_wait3A_292 = arith.constant 49 : i32
    %dma_wait3A_293 = arith.constant 0 : i32
    %dma_wait3A_294 = arith.constant 0 : i32
    %dma_wait3A_295 = tpu.memref_slice %arg13[%dma_wait3A_291, %dma_wait3A_293, %dma_wait3A_294] : memref<2x64x128xf32, #tpu.memory_space<vmem>> -> memref<1x64x128xf32, #tpu.memory_space<vmem>>
    %dma_wait3A_296 = tpu.memref_squeeze %dma_wait3A_295 : memref<1x64x128xf32, #tpu.memory_space<vmem>> -> memref<64x128xf32, #tpu.memory_space<vmem>>
    %dma_wait3A_297 = arith.constant 0 : i32
    %dma_wait3A_298 = tpu.memref_slice %arg11[%dma_wait3A_292, %dma_wait3A_297] : memref<50x64xi32, #tpu.memory_space<vmem>> -> memref<1x64xi32, #tpu.memory_space<vmem>>
    %dma_wait3A_299 = tpu.memref_squeeze %dma_wait3A_298 : memref<1x64xi32, #tpu.memory_space<vmem>> -> memref<64xi32, #tpu.memory_space<vmem>>
    %dma_wait3A_300 = arith.constant 0 : i32
    %dma_wait3A_301 = arith.constant 0 : i32
    %dma_wait3A_302 = tpu.memref_slice %arg15[%dma_wait3A_300, %dma_wait3A_301] : memref<10240x128xf32, #tpu.memory_space<vmem_shared>> -> memref<10240x128xf32, #tpu.memory_space<vmem_shared>>
    tpu.wait_indirect_dma semaphore(%arg17 : memref<!tpu.dma_semaphore, #tpu.memory_space<semaphore_mem>>) src(%dma_wait3A_296 : memref<64x128xf32, #tpu.memory_space<vmem>>) dst(%dma_wait3A_302 : memref<10240x128xf32, #tpu.memory_space<vmem_shared>>)
    %barrier3A_303 = arith.constant 0 : index
    tpu.barrier barrier_id(%barrier3A_303)
    %mul3A_304 = arith.constant 640 : i32
    %mul3A_305 = arith.muli %arg1, %mul3A_304 : i32
    %mul3A_306 = arith.constant 640 : i32
    %mul3A_307 = arith.muli %arg1, %mul3A_306 : i32
    %run_scoped3A_308 = arith.constant 2 : i32
    %run_scoped3A_309 = arith.constant 0 : i32
    "tpu.region"() ({
      %run_scoped3A_310 = tpu.sem_alloc : memref<!tpu.dma_semaphore, #tpu.memory_space<semaphore_mem>>
      %dma_start3A_311 = arith.constant 0 : i32
      %dma_start3A_312 = tpu.memref_slice %arg9[%arg0, %run_scoped3A_308, %run_scoped3A_309, %mul3A_307, %dma_start3A_311] : memref<2x3x1x10240x128xf32, #tpu.memory_space<hbm>> -> memref<1x1x1x640x128xf32, #tpu.memory_space<hbm>>
      %dma_start3A_313 = tpu.memref_squeeze %dma_start3A_312 : memref<1x1x1x640x128xf32, #tpu.memory_space<hbm>> -> memref<640x128xf32, #tpu.memory_space<hbm>>
      %dma_start3A_314 = arith.constant 0 : i32
      %dma_start3A_315 = tpu.memref_slice %arg15[%mul3A_305, %dma_start3A_314] : memref<10240x128xf32, #tpu.memory_space<vmem_shared>> -> memref<640x128xf32, #tpu.memory_space<vmem_shared>>
      tpu.enqueue_dma source(%dma_start3A_315 : memref<640x128xf32, #tpu.memory_space<vmem_shared>>) target(%dma_start3A_313 : memref<640x128xf32, #tpu.memory_space<hbm>>) target_semaphore(%run_scoped3A_310 : memref<!tpu.dma_semaphore, #tpu.memory_space<semaphore_mem>>)
      %dma_wait3A_316 = arith.constant 0 : i32
      %dma_wait3A_317 = tpu.memref_slice %arg9[%arg0, %run_scoped3A_308, %run_scoped3A_309, %mul3A_307, %dma_wait3A_316] : memref<2x3x1x10240x128xf32, #tpu.memory_space<hbm>> -> memref<1x1x1x640x128xf32, #tpu.memory_space<hbm>>
      %dma_wait3A_318 = tpu.memref_squeeze %dma_wait3A_317 : memref<1x1x1x640x128xf32, #tpu.memory_space<hbm>> -> memref<640x128xf32, #tpu.memory_space<hbm>>
      %dma_wait3A_319 = arith.constant 0 : i32
      %dma_wait3A_320 = tpu.memref_slice %arg15[%mul3A_305, %dma_wait3A_319] : memref<10240x128xf32, #tpu.memory_space<vmem_shared>> -> memref<640x128xf32, #tpu.memory_space<vmem_shared>>
      tpu.wait_dma2 semaphore(%run_scoped3A_310 : memref<!tpu.dma_semaphore, #tpu.memory_space<semaphore_mem>>) src(%dma_wait3A_320 : memref<640x128xf32, #tpu.memory_space<vmem_shared>>) dst(%dma_wait3A_318 : memref<640x128xf32, #tpu.memory_space<hbm>>)
      tpu.yield
    }) : () -> ()
    return
  }
}

#map = affine_map<(d0, d1) -> (0, 0, 0)>
#map1 = affine_map<(d0, d1) -> (0, 0, 0, 0)>
module attributes {stable_mosaic.version = 14 : i64} {
  func.func @_sc_degrees_body(%arg0: i32, %arg1: i32, %arg2: memref<32x25x128xi32, #tpu.memory_space<hbm>>, %arg3: memref<32x25x128xi32, #tpu.memory_space<hbm>>, %arg4: memref<32x25x128xi32, #tpu.memory_space<hbm>>, %arg5: memref<32x25x128xi32, #tpu.memory_space<hbm>>, %arg6: memref<32x25x128xi32, #tpu.memory_space<hbm>>, %arg7: memref<32x25x128xi32, #tpu.memory_space<hbm>>, %arg8: memref<2x16x6x10240xf32, #tpu.memory_space<hbm>>, %arg9: memref<25x128xi32, #tpu.memory_space<vmem>>, %arg10: memref<10240xf32, #tpu.memory_space<vmem>>, %arg11: memref<10240xf32, #tpu.memory_space<vmem>>, %arg12: memref<10240xf32, #tpu.memory_space<vmem>>, %arg13: memref<10240xf32, #tpu.memory_space<vmem>>, %arg14: memref<10240xf32, #tpu.memory_space<vmem>>, %arg15: memref<10240xf32, #tpu.memory_space<vmem>>) attributes {dimension_semantics = [#tpu.dimension_semantics<core_parallel>, #tpu.dimension_semantics<subcore_parallel>], iteration_bounds = array<i64: 2, 16>, scalar_prefetch = 0 : i64, scratch_operands = 7 : i64, tpu.core_type = #tpu.core_type<sc_vector_subcore>, window_params = [{transform_indices = #map}, {transform_indices = #map}, {transform_indices = #map}, {transform_indices = #map}, {transform_indices = #map}, {transform_indices = #map}, {transform_indices = #map1}]} {
    %mul3A = arith.constant 2 : i32
    %mul3A_0 = arith.muli %arg1, %mul3A : i32
    %add3A = arith.addi %mul3A_0, %arg0 : i32
    %broadcast_in_dim3A = arith.constant 0.000000e+00 : f32
    %broadcast_in_dim3A_1 = vector.broadcast %broadcast_in_dim3A : f32 to vector<16xf32>
    %broadcast_in_dim3A_2 = arith.constant 1.000000e+00 : f32
    %broadcast_in_dim3A_3 = vector.broadcast %broadcast_in_dim3A_2 : f32 to vector<16xf32>
    %scan3A = arith.constant 0 : i32
    %scan3A_4 = arith.constant 0 : i32
    %scan3A_5 = arith.constant 640 : i32
    %scan3A_6 = arith.addi %scan3A_4, %scan3A_5 : i32
    %scan3A_7 = arith.constant 1 : i32
    %scan3A_8 = scf.for %scan3A_57 = %scan3A_4 to %scan3A_6 step %scan3A_7 iter_args(%scan3A_58 = %scan3A) -> (i32)  : i32 {
      %mul3A_59 = arith.constant 16 : i32
      %mul3A_60 = arith.muli %scan3A_57, %mul3A_59 : i32
      %swap3A = arith.index_cast %mul3A_60 : i32 to index
      %swap3A_61 = tpu.vector_load %arg10[%swap3A] {strides = array<i32>} : memref<10240xf32, #tpu.memory_space<vmem>>, vector<16xf32>,
      tpu.vector_store %arg10[%swap3A], %broadcast_in_dim3A_1 {strides = array<i32>} : memref<10240xf32, #tpu.memory_space<vmem>>, vector<16xf32>,
      %mul3A_62 = arith.constant 16 : i32
      %mul3A_63 = arith.muli %scan3A_57, %mul3A_62 : i32
      %swap3A_64 = arith.index_cast %mul3A_63 : i32 to index
      %swap3A_65 = tpu.vector_load %arg11[%swap3A_64] {strides = array<i32>} : memref<10240xf32, #tpu.memory_space<vmem>>, vector<16xf32>,
      tpu.vector_store %arg11[%swap3A_64], %broadcast_in_dim3A_1 {strides = array<i32>} : memref<10240xf32, #tpu.memory_space<vmem>>, vector<16xf32>,
      %mul3A_66 = arith.constant 16 : i32
      %mul3A_67 = arith.muli %scan3A_57, %mul3A_66 : i32
      %swap3A_68 = arith.index_cast %mul3A_67 : i32 to index
      %swap3A_69 = tpu.vector_load %arg12[%swap3A_68] {strides = array<i32>} : memref<10240xf32, #tpu.memory_space<vmem>>, vector<16xf32>,
      tpu.vector_store %arg12[%swap3A_68], %broadcast_in_dim3A_1 {strides = array<i32>} : memref<10240xf32, #tpu.memory_space<vmem>>, vector<16xf32>,
      %mul3A_70 = arith.constant 16 : i32
      %mul3A_71 = arith.muli %scan3A_57, %mul3A_70 : i32
      %swap3A_72 = arith.index_cast %mul3A_71 : i32 to index
      %swap3A_73 = tpu.vector_load %arg13[%swap3A_72] {strides = array<i32>} : memref<10240xf32, #tpu.memory_space<vmem>>, vector<16xf32>,
      tpu.vector_store %arg13[%swap3A_72], %broadcast_in_dim3A_1 {strides = array<i32>} : memref<10240xf32, #tpu.memory_space<vmem>>, vector<16xf32>,
      %mul3A_74 = arith.constant 16 : i32
      %mul3A_75 = arith.muli %scan3A_57, %mul3A_74 : i32
      %swap3A_76 = arith.index_cast %mul3A_75 : i32 to index
      %swap3A_77 = tpu.vector_load %arg14[%swap3A_76] {strides = array<i32>} : memref<10240xf32, #tpu.memory_space<vmem>>, vector<16xf32>,
      tpu.vector_store %arg14[%swap3A_76], %broadcast_in_dim3A_1 {strides = array<i32>} : memref<10240xf32, #tpu.memory_space<vmem>>, vector<16xf32>,
      %mul3A_78 = arith.constant 16 : i32
      %mul3A_79 = arith.muli %scan3A_57, %mul3A_78 : i32
      %swap3A_80 = arith.index_cast %mul3A_79 : i32 to index
      %swap3A_81 = tpu.vector_load %arg15[%swap3A_80] {strides = array<i32>} : memref<10240xf32, #tpu.memory_space<vmem>>, vector<16xf32>,
      tpu.vector_store %arg15[%swap3A_80], %broadcast_in_dim3A_1 {strides = array<i32>} : memref<10240xf32, #tpu.memory_space<vmem>>, vector<16xf32>,
      %scan3A_82 = arith.constant 0 : i32
      scf.yield %scan3A_82 : i32
    }
    %scan3A_9 = arith.constant 640 : i32
    "tpu.region"() ({
      %run_scoped3A_57 = tpu.sem_alloc : memref<!tpu.dma_semaphore, #tpu.memory_space<semaphore_mem>>
      %dma_start3A = arith.constant 0 : i32
      %dma_start3A_58 = arith.constant 0 : i32
      %dma_start3A_59 = tpu.memref_slice %arg2[%add3A, %dma_start3A, %dma_start3A_58] : memref<32x25x128xi32, #tpu.memory_space<hbm>> -> memref<1x25x128xi32, #tpu.memory_space<hbm>>
      %dma_start3A_60 = tpu.memref_squeeze %dma_start3A_59 : memref<1x25x128xi32, #tpu.memory_space<hbm>> -> memref<25x128xi32, #tpu.memory_space<hbm>>
      %dma_start3A_61 = arith.constant 0 : i32
      %dma_start3A_62 = arith.constant 0 : i32
      %dma_start3A_63 = tpu.memref_slice %arg2[%add3A, %dma_start3A_61, %dma_start3A_62] : memref<32x25x128xi32, #tpu.memory_space<hbm>> -> memref<1x25x128xi32, #tpu.memory_space<hbm>>
      %dma_start3A_64 = tpu.memref_squeeze %dma_start3A_63 : memref<1x25x128xi32, #tpu.memory_space<hbm>> -> memref<25x128xi32, #tpu.memory_space<hbm>>
      tpu.enqueue_dma source(%dma_start3A_64 : memref<25x128xi32, #tpu.memory_space<hbm>>) target(%arg9 : memref<25x128xi32, #tpu.memory_space<vmem>>) target_semaphore(%run_scoped3A_57 : memref<!tpu.dma_semaphore, #tpu.memory_space<semaphore_mem>>)
      %dma_wait3A = arith.constant 0 : i32
      %dma_wait3A_65 = arith.constant 0 : i32
      %dma_wait3A_66 = tpu.memref_slice %arg2[%add3A, %dma_wait3A, %dma_wait3A_65] : memref<32x25x128xi32, #tpu.memory_space<hbm>> -> memref<1x25x128xi32, #tpu.memory_space<hbm>>
      %dma_wait3A_67 = tpu.memref_squeeze %dma_wait3A_66 : memref<1x25x128xi32, #tpu.memory_space<hbm>> -> memref<25x128xi32, #tpu.memory_space<hbm>>
      %dma_wait3A_68 = arith.constant 0 : i32
      %dma_wait3A_69 = arith.constant 0 : i32
      %dma_wait3A_70 = tpu.memref_slice %arg2[%add3A, %dma_wait3A_68, %dma_wait3A_69] : memref<32x25x128xi32, #tpu.memory_space<hbm>> -> memref<1x25x128xi32, #tpu.memory_space<hbm>>
      %dma_wait3A_71 = tpu.memref_squeeze %dma_wait3A_70 : memref<1x25x128xi32, #tpu.memory_space<hbm>> -> memref<25x128xi32, #tpu.memory_space<hbm>>
      tpu.wait_dma2 semaphore(%run_scoped3A_57 : memref<!tpu.dma_semaphore, #tpu.memory_space<semaphore_mem>>) src(%dma_wait3A_71 : memref<25x128xi32, #tpu.memory_space<hbm>>) dst(%arg9 : memref<25x128xi32, #tpu.memory_space<vmem>>)
      tpu.yield
    }) : () -> ()
    %scan3A_10 = arith.constant 0 : i32
    %scan3A_11 = arith.constant 0 : i32
    %scan3A_12 = arith.constant 25 : i32
    %scan3A_13 = arith.addi %scan3A_11, %scan3A_12 : i32
    %scan3A_14 = arith.constant 1 : i32
    %scan3A_15 = scf.for %scan3A_57 = %scan3A_11 to %scan3A_13 step %scan3A_14 iter_args(%scan3A_58 = %scan3A_10) -> (i32)  : i32 {
      %get3A = arith.index_cast %scan3A_57 : i32 to index
      %get3A_59 = arith.constant 0 : index
      %get3A_60 = tpu.vector_load %arg9[%get3A, %get3A_59] {strides = array<i32>} : memref<25x128xi32, #tpu.memory_space<vmem>>, vector<16xi32>,
      tpu.vector_store_idx %arg10[%get3A_60], %broadcast_in_dim3A_3 {add = true} : memref<10240xf32, #tpu.memory_space<vmem>>[vector<16xi32>], vector<16xf32>,
      %get3A_61 = arith.index_cast %scan3A_57 : i32 to index
      %get3A_62 = arith.constant 16 : index
      %get3A_63 = tpu.vector_load %arg9[%get3A_61, %get3A_62] {strides = array<i32>} : memref<25x128xi32, #tpu.memory_space<vmem>>, vector<16xi32>,
      tpu.vector_store_idx %arg10[%get3A_63], %broadcast_in_dim3A_3 {add = true} : memref<10240xf32, #tpu.memory_space<vmem>>[vector<16xi32>], vector<16xf32>,
      %get3A_64 = arith.index_cast %scan3A_57 : i32 to index
      %get3A_65 = arith.constant 32 : index
      %get3A_66 = tpu.vector_load %arg9[%get3A_64, %get3A_65] {strides = array<i32>} : memref<25x128xi32, #tpu.memory_space<vmem>>, vector<16xi32>,
      tpu.vector_store_idx %arg10[%get3A_66], %broadcast_in_dim3A_3 {add = true} : memref<10240xf32, #tpu.memory_space<vmem>>[vector<16xi32>], vector<16xf32>,
      %get3A_67 = arith.index_cast %scan3A_57 : i32 to index
      %get3A_68 = arith.constant 48 : index
      %get3A_69 = tpu.vector_load %arg9[%get3A_67, %get3A_68] {strides = array<i32>} : memref<25x128xi32, #tpu.memory_space<vmem>>, vector<16xi32>,
      tpu.vector_store_idx %arg10[%get3A_69], %broadcast_in_dim3A_3 {add = true} : memref<10240xf32, #tpu.memory_space<vmem>>[vector<16xi32>], vector<16xf32>,
      %get3A_70 = arith.index_cast %scan3A_57 : i32 to index
      %get3A_71 = arith.constant 64 : index
      %get3A_72 = tpu.vector_load %arg9[%get3A_70, %get3A_71] {strides = array<i32>} : memref<25x128xi32, #tpu.memory_space<vmem>>, vector<16xi32>,
      tpu.vector_store_idx %arg10[%get3A_72], %broadcast_in_dim3A_3 {add = true} : memref<10240xf32, #tpu.memory_space<vmem>>[vector<16xi32>], vector<16xf32>,
      %get3A_73 = arith.index_cast %scan3A_57 : i32 to index
      %get3A_74 = arith.constant 80 : index
      %get3A_75 = tpu.vector_load %arg9[%get3A_73, %get3A_74] {strides = array<i32>} : memref<25x128xi32, #tpu.memory_space<vmem>>, vector<16xi32>,
      tpu.vector_store_idx %arg10[%get3A_75], %broadcast_in_dim3A_3 {add = true} : memref<10240xf32, #tpu.memory_space<vmem>>[vector<16xi32>], vector<16xf32>,
      %get3A_76 = arith.index_cast %scan3A_57 : i32 to index
      %get3A_77 = arith.constant 96 : index
      %get3A_78 = tpu.vector_load %arg9[%get3A_76, %get3A_77] {strides = array<i32>} : memref<25x128xi32, #tpu.memory_space<vmem>>, vector<16xi32>,
      tpu.vector_store_idx %arg10[%get3A_78], %broadcast_in_dim3A_3 {add = true} : memref<10240xf32, #tpu.memory_space<vmem>>[vector<16xi32>], vector<16xf32>,
      %get3A_79 = arith.index_cast %scan3A_57 : i32 to index
      %get3A_80 = arith.constant 112 : index
      %get3A_81 = tpu.vector_load %arg9[%get3A_79, %get3A_80] {strides = array<i32>} : memref<25x128xi32, #tpu.memory_space<vmem>>, vector<16xi32>,
      tpu.vector_store_idx %arg10[%get3A_81], %broadcast_in_dim3A_3 {add = true} : memref<10240xf32, #tpu.memory_space<vmem>>[vector<16xi32>], vector<16xf32>,
      %scan3A_82 = arith.constant 0 : i32
      scf.yield %scan3A_82 : i32
    }
    %scan3A_16 = arith.constant 25 : i32
    "tpu.region"() ({
      %run_scoped3A_57 = tpu.sem_alloc : memref<!tpu.dma_semaphore, #tpu.memory_space<semaphore_mem>>
      %dma_start3A = arith.constant 0 : i32
      %dma_start3A_58 = arith.constant 0 : i32
      %dma_start3A_59 = tpu.memref_slice %arg3[%add3A, %dma_start3A, %dma_start3A_58] : memref<32x25x128xi32, #tpu.memory_space<hbm>> -> memref<1x25x128xi32, #tpu.memory_space<hbm>>
      %dma_start3A_60 = tpu.memref_squeeze %dma_start3A_59 : memref<1x25x128xi32, #tpu.memory_space<hbm>> -> memref<25x128xi32, #tpu.memory_space<hbm>>
      %dma_start3A_61 = arith.constant 0 : i32
      %dma_start3A_62 = arith.constant 0 : i32
      %dma_start3A_63 = tpu.memref_slice %arg3[%add3A, %dma_start3A_61, %dma_start3A_62] : memref<32x25x128xi32, #tpu.memory_space<hbm>> -> memref<1x25x128xi32, #tpu.memory_space<hbm>>
      %dma_start3A_64 = tpu.memref_squeeze %dma_start3A_63 : memref<1x25x128xi32, #tpu.memory_space<hbm>> -> memref<25x128xi32, #tpu.memory_space<hbm>>
      tpu.enqueue_dma source(%dma_start3A_64 : memref<25x128xi32, #tpu.memory_space<hbm>>) target(%arg9 : memref<25x128xi32, #tpu.memory_space<vmem>>) target_semaphore(%run_scoped3A_57 : memref<!tpu.dma_semaphore, #tpu.memory_space<semaphore_mem>>)
      %dma_wait3A = arith.constant 0 : i32
      %dma_wait3A_65 = arith.constant 0 : i32
      %dma_wait3A_66 = tpu.memref_slice %arg3[%add3A, %dma_wait3A, %dma_wait3A_65] : memref<32x25x128xi32, #tpu.memory_space<hbm>> -> memref<1x25x128xi32, #tpu.memory_space<hbm>>
      %dma_wait3A_67 = tpu.memref_squeeze %dma_wait3A_66 : memref<1x25x128xi32, #tpu.memory_space<hbm>> -> memref<25x128xi32, #tpu.memory_space<hbm>>
      %dma_wait3A_68 = arith.constant 0 : i32
      %dma_wait3A_69 = arith.constant 0 : i32
      %dma_wait3A_70 = tpu.memref_slice %arg3[%add3A, %dma_wait3A_68, %dma_wait3A_69] : memref<32x25x128xi32, #tpu.memory_space<hbm>> -> memref<1x25x128xi32, #tpu.memory_space<hbm>>
      %dma_wait3A_71 = tpu.memref_squeeze %dma_wait3A_70 : memref<1x25x128xi32, #tpu.memory_space<hbm>> -> memref<25x128xi32, #tpu.memory_space<hbm>>
      tpu.wait_dma2 semaphore(%run_scoped3A_57 : memref<!tpu.dma_semaphore, #tpu.memory_space<semaphore_mem>>) src(%dma_wait3A_71 : memref<25x128xi32, #tpu.memory_space<hbm>>) dst(%arg9 : memref<25x128xi32, #tpu.memory_space<vmem>>)
      tpu.yield
    }) : () -> ()
    %scan3A_17 = arith.constant 0 : i32
    %scan3A_18 = arith.constant 0 : i32
    %scan3A_19 = arith.constant 25 : i32
    %scan3A_20 = arith.addi %scan3A_18, %scan3A_19 : i32
    %scan3A_21 = arith.constant 1 : i32
    %scan3A_22 = scf.for %scan3A_57 = %scan3A_18 to %scan3A_20 step %scan3A_21 iter_args(%scan3A_58 = %scan3A_17) -> (i32)  : i32 {
      %get3A = arith.index_cast %scan3A_57 : i32 to index
      %get3A_59 = arith.constant 0 : index
      %get3A_60 = tpu.vector_load %arg9[%get3A, %get3A_59] {strides = array<i32>} : memref<25x128xi32, #tpu.memory_space<vmem>>, vector<16xi32>,
      tpu.vector_store_idx %arg11[%get3A_60], %broadcast_in_dim3A_3 {add = true} : memref<10240xf32, #tpu.memory_space<vmem>>[vector<16xi32>], vector<16xf32>,
      %get3A_61 = arith.index_cast %scan3A_57 : i32 to index
      %get3A_62 = arith.constant 16 : index
      %get3A_63 = tpu.vector_load %arg9[%get3A_61, %get3A_62] {strides = array<i32>} : memref<25x128xi32, #tpu.memory_space<vmem>>, vector<16xi32>,
      tpu.vector_store_idx %arg11[%get3A_63], %broadcast_in_dim3A_3 {add = true} : memref<10240xf32, #tpu.memory_space<vmem>>[vector<16xi32>], vector<16xf32>,
      %get3A_64 = arith.index_cast %scan3A_57 : i32 to index
      %get3A_65 = arith.constant 32 : index
      %get3A_66 = tpu.vector_load %arg9[%get3A_64, %get3A_65] {strides = array<i32>} : memref<25x128xi32, #tpu.memory_space<vmem>>, vector<16xi32>,
      tpu.vector_store_idx %arg11[%get3A_66], %broadcast_in_dim3A_3 {add = true} : memref<10240xf32, #tpu.memory_space<vmem>>[vector<16xi32>], vector<16xf32>,
      %get3A_67 = arith.index_cast %scan3A_57 : i32 to index
      %get3A_68 = arith.constant 48 : index
      %get3A_69 = tpu.vector_load %arg9[%get3A_67, %get3A_68] {strides = array<i32>} : memref<25x128xi32, #tpu.memory_space<vmem>>, vector<16xi32>,
      tpu.vector_store_idx %arg11[%get3A_69], %broadcast_in_dim3A_3 {add = true} : memref<10240xf32, #tpu.memory_space<vmem>>[vector<16xi32>], vector<16xf32>,
      %get3A_70 = arith.index_cast %scan3A_57 : i32 to index
      %get3A_71 = arith.constant 64 : index
      %get3A_72 = tpu.vector_load %arg9[%get3A_70, %get3A_71] {strides = array<i32>} : memref<25x128xi32, #tpu.memory_space<vmem>>, vector<16xi32>,
      tpu.vector_store_idx %arg11[%get3A_72], %broadcast_in_dim3A_3 {add = true} : memref<10240xf32, #tpu.memory_space<vmem>>[vector<16xi32>], vector<16xf32>,
      %get3A_73 = arith.index_cast %scan3A_57 : i32 to index
      %get3A_74 = arith.constant 80 : index
      %get3A_75 = tpu.vector_load %arg9[%get3A_73, %get3A_74] {strides = array<i32>} : memref<25x128xi32, #tpu.memory_space<vmem>>, vector<16xi32>,
      tpu.vector_store_idx %arg11[%get3A_75], %broadcast_in_dim3A_3 {add = true} : memref<10240xf32, #tpu.memory_space<vmem>>[vector<16xi32>], vector<16xf32>,
      %get3A_76 = arith.index_cast %scan3A_57 : i32 to index
      %get3A_77 = arith.constant 96 : index
      %get3A_78 = tpu.vector_load %arg9[%get3A_76, %get3A_77] {strides = array<i32>} : memref<25x128xi32, #tpu.memory_space<vmem>>, vector<16xi32>,
      tpu.vector_store_idx %arg11[%get3A_78], %broadcast_in_dim3A_3 {add = true} : memref<10240xf32, #tpu.memory_space<vmem>>[vector<16xi32>], vector<16xf32>,
      %get3A_79 = arith.index_cast %scan3A_57 : i32 to index
      %get3A_80 = arith.constant 112 : index
      %get3A_81 = tpu.vector_load %arg9[%get3A_79, %get3A_80] {strides = array<i32>} : memref<25x128xi32, #tpu.memory_space<vmem>>, vector<16xi32>,
      tpu.vector_store_idx %arg11[%get3A_81], %broadcast_in_dim3A_3 {add = true} : memref<10240xf32, #tpu.memory_space<vmem>>[vector<16xi32>], vector<16xf32>,
      %scan3A_82 = arith.constant 0 : i32
      scf.yield %scan3A_82 : i32
    }
    %scan3A_23 = arith.constant 25 : i32
    "tpu.region"() ({
      %run_scoped3A_57 = tpu.sem_alloc : memref<!tpu.dma_semaphore, #tpu.memory_space<semaphore_mem>>
      %dma_start3A = arith.constant 0 : i32
      %dma_start3A_58 = arith.constant 0 : i32
      %dma_start3A_59 = tpu.memref_slice %arg4[%add3A, %dma_start3A, %dma_start3A_58] : memref<32x25x128xi32, #tpu.memory_space<hbm>> -> memref<1x25x128xi32, #tpu.memory_space<hbm>>
      %dma_start3A_60 = tpu.memref_squeeze %dma_start3A_59 : memref<1x25x128xi32, #tpu.memory_space<hbm>> -> memref<25x128xi32, #tpu.memory_space<hbm>>
      %dma_start3A_61 = arith.constant 0 : i32
      %dma_start3A_62 = arith.constant 0 : i32
      %dma_start3A_63 = tpu.memref_slice %arg4[%add3A, %dma_start3A_61, %dma_start3A_62] : memref<32x25x128xi32, #tpu.memory_space<hbm>> -> memref<1x25x128xi32, #tpu.memory_space<hbm>>
      %dma_start3A_64 = tpu.memref_squeeze %dma_start3A_63 : memref<1x25x128xi32, #tpu.memory_space<hbm>> -> memref<25x128xi32, #tpu.memory_space<hbm>>
      tpu.enqueue_dma source(%dma_start3A_64 : memref<25x128xi32, #tpu.memory_space<hbm>>) target(%arg9 : memref<25x128xi32, #tpu.memory_space<vmem>>) target_semaphore(%run_scoped3A_57 : memref<!tpu.dma_semaphore, #tpu.memory_space<semaphore_mem>>)
      %dma_wait3A = arith.constant 0 : i32
      %dma_wait3A_65 = arith.constant 0 : i32
      %dma_wait3A_66 = tpu.memref_slice %arg4[%add3A, %dma_wait3A, %dma_wait3A_65] : memref<32x25x128xi32, #tpu.memory_space<hbm>> -> memref<1x25x128xi32, #tpu.memory_space<hbm>>
      %dma_wait3A_67 = tpu.memref_squeeze %dma_wait3A_66 : memref<1x25x128xi32, #tpu.memory_space<hbm>> -> memref<25x128xi32, #tpu.memory_space<hbm>>
      %dma_wait3A_68 = arith.constant 0 : i32
      %dma_wait3A_69 = arith.constant 0 : i32
      %dma_wait3A_70 = tpu.memref_slice %arg4[%add3A, %dma_wait3A_68, %dma_wait3A_69] : memref<32x25x128xi32, #tpu.memory_space<hbm>> -> memref<1x25x128xi32, #tpu.memory_space<hbm>>
      %dma_wait3A_71 = tpu.memref_squeeze %dma_wait3A_70 : memref<1x25x128xi32, #tpu.memory_space<hbm>> -> memref<25x128xi32, #tpu.memory_space<hbm>>
      tpu.wait_dma2 semaphore(%run_scoped3A_57 : memref<!tpu.dma_semaphore, #tpu.memory_space<semaphore_mem>>) src(%dma_wait3A_71 : memref<25x128xi32, #tpu.memory_space<hbm>>) dst(%arg9 : memref<25x128xi32, #tpu.memory_space<vmem>>)
      tpu.yield
    }) : () -> ()
    %scan3A_24 = arith.constant 0 : i32
    %scan3A_25 = arith.constant 0 : i32
    %scan3A_26 = arith.constant 25 : i32
    %scan3A_27 = arith.addi %scan3A_25, %scan3A_26 : i32
    %scan3A_28 = arith.constant 1 : i32
    %scan3A_29 = scf.for %scan3A_57 = %scan3A_25 to %scan3A_27 step %scan3A_28 iter_args(%scan3A_58 = %scan3A_24) -> (i32)  : i32 {
      %get3A = arith.index_cast %scan3A_57 : i32 to index
      %get3A_59 = arith.constant 0 : index
      %get3A_60 = tpu.vector_load %arg9[%get3A, %get3A_59] {strides = array<i32>} : memref<25x128xi32, #tpu.memory_space<vmem>>, vector<16xi32>,
      tpu.vector_store_idx %arg12[%get3A_60], %broadcast_in_dim3A_3 {add = true} : memref<10240xf32, #tpu.memory_space<vmem>>[vector<16xi32>], vector<16xf32>,
      %get3A_61 = arith.index_cast %scan3A_57 : i32 to index
      %get3A_62 = arith.constant 16 : index
      %get3A_63 = tpu.vector_load %arg9[%get3A_61, %get3A_62] {strides = array<i32>} : memref<25x128xi32, #tpu.memory_space<vmem>>, vector<16xi32>,
      tpu.vector_store_idx %arg12[%get3A_63], %broadcast_in_dim3A_3 {add = true} : memref<10240xf32, #tpu.memory_space<vmem>>[vector<16xi32>], vector<16xf32>,
      %get3A_64 = arith.index_cast %scan3A_57 : i32 to index
      %get3A_65 = arith.constant 32 : index
      %get3A_66 = tpu.vector_load %arg9[%get3A_64, %get3A_65] {strides = array<i32>} : memref<25x128xi32, #tpu.memory_space<vmem>>, vector<16xi32>,
      tpu.vector_store_idx %arg12[%get3A_66], %broadcast_in_dim3A_3 {add = true} : memref<10240xf32, #tpu.memory_space<vmem>>[vector<16xi32>], vector<16xf32>,
      %get3A_67 = arith.index_cast %scan3A_57 : i32 to index
      %get3A_68 = arith.constant 48 : index
      %get3A_69 = tpu.vector_load %arg9[%get3A_67, %get3A_68] {strides = array<i32>} : memref<25x128xi32, #tpu.memory_space<vmem>>, vector<16xi32>,
      tpu.vector_store_idx %arg12[%get3A_69], %broadcast_in_dim3A_3 {add = true} : memref<10240xf32, #tpu.memory_space<vmem>>[vector<16xi32>], vector<16xf32>,
      %get3A_70 = arith.index_cast %scan3A_57 : i32 to index
      %get3A_71 = arith.constant 64 : index
      %get3A_72 = tpu.vector_load %arg9[%get3A_70, %get3A_71] {strides = array<i32>} : memref<25x128xi32, #tpu.memory_space<vmem>>, vector<16xi32>,
      tpu.vector_store_idx %arg12[%get3A_72], %broadcast_in_dim3A_3 {add = true} : memref<10240xf32, #tpu.memory_space<vmem>>[vector<16xi32>], vector<16xf32>,
      %get3A_73 = arith.index_cast %scan3A_57 : i32 to index
      %get3A_74 = arith.constant 80 : index
      %get3A_75 = tpu.vector_load %arg9[%get3A_73, %get3A_74] {strides = array<i32>} : memref<25x128xi32, #tpu.memory_space<vmem>>, vector<16xi32>,
      tpu.vector_store_idx %arg12[%get3A_75], %broadcast_in_dim3A_3 {add = true} : memref<10240xf32, #tpu.memory_space<vmem>>[vector<16xi32>], vector<16xf32>,
      %get3A_76 = arith.index_cast %scan3A_57 : i32 to index
      %get3A_77 = arith.constant 96 : index
      %get3A_78 = tpu.vector_load %arg9[%get3A_76, %get3A_77] {strides = array<i32>} : memref<25x128xi32, #tpu.memory_space<vmem>>, vector<16xi32>,
      tpu.vector_store_idx %arg12[%get3A_78], %broadcast_in_dim3A_3 {add = true} : memref<10240xf32, #tpu.memory_space<vmem>>[vector<16xi32>], vector<16xf32>,
      %get3A_79 = arith.index_cast %scan3A_57 : i32 to index
      %get3A_80 = arith.constant 112 : index
      %get3A_81 = tpu.vector_load %arg9[%get3A_79, %get3A_80] {strides = array<i32>} : memref<25x128xi32, #tpu.memory_space<vmem>>, vector<16xi32>,
      tpu.vector_store_idx %arg12[%get3A_81], %broadcast_in_dim3A_3 {add = true} : memref<10240xf32, #tpu.memory_space<vmem>>[vector<16xi32>], vector<16xf32>,
      %scan3A_82 = arith.constant 0 : i32
      scf.yield %scan3A_82 : i32
    }
    %scan3A_30 = arith.constant 25 : i32
    "tpu.region"() ({
      %run_scoped3A_57 = tpu.sem_alloc : memref<!tpu.dma_semaphore, #tpu.memory_space<semaphore_mem>>
      %dma_start3A = arith.constant 0 : i32
      %dma_start3A_58 = arith.constant 0 : i32
      %dma_start3A_59 = tpu.memref_slice %arg5[%add3A, %dma_start3A, %dma_start3A_58] : memref<32x25x128xi32, #tpu.memory_space<hbm>> -> memref<1x25x128xi32, #tpu.memory_space<hbm>>
      %dma_start3A_60 = tpu.memref_squeeze %dma_start3A_59 : memref<1x25x128xi32, #tpu.memory_space<hbm>> -> memref<25x128xi32, #tpu.memory_space<hbm>>
      %dma_start3A_61 = arith.constant 0 : i32
      %dma_start3A_62 = arith.constant 0 : i32
      %dma_start3A_63 = tpu.memref_slice %arg5[%add3A, %dma_start3A_61, %dma_start3A_62] : memref<32x25x128xi32, #tpu.memory_space<hbm>> -> memref<1x25x128xi32, #tpu.memory_space<hbm>>
      %dma_start3A_64 = tpu.memref_squeeze %dma_start3A_63 : memref<1x25x128xi32, #tpu.memory_space<hbm>> -> memref<25x128xi32, #tpu.memory_space<hbm>>
      tpu.enqueue_dma source(%dma_start3A_64 : memref<25x128xi32, #tpu.memory_space<hbm>>) target(%arg9 : memref<25x128xi32, #tpu.memory_space<vmem>>) target_semaphore(%run_scoped3A_57 : memref<!tpu.dma_semaphore, #tpu.memory_space<semaphore_mem>>)
      %dma_wait3A = arith.constant 0 : i32
      %dma_wait3A_65 = arith.constant 0 : i32
      %dma_wait3A_66 = tpu.memref_slice %arg5[%add3A, %dma_wait3A, %dma_wait3A_65] : memref<32x25x128xi32, #tpu.memory_space<hbm>> -> memref<1x25x128xi32, #tpu.memory_space<hbm>>
      %dma_wait3A_67 = tpu.memref_squeeze %dma_wait3A_66 : memref<1x25x128xi32, #tpu.memory_space<hbm>> -> memref<25x128xi32, #tpu.memory_space<hbm>>
      %dma_wait3A_68 = arith.constant 0 : i32
      %dma_wait3A_69 = arith.constant 0 : i32
      %dma_wait3A_70 = tpu.memref_slice %arg5[%add3A, %dma_wait3A_68, %dma_wait3A_69] : memref<32x25x128xi32, #tpu.memory_space<hbm>> -> memref<1x25x128xi32, #tpu.memory_space<hbm>>
      %dma_wait3A_71 = tpu.memref_squeeze %dma_wait3A_70 : memref<1x25x128xi32, #tpu.memory_space<hbm>> -> memref<25x128xi32, #tpu.memory_space<hbm>>
      tpu.wait_dma2 semaphore(%run_scoped3A_57 : memref<!tpu.dma_semaphore, #tpu.memory_space<semaphore_mem>>) src(%dma_wait3A_71 : memref<25x128xi32, #tpu.memory_space<hbm>>) dst(%arg9 : memref<25x128xi32, #tpu.memory_space<vmem>>)
      tpu.yield
    }) : () -> ()
    %scan3A_31 = arith.constant 0 : i32
    %scan3A_32 = arith.constant 0 : i32
    %scan3A_33 = arith.constant 25 : i32
    %scan3A_34 = arith.addi %scan3A_32, %scan3A_33 : i32
    %scan3A_35 = arith.constant 1 : i32
    %scan3A_36 = scf.for %scan3A_57 = %scan3A_32 to %scan3A_34 step %scan3A_35 iter_args(%scan3A_58 = %scan3A_31) -> (i32)  : i32 {
      %get3A = arith.index_cast %scan3A_57 : i32 to index
      %get3A_59 = arith.constant 0 : index
      %get3A_60 = tpu.vector_load %arg9[%get3A, %get3A_59] {strides = array<i32>} : memref<25x128xi32, #tpu.memory_space<vmem>>, vector<16xi32>,
      tpu.vector_store_idx %arg13[%get3A_60], %broadcast_in_dim3A_3 {add = true} : memref<10240xf32, #tpu.memory_space<vmem>>[vector<16xi32>], vector<16xf32>,
      %get3A_61 = arith.index_cast %scan3A_57 : i32 to index
      %get3A_62 = arith.constant 16 : index
      %get3A_63 = tpu.vector_load %arg9[%get3A_61, %get3A_62] {strides = array<i32>} : memref<25x128xi32, #tpu.memory_space<vmem>>, vector<16xi32>,
      tpu.vector_store_idx %arg13[%get3A_63], %broadcast_in_dim3A_3 {add = true} : memref<10240xf32, #tpu.memory_space<vmem>>[vector<16xi32>], vector<16xf32>,
      %get3A_64 = arith.index_cast %scan3A_57 : i32 to index
      %get3A_65 = arith.constant 32 : index
      %get3A_66 = tpu.vector_load %arg9[%get3A_64, %get3A_65] {strides = array<i32>} : memref<25x128xi32, #tpu.memory_space<vmem>>, vector<16xi32>,
      tpu.vector_store_idx %arg13[%get3A_66], %broadcast_in_dim3A_3 {add = true} : memref<10240xf32, #tpu.memory_space<vmem>>[vector<16xi32>], vector<16xf32>,
      %get3A_67 = arith.index_cast %scan3A_57 : i32 to index
      %get3A_68 = arith.constant 48 : index
      %get3A_69 = tpu.vector_load %arg9[%get3A_67, %get3A_68] {strides = array<i32>} : memref<25x128xi32, #tpu.memory_space<vmem>>, vector<16xi32>,
      tpu.vector_store_idx %arg13[%get3A_69], %broadcast_in_dim3A_3 {add = true} : memref<10240xf32, #tpu.memory_space<vmem>>[vector<16xi32>], vector<16xf32>,
      %get3A_70 = arith.index_cast %scan3A_57 : i32 to index
      %get3A_71 = arith.constant 64 : index
      %get3A_72 = tpu.vector_load %arg9[%get3A_70, %get3A_71] {strides = array<i32>} : memref<25x128xi32, #tpu.memory_space<vmem>>, vector<16xi32>,
      tpu.vector_store_idx %arg13[%get3A_72], %broadcast_in_dim3A_3 {add = true} : memref<10240xf32, #tpu.memory_space<vmem>>[vector<16xi32>], vector<16xf32>,
      %get3A_73 = arith.index_cast %scan3A_57 : i32 to index
      %get3A_74 = arith.constant 80 : index
      %get3A_75 = tpu.vector_load %arg9[%get3A_73, %get3A_74] {strides = array<i32>} : memref<25x128xi32, #tpu.memory_space<vmem>>, vector<16xi32>,
      tpu.vector_store_idx %arg13[%get3A_75], %broadcast_in_dim3A_3 {add = true} : memref<10240xf32, #tpu.memory_space<vmem>>[vector<16xi32>], vector<16xf32>,
      %get3A_76 = arith.index_cast %scan3A_57 : i32 to index
      %get3A_77 = arith.constant 96 : index
      %get3A_78 = tpu.vector_load %arg9[%get3A_76, %get3A_77] {strides = array<i32>} : memref<25x128xi32, #tpu.memory_space<vmem>>, vector<16xi32>,
      tpu.vector_store_idx %arg13[%get3A_78], %broadcast_in_dim3A_3 {add = true} : memref<10240xf32, #tpu.memory_space<vmem>>[vector<16xi32>], vector<16xf32>,
      %get3A_79 = arith.index_cast %scan3A_57 : i32 to index
      %get3A_80 = arith.constant 112 : index
      %get3A_81 = tpu.vector_load %arg9[%get3A_79, %get3A_80] {strides = array<i32>} : memref<25x128xi32, #tpu.memory_space<vmem>>, vector<16xi32>,
      tpu.vector_store_idx %arg13[%get3A_81], %broadcast_in_dim3A_3 {add = true} : memref<10240xf32, #tpu.memory_space<vmem>>[vector<16xi32>], vector<16xf32>,
      %scan3A_82 = arith.constant 0 : i32
      scf.yield %scan3A_82 : i32
    }
    %scan3A_37 = arith.constant 25 : i32
    "tpu.region"() ({
      %run_scoped3A_57 = tpu.sem_alloc : memref<!tpu.dma_semaphore, #tpu.memory_space<semaphore_mem>>
      %dma_start3A = arith.constant 0 : i32
      %dma_start3A_58 = arith.constant 0 : i32
      %dma_start3A_59 = tpu.memref_slice %arg6[%add3A, %dma_start3A, %dma_start3A_58] : memref<32x25x128xi32, #tpu.memory_space<hbm>> -> memref<1x25x128xi32, #tpu.memory_space<hbm>>
      %dma_start3A_60 = tpu.memref_squeeze %dma_start3A_59 : memref<1x25x128xi32, #tpu.memory_space<hbm>> -> memref<25x128xi32, #tpu.memory_space<hbm>>
      %dma_start3A_61 = arith.constant 0 : i32
      %dma_start3A_62 = arith.constant 0 : i32
      %dma_start3A_63 = tpu.memref_slice %arg6[%add3A, %dma_start3A_61, %dma_start3A_62] : memref<32x25x128xi32, #tpu.memory_space<hbm>> -> memref<1x25x128xi32, #tpu.memory_space<hbm>>
      %dma_start3A_64 = tpu.memref_squeeze %dma_start3A_63 : memref<1x25x128xi32, #tpu.memory_space<hbm>> -> memref<25x128xi32, #tpu.memory_space<hbm>>
      tpu.enqueue_dma source(%dma_start3A_64 : memref<25x128xi32, #tpu.memory_space<hbm>>) target(%arg9 : memref<25x128xi32, #tpu.memory_space<vmem>>) target_semaphore(%run_scoped3A_57 : memref<!tpu.dma_semaphore, #tpu.memory_space<semaphore_mem>>)
      %dma_wait3A = arith.constant 0 : i32
      %dma_wait3A_65 = arith.constant 0 : i32
      %dma_wait3A_66 = tpu.memref_slice %arg6[%add3A, %dma_wait3A, %dma_wait3A_65] : memref<32x25x128xi32, #tpu.memory_space<hbm>> -> memref<1x25x128xi32, #tpu.memory_space<hbm>>
      %dma_wait3A_67 = tpu.memref_squeeze %dma_wait3A_66 : memref<1x25x128xi32, #tpu.memory_space<hbm>> -> memref<25x128xi32, #tpu.memory_space<hbm>>
      %dma_wait3A_68 = arith.constant 0 : i32
      %dma_wait3A_69 = arith.constant 0 : i32
      %dma_wait3A_70 = tpu.memref_slice %arg6[%add3A, %dma_wait3A_68, %dma_wait3A_69] : memref<32x25x128xi32, #tpu.memory_space<hbm>> -> memref<1x25x128xi32, #tpu.memory_space<hbm>>
      %dma_wait3A_71 = tpu.memref_squeeze %dma_wait3A_70 : memref<1x25x128xi32, #tpu.memory_space<hbm>> -> memref<25x128xi32, #tpu.memory_space<hbm>>
      tpu.wait_dma2 semaphore(%run_scoped3A_57 : memref<!tpu.dma_semaphore, #tpu.memory_space<semaphore_mem>>) src(%dma_wait3A_71 : memref<25x128xi32, #tpu.memory_space<hbm>>) dst(%arg9 : memref<25x128xi32, #tpu.memory_space<vmem>>)
      tpu.yield
    }) : () -> ()
    %scan3A_38 = arith.constant 0 : i32
    %scan3A_39 = arith.constant 0 : i32
    %scan3A_40 = arith.constant 25 : i32
    %scan3A_41 = arith.addi %scan3A_39, %scan3A_40 : i32
    %scan3A_42 = arith.constant 1 : i32
    %scan3A_43 = scf.for %scan3A_57 = %scan3A_39 to %scan3A_41 step %scan3A_42 iter_args(%scan3A_58 = %scan3A_38) -> (i32)  : i32 {
      %get3A = arith.index_cast %scan3A_57 : i32 to index
      %get3A_59 = arith.constant 0 : index
      %get3A_60 = tpu.vector_load %arg9[%get3A, %get3A_59] {strides = array<i32>} : memref<25x128xi32, #tpu.memory_space<vmem>>, vector<16xi32>,
      tpu.vector_store_idx %arg14[%get3A_60], %broadcast_in_dim3A_3 {add = true} : memref<10240xf32, #tpu.memory_space<vmem>>[vector<16xi32>], vector<16xf32>,
      %get3A_61 = arith.index_cast %scan3A_57 : i32 to index
      %get3A_62 = arith.constant 16 : index
      %get3A_63 = tpu.vector_load %arg9[%get3A_61, %get3A_62] {strides = array<i32>} : memref<25x128xi32, #tpu.memory_space<vmem>>, vector<16xi32>,
      tpu.vector_store_idx %arg14[%get3A_63], %broadcast_in_dim3A_3 {add = true} : memref<10240xf32, #tpu.memory_space<vmem>>[vector<16xi32>], vector<16xf32>,
      %get3A_64 = arith.index_cast %scan3A_57 : i32 to index
      %get3A_65 = arith.constant 32 : index
      %get3A_66 = tpu.vector_load %arg9[%get3A_64, %get3A_65] {strides = array<i32>} : memref<25x128xi32, #tpu.memory_space<vmem>>, vector<16xi32>,
      tpu.vector_store_idx %arg14[%get3A_66], %broadcast_in_dim3A_3 {add = true} : memref<10240xf32, #tpu.memory_space<vmem>>[vector<16xi32>], vector<16xf32>,
      %get3A_67 = arith.index_cast %scan3A_57 : i32 to index
      %get3A_68 = arith.constant 48 : index
      %get3A_69 = tpu.vector_load %arg9[%get3A_67, %get3A_68] {strides = array<i32>} : memref<25x128xi32, #tpu.memory_space<vmem>>, vector<16xi32>,
      tpu.vector_store_idx %arg14[%get3A_69], %broadcast_in_dim3A_3 {add = true} : memref<10240xf32, #tpu.memory_space<vmem>>[vector<16xi32>], vector<16xf32>,
      %get3A_70 = arith.index_cast %scan3A_57 : i32 to index
      %get3A_71 = arith.constant 64 : index
      %get3A_72 = tpu.vector_load %arg9[%get3A_70, %get3A_71] {strides = array<i32>} : memref<25x128xi32, #tpu.memory_space<vmem>>, vector<16xi32>,
      tpu.vector_store_idx %arg14[%get3A_72], %broadcast_in_dim3A_3 {add = true} : memref<10240xf32, #tpu.memory_space<vmem>>[vector<16xi32>], vector<16xf32>,
      %get3A_73 = arith.index_cast %scan3A_57 : i32 to index
      %get3A_74 = arith.constant 80 : index
      %get3A_75 = tpu.vector_load %arg9[%get3A_73, %get3A_74] {strides = array<i32>} : memref<25x128xi32, #tpu.memory_space<vmem>>, vector<16xi32>,
      tpu.vector_store_idx %arg14[%get3A_75], %broadcast_in_dim3A_3 {add = true} : memref<10240xf32, #tpu.memory_space<vmem>>[vector<16xi32>], vector<16xf32>,
      %get3A_76 = arith.index_cast %scan3A_57 : i32 to index
      %get3A_77 = arith.constant 96 : index
      %get3A_78 = tpu.vector_load %arg9[%get3A_76, %get3A_77] {strides = array<i32>} : memref<25x128xi32, #tpu.memory_space<vmem>>, vector<16xi32>,
      tpu.vector_store_idx %arg14[%get3A_78], %broadcast_in_dim3A_3 {add = true} : memref<10240xf32, #tpu.memory_space<vmem>>[vector<16xi32>], vector<16xf32>,
      %get3A_79 = arith.index_cast %scan3A_57 : i32 to index
      %get3A_80 = arith.constant 112 : index
      %get3A_81 = tpu.vector_load %arg9[%get3A_79, %get3A_80] {strides = array<i32>} : memref<25x128xi32, #tpu.memory_space<vmem>>, vector<16xi32>,
      tpu.vector_store_idx %arg14[%get3A_81], %broadcast_in_dim3A_3 {add = true} : memref<10240xf32, #tpu.memory_space<vmem>>[vector<16xi32>], vector<16xf32>,
      %scan3A_82 = arith.constant 0 : i32
      scf.yield %scan3A_82 : i32
    }
    %scan3A_44 = arith.constant 25 : i32
    "tpu.region"() ({
      %run_scoped3A_57 = tpu.sem_alloc : memref<!tpu.dma_semaphore, #tpu.memory_space<semaphore_mem>>
      %dma_start3A = arith.constant 0 : i32
      %dma_start3A_58 = arith.constant 0 : i32
      %dma_start3A_59 = tpu.memref_slice %arg7[%add3A, %dma_start3A, %dma_start3A_58] : memref<32x25x128xi32, #tpu.memory_space<hbm>> -> memref<1x25x128xi32, #tpu.memory_space<hbm>>
      %dma_start3A_60 = tpu.memref_squeeze %dma_start3A_59 : memref<1x25x128xi32, #tpu.memory_space<hbm>> -> memref<25x128xi32, #tpu.memory_space<hbm>>
      %dma_start3A_61 = arith.constant 0 : i32
      %dma_start3A_62 = arith.constant 0 : i32
      %dma_start3A_63 = tpu.memref_slice %arg7[%add3A, %dma_start3A_61, %dma_start3A_62] : memref<32x25x128xi32, #tpu.memory_space<hbm>> -> memref<1x25x128xi32, #tpu.memory_space<hbm>>
      %dma_start3A_64 = tpu.memref_squeeze %dma_start3A_63 : memref<1x25x128xi32, #tpu.memory_space<hbm>> -> memref<25x128xi32, #tpu.memory_space<hbm>>
      tpu.enqueue_dma source(%dma_start3A_64 : memref<25x128xi32, #tpu.memory_space<hbm>>) target(%arg9 : memref<25x128xi32, #tpu.memory_space<vmem>>) target_semaphore(%run_scoped3A_57 : memref<!tpu.dma_semaphore, #tpu.memory_space<semaphore_mem>>)
      %dma_wait3A = arith.constant 0 : i32
      %dma_wait3A_65 = arith.constant 0 : i32
      %dma_wait3A_66 = tpu.memref_slice %arg7[%add3A, %dma_wait3A, %dma_wait3A_65] : memref<32x25x128xi32, #tpu.memory_space<hbm>> -> memref<1x25x128xi32, #tpu.memory_space<hbm>>
      %dma_wait3A_67 = tpu.memref_squeeze %dma_wait3A_66 : memref<1x25x128xi32, #tpu.memory_space<hbm>> -> memref<25x128xi32, #tpu.memory_space<hbm>>
      %dma_wait3A_68 = arith.constant 0 : i32
      %dma_wait3A_69 = arith.constant 0 : i32
      %dma_wait3A_70 = tpu.memref_slice %arg7[%add3A, %dma_wait3A_68, %dma_wait3A_69] : memref<32x25x128xi32, #tpu.memory_space<hbm>> -> memref<1x25x128xi32, #tpu.memory_space<hbm>>
      %dma_wait3A_71 = tpu.memref_squeeze %dma_wait3A_70 : memref<1x25x128xi32, #tpu.memory_space<hbm>> -> memref<25x128xi32, #tpu.memory_space<hbm>>
      tpu.wait_dma2 semaphore(%run_scoped3A_57 : memref<!tpu.dma_semaphore, #tpu.memory_space<semaphore_mem>>) src(%dma_wait3A_71 : memref<25x128xi32, #tpu.memory_space<hbm>>) dst(%arg9 : memref<25x128xi32, #tpu.memory_space<vmem>>)
      tpu.yield
    }) : () -> ()
    %scan3A_45 = arith.constant 0 : i32
    %scan3A_46 = arith.constant 0 : i32
    %scan3A_47 = arith.constant 25 : i32
    %scan3A_48 = arith.addi %scan3A_46, %scan3A_47 : i32
    %scan3A_49 = arith.constant 1 : i32
    %scan3A_50 = scf.for %scan3A_57 = %scan3A_46 to %scan3A_48 step %scan3A_49 iter_args(%scan3A_58 = %scan3A_45) -> (i32)  : i32 {
      %get3A = arith.index_cast %scan3A_57 : i32 to index
      %get3A_59 = arith.constant 0 : index
      %get3A_60 = tpu.vector_load %arg9[%get3A, %get3A_59] {strides = array<i32>} : memref<25x128xi32, #tpu.memory_space<vmem>>, vector<16xi32>,
      tpu.vector_store_idx %arg15[%get3A_60], %broadcast_in_dim3A_3 {add = true} : memref<10240xf32, #tpu.memory_space<vmem>>[vector<16xi32>], vector<16xf32>,
      %get3A_61 = arith.index_cast %scan3A_57 : i32 to index
      %get3A_62 = arith.constant 16 : index
      %get3A_63 = tpu.vector_load %arg9[%get3A_61, %get3A_62] {strides = array<i32>} : memref<25x128xi32, #tpu.memory_space<vmem>>, vector<16xi32>,
      tpu.vector_store_idx %arg15[%get3A_63], %broadcast_in_dim3A_3 {add = true} : memref<10240xf32, #tpu.memory_space<vmem>>[vector<16xi32>], vector<16xf32>,
      %get3A_64 = arith.index_cast %scan3A_57 : i32 to index
      %get3A_65 = arith.constant 32 : index
      %get3A_66 = tpu.vector_load %arg9[%get3A_64, %get3A_65] {strides = array<i32>} : memref<25x128xi32, #tpu.memory_space<vmem>>, vector<16xi32>,
      tpu.vector_store_idx %arg15[%get3A_66], %broadcast_in_dim3A_3 {add = true} : memref<10240xf32, #tpu.memory_space<vmem>>[vector<16xi32>], vector<16xf32>,
      %get3A_67 = arith.index_cast %scan3A_57 : i32 to index
      %get3A_68 = arith.constant 48 : index
      %get3A_69 = tpu.vector_load %arg9[%get3A_67, %get3A_68] {strides = array<i32>} : memref<25x128xi32, #tpu.memory_space<vmem>>, vector<16xi32>,
      tpu.vector_store_idx %arg15[%get3A_69], %broadcast_in_dim3A_3 {add = true} : memref<10240xf32, #tpu.memory_space<vmem>>[vector<16xi32>], vector<16xf32>,
      %get3A_70 = arith.index_cast %scan3A_57 : i32 to index
      %get3A_71 = arith.constant 64 : index
      %get3A_72 = tpu.vector_load %arg9[%get3A_70, %get3A_71] {strides = array<i32>} : memref<25x128xi32, #tpu.memory_space<vmem>>, vector<16xi32>,
      tpu.vector_store_idx %arg15[%get3A_72], %broadcast_in_dim3A_3 {add = true} : memref<10240xf32, #tpu.memory_space<vmem>>[vector<16xi32>], vector<16xf32>,
      %get3A_73 = arith.index_cast %scan3A_57 : i32 to index
      %get3A_74 = arith.constant 80 : index
      %get3A_75 = tpu.vector_load %arg9[%get3A_73, %get3A_74] {strides = array<i32>} : memref<25x128xi32, #tpu.memory_space<vmem>>, vector<16xi32>,
      tpu.vector_store_idx %arg15[%get3A_75], %broadcast_in_dim3A_3 {add = true} : memref<10240xf32, #tpu.memory_space<vmem>>[vector<16xi32>], vector<16xf32>,
      %get3A_76 = arith.index_cast %scan3A_57 : i32 to index
      %get3A_77 = arith.constant 96 : index
      %get3A_78 = tpu.vector_load %arg9[%get3A_76, %get3A_77] {strides = array<i32>} : memref<25x128xi32, #tpu.memory_space<vmem>>, vector<16xi32>,
      tpu.vector_store_idx %arg15[%get3A_78], %broadcast_in_dim3A_3 {add = true} : memref<10240xf32, #tpu.memory_space<vmem>>[vector<16xi32>], vector<16xf32>,
      %get3A_79 = arith.index_cast %scan3A_57 : i32 to index
      %get3A_80 = arith.constant 112 : index
      %get3A_81 = tpu.vector_load %arg9[%get3A_79, %get3A_80] {strides = array<i32>} : memref<25x128xi32, #tpu.memory_space<vmem>>, vector<16xi32>,
      tpu.vector_store_idx %arg15[%get3A_81], %broadcast_in_dim3A_3 {add = true} : memref<10240xf32, #tpu.memory_space<vmem>>[vector<16xi32>], vector<16xf32>,
      %scan3A_82 = arith.constant 0 : i32
      scf.yield %scan3A_82 : i32
    }
    %scan3A_51 = arith.constant 25 : i32
    %run_scoped3A = arith.constant 0 : i32
    "tpu.region"() ({
      %run_scoped3A_57 = tpu.sem_alloc : memref<!tpu.dma_semaphore, #tpu.memory_space<semaphore_mem>>
      %dma_start3A = arith.constant 0 : i32
      %dma_start3A_58 = tpu.memref_slice %arg8[%arg0, %arg1, %run_scoped3A, %dma_start3A] : memref<2x16x6x10240xf32, #tpu.memory_space<hbm>> -> memref<1x1x1x10240xf32, #tpu.memory_space<hbm>>
      %dma_start3A_59 = tpu.memref_squeeze %dma_start3A_58 : memref<1x1x1x10240xf32, #tpu.memory_space<hbm>> -> memref<10240xf32, #tpu.memory_space<hbm>>
      %dma_start3A_60 = arith.constant 0 : i32
      %dma_start3A_61 = tpu.memref_slice %arg8[%arg0, %arg1, %run_scoped3A, %dma_start3A_60] : memref<2x16x6x10240xf32, #tpu.memory_space<hbm>> -> memref<1x1x1x10240xf32, #tpu.memory_space<hbm>>
      %dma_start3A_62 = tpu.memref_squeeze %dma_start3A_61 : memref<1x1x1x10240xf32, #tpu.memory_space<hbm>> -> memref<10240xf32, #tpu.memory_space<hbm>>
      tpu.enqueue_dma source(%arg10 : memref<10240xf32, #tpu.memory_space<vmem>>) target(%dma_start3A_62 : memref<10240xf32, #tpu.memory_space<hbm>>) target_semaphore(%run_scoped3A_57 : memref<!tpu.dma_semaphore, #tpu.memory_space<semaphore_mem>>)
      %dma_wait3A = arith.constant 0 : i32
      %dma_wait3A_63 = tpu.memref_slice %arg8[%arg0, %arg1, %run_scoped3A, %dma_wait3A] : memref<2x16x6x10240xf32, #tpu.memory_space<hbm>> -> memref<1x1x1x10240xf32, #tpu.memory_space<hbm>>
      %dma_wait3A_64 = tpu.memref_squeeze %dma_wait3A_63 : memref<1x1x1x10240xf32, #tpu.memory_space<hbm>> -> memref<10240xf32, #tpu.memory_space<hbm>>
      %dma_wait3A_65 = arith.constant 0 : i32
      %dma_wait3A_66 = tpu.memref_slice %arg8[%arg0, %arg1, %run_scoped3A, %dma_wait3A_65] : memref<2x16x6x10240xf32, #tpu.memory_space<hbm>> -> memref<1x1x1x10240xf32, #tpu.memory_space<hbm>>
      %dma_wait3A_67 = tpu.memref_squeeze %dma_wait3A_66 : memref<1x1x1x10240xf32, #tpu.memory_space<hbm>> -> memref<10240xf32, #tpu.memory_space<hbm>>
      tpu.wait_dma2 semaphore(%run_scoped3A_57 : memref<!tpu.dma_semaphore, #tpu.memory_space<semaphore_mem>>) src(%arg10 : memref<10240xf32, #tpu.memory_space<vmem>>) dst(%dma_wait3A_67 : memref<10240xf32, #tpu.memory_space<hbm>>)
      tpu.yield
    }) : () -> ()
    %run_scoped3A_52 = arith.constant 1 : i32
    "tpu.region"() ({
      %run_scoped3A_57 = tpu.sem_alloc : memref<!tpu.dma_semaphore, #tpu.memory_space<semaphore_mem>>
      %dma_start3A = arith.constant 0 : i32
      %dma_start3A_58 = tpu.memref_slice %arg8[%arg0, %arg1, %run_scoped3A_52, %dma_start3A] : memref<2x16x6x10240xf32, #tpu.memory_space<hbm>> -> memref<1x1x1x10240xf32, #tpu.memory_space<hbm>>
      %dma_start3A_59 = tpu.memref_squeeze %dma_start3A_58 : memref<1x1x1x10240xf32, #tpu.memory_space<hbm>> -> memref<10240xf32, #tpu.memory_space<hbm>>
      %dma_start3A_60 = arith.constant 0 : i32
      %dma_start3A_61 = tpu.memref_slice %arg8[%arg0, %arg1, %run_scoped3A_52, %dma_start3A_60] : memref<2x16x6x10240xf32, #tpu.memory_space<hbm>> -> memref<1x1x1x10240xf32, #tpu.memory_space<hbm>>
      %dma_start3A_62 = tpu.memref_squeeze %dma_start3A_61 : memref<1x1x1x10240xf32, #tpu.memory_space<hbm>> -> memref<10240xf32, #tpu.memory_space<hbm>>
      tpu.enqueue_dma source(%arg11 : memref<10240xf32, #tpu.memory_space<vmem>>) target(%dma_start3A_62 : memref<10240xf32, #tpu.memory_space<hbm>>) target_semaphore(%run_scoped3A_57 : memref<!tpu.dma_semaphore, #tpu.memory_space<semaphore_mem>>)
      %dma_wait3A = arith.constant 0 : i32
      %dma_wait3A_63 = tpu.memref_slice %arg8[%arg0, %arg1, %run_scoped3A_52, %dma_wait3A] : memref<2x16x6x10240xf32, #tpu.memory_space<hbm>> -> memref<1x1x1x10240xf32, #tpu.memory_space<hbm>>
      %dma_wait3A_64 = tpu.memref_squeeze %dma_wait3A_63 : memref<1x1x1x10240xf32, #tpu.memory_space<hbm>> -> memref<10240xf32, #tpu.memory_space<hbm>>
      %dma_wait3A_65 = arith.constant 0 : i32
      %dma_wait3A_66 = tpu.memref_slice %arg8[%arg0, %arg1, %run_scoped3A_52, %dma_wait3A_65] : memref<2x16x6x10240xf32, #tpu.memory_space<hbm>> -> memref<1x1x1x10240xf32, #tpu.memory_space<hbm>>
      %dma_wait3A_67 = tpu.memref_squeeze %dma_wait3A_66 : memref<1x1x1x10240xf32, #tpu.memory_space<hbm>> -> memref<10240xf32, #tpu.memory_space<hbm>>
      tpu.wait_dma2 semaphore(%run_scoped3A_57 : memref<!tpu.dma_semaphore, #tpu.memory_space<semaphore_mem>>) src(%arg11 : memref<10240xf32, #tpu.memory_space<vmem>>) dst(%dma_wait3A_67 : memref<10240xf32, #tpu.memory_space<hbm>>)
      tpu.yield
    }) : () -> ()
    %run_scoped3A_53 = arith.constant 2 : i32
    "tpu.region"() ({
      %run_scoped3A_57 = tpu.sem_alloc : memref<!tpu.dma_semaphore, #tpu.memory_space<semaphore_mem>>
      %dma_start3A = arith.constant 0 : i32
      %dma_start3A_58 = tpu.memref_slice %arg8[%arg0, %arg1, %run_scoped3A_53, %dma_start3A] : memref<2x16x6x10240xf32, #tpu.memory_space<hbm>> -> memref<1x1x1x10240xf32, #tpu.memory_space<hbm>>
      %dma_start3A_59 = tpu.memref_squeeze %dma_start3A_58 : memref<1x1x1x10240xf32, #tpu.memory_space<hbm>> -> memref<10240xf32, #tpu.memory_space<hbm>>
      %dma_start3A_60 = arith.constant 0 : i32
      %dma_start3A_61 = tpu.memref_slice %arg8[%arg0, %arg1, %run_scoped3A_53, %dma_start3A_60] : memref<2x16x6x10240xf32, #tpu.memory_space<hbm>> -> memref<1x1x1x10240xf32, #tpu.memory_space<hbm>>
      %dma_start3A_62 = tpu.memref_squeeze %dma_start3A_61 : memref<1x1x1x10240xf32, #tpu.memory_space<hbm>> -> memref<10240xf32, #tpu.memory_space<hbm>>
      tpu.enqueue_dma source(%arg12 : memref<10240xf32, #tpu.memory_space<vmem>>) target(%dma_start3A_62 : memref<10240xf32, #tpu.memory_space<hbm>>) target_semaphore(%run_scoped3A_57 : memref<!tpu.dma_semaphore, #tpu.memory_space<semaphore_mem>>)
      %dma_wait3A = arith.constant 0 : i32
      %dma_wait3A_63 = tpu.memref_slice %arg8[%arg0, %arg1, %run_scoped3A_53, %dma_wait3A] : memref<2x16x6x10240xf32, #tpu.memory_space<hbm>> -> memref<1x1x1x10240xf32, #tpu.memory_space<hbm>>
      %dma_wait3A_64 = tpu.memref_squeeze %dma_wait3A_63 : memref<1x1x1x10240xf32, #tpu.memory_space<hbm>> -> memref<10240xf32, #tpu.memory_space<hbm>>
      %dma_wait3A_65 = arith.constant 0 : i32
      %dma_wait3A_66 = tpu.memref_slice %arg8[%arg0, %arg1, %run_scoped3A_53, %dma_wait3A_65] : memref<2x16x6x10240xf32, #tpu.memory_space<hbm>> -> memref<1x1x1x10240xf32, #tpu.memory_space<hbm>>
      %dma_wait3A_67 = tpu.memref_squeeze %dma_wait3A_66 : memref<1x1x1x10240xf32, #tpu.memory_space<hbm>> -> memref<10240xf32, #tpu.memory_space<hbm>>
      tpu.wait_dma2 semaphore(%run_scoped3A_57 : memref<!tpu.dma_semaphore, #tpu.memory_space<semaphore_mem>>) src(%arg12 : memref<10240xf32, #tpu.memory_space<vmem>>) dst(%dma_wait3A_67 : memref<10240xf32, #tpu.memory_space<hbm>>)
      tpu.yield
    }) : () -> ()
    %run_scoped3A_54 = arith.constant 3 : i32
    "tpu.region"() ({
      %run_scoped3A_57 = tpu.sem_alloc : memref<!tpu.dma_semaphore, #tpu.memory_space<semaphore_mem>>
      %dma_start3A = arith.constant 0 : i32
      %dma_start3A_58 = tpu.memref_slice %arg8[%arg0, %arg1, %run_scoped3A_54, %dma_start3A] : memref<2x16x6x10240xf32, #tpu.memory_space<hbm>> -> memref<1x1x1x10240xf32, #tpu.memory_space<hbm>>
      %dma_start3A_59 = tpu.memref_squeeze %dma_start3A_58 : memref<1x1x1x10240xf32, #tpu.memory_space<hbm>> -> memref<10240xf32, #tpu.memory_space<hbm>>
      %dma_start3A_60 = arith.constant 0 : i32
      %dma_start3A_61 = tpu.memref_slice %arg8[%arg0, %arg1, %run_scoped3A_54, %dma_start3A_60] : memref<2x16x6x10240xf32, #tpu.memory_space<hbm>> -> memref<1x1x1x10240xf32, #tpu.memory_space<hbm>>
      %dma_start3A_62 = tpu.memref_squeeze %dma_start3A_61 : memref<1x1x1x10240xf32, #tpu.memory_space<hbm>> -> memref<10240xf32, #tpu.memory_space<hbm>>
      tpu.enqueue_dma source(%arg13 : memref<10240xf32, #tpu.memory_space<vmem>>) target(%dma_start3A_62 : memref<10240xf32, #tpu.memory_space<hbm>>) target_semaphore(%run_scoped3A_57 : memref<!tpu.dma_semaphore, #tpu.memory_space<semaphore_mem>>)
      %dma_wait3A = arith.constant 0 : i32
      %dma_wait3A_63 = tpu.memref_slice %arg8[%arg0, %arg1, %run_scoped3A_54, %dma_wait3A] : memref<2x16x6x10240xf32, #tpu.memory_space<hbm>> -> memref<1x1x1x10240xf32, #tpu.memory_space<hbm>>
      %dma_wait3A_64 = tpu.memref_squeeze %dma_wait3A_63 : memref<1x1x1x10240xf32, #tpu.memory_space<hbm>> -> memref<10240xf32, #tpu.memory_space<hbm>>
      %dma_wait3A_65 = arith.constant 0 : i32
      %dma_wait3A_66 = tpu.memref_slice %arg8[%arg0, %arg1, %run_scoped3A_54, %dma_wait3A_65] : memref<2x16x6x10240xf32, #tpu.memory_space<hbm>> -> memref<1x1x1x10240xf32, #tpu.memory_space<hbm>>
      %dma_wait3A_67 = tpu.memref_squeeze %dma_wait3A_66 : memref<1x1x1x10240xf32, #tpu.memory_space<hbm>> -> memref<10240xf32, #tpu.memory_space<hbm>>
      tpu.wait_dma2 semaphore(%run_scoped3A_57 : memref<!tpu.dma_semaphore, #tpu.memory_space<semaphore_mem>>) src(%arg13 : memref<10240xf32, #tpu.memory_space<vmem>>) dst(%dma_wait3A_67 : memref<10240xf32, #tpu.memory_space<hbm>>)
      tpu.yield
    }) : () -> ()
    %run_scoped3A_55 = arith.constant 4 : i32
    "tpu.region"() ({
      %run_scoped3A_57 = tpu.sem_alloc : memref<!tpu.dma_semaphore, #tpu.memory_space<semaphore_mem>>
      %dma_start3A = arith.constant 0 : i32
      %dma_start3A_58 = tpu.memref_slice %arg8[%arg0, %arg1, %run_scoped3A_55, %dma_start3A] : memref<2x16x6x10240xf32, #tpu.memory_space<hbm>> -> memref<1x1x1x10240xf32, #tpu.memory_space<hbm>>
      %dma_start3A_59 = tpu.memref_squeeze %dma_start3A_58 : memref<1x1x1x10240xf32, #tpu.memory_space<hbm>> -> memref<10240xf32, #tpu.memory_space<hbm>>
      %dma_start3A_60 = arith.constant 0 : i32
      %dma_start3A_61 = tpu.memref_slice %arg8[%arg0, %arg1, %run_scoped3A_55, %dma_start3A_60] : memref<2x16x6x10240xf32, #tpu.memory_space<hbm>> -> memref<1x1x1x10240xf32, #tpu.memory_space<hbm>>
      %dma_start3A_62 = tpu.memref_squeeze %dma_start3A_61 : memref<1x1x1x10240xf32, #tpu.memory_space<hbm>> -> memref<10240xf32, #tpu.memory_space<hbm>>
      tpu.enqueue_dma source(%arg14 : memref<10240xf32, #tpu.memory_space<vmem>>) target(%dma_start3A_62 : memref<10240xf32, #tpu.memory_space<hbm>>) target_semaphore(%run_scoped3A_57 : memref<!tpu.dma_semaphore, #tpu.memory_space<semaphore_mem>>)
      %dma_wait3A = arith.constant 0 : i32
      %dma_wait3A_63 = tpu.memref_slice %arg8[%arg0, %arg1, %run_scoped3A_55, %dma_wait3A] : memref<2x16x6x10240xf32, #tpu.memory_space<hbm>> -> memref<1x1x1x10240xf32, #tpu.memory_space<hbm>>
      %dma_wait3A_64 = tpu.memref_squeeze %dma_wait3A_63 : memref<1x1x1x10240xf32, #tpu.memory_space<hbm>> -> memref<10240xf32, #tpu.memory_space<hbm>>
      %dma_wait3A_65 = arith.constant 0 : i32
      %dma_wait3A_66 = tpu.memref_slice %arg8[%arg0, %arg1, %run_scoped3A_55, %dma_wait3A_65] : memref<2x16x6x10240xf32, #tpu.memory_space<hbm>> -> memref<1x1x1x10240xf32, #tpu.memory_space<hbm>>
      %dma_wait3A_67 = tpu.memref_squeeze %dma_wait3A_66 : memref<1x1x1x10240xf32, #tpu.memory_space<hbm>> -> memref<10240xf32, #tpu.memory_space<hbm>>
      tpu.wait_dma2 semaphore(%run_scoped3A_57 : memref<!tpu.dma_semaphore, #tpu.memory_space<semaphore_mem>>) src(%arg14 : memref<10240xf32, #tpu.memory_space<vmem>>) dst(%dma_wait3A_67 : memref<10240xf32, #tpu.memory_space<hbm>>)
      tpu.yield
    }) : () -> ()
    %run_scoped3A_56 = arith.constant 5 : i32
    "tpu.region"() ({
      %run_scoped3A_57 = tpu.sem_alloc : memref<!tpu.dma_semaphore, #tpu.memory_space<semaphore_mem>>
      %dma_start3A = arith.constant 0 : i32
      %dma_start3A_58 = tpu.memref_slice %arg8[%arg0, %arg1, %run_scoped3A_56, %dma_start3A] : memref<2x16x6x10240xf32, #tpu.memory_space<hbm>> -> memref<1x1x1x10240xf32, #tpu.memory_space<hbm>>
      %dma_start3A_59 = tpu.memref_squeeze %dma_start3A_58 : memref<1x1x1x10240xf32, #tpu.memory_space<hbm>> -> memref<10240xf32, #tpu.memory_space<hbm>>
      %dma_start3A_60 = arith.constant 0 : i32
      %dma_start3A_61 = tpu.memref_slice %arg8[%arg0, %arg1, %run_scoped3A_56, %dma_start3A_60] : memref<2x16x6x10240xf32, #tpu.memory_space<hbm>> -> memref<1x1x1x10240xf32, #tpu.memory_space<hbm>>
      %dma_start3A_62 = tpu.memref_squeeze %dma_start3A_61 : memref<1x1x1x10240xf32, #tpu.memory_space<hbm>> -> memref<10240xf32, #tpu.memory_space<hbm>>
      tpu.enqueue_dma source(%arg15 : memref<10240xf32, #tpu.memory_space<vmem>>) target(%dma_start3A_62 : memref<10240xf32, #tpu.memory_space<hbm>>) target_semaphore(%run_scoped3A_57 : memref<!tpu.dma_semaphore, #tpu.memory_space<semaphore_mem>>)
      %dma_wait3A = arith.constant 0 : i32
      %dma_wait3A_63 = tpu.memref_slice %arg8[%arg0, %arg1, %run_scoped3A_56, %dma_wait3A] : memref<2x16x6x10240xf32, #tpu.memory_space<hbm>> -> memref<1x1x1x10240xf32, #tpu.memory_space<hbm>>
      %dma_wait3A_64 = tpu.memref_squeeze %dma_wait3A_63 : memref<1x1x1x10240xf32, #tpu.memory_space<hbm>> -> memref<10240xf32, #tpu.memory_space<hbm>>
      %dma_wait3A_65 = arith.constant 0 : i32
      %dma_wait3A_66 = tpu.memref_slice %arg8[%arg0, %arg1, %run_scoped3A_56, %dma_wait3A_65] : memref<2x16x6x10240xf32, #tpu.memory_space<hbm>> -> memref<1x1x1x10240xf32, #tpu.memory_space<hbm>>
      %dma_wait3A_67 = tpu.memref_squeeze %dma_wait3A_66 : memref<1x1x1x10240xf32, #tpu.memory_space<hbm>> -> memref<10240xf32, #tpu.memory_space<hbm>>
      tpu.wait_dma2 semaphore(%run_scoped3A_57 : memref<!tpu.dma_semaphore, #tpu.memory_space<semaphore_mem>>) src(%arg15 : memref<10240xf32, #tpu.memory_space<vmem>>) dst(%dma_wait3A_67 : memref<10240xf32, #tpu.memory_space<hbm>>)
      tpu.yield
    }) : () -> ()
    return
  }
}

#map = affine_map<(d0, d1) -> (0, 0)>
#map1 = affine_map<(d0, d1) -> (0, 0, 0)>
module attributes {stable_mosaic.version = 14 : i64} {
  func.func @_sc_gather_out_body(%arg0: i32, %arg1: i32, %arg2: memref<10240x128xf32, #tpu.memory_space<hbm>>, %arg3: memref<32x2x128xi32, #tpu.memory_space<hbm>>, %arg4: memref<32x2x128xi32, #tpu.memory_space<hbm>>, %arg5: memref<8192x128xf32, #tpu.memory_space<hbm>>, %arg6: memref<8192x128xf32, #tpu.memory_space<hbm>>, %arg7: memref<2x128xi32, #tpu.memory_space<vmem>>, %arg8: memref<128x128xf32, #tpu.memory_space<vmem>>, %arg9: memref<!tpu.dma_semaphore, #tpu.memory_space<semaphore_mem>>) attributes {dimension_semantics = [#tpu.dimension_semantics<core_parallel>, #tpu.dimension_semantics<subcore_parallel>], iteration_bounds = array<i64: 2, 16>, scalar_prefetch = 0 : i64, scratch_operands = 3 : i64, tpu.core_type = #tpu.core_type<sc_vector_subcore>, window_params = [{transform_indices = #map}, {transform_indices = #map1}, {transform_indices = #map1}, {transform_indices = #map}, {transform_indices = #map}]} {
    %mul3A = arith.constant 2 : i32
    %mul3A_0 = arith.muli %arg1, %mul3A : i32
    %add3A = arith.addi %mul3A_0, %arg0 : i32
    "tpu.region"() ({
      %run_scoped3A = tpu.sem_alloc : memref<!tpu.dma_semaphore, #tpu.memory_space<semaphore_mem>>
      %dma_start3A_79 = arith.constant 0 : i32
      %dma_start3A_80 = arith.constant 0 : i32
      %dma_start3A_81 = tpu.memref_slice %arg3[%add3A, %dma_start3A_79, %dma_start3A_80] : memref<32x2x128xi32, #tpu.memory_space<hbm>> -> memref<1x2x128xi32, #tpu.memory_space<hbm>>
      %dma_start3A_82 = tpu.memref_squeeze %dma_start3A_81 : memref<1x2x128xi32, #tpu.memory_space<hbm>> -> memref<2x128xi32, #tpu.memory_space<hbm>>
      %dma_start3A_83 = arith.constant 0 : i32
      %dma_start3A_84 = arith.constant 0 : i32
      %dma_start3A_85 = tpu.memref_slice %arg3[%add3A, %dma_start3A_83, %dma_start3A_84] : memref<32x2x128xi32, #tpu.memory_space<hbm>> -> memref<1x2x128xi32, #tpu.memory_space<hbm>>
      %dma_start3A_86 = tpu.memref_squeeze %dma_start3A_85 : memref<1x2x128xi32, #tpu.memory_space<hbm>> -> memref<2x128xi32, #tpu.memory_space<hbm>>
      tpu.enqueue_dma source(%dma_start3A_86 : memref<2x128xi32, #tpu.memory_space<hbm>>) target(%arg7 : memref<2x128xi32, #tpu.memory_space<vmem>>) target_semaphore(%run_scoped3A : memref<!tpu.dma_semaphore, #tpu.memory_space<semaphore_mem>>)
      %dma_wait3A_87 = arith.constant 0 : i32
      %dma_wait3A_88 = arith.constant 0 : i32
      %dma_wait3A_89 = tpu.memref_slice %arg3[%add3A, %dma_wait3A_87, %dma_wait3A_88] : memref<32x2x128xi32, #tpu.memory_space<hbm>> -> memref<1x2x128xi32, #tpu.memory_space<hbm>>
      %dma_wait3A_90 = tpu.memref_squeeze %dma_wait3A_89 : memref<1x2x128xi32, #tpu.memory_space<hbm>> -> memref<2x128xi32, #tpu.memory_space<hbm>>
      %dma_wait3A_91 = arith.constant 0 : i32
      %dma_wait3A_92 = arith.constant 0 : i32
      %dma_wait3A_93 = tpu.memref_slice %arg3[%add3A, %dma_wait3A_91, %dma_wait3A_92] : memref<32x2x128xi32, #tpu.memory_space<hbm>> -> memref<1x2x128xi32, #tpu.memory_space<hbm>>
      %dma_wait3A_94 = tpu.memref_squeeze %dma_wait3A_93 : memref<1x2x128xi32, #tpu.memory_space<hbm>> -> memref<2x128xi32, #tpu.memory_space<hbm>>
      tpu.wait_dma2 semaphore(%run_scoped3A : memref<!tpu.dma_semaphore, #tpu.memory_space<semaphore_mem>>) src(%dma_wait3A_94 : memref<2x128xi32, #tpu.memory_space<hbm>>) dst(%arg7 : memref<2x128xi32, #tpu.memory_space<vmem>>)
      tpu.yield
    }) : () -> ()
    %mul3A_1 = arith.constant 2 : i32
    %mul3A_2 = arith.muli %add3A, %mul3A_1 : i32
    %add3A_3 = arith.constant 0 : i32
    %add3A_4 = arith.addi %mul3A_2, %add3A_3 : i32
    %dma_start3A = arith.constant 0 : i32
    %dma_start3A_5 = arith.constant 0 : i32
    %dma_start3A_6 = tpu.memref_slice %arg7[%dma_start3A, %dma_start3A_5] : memref<2x128xi32, #tpu.memory_space<vmem>> -> memref<1x128xi32, #tpu.memory_space<vmem>>
    %dma_start3A_7 = tpu.memref_squeeze %dma_start3A_6 : memref<1x128xi32, #tpu.memory_space<vmem>> -> memref<128xi32, #tpu.memory_space<vmem>>
    %dma_start3A_8 = arith.constant 0 : i32
    %dma_start3A_9 = arith.constant 0 : i32
    %dma_start3A_10 = tpu.memref_slice %arg2[%dma_start3A_8, %dma_start3A_9] : memref<10240x128xf32, #tpu.memory_space<hbm>> -> memref<10240x128xf32, #tpu.memory_space<hbm>>
    tpu.enqueue_indirect_dma source(%dma_start3A_10 : memref<10240x128xf32, #tpu.memory_space<hbm>>) target(%arg8 : memref<128x128xf32, #tpu.memory_space<vmem>>) offsets(%dma_start3A_7 : memref<128xi32, #tpu.memory_space<vmem>>) semaphore(%arg9 : memref<!tpu.dma_semaphore, #tpu.memory_space<semaphore_mem>>)
    %dma_wait3A = arith.constant 0 : i32
    %dma_wait3A_11 = arith.constant 0 : i32
    %dma_wait3A_12 = tpu.memref_slice %arg7[%dma_wait3A, %dma_wait3A_11] : memref<2x128xi32, #tpu.memory_space<vmem>> -> memref<1x128xi32, #tpu.memory_space<vmem>>
    %dma_wait3A_13 = tpu.memref_squeeze %dma_wait3A_12 : memref<1x128xi32, #tpu.memory_space<vmem>> -> memref<128xi32, #tpu.memory_space<vmem>>
    %dma_wait3A_14 = arith.constant 0 : i32
    %dma_wait3A_15 = arith.constant 0 : i32
    %dma_wait3A_16 = tpu.memref_slice %arg2[%dma_wait3A_14, %dma_wait3A_15] : memref<10240x128xf32, #tpu.memory_space<hbm>> -> memref<10240x128xf32, #tpu.memory_space<hbm>>
    tpu.wait_indirect_dma semaphore(%arg9 : memref<!tpu.dma_semaphore, #tpu.memory_space<semaphore_mem>>) src(%dma_wait3A_16 : memref<10240x128xf32, #tpu.memory_space<hbm>>) dst(%arg8 : memref<128x128xf32, #tpu.memory_space<vmem>>)
    %mul3A_17 = arith.constant 128 : i32
    %mul3A_18 = arith.muli %add3A_4, %mul3A_17 : i32
    "tpu.region"() ({
      %run_scoped3A = tpu.sem_alloc : memref<!tpu.dma_semaphore, #tpu.memory_space<semaphore_mem>>
      %dma_start3A_79 = arith.constant 0 : i32
      %dma_start3A_80 = tpu.memref_slice %arg5[%mul3A_18, %dma_start3A_79] : memref<8192x128xf32, #tpu.memory_space<hbm>> -> memref<128x128xf32, #tpu.memory_space<hbm>>
      %dma_start3A_81 = arith.constant 0 : i32
      %dma_start3A_82 = tpu.memref_slice %arg5[%mul3A_18, %dma_start3A_81] : memref<8192x128xf32, #tpu.memory_space<hbm>> -> memref<128x128xf32, #tpu.memory_space<hbm>>
      tpu.enqueue_dma source(%arg8 : memref<128x128xf32, #tpu.memory_space<vmem>>) target(%dma_start3A_82 : memref<128x128xf32, #tpu.memory_space<hbm>>) target_semaphore(%run_scoped3A : memref<!tpu.dma_semaphore, #tpu.memory_space<semaphore_mem>>)
      %dma_wait3A_83 = arith.constant 0 : i32
      %dma_wait3A_84 = tpu.memref_slice %arg5[%mul3A_18, %dma_wait3A_83] : memref<8192x128xf32, #tpu.memory_space<hbm>> -> memref<128x128xf32, #tpu.memory_space<hbm>>
      %dma_wait3A_85 = arith.constant 0 : i32
      %dma_wait3A_86 = tpu.memref_slice %arg5[%mul3A_18, %dma_wait3A_85] : memref<8192x128xf32, #tpu.memory_space<hbm>> -> memref<128x128xf32, #tpu.memory_space<hbm>>
      tpu.wait_dma2 semaphore(%run_scoped3A : memref<!tpu.dma_semaphore, #tpu.memory_space<semaphore_mem>>) src(%arg8 : memref<128x128xf32, #tpu.memory_space<vmem>>) dst(%dma_wait3A_86 : memref<128x128xf32, #tpu.memory_space<hbm>>)
      tpu.yield
    }) : () -> ()
    %mul3A_19 = arith.constant 2 : i32
    %mul3A_20 = arith.muli %add3A, %mul3A_19 : i32
    %add3A_21 = arith.constant 1 : i32
    %add3A_22 = arith.addi %mul3A_20, %add3A_21 : i32
    %dma_start3A_23 = arith.constant 1 : i32
    %dma_start3A_24 = arith.constant 0 : i32
    %dma_start3A_25 = tpu.memref_slice %arg7[%dma_start3A_23, %dma_start3A_24] : memref<2x128xi32, #tpu.memory_space<vmem>> -> memref<1x128xi32, #tpu.memory_space<vmem>>
    %dma_start3A_26 = tpu.memref_squeeze %dma_start3A_25 : memref<1x128xi32, #tpu.memory_space<vmem>> -> memref<128xi32, #tpu.memory_space<vmem>>
    %dma_start3A_27 = arith.constant 0 : i32
    %dma_start3A_28 = arith.constant 0 : i32
    %dma_start3A_29 = tpu.memref_slice %arg2[%dma_start3A_27, %dma_start3A_28] : memref<10240x128xf32, #tpu.memory_space<hbm>> -> memref<10240x128xf32, #tpu.memory_space<hbm>>
    tpu.enqueue_indirect_dma source(%dma_start3A_29 : memref<10240x128xf32, #tpu.memory_space<hbm>>) target(%arg8 : memref<128x128xf32, #tpu.memory_space<vmem>>) offsets(%dma_start3A_26 : memref<128xi32, #tpu.memory_space<vmem>>) semaphore(%arg9 : memref<!tpu.dma_semaphore, #tpu.memory_space<semaphore_mem>>)
    %dma_wait3A_30 = arith.constant 1 : i32
    %dma_wait3A_31 = arith.constant 0 : i32
    %dma_wait3A_32 = tpu.memref_slice %arg7[%dma_wait3A_30, %dma_wait3A_31] : memref<2x128xi32, #tpu.memory_space<vmem>> -> memref<1x128xi32, #tpu.memory_space<vmem>>
    %dma_wait3A_33 = tpu.memref_squeeze %dma_wait3A_32 : memref<1x128xi32, #tpu.memory_space<vmem>> -> memref<128xi32, #tpu.memory_space<vmem>>
    %dma_wait3A_34 = arith.constant 0 : i32
    %dma_wait3A_35 = arith.constant 0 : i32
    %dma_wait3A_36 = tpu.memref_slice %arg2[%dma_wait3A_34, %dma_wait3A_35] : memref<10240x128xf32, #tpu.memory_space<hbm>> -> memref<10240x128xf32, #tpu.memory_space<hbm>>
    tpu.wait_indirect_dma semaphore(%arg9 : memref<!tpu.dma_semaphore, #tpu.memory_space<semaphore_mem>>) src(%dma_wait3A_36 : memref<10240x128xf32, #tpu.memory_space<hbm>>) dst(%arg8 : memref<128x128xf32, #tpu.memory_space<vmem>>)
    %mul3A_37 = arith.constant 128 : i32
    %mul3A_38 = arith.muli %add3A_22, %mul3A_37 : i32
    "tpu.region"() ({
      %run_scoped3A = tpu.sem_alloc : memref<!tpu.dma_semaphore, #tpu.memory_space<semaphore_mem>>
      %dma_start3A_79 = arith.constant 0 : i32
      %dma_start3A_80 = tpu.memref_slice %arg5[%mul3A_38, %dma_start3A_79] : memref<8192x128xf32, #tpu.memory_space<hbm>> -> memref<128x128xf32, #tpu.memory_space<hbm>>
      %dma_start3A_81 = arith.constant 0 : i32
      %dma_start3A_82 = tpu.memref_slice %arg5[%mul3A_38, %dma_start3A_81] : memref<8192x128xf32, #tpu.memory_space<hbm>> -> memref<128x128xf32, #tpu.memory_space<hbm>>
      tpu.enqueue_dma source(%arg8 : memref<128x128xf32, #tpu.memory_space<vmem>>) target(%dma_start3A_82 : memref<128x128xf32, #tpu.memory_space<hbm>>) target_semaphore(%run_scoped3A : memref<!tpu.dma_semaphore, #tpu.memory_space<semaphore_mem>>)
      %dma_wait3A_83 = arith.constant 0 : i32
      %dma_wait3A_84 = tpu.memref_slice %arg5[%mul3A_38, %dma_wait3A_83] : memref<8192x128xf32, #tpu.memory_space<hbm>> -> memref<128x128xf32, #tpu.memory_space<hbm>>
      %dma_wait3A_85 = arith.constant 0 : i32
      %dma_wait3A_86 = tpu.memref_slice %arg5[%mul3A_38, %dma_wait3A_85] : memref<8192x128xf32, #tpu.memory_space<hbm>> -> memref<128x128xf32, #tpu.memory_space<hbm>>
      tpu.wait_dma2 semaphore(%run_scoped3A : memref<!tpu.dma_semaphore, #tpu.memory_space<semaphore_mem>>) src(%arg8 : memref<128x128xf32, #tpu.memory_space<vmem>>) dst(%dma_wait3A_86 : memref<128x128xf32, #tpu.memory_space<hbm>>)
      tpu.yield
    }) : () -> ()
    "tpu.region"() ({
      %run_scoped3A = tpu.sem_alloc : memref<!tpu.dma_semaphore, #tpu.memory_space<semaphore_mem>>
      %dma_start3A_79 = arith.constant 0 : i32
      %dma_start3A_80 = arith.constant 0 : i32
      %dma_start3A_81 = tpu.memref_slice %arg4[%add3A, %dma_start3A_79, %dma_start3A_80] : memref<32x2x128xi32, #tpu.memory_space<hbm>> -> memref<1x2x128xi32, #tpu.memory_space<hbm>>
      %dma_start3A_82 = tpu.memref_squeeze %dma_start3A_81 : memref<1x2x128xi32, #tpu.memory_space<hbm>> -> memref<2x128xi32, #tpu.memory_space<hbm>>
      %dma_start3A_83 = arith.constant 0 : i32
      %dma_start3A_84 = arith.constant 0 : i32
      %dma_start3A_85 = tpu.memref_slice %arg4[%add3A, %dma_start3A_83, %dma_start3A_84] : memref<32x2x128xi32, #tpu.memory_space<hbm>> -> memref<1x2x128xi32, #tpu.memory_space<hbm>>
      %dma_start3A_86 = tpu.memref_squeeze %dma_start3A_85 : memref<1x2x128xi32, #tpu.memory_space<hbm>> -> memref<2x128xi32, #tpu.memory_space<hbm>>
      tpu.enqueue_dma source(%dma_start3A_86 : memref<2x128xi32, #tpu.memory_space<hbm>>) target(%arg7 : memref<2x128xi32, #tpu.memory_space<vmem>>) target_semaphore(%run_scoped3A : memref<!tpu.dma_semaphore, #tpu.memory_space<semaphore_mem>>)
      %dma_wait3A_87 = arith.constant 0 : i32
      %dma_wait3A_88 = arith.constant 0 : i32
      %dma_wait3A_89 = tpu.memref_slice %arg4[%add3A, %dma_wait3A_87, %dma_wait3A_88] : memref<32x2x128xi32, #tpu.memory_space<hbm>> -> memref<1x2x128xi32, #tpu.memory_space<hbm>>
      %dma_wait3A_90 = tpu.memref_squeeze %dma_wait3A_89 : memref<1x2x128xi32, #tpu.memory_space<hbm>> -> memref<2x128xi32, #tpu.memory_space<hbm>>
      %dma_wait3A_91 = arith.constant 0 : i32
      %dma_wait3A_92 = arith.constant 0 : i32
      %dma_wait3A_93 = tpu.memref_slice %arg4[%add3A, %dma_wait3A_91, %dma_wait3A_92] : memref<32x2x128xi32, #tpu.memory_space<hbm>> -> memref<1x2x128xi32, #tpu.memory_space<hbm>>
      %dma_wait3A_94 = tpu.memref_squeeze %dma_wait3A_93 : memref<1x2x128xi32, #tpu.memory_space<hbm>> -> memref<2x128xi32, #tpu.memory_space<hbm>>
      tpu.wait_dma2 semaphore(%run_scoped3A : memref<!tpu.dma_semaphore, #tpu.memory_space<semaphore_mem>>) src(%dma_wait3A_94 : memref<2x128xi32, #tpu.memory_space<hbm>>) dst(%arg7 : memref<2x128xi32, #tpu.memory_space<vmem>>)
      tpu.yield
    }) : () -> ()
    %mul3A_39 = arith.constant 2 : i32
    %mul3A_40 = arith.muli %add3A, %mul3A_39 : i32
    %add3A_41 = arith.constant 0 : i32
    %add3A_42 = arith.addi %mul3A_40, %add3A_41 : i32
    %dma_start3A_43 = arith.constant 0 : i32
    %dma_start3A_44 = arith.constant 0 : i32
    %dma_start3A_45 = tpu.memref_slice %arg7[%dma_start3A_43, %dma_start3A_44] : memref<2x128xi32, #tpu.memory_space<vmem>> -> memref<1x128xi32, #tpu.memory_space<vmem>>
    %dma_start3A_46 = tpu.memref_squeeze %dma_start3A_45 : memref<1x128xi32, #tpu.memory_space<vmem>> -> memref<128xi32, #tpu.memory_space<vmem>>
    %dma_start3A_47 = arith.constant 0 : i32
    %dma_start3A_48 = arith.constant 0 : i32
    %dma_start3A_49 = tpu.memref_slice %arg2[%dma_start3A_47, %dma_start3A_48] : memref<10240x128xf32, #tpu.memory_space<hbm>> -> memref<10240x128xf32, #tpu.memory_space<hbm>>
    tpu.enqueue_indirect_dma source(%dma_start3A_49 : memref<10240x128xf32, #tpu.memory_space<hbm>>) target(%arg8 : memref<128x128xf32, #tpu.memory_space<vmem>>) offsets(%dma_start3A_46 : memref<128xi32, #tpu.memory_space<vmem>>) semaphore(%arg9 : memref<!tpu.dma_semaphore, #tpu.memory_space<semaphore_mem>>)
    %dma_wait3A_50 = arith.constant 0 : i32
    %dma_wait3A_51 = arith.constant 0 : i32
    %dma_wait3A_52 = tpu.memref_slice %arg7[%dma_wait3A_50, %dma_wait3A_51] : memref<2x128xi32, #tpu.memory_space<vmem>> -> memref<1x128xi32, #tpu.memory_space<vmem>>
    %dma_wait3A_53 = tpu.memref_squeeze %dma_wait3A_52 : memref<1x128xi32, #tpu.memory_space<vmem>> -> memref<128xi32, #tpu.memory_space<vmem>>
    %dma_wait3A_54 = arith.constant 0 : i32
    %dma_wait3A_55 = arith.constant 0 : i32
    %dma_wait3A_56 = tpu.memref_slice %arg2[%dma_wait3A_54, %dma_wait3A_55] : memref<10240x128xf32, #tpu.memory_space<hbm>> -> memref<10240x128xf32, #tpu.memory_space<hbm>>
    tpu.wait_indirect_dma semaphore(%arg9 : memref<!tpu.dma_semaphore, #tpu.memory_space<semaphore_mem>>) src(%dma_wait3A_56 : memref<10240x128xf32, #tpu.memory_space<hbm>>) dst(%arg8 : memref<128x128xf32, #tpu.memory_space<vmem>>)
    %mul3A_57 = arith.constant 128 : i32
    %mul3A_58 = arith.muli %add3A_42, %mul3A_57 : i32
    "tpu.region"() ({
      %run_scoped3A = tpu.sem_alloc : memref<!tpu.dma_semaphore, #tpu.memory_space<semaphore_mem>>
      %dma_start3A_79 = arith.constant 0 : i32
      %dma_start3A_80 = tpu.memref_slice %arg6[%mul3A_58, %dma_start3A_79] : memref<8192x128xf32, #tpu.memory_space<hbm>> -> memref<128x128xf32, #tpu.memory_space<hbm>>
      %dma_start3A_81 = arith.constant 0 : i32
      %dma_start3A_82 = tpu.memref_slice %arg6[%mul3A_58, %dma_start3A_81] : memref<8192x128xf32, #tpu.memory_space<hbm>> -> memref<128x128xf32, #tpu.memory_space<hbm>>
      tpu.enqueue_dma source(%arg8 : memref<128x128xf32, #tpu.memory_space<vmem>>) target(%dma_start3A_82 : memref<128x128xf32, #tpu.memory_space<hbm>>) target_semaphore(%run_scoped3A : memref<!tpu.dma_semaphore, #tpu.memory_space<semaphore_mem>>)
      %dma_wait3A_83 = arith.constant 0 : i32
      %dma_wait3A_84 = tpu.memref_slice %arg6[%mul3A_58, %dma_wait3A_83] : memref<8192x128xf32, #tpu.memory_space<hbm>> -> memref<128x128xf32, #tpu.memory_space<hbm>>
      %dma_wait3A_85 = arith.constant 0 : i32
      %dma_wait3A_86 = tpu.memref_slice %arg6[%mul3A_58, %dma_wait3A_85] : memref<8192x128xf32, #tpu.memory_space<hbm>> -> memref<128x128xf32, #tpu.memory_space<hbm>>
      tpu.wait_dma2 semaphore(%run_scoped3A : memref<!tpu.dma_semaphore, #tpu.memory_space<semaphore_mem>>) src(%arg8 : memref<128x128xf32, #tpu.memory_space<vmem>>) dst(%dma_wait3A_86 : memref<128x128xf32, #tpu.memory_space<hbm>>)
      tpu.yield
    }) : () -> ()
    %mul3A_59 = arith.constant 2 : i32
    %mul3A_60 = arith.muli %add3A, %mul3A_59 : i32
    %add3A_61 = arith.constant 1 : i32
    %add3A_62 = arith.addi %mul3A_60, %add3A_61 : i32
    %dma_start3A_63 = arith.constant 1 : i32
    %dma_start3A_64 = arith.constant 0 : i32
    %dma_start3A_65 = tpu.memref_slice %arg7[%dma_start3A_63, %dma_start3A_64] : memref<2x128xi32, #tpu.memory_space<vmem>> -> memref<1x128xi32, #tpu.memory_space<vmem>>
    %dma_start3A_66 = tpu.memref_squeeze %dma_start3A_65 : memref<1x128xi32, #tpu.memory_space<vmem>> -> memref<128xi32, #tpu.memory_space<vmem>>
    %dma_start3A_67 = arith.constant 0 : i32
    %dma_start3A_68 = arith.constant 0 : i32
    %dma_start3A_69 = tpu.memref_slice %arg2[%dma_start3A_67, %dma_start3A_68] : memref<10240x128xf32, #tpu.memory_space<hbm>> -> memref<10240x128xf32, #tpu.memory_space<hbm>>
    tpu.enqueue_indirect_dma source(%dma_start3A_69 : memref<10240x128xf32, #tpu.memory_space<hbm>>) target(%arg8 : memref<128x128xf32, #tpu.memory_space<vmem>>) offsets(%dma_start3A_66 : memref<128xi32, #tpu.memory_space<vmem>>) semaphore(%arg9 : memref<!tpu.dma_semaphore, #tpu.memory_space<semaphore_mem>>)
    %dma_wait3A_70 = arith.constant 1 : i32
    %dma_wait3A_71 = arith.constant 0 : i32
    %dma_wait3A_72 = tpu.memref_slice %arg7[%dma_wait3A_70, %dma_wait3A_71] : memref<2x128xi32, #tpu.memory_space<vmem>> -> memref<1x128xi32, #tpu.memory_space<vmem>>
    %dma_wait3A_73 = tpu.memref_squeeze %dma_wait3A_72 : memref<1x128xi32, #tpu.memory_space<vmem>> -> memref<128xi32, #tpu.memory_space<vmem>>
    %dma_wait3A_74 = arith.constant 0 : i32
    %dma_wait3A_75 = arith.constant 0 : i32
    %dma_wait3A_76 = tpu.memref_slice %arg2[%dma_wait3A_74, %dma_wait3A_75] : memref<10240x128xf32, #tpu.memory_space<hbm>> -> memref<10240x128xf32, #tpu.memory_space<hbm>>
    tpu.wait_indirect_dma semaphore(%arg9 : memref<!tpu.dma_semaphore, #tpu.memory_space<semaphore_mem>>) src(%dma_wait3A_76 : memref<10240x128xf32, #tpu.memory_space<hbm>>) dst(%arg8 : memref<128x128xf32, #tpu.memory_space<vmem>>)
    %mul3A_77 = arith.constant 128 : i32
    %mul3A_78 = arith.muli %add3A_62, %mul3A_77 : i32
    "tpu.region"() ({
      %run_scoped3A = tpu.sem_alloc : memref<!tpu.dma_semaphore, #tpu.memory_space<semaphore_mem>>
      %dma_start3A_79 = arith.constant 0 : i32
      %dma_start3A_80 = tpu.memref_slice %arg6[%mul3A_78, %dma_start3A_79] : memref<8192x128xf32, #tpu.memory_space<hbm>> -> memref<128x128xf32, #tpu.memory_space<hbm>>
      %dma_start3A_81 = arith.constant 0 : i32
      %dma_start3A_82 = tpu.memref_slice %arg6[%mul3A_78, %dma_start3A_81] : memref<8192x128xf32, #tpu.memory_space<hbm>> -> memref<128x128xf32, #tpu.memory_space<hbm>>
      tpu.enqueue_dma source(%arg8 : memref<128x128xf32, #tpu.memory_space<vmem>>) target(%dma_start3A_82 : memref<128x128xf32, #tpu.memory_space<hbm>>) target_semaphore(%run_scoped3A : memref<!tpu.dma_semaphore, #tpu.memory_space<semaphore_mem>>)
      %dma_wait3A_83 = arith.constant 0 : i32
      %dma_wait3A_84 = tpu.memref_slice %arg6[%mul3A_78, %dma_wait3A_83] : memref<8192x128xf32, #tpu.memory_space<hbm>> -> memref<128x128xf32, #tpu.memory_space<hbm>>
      %dma_wait3A_85 = arith.constant 0 : i32
      %dma_wait3A_86 = tpu.memref_slice %arg6[%mul3A_78, %dma_wait3A_85] : memref<8192x128xf32, #tpu.memory_space<hbm>> -> memref<128x128xf32, #tpu.memory_space<hbm>>
      tpu.wait_dma2 semaphore(%run_scoped3A : memref<!tpu.dma_semaphore, #tpu.memory_space<semaphore_mem>>) src(%arg8 : memref<128x128xf32, #tpu.memory_space<vmem>>) dst(%dma_wait3A_86 : memref<128x128xf32, #tpu.memory_space<hbm>>)
      tpu.yield
    }) : () -> ()
    return
  }
}

#map = affine_map<(d0, d1) -> (0, 0, 0, 0)>
#map1 = affine_map<(d0, d1) -> (0, 0, 0)>
#map2 = affine_map<(d0, d1) -> (0, 0, 0, 0, 0)>
module attributes {stable_mosaic.version = 14 : i64} {
  func.func @_sc_propagate_body(%arg0: i32, %arg1: i32, %arg2: memref<3x1x10240x64xi32, #tpu.memory_space<hbm>>, %arg3: memref<32x50x64xi32, #tpu.memory_space<hbm>>, %arg4: memref<32x50x64xi32, #tpu.memory_space<hbm>>, %arg5: memref<32x50x64xi32, #tpu.memory_space<hbm>>, %arg6: memref<32x50x64xi32, #tpu.memory_space<hbm>>, %arg7: memref<32x50x64xi32, #tpu.memory_space<hbm>>, %arg8: memref<32x50x64xi32, #tpu.memory_space<hbm>>, %arg9: memref<2x3x1x10240x128xf32, #tpu.memory_space<hbm>>, %arg10: memref<50x64xi32, #tpu.memory_space<vmem>>, %arg11: memref<50x64xi32, #tpu.memory_space<vmem>>, %arg12: memref<4x64x64xi32, #tpu.memory_space<vmem>>, %arg13: memref<2x64x128xf32, #tpu.memory_space<vmem>>, %arg14: memref<64x128xf32, #tpu.memory_space<vmem>>, %arg15: memref<10240x128xf32, #tpu.memory_space<vmem_shared>>, %arg16: memref<!tpu.dma_semaphore, #tpu.memory_space<semaphore_mem>>, %arg17: memref<!tpu.dma_semaphore, #tpu.memory_space<semaphore_mem>>) attributes {dimension_semantics = [#tpu.dimension_semantics<core_parallel>, #tpu.dimension_semantics<subcore_parallel>], iteration_bounds = array<i64: 2, 16>, scalar_prefetch = 0 : i64, scratch_operands = 8 : i64, tpu.core_type = #tpu.core_type<sc_vector_subcore>, window_params = [{transform_indices = #map}, {transform_indices = #map1}, {transform_indices = #map1}, {transform_indices = #map1}, {transform_indices = #map1}, {transform_indices = #map1}, {transform_indices = #map1}, {transform_indices = #map2}]} {
    %mul3A = arith.constant 2 : i32
    %mul3A_0 = arith.muli %arg1, %mul3A : i32
    %add3A = arith.addi %mul3A_0, %arg0 : i32
    %broadcast_in_dim3A = arith.constant 0.000000e+00 : f32
    %broadcast_in_dim3A_1 = vector.broadcast %broadcast_in_dim3A : f32 to vector<16xf32>
    %scan3A = arith.constant 0 : i32
    %scan3A_2 = arith.constant 0 : i32
    %scan3A_3 = arith.constant 64 : i32
    %scan3A_4 = arith.addi %scan3A_2, %scan3A_3 : i32
    %scan3A_5 = arith.constant 1 : i32
    %scan3A_6 = scf.for %scan3A_310 = %scan3A_2 to %scan3A_4 step %scan3A_5 iter_args(%scan3A_311 = %scan3A) -> (i32)  : i32 {
      %swap3A = arith.index_cast %scan3A_310 : i32 to index
      %swap3A_312 = arith.constant 0 : index
      %swap3A_313 = tpu.vector_load %arg14[%swap3A, %swap3A_312] {strides = array<i32>} : memref<64x128xf32, #tpu.memory_space<vmem>>, vector<16xf32>,
      tpu.vector_store %arg14[%swap3A, %swap3A_312], %broadcast_in_dim3A_1 {strides = array<i32>} : memref<64x128xf32, #tpu.memory_space<vmem>>, vector<16xf32>,
      %swap3A_314 = arith.index_cast %scan3A_310 : i32 to index
      %swap3A_315 = arith.constant 16 : index
      %swap3A_316 = tpu.vector_load %arg14[%swap3A_314, %swap3A_315] {strides = array<i32>} : memref<64x128xf32, #tpu.memory_space<vmem>>, vector<16xf32>,
      tpu.vector_store %arg14[%swap3A_314, %swap3A_315], %broadcast_in_dim3A_1 {strides = array<i32>} : memref<64x128xf32, #tpu.memory_space<vmem>>, vector<16xf32>,
      %swap3A_317 = arith.index_cast %scan3A_310 : i32 to index
      %swap3A_318 = arith.constant 32 : index
      %swap3A_319 = tpu.vector_load %arg14[%swap3A_317, %swap3A_318] {strides = array<i32>} : memref<64x128xf32, #tpu.memory_space<vmem>>, vector<16xf32>,
      tpu.vector_store %arg14[%swap3A_317, %swap3A_318], %broadcast_in_dim3A_1 {strides = array<i32>} : memref<64x128xf32, #tpu.memory_space<vmem>>, vector<16xf32>,
      %swap3A_320 = arith.index_cast %scan3A_310 : i32 to index
      %swap3A_321 = arith.constant 48 : index
      %swap3A_322 = tpu.vector_load %arg14[%swap3A_320, %swap3A_321] {strides = array<i32>} : memref<64x128xf32, #tpu.memory_space<vmem>>, vector<16xf32>,
      tpu.vector_store %arg14[%swap3A_320, %swap3A_321], %broadcast_in_dim3A_1 {strides = array<i32>} : memref<64x128xf32, #tpu.memory_space<vmem>>, vector<16xf32>,
      %swap3A_323 = arith.index_cast %scan3A_310 : i32 to index
      %swap3A_324 = arith.constant 64 : index
      %swap3A_325 = tpu.vector_load %arg14[%swap3A_323, %swap3A_324] {strides = array<i32>} : memref<64x128xf32, #tpu.memory_space<vmem>>, vector<16xf32>,
      tpu.vector_store %arg14[%swap3A_323, %swap3A_324], %broadcast_in_dim3A_1 {strides = array<i32>} : memref<64x128xf32, #tpu.memory_space<vmem>>, vector<16xf32>,
      %swap3A_326 = arith.index_cast %scan3A_310 : i32 to index
      %swap3A_327 = arith.constant 80 : index
      %swap3A_328 = tpu.vector_load %arg14[%swap3A_326, %swap3A_327] {strides = array<i32>} : memref<64x128xf32, #tpu.memory_space<vmem>>, vector<16xf32>,
      tpu.vector_store %arg14[%swap3A_326, %swap3A_327], %broadcast_in_dim3A_1 {strides = array<i32>} : memref<64x128xf32, #tpu.memory_space<vmem>>, vector<16xf32>,
      %swap3A_329 = arith.index_cast %scan3A_310 : i32 to index
      %swap3A_330 = arith.constant 96 : index
      %swap3A_331 = tpu.vector_load %arg14[%swap3A_329, %swap3A_330] {strides = array<i32>} : memref<64x128xf32, #tpu.memory_space<vmem>>, vector<16xf32>,
      tpu.vector_store %arg14[%swap3A_329, %swap3A_330], %broadcast_in_dim3A_1 {strides = array<i32>} : memref<64x128xf32, #tpu.memory_space<vmem>>, vector<16xf32>,
      %swap3A_332 = arith.index_cast %scan3A_310 : i32 to index
      %swap3A_333 = arith.constant 112 : index
      %swap3A_334 = tpu.vector_load %arg14[%swap3A_332, %swap3A_333] {strides = array<i32>} : memref<64x128xf32, #tpu.memory_space<vmem>>, vector<16xf32>,
      tpu.vector_store %arg14[%swap3A_332, %swap3A_333], %broadcast_in_dim3A_1 {strides = array<i32>} : memref<64x128xf32, #tpu.memory_space<vmem>>, vector<16xf32>,
      %scan3A_335 = arith.constant 0 : i32
      scf.yield %scan3A_335 : i32
    }
    %scan3A_7 = arith.constant 64 : i32
    "tpu.region"() ({
      %run_scoped3A_310 = tpu.sem_alloc : memref<!tpu.dma_semaphore, #tpu.memory_space<semaphore_mem>>
      %dma_start3A_311 = arith.constant 0 : i32
      %dma_start3A_312 = arith.constant 0 : i32
      %dma_start3A_313 = tpu.memref_slice %arg3[%add3A, %dma_start3A_311, %dma_start3A_312] : memref<32x50x64xi32, #tpu.memory_space<hbm>> -> memref<1x50x64xi32, #tpu.memory_space<hbm>>
      %dma_start3A_314 = tpu.memref_squeeze %dma_start3A_313 : memref<1x50x64xi32, #tpu.memory_space<hbm>> -> memref<50x64xi32, #tpu.memory_space<hbm>>
      %dma_start3A_315 = arith.constant 0 : i32
      %dma_start3A_316 = arith.constant 0 : i32
      %dma_start3A_317 = tpu.memref_slice %arg3[%add3A, %dma_start3A_315, %dma_start3A_316] : memref<32x50x64xi32, #tpu.memory_space<hbm>> -> memref<1x50x64xi32, #tpu.memory_space<hbm>>
      %dma_start3A_318 = tpu.memref_squeeze %dma_start3A_317 : memref<1x50x64xi32, #tpu.memory_space<hbm>> -> memref<50x64xi32, #tpu.memory_space<hbm>>
      tpu.enqueue_dma source(%dma_start3A_318 : memref<50x64xi32, #tpu.memory_space<hbm>>) target(%arg10 : memref<50x64xi32, #tpu.memory_space<vmem>>) target_semaphore(%run_scoped3A_310 : memref<!tpu.dma_semaphore, #tpu.memory_space<semaphore_mem>>)
      %dma_wait3A_319 = arith.constant 0 : i32
      %dma_wait3A_320 = arith.constant 0 : i32
      %dma_wait3A_321 = tpu.memref_slice %arg3[%add3A, %dma_wait3A_319, %dma_wait3A_320] : memref<32x50x64xi32, #tpu.memory_space<hbm>> -> memref<1x50x64xi32, #tpu.memory_space<hbm>>
      %dma_wait3A_322 = tpu.memref_squeeze %dma_wait3A_321 : memref<1x50x64xi32, #tpu.memory_space<hbm>> -> memref<50x64xi32, #tpu.memory_space<hbm>>
      %dma_wait3A_323 = arith.constant 0 : i32
      %dma_wait3A_324 = arith.constant 0 : i32
      %dma_wait3A_325 = tpu.memref_slice %arg3[%add3A, %dma_wait3A_323, %dma_wait3A_324] : memref<32x50x64xi32, #tpu.memory_space<hbm>> -> memref<1x50x64xi32, #tpu.memory_space<hbm>>
      %dma_wait3A_326 = tpu.memref_squeeze %dma_wait3A_325 : memref<1x50x64xi32, #tpu.memory_space<hbm>> -> memref<50x64xi32, #tpu.memory_space<hbm>>
      tpu.wait_dma2 semaphore(%run_scoped3A_310 : memref<!tpu.dma_semaphore, #tpu.memory_space<semaphore_mem>>) src(%dma_wait3A_326 : memref<50x64xi32, #tpu.memory_space<hbm>>) dst(%arg10 : memref<50x64xi32, #tpu.memory_space<vmem>>)
      tpu.yield
    }) : () -> ()
    "tpu.region"() ({
      %run_scoped3A_310 = tpu.sem_alloc : memref<!tpu.dma_semaphore, #tpu.memory_space<semaphore_mem>>
      %dma_start3A_311 = arith.constant 0 : i32
      %dma_start3A_312 = arith.constant 0 : i32
      %dma_start3A_313 = tpu.memref_slice %arg6[%add3A, %dma_start3A_311, %dma_start3A_312] : memref<32x50x64xi32, #tpu.memory_space<hbm>> -> memref<1x50x64xi32, #tpu.memory_space<hbm>>
      %dma_start3A_314 = tpu.memref_squeeze %dma_start3A_313 : memref<1x50x64xi32, #tpu.memory_space<hbm>> -> memref<50x64xi32, #tpu.memory_space<hbm>>
      %dma_start3A_315 = arith.constant 0 : i32
      %dma_start3A_316 = arith.constant 0 : i32
      %dma_start3A_317 = tpu.memref_slice %arg6[%add3A, %dma_start3A_315, %dma_start3A_316] : memref<32x50x64xi32, #tpu.memory_space<hbm>> -> memref<1x50x64xi32, #tpu.memory_space<hbm>>
      %dma_start3A_318 = tpu.memref_squeeze %dma_start3A_317 : memref<1x50x64xi32, #tpu.memory_space<hbm>> -> memref<50x64xi32, #tpu.memory_space<hbm>>
      tpu.enqueue_dma source(%dma_start3A_318 : memref<50x64xi32, #tpu.memory_space<hbm>>) target(%arg11 : memref<50x64xi32, #tpu.memory_space<vmem>>) target_semaphore(%run_scoped3A_310 : memref<!tpu.dma_semaphore, #tpu.memory_space<semaphore_mem>>)
      %dma_wait3A_319 = arith.constant 0 : i32
      %dma_wait3A_320 = arith.constant 0 : i32
      %dma_wait3A_321 = tpu.memref_slice %arg6[%add3A, %dma_wait3A_319, %dma_wait3A_320] : memref<32x50x64xi32, #tpu.memory_space<hbm>> -> memref<1x50x64xi32, #tpu.memory_space<hbm>>
      %dma_wait3A_322 = tpu.memref_squeeze %dma_wait3A_321 : memref<1x50x64xi32, #tpu.memory_space<hbm>> -> memref<50x64xi32, #tpu.memory_space<hbm>>
      %dma_wait3A_323 = arith.constant 0 : i32
      %dma_wait3A_324 = arith.constant 0 : i32
      %dma_wait3A_325 = tpu.memref_slice %arg6[%add3A, %dma_wait3A_323, %dma_wait3A_324] : memref<32x50x64xi32, #tpu.memory_space<hbm>> -> memref<1x50x64xi32, #tpu.memory_space<hbm>>
      %dma_wait3A_326 = tpu.memref_squeeze %dma_wait3A_325 : memref<1x50x64xi32, #tpu.memory_space<hbm>> -> memref<50x64xi32, #tpu.memory_space<hbm>>
      tpu.wait_dma2 semaphore(%run_scoped3A_310 : memref<!tpu.dma_semaphore, #tpu.memory_space<semaphore_mem>>) src(%dma_wait3A_326 : memref<50x64xi32, #tpu.memory_space<hbm>>) dst(%arg11 : memref<50x64xi32, #tpu.memory_space<vmem>>)
      tpu.yield
    }) : () -> ()
    %scan3A_8 = arith.constant 0 : i32
    %scan3A_9 = arith.constant 0 : i32
    %scan3A_10 = arith.constant 10 : i32
    %scan3A_11 = arith.addi %scan3A_9, %scan3A_10 : i32
    %scan3A_12 = arith.constant 1 : i32
    %scan3A_13 = scf.for %scan3A_310 = %scan3A_9 to %scan3A_11 step %scan3A_12 iter_args(%scan3A_311 = %scan3A_8) -> (i32)  : i32 {
      %mul3A_312 = arith.constant 640 : i32
      %mul3A_313 = arith.muli %arg1, %mul3A_312 : i32
      %mul3A_314 = arith.constant 64 : i32
      %mul3A_315 = arith.muli %scan3A_310, %mul3A_314 : i32
      %add3A_316 = arith.addi %mul3A_313, %mul3A_315 : i32
      "tpu.region"() ({
        %run_scoped3A_318 = tpu.sem_alloc : memref<!tpu.dma_semaphore, #tpu.memory_space<semaphore_mem>>
        %dma_start3A_319 = arith.constant 0 : i32
        %dma_start3A_320 = tpu.memref_slice %arg15[%add3A_316, %dma_start3A_319] : memref<10240x128xf32, #tpu.memory_space<vmem_shared>> -> memref<64x128xf32, #tpu.memory_space<vmem_shared>>
        %dma_start3A_321 = arith.constant 0 : i32
        %dma_start3A_322 = tpu.memref_slice %arg15[%add3A_316, %dma_start3A_321] : memref<10240x128xf32, #tpu.memory_space<vmem_shared>> -> memref<64x128xf32, #tpu.memory_space<vmem_shared>>
        tpu.enqueue_dma source(%arg14 : memref<64x128xf32, #tpu.memory_space<vmem>>) target(%dma_start3A_322 : memref<64x128xf32, #tpu.memory_space<vmem_shared>>) target_semaphore(%run_scoped3A_318 : memref<!tpu.dma_semaphore, #tpu.memory_space<semaphore_mem>>)
        %dma_wait3A_323 = arith.constant 0 : i32
        %dma_wait3A_324 = tpu.memref_slice %arg15[%add3A_316, %dma_wait3A_323] : memref<10240x128xf32, #tpu.memory_space<vmem_shared>> -> memref<64x128xf32, #tpu.memory_space<vmem_shared>>
        %dma_wait3A_325 = arith.constant 0 : i32
        %dma_wait3A_326 = tpu.memref_slice %arg15[%add3A_316, %dma_wait3A_325] : memref<10240x128xf32, #tpu.memory_space<vmem_shared>> -> memref<64x128xf32, #tpu.memory_space<vmem_shared>>
        tpu.wait_dma2 semaphore(%run_scoped3A_318 : memref<!tpu.dma_semaphore, #tpu.memory_space<semaphore_mem>>) src(%arg14 : memref<64x128xf32, #tpu.memory_space<vmem>>) dst(%dma_wait3A_326 : memref<64x128xf32, #tpu.memory_space<vmem_shared>>)
        tpu.yield
      }) : () -> ()
      %scan3A_317 = arith.constant 0 : i32
      scf.yield %scan3A_317 : i32
    }
    %scan3A_14 = arith.constant 10 : i32
    %barrier3A = arith.constant 0 : index
    tpu.barrier barrier_id(%barrier3A)
    %dma_start3A = arith.constant 0 : i32
    %dma_start3A_15 = arith.constant 0 : i32
    %dma_start3A_16 = arith.constant 0 : i32
    %dma_start3A_17 = arith.constant 0 : i32
    %dma_start3A_18 = arith.constant 0 : i32
    %dma_start3A_19 = arith.constant 0 : i32
    %dma_start3A_20 = tpu.memref_slice %arg12[%dma_start3A_17, %dma_start3A_18, %dma_start3A_19] : memref<4x64x64xi32, #tpu.memory_space<vmem>> -> memref<1x64x64xi32, #tpu.memory_space<vmem>>
    %dma_start3A_21 = tpu.memref_squeeze %dma_start3A_20 : memref<1x64x64xi32, #tpu.memory_space<vmem>> -> memref<64x64xi32, #tpu.memory_space<vmem>>
    %dma_start3A_22 = arith.constant 0 : i32
    %dma_start3A_23 = tpu.memref_slice %arg10[%dma_start3A_16, %dma_start3A_22] : memref<50x64xi32, #tpu.memory_space<vmem>> -> memref<1x64xi32, #tpu.memory_space<vmem>>
    %dma_start3A_24 = tpu.memref_squeeze %dma_start3A_23 : memref<1x64xi32, #tpu.memory_space<vmem>> -> memref<64xi32, #tpu.memory_space<vmem>>
    %dma_start3A_25 = arith.constant 0 : i32
    %dma_start3A_26 = arith.constant 0 : i32
    %dma_start3A_27 = tpu.memref_slice %arg2[%dma_start3A, %dma_start3A_15, %dma_start3A_25, %dma_start3A_26] : memref<3x1x10240x64xi32, #tpu.memory_space<hbm>> -> memref<1x1x10240x64xi32, #tpu.memory_space<hbm>>
    %dma_start3A_28 = tpu.memref_squeeze %dma_start3A_27 : memref<1x1x10240x64xi32, #tpu.memory_space<hbm>> -> memref<10240x64xi32, #tpu.memory_space<hbm>>
    %dma_start3A_29 = arith.constant 0 : i32
    %dma_start3A_30 = arith.constant 0 : i32
    %dma_start3A_31 = tpu.memref_slice %dma_start3A_28[%dma_start3A_29, %dma_start3A_30] : memref<10240x64xi32, #tpu.memory_space<hbm>> -> memref<10240x64xi32, #tpu.memory_space<hbm>>
    tpu.enqueue_indirect_dma source(%dma_start3A_31 : memref<10240x64xi32, #tpu.memory_space<hbm>>) target(%dma_start3A_21 : memref<64x64xi32, #tpu.memory_space<vmem>>) offsets(%dma_start3A_24 : memref<64xi32, #tpu.memory_space<vmem>>) semaphore(%arg16 : memref<!tpu.dma_semaphore, #tpu.memory_space<semaphore_mem>>)
    %dma_start3A_32 = arith.constant 0 : i32
    %dma_start3A_33 = arith.constant 0 : i32
    %dma_start3A_34 = arith.constant 1 : i32
    %dma_start3A_35 = arith.constant 1 : i32
    %dma_start3A_36 = arith.constant 0 : i32
    %dma_start3A_37 = arith.constant 0 : i32
    %dma_start3A_38 = tpu.memref_slice %arg12[%dma_start3A_35, %dma_start3A_36, %dma_start3A_37] : memref<4x64x64xi32, #tpu.memory_space<vmem>> -> memref<1x64x64xi32, #tpu.memory_space<vmem>>
    %dma_start3A_39 = tpu.memref_squeeze %dma_start3A_38 : memref<1x64x64xi32, #tpu.memory_space<vmem>> -> memref<64x64xi32, #tpu.memory_space<vmem>>
    %dma_start3A_40 = arith.constant 0 : i32
    %dma_start3A_41 = tpu.memref_slice %arg10[%dma_start3A_34, %dma_start3A_40] : memref<50x64xi32, #tpu.memory_space<vmem>> -> memref<1x64xi32, #tpu.memory_space<vmem>>
    %dma_start3A_42 = tpu.memref_squeeze %dma_start3A_41 : memref<1x64xi32, #tpu.memory_space<vmem>> -> memref<64xi32, #tpu.memory_space<vmem>>
    %dma_start3A_43 = arith.constant 0 : i32
    %dma_start3A_44 = arith.constant 0 : i32
    %dma_start3A_45 = tpu.memref_slice %arg2[%dma_start3A_32, %dma_start3A_33, %dma_start3A_43, %dma_start3A_44] : memref<3x1x10240x64xi32, #tpu.memory_space<hbm>> -> memref<1x1x10240x64xi32, #tpu.memory_space<hbm>>
    %dma_start3A_46 = tpu.memref_squeeze %dma_start3A_45 : memref<1x1x10240x64xi32, #tpu.memory_space<hbm>> -> memref<10240x64xi32, #tpu.memory_space<hbm>>
    %dma_start3A_47 = arith.constant 0 : i32
    %dma_start3A_48 = arith.constant 0 : i32
    %dma_start3A_49 = tpu.memref_slice %dma_start3A_46[%dma_start3A_47, %dma_start3A_48] : memref<10240x64xi32, #tpu.memory_space<hbm>> -> memref<10240x64xi32, #tpu.memory_space<hbm>>
    tpu.enqueue_indirect_dma source(%dma_start3A_49 : memref<10240x64xi32, #tpu.memory_space<hbm>>) target(%dma_start3A_39 : memref<64x64xi32, #tpu.memory_space<vmem>>) offsets(%dma_start3A_42 : memref<64xi32, #tpu.memory_space<vmem>>) semaphore(%arg16 : memref<!tpu.dma_semaphore, #tpu.memory_space<semaphore_mem>>)
    %dma_start3A_50 = arith.constant 0 : i32
    %dma_start3A_51 = arith.constant 0 : i32
    %dma_start3A_52 = arith.constant 2 : i32
    %dma_start3A_53 = arith.constant 2 : i32
    %dma_start3A_54 = arith.constant 0 : i32
    %dma_start3A_55 = arith.constant 0 : i32
    %dma_start3A_56 = tpu.memref_slice %arg12[%dma_start3A_53, %dma_start3A_54, %dma_start3A_55] : memref<4x64x64xi32, #tpu.memory_space<vmem>> -> memref<1x64x64xi32, #tpu.memory_space<vmem>>
    %dma_start3A_57 = tpu.memref_squeeze %dma_start3A_56 : memref<1x64x64xi32, #tpu.memory_space<vmem>> -> memref<64x64xi32, #tpu.memory_space<vmem>>
    %dma_start3A_58 = arith.constant 0 : i32
    %dma_start3A_59 = tpu.memref_slice %arg10[%dma_start3A_52, %dma_start3A_58] : memref<50x64xi32, #tpu.memory_space<vmem>> -> memref<1x64xi32, #tpu.memory_space<vmem>>
    %dma_start3A_60 = tpu.memref_squeeze %dma_start3A_59 : memref<1x64xi32, #tpu.memory_space<vmem>> -> memref<64xi32, #tpu.memory_space<vmem>>
    %dma_start3A_61 = arith.constant 0 : i32
    %dma_start3A_62 = arith.constant 0 : i32
    %dma_start3A_63 = tpu.memref_slice %arg2[%dma_start3A_50, %dma_start3A_51, %dma_start3A_61, %dma_start3A_62] : memref<3x1x10240x64xi32, #tpu.memory_space<hbm>> -> memref<1x1x10240x64xi32, #tpu.memory_space<hbm>>
    %dma_start3A_64 = tpu.memref_squeeze %dma_start3A_63 : memref<1x1x10240x64xi32, #tpu.memory_space<hbm>> -> memref<10240x64xi32, #tpu.memory_space<hbm>>
    %dma_start3A_65 = arith.constant 0 : i32
    %dma_start3A_66 = arith.constant 0 : i32
    %dma_start3A_67 = tpu.memref_slice %dma_start3A_64[%dma_start3A_65, %dma_start3A_66] : memref<10240x64xi32, #tpu.memory_space<hbm>> -> memref<10240x64xi32, #tpu.memory_space<hbm>>
    tpu.enqueue_indirect_dma source(%dma_start3A_67 : memref<10240x64xi32, #tpu.memory_space<hbm>>) target(%dma_start3A_57 : memref<64x64xi32, #tpu.memory_space<vmem>>) offsets(%dma_start3A_60 : memref<64xi32, #tpu.memory_space<vmem>>) semaphore(%arg16 : memref<!tpu.dma_semaphore, #tpu.memory_space<semaphore_mem>>)
    %scan3A_68 = arith.constant 0 : i32
    %scan3A_69 = arith.constant 0 : i32
    %scan3A_70 = arith.constant 0 : i32
    %scan3A_71 = arith.constant 0 : i32
    %scan3A_72 = arith.constant 50 : i32
    %scan3A_73 = arith.addi %scan3A_71, %scan3A_72 : i32
    %scan3A_74 = arith.constant 1 : i32
    %scan3A_75 = scf.for %scan3A_310 = %scan3A_71 to %scan3A_73 step %scan3A_74 iter_args(%scan3A_311 = %scan3A_70) -> (i32)  : i32 {
      %rem3A = arith.constant 2 : i32
      %rem3A_312 = arith.remsi %scan3A_310, %rem3A : i32
      %rem3A_313 = arith.constant 4 : i32
      %rem3A_314 = arith.remsi %scan3A_310, %rem3A_313 : i32
      %add3A_315 = arith.constant 3 : i32
      %add3A_316 = arith.addi %scan3A_310, %add3A_315 : i32
      %lt3A = arith.constant 50 : i32
      %lt3A_317 = arith.cmpi slt, %add3A_316, %lt3A : i32
      %convert_element_type3A = arith.extui %lt3A_317 : i1 to i32
      %cond3A = arith.constant 0 : i32
      %cond3A_318 = arith.cmpi ne, %convert_element_type3A, %cond3A : i32
      scf.if %cond3A_318 {
        %add3A_355 = arith.constant 3 : i32
        %add3A_356 = arith.addi %scan3A_310, %add3A_355 : i32
        %add3A_357 = arith.constant 3 : i32
        %add3A_358 = arith.addi %scan3A_310, %add3A_357 : i32
        %rem3A_359 = arith.constant 4 : i32
        %rem3A_360 = arith.remsi %add3A_358, %rem3A_359 : i32
        %dma_start3A_361 = arith.constant 0 : i32
        %dma_start3A_362 = arith.constant 0 : i32
        %dma_start3A_363 = tpu.memref_slice %arg12[%rem3A_360, %dma_start3A_361, %dma_start3A_362] : memref<4x64x64xi32, #tpu.memory_space<vmem>> -> memref<1x64x64xi32, #tpu.memory_space<vmem>>
        %dma_start3A_364 = tpu.memref_squeeze %dma_start3A_363 : memref<1x64x64xi32, #tpu.memory_space<vmem>> -> memref<64x64xi32, #tpu.memory_space<vmem>>
        %dma_start3A_365 = arith.constant 0 : i32
        %dma_start3A_366 = tpu.memref_slice %arg10[%add3A_356, %dma_start3A_365] : memref<50x64xi32, #tpu.memory_space<vmem>> -> memref<1x64xi32, #tpu.memory_space<vmem>>
        %dma_start3A_367 = tpu.memref_squeeze %dma_start3A_366 : memref<1x64xi32, #tpu.memory_space<vmem>> -> memref<64xi32, #tpu.memory_space<vmem>>
        %dma_start3A_368 = arith.constant 0 : i32
        %dma_start3A_369 = arith.constant 0 : i32
        %dma_start3A_370 = tpu.memref_slice %arg2[%scan3A_68, %scan3A_69, %dma_start3A_368, %dma_start3A_369] : memref<3x1x10240x64xi32, #tpu.memory_space<hbm>> -> memref<1x1x10240x64xi32, #tpu.memory_space<hbm>>
        %dma_start3A_371 = tpu.memref_squeeze %dma_start3A_370 : memref<1x1x10240x64xi32, #tpu.memory_space<hbm>> -> memref<10240x64xi32, #tpu.memory_space<hbm>>
        %dma_start3A_372 = arith.constant 0 : i32
        %dma_start3A_373 = arith.constant 0 : i32
        %dma_start3A_374 = tpu.memref_slice %dma_start3A_371[%dma_start3A_372, %dma_start3A_373] : memref<10240x64xi32, #tpu.memory_space<hbm>> -> memref<10240x64xi32, #tpu.memory_space<hbm>>
        tpu.enqueue_indirect_dma source(%dma_start3A_374 : memref<10240x64xi32, #tpu.memory_space<hbm>>) target(%dma_start3A_364 : memref<64x64xi32, #tpu.memory_space<vmem>>) offsets(%dma_start3A_367 : memref<64xi32, #tpu.memory_space<vmem>>) semaphore(%arg16 : memref<!tpu.dma_semaphore, #tpu.memory_space<semaphore_mem>>)
      } else {
      }
      %dma_wait3A_319 = arith.constant 0 : i32
      %dma_wait3A_320 = arith.constant 0 : i32
      %dma_wait3A_321 = tpu.memref_slice %arg12[%rem3A_314, %dma_wait3A_319, %dma_wait3A_320] : memref<4x64x64xi32, #tpu.memory_space<vmem>> -> memref<1x64x64xi32, #tpu.memory_space<vmem>>
      %dma_wait3A_322 = tpu.memref_squeeze %dma_wait3A_321 : memref<1x64x64xi32, #tpu.memory_space<vmem>> -> memref<64x64xi32, #tpu.memory_space<vmem>>
      %dma_wait3A_323 = arith.constant 0 : i32
      %dma_wait3A_324 = tpu.memref_slice %arg10[%scan3A_310, %dma_wait3A_323] : memref<50x64xi32, #tpu.memory_space<vmem>> -> memref<1x64xi32, #tpu.memory_space<vmem>>
      %dma_wait3A_325 = tpu.memref_squeeze %dma_wait3A_324 : memref<1x64xi32, #tpu.memory_space<vmem>> -> memref<64xi32, #tpu.memory_space<vmem>>
      %dma_wait3A_326 = arith.constant 0 : i32
      %dma_wait3A_327 = arith.constant 0 : i32
      %dma_wait3A_328 = tpu.memref_slice %arg2[%scan3A_68, %scan3A_69, %dma_wait3A_326, %dma_wait3A_327] : memref<3x1x10240x64xi32, #tpu.memory_space<hbm>> -> memref<1x1x10240x64xi32, #tpu.memory_space<hbm>>
      %dma_wait3A_329 = tpu.memref_squeeze %dma_wait3A_328 : memref<1x1x10240x64xi32, #tpu.memory_space<hbm>> -> memref<10240x64xi32, #tpu.memory_space<hbm>>
      %dma_wait3A_330 = arith.constant 0 : i32
      %dma_wait3A_331 = arith.constant 0 : i32
      %dma_wait3A_332 = tpu.memref_slice %dma_wait3A_329[%dma_wait3A_330, %dma_wait3A_331] : memref<10240x64xi32, #tpu.memory_space<hbm>> -> memref<10240x64xi32, #tpu.memory_space<hbm>>
      tpu.wait_indirect_dma semaphore(%arg16 : memref<!tpu.dma_semaphore, #tpu.memory_space<semaphore_mem>>) src(%dma_wait3A_332 : memref<10240x64xi32, #tpu.memory_space<hbm>>) dst(%dma_wait3A_322 : memref<64x64xi32, #tpu.memory_space<vmem>>)
      %ge3A = arith.constant 2 : i32
      %ge3A_333 = arith.cmpi sge, %scan3A_310, %ge3A : i32
      %convert_element_type3A_334 = arith.extui %ge3A_333 : i1 to i32
      %cond3A_335 = arith.constant 0 : i32
      %cond3A_336 = arith.cmpi ne, %convert_element_type3A_334, %cond3A_335 : i32
      scf.if %cond3A_336 {
        %sub3A = arith.constant 2 : i32
        %sub3A_355 = arith.subi %scan3A_310, %sub3A : i32
        %dma_wait3A_356 = arith.constant 0 : i32
        %dma_wait3A_357 = arith.constant 0 : i32
        %dma_wait3A_358 = tpu.memref_slice %arg13[%rem3A_312, %dma_wait3A_356, %dma_wait3A_357] : memref<2x64x128xf32, #tpu.memory_space<vmem>> -> memref<1x64x128xf32, #tpu.memory_space<vmem>>
        %dma_wait3A_359 = tpu.memref_squeeze %dma_wait3A_358 : memref<1x64x128xf32, #tpu.memory_space<vmem>> -> memref<64x128xf32, #tpu.memory_space<vmem>>
        %dma_wait3A_360 = arith.constant 0 : i32
        %dma_wait3A_361 = tpu.memref_slice %arg11[%sub3A_355, %dma_wait3A_360] : memref<50x64xi32, #tpu.memory_space<vmem>> -> memref<1x64xi32, #tpu.memory_space<vmem>>
        %dma_wait3A_362 = tpu.memref_squeeze %dma_wait3A_361 : memref<1x64xi32, #tpu.memory_space<vmem>> -> memref<64xi32, #tpu.memory_space<vmem>>
        %dma_wait3A_363 = arith.constant 0 : i32
        %dma_wait3A_364 = arith.constant 0 : i32
        %dma_wait3A_365 = tpu.memref_slice %arg15[%dma_wait3A_363, %dma_wait3A_364] : memref<10240x128xf32, #tpu.memory_space<vmem_shared>> -> memref<10240x128xf32, #tpu.memory_space<vmem_shared>>
        tpu.wait_indirect_dma semaphore(%arg17 : memref<!tpu.dma_semaphore, #tpu.memory_space<semaphore_mem>>) src(%dma_wait3A_359 : memref<64x128xf32, #tpu.memory_space<vmem>>) dst(%dma_wait3A_365 : memref<10240x128xf32, #tpu.memory_space<vmem_shared>>)
      } else {
      }
      %scan3A_337 = arith.constant 0 : i32
      %scan3A_338 = arith.constant 0 : i32
      %scan3A_339 = arith.constant 64 : i32
      %scan3A_340 = arith.addi %scan3A_338, %scan3A_339 : i32
      %scan3A_341 = arith.constant 1 : i32
      %scan3A_342 = scf.for %scan3A_355 = %scan3A_338 to %scan3A_340 step %scan3A_341 iter_args(%scan3A_356 = %scan3A_337) -> (i32)  : i32 {
        %get3A = arith.index_cast %rem3A_314 : i32 to index
        %get3A_357 = arith.index_cast %scan3A_355 : i32 to index
        %get3A_358 = arith.constant 0 : index
        %get3A_359 = tpu.vector_load %arg12[%get3A, %get3A_357, %get3A_358] {strides = array<i32>} : memref<4x64x64xi32, #tpu.memory_space<vmem>>, vector<16xi32>,
        %bitcast3A = vector.bitcast %get3A_359 : vector<16xi32> to vector<32xbf16>
        %unpack3A = tpu.unpack_subelements %bitcast3A, 0 {pack_format = #tpu.pack_format<interleaved>} : vector<32xbf16> -> vector<16xf32>
        %unpack3A_360 = tpu.unpack_subelements %bitcast3A, 1 {pack_format = #tpu.pack_format<interleaved>} : vector<32xbf16> -> vector<16xf32>
        %swap3A = arith.index_cast %rem3A_312 : i32 to index
        %swap3A_361 = arith.index_cast %scan3A_355 : i32 to index
        %swap3A_362 = arith.constant 0 : index
        %swap3A_363 = tpu.vector_load %arg13[%swap3A, %swap3A_361, %swap3A_362] {strides = array<i32>} : memref<2x64x128xf32, #tpu.memory_space<vmem>>, vector<16xf32>,
        tpu.vector_store %arg13[%swap3A, %swap3A_361, %swap3A_362], %unpack3A {strides = array<i32>} : memref<2x64x128xf32, #tpu.memory_space<vmem>>, vector<16xf32>,
        %swap3A_364 = arith.index_cast %rem3A_312 : i32 to index
        %swap3A_365 = arith.index_cast %scan3A_355 : i32 to index
        %swap3A_366 = arith.constant 16 : index
        %swap3A_367 = tpu.vector_load %arg13[%swap3A_364, %swap3A_365, %swap3A_366] {strides = array<i32>} : memref<2x64x128xf32, #tpu.memory_space<vmem>>, vector<16xf32>,
        tpu.vector_store %arg13[%swap3A_364, %swap3A_365, %swap3A_366], %unpack3A_360 {strides = array<i32>} : memref<2x64x128xf32, #tpu.memory_space<vmem>>, vector<16xf32>,
        %get3A_368 = arith.index_cast %rem3A_314 : i32 to index
        %get3A_369 = arith.index_cast %scan3A_355 : i32 to index
        %get3A_370 = arith.constant 16 : index
        %get3A_371 = tpu.vector_load %arg12[%get3A_368, %get3A_369, %get3A_370] {strides = array<i32>} : memref<4x64x64xi32, #tpu.memory_space<vmem>>, vector<16xi32>,
        %bitcast3A_372 = vector.bitcast %get3A_371 : vector<16xi32> to vector<32xbf16>
        %unpack3A_373 = tpu.unpack_subelements %bitcast3A_372, 0 {pack_format = #tpu.pack_format<interleaved>} : vector<32xbf16> -> vector<16xf32>
        %unpack3A_374 = tpu.unpack_subelements %bitcast3A_372, 1 {pack_format = #tpu.pack_format<interleaved>} : vector<32xbf16> -> vector<16xf32>
        %swap3A_375 = arith.index_cast %rem3A_312 : i32 to index
        %swap3A_376 = arith.index_cast %scan3A_355 : i32 to index
        %swap3A_377 = arith.constant 32 : index
        %swap3A_378 = tpu.vector_load %arg13[%swap3A_375, %swap3A_376, %swap3A_377] {strides = array<i32>} : memref<2x64x128xf32, #tpu.memory_space<vmem>>, vector<16xf32>,
        tpu.vector_store %arg13[%swap3A_375, %swap3A_376, %swap3A_377], %unpack3A_373 {strides = array<i32>} : memref<2x64x128xf32, #tpu.memory_space<vmem>>, vector<16xf32>,
        %swap3A_379 = arith.index_cast %rem3A_312 : i32 to index
        %swap3A_380 = arith.index_cast %scan3A_355 : i32 to index
        %swap3A_381 = arith.constant 48 : index
        %swap3A_382 = tpu.vector_load %arg13[%swap3A_379, %swap3A_380, %swap3A_381] {strides = array<i32>} : memref<2x64x128xf32, #tpu.memory_space<vmem>>, vector<16xf32>,
        tpu.vector_store %arg13[%swap3A_379, %swap3A_380, %swap3A_381], %unpack3A_374 {strides = array<i32>} : memref<2x64x128xf32, #tpu.memory_space<vmem>>, vector<16xf32>,
        %get3A_383 = arith.index_cast %rem3A_314 : i32 to index
        %get3A_384 = arith.index_cast %scan3A_355 : i32 to index
        %get3A_385 = arith.constant 32 : index
        %get3A_386 = tpu.vector_load %arg12[%get3A_383, %get3A_384, %get3A_385] {strides = array<i32>} : memref<4x64x64xi32, #tpu.memory_space<vmem>>, vector<16xi32>,
        %bitcast3A_387 = vector.bitcast %get3A_386 : vector<16xi32> to vector<32xbf16>
        %unpack3A_388 = tpu.unpack_subelements %bitcast3A_387, 0 {pack_format = #tpu.pack_format<interleaved>} : vector<32xbf16> -> vector<16xf32>
        %unpack3A_389 = tpu.unpack_subelements %bitcast3A_387, 1 {pack_format = #tpu.pack_format<interleaved>} : vector<32xbf16> -> vector<16xf32>
        %swap3A_390 = arith.index_cast %rem3A_312 : i32 to index
        %swap3A_391 = arith.index_cast %scan3A_355 : i32 to index
        %swap3A_392 = arith.constant 64 : index
        %swap3A_393 = tpu.vector_load %arg13[%swap3A_390, %swap3A_391, %swap3A_392] {strides = array<i32>} : memref<2x64x128xf32, #tpu.memory_space<vmem>>, vector<16xf32>,
        tpu.vector_store %arg13[%swap3A_390, %swap3A_391, %swap3A_392], %unpack3A_388 {strides = array<i32>} : memref<2x64x128xf32, #tpu.memory_space<vmem>>, vector<16xf32>,
        %swap3A_394 = arith.index_cast %rem3A_312 : i32 to index
        %swap3A_395 = arith.index_cast %scan3A_355 : i32 to index
        %swap3A_396 = arith.constant 80 : index
        %swap3A_397 = tpu.vector_load %arg13[%swap3A_394, %swap3A_395, %swap3A_396] {strides = array<i32>} : memref<2x64x128xf32, #tpu.memory_space<vmem>>, vector<16xf32>,
        tpu.vector_store %arg13[%swap3A_394, %swap3A_395, %swap3A_396], %unpack3A_389 {strides = array<i32>} : memref<2x64x128xf32, #tpu.memory_space<vmem>>, vector<16xf32>,
        %get3A_398 = arith.index_cast %rem3A_314 : i32 to index
        %get3A_399 = arith.index_cast %scan3A_355 : i32 to index
        %get3A_400 = arith.constant 48 : index
        %get3A_401 = tpu.vector_load %arg12[%get3A_398, %get3A_399, %get3A_400] {strides = array<i32>} : memref<4x64x64xi32, #tpu.memory_space<vmem>>, vector<16xi32>,
        %bitcast3A_402 = vector.bitcast %get3A_401 : vector<16xi32> to vector<32xbf16>
        %unpack3A_403 = tpu.unpack_subelements %bitcast3A_402, 0 {pack_format = #tpu.pack_format<interleaved>} : vector<32xbf16> -> vector<16xf32>
        %unpack3A_404 = tpu.unpack_subelements %bitcast3A_402, 1 {pack_format = #tpu.pack_format<interleaved>} : vector<32xbf16> -> vector<16xf32>
        %swap3A_405 = arith.index_cast %rem3A_312 : i32 to index
        %swap3A_406 = arith.index_cast %scan3A_355 : i32 to index
        %swap3A_407 = arith.constant 96 : index
        %swap3A_408 = tpu.vector_load %arg13[%swap3A_405, %swap3A_406, %swap3A_407] {strides = array<i32>} : memref<2x64x128xf32, #tpu.memory_space<vmem>>, vector<16xf32>,
        tpu.vector_store %arg13[%swap3A_405, %swap3A_406, %swap3A_407], %unpack3A_403 {strides = array<i32>} : memref<2x64x128xf32, #tpu.memory_space<vmem>>, vector<16xf32>,
        %swap3A_409 = arith.index_cast %rem3A_312 : i32 to index
        %swap3A_410 = arith.index_cast %scan3A_355 : i32 to index
        %swap3A_411 = arith.constant 112 : index
        %swap3A_412 = tpu.vector_load %arg13[%swap3A_409, %swap3A_410, %swap3A_411] {strides = array<i32>} : memref<2x64x128xf32, #tpu.memory_space<vmem>>, vector<16xf32>,
        tpu.vector_store %arg13[%swap3A_409, %swap3A_410, %swap3A_411], %unpack3A_404 {strides = array<i32>} : memref<2x64x128xf32, #tpu.memory_space<vmem>>, vector<16xf32>,
        %scan3A_413 = arith.constant 0 : i32
        scf.yield %scan3A_413 : i32
      }
      %scan3A_343 = arith.constant 64 : i32
      %dma_start3A_344 = arith.constant 0 : i32
      %dma_start3A_345 = arith.constant 0 : i32
      %dma_start3A_346 = tpu.memref_slice %arg13[%rem3A_312, %dma_start3A_344, %dma_start3A_345] : memref<2x64x128xf32, #tpu.memory_space<vmem>> -> memref<1x64x128xf32, #tpu.memory_space<vmem>>
      %dma_start3A_347 = tpu.memref_squeeze %dma_start3A_346 : memref<1x64x128xf32, #tpu.memory_space<vmem>> -> memref<64x128xf32, #tpu.memory_space<vmem>>
      %dma_start3A_348 = arith.constant 0 : i32
      %dma_start3A_349 = tpu.memref_slice %arg11[%scan3A_310, %dma_start3A_348] : memref<50x64xi32, #tpu.memory_space<vmem>> -> memref<1x64xi32, #tpu.memory_space<vmem>>
      %dma_start3A_350 = tpu.memref_squeeze %dma_start3A_349 : memref<1x64xi32, #tpu.memory_space<vmem>> -> memref<64xi32, #tpu.memory_space<vmem>>
      %dma_start3A_351 = arith.constant 0 : i32
      %dma_start3A_352 = arith.constant 0 : i32
      %dma_start3A_353 = tpu.memref_slice %arg15[%dma_start3A_351, %dma_start3A_352] : memref<10240x128xf32, #tpu.memory_space<vmem_shared>> -> memref<10240x128xf32, #tpu.memory_space<vmem_shared>>
      tpu.enqueue_indirect_dma source(%dma_start3A_347 : memref<64x128xf32, #tpu.memory_space<vmem>>) target(%dma_start3A_353 : memref<10240x128xf32, #tpu.memory_space<vmem_shared>>) offsets(%dma_start3A_350 : memref<64xi32, #tpu.memory_space<vmem>>) semaphore(%arg17 : memref<!tpu.dma_semaphore, #tpu.memory_space<semaphore_mem>>) {add = true}
      %scan3A_354 = arith.constant 0 : i32
      scf.yield %scan3A_354 : i32
    }
    %scan3A_76 = arith.constant 50 : i32
    %dma_wait3A = arith.constant 0 : i32
    %dma_wait3A_77 = arith.constant 48 : i32
    %dma_wait3A_78 = arith.constant 0 : i32
    %dma_wait3A_79 = arith.constant 0 : i32
    %dma_wait3A_80 = tpu.memref_slice %arg13[%dma_wait3A, %dma_wait3A_78, %dma_wait3A_79] : memref<2x64x128xf32, #tpu.memory_space<vmem>> -> memref<1x64x128xf32, #tpu.memory_space<vmem>>
    %dma_wait3A_81 = tpu.memref_squeeze %dma_wait3A_80 : memref<1x64x128xf32, #tpu.memory_space<vmem>> -> memref<64x128xf32, #tpu.memory_space<vmem>>
    %dma_wait3A_82 = arith.constant 0 : i32
    %dma_wait3A_83 = tpu.memref_slice %arg11[%dma_wait3A_77, %dma_wait3A_82] : memref<50x64xi32, #tpu.memory_space<vmem>> -> memref<1x64xi32, #tpu.memory_space<vmem>>
    %dma_wait3A_84 = tpu.memref_squeeze %dma_wait3A_83 : memref<1x64xi32, #tpu.memory_space<vmem>> -> memref<64xi32, #tpu.memory_space<vmem>>
    %dma_wait3A_85 = arith.constant 0 : i32
    %dma_wait3A_86 = arith.constant 0 : i32
    %dma_wait3A_87 = tpu.memref_slice %arg15[%dma_wait3A_85, %dma_wait3A_86] : memref<10240x128xf32, #tpu.memory_space<vmem_shared>> -> memref<10240x128xf32, #tpu.memory_space<vmem_shared>>
    tpu.wait_indirect_dma semaphore(%arg17 : memref<!tpu.dma_semaphore, #tpu.memory_space<semaphore_mem>>) src(%dma_wait3A_81 : memref<64x128xf32, #tpu.memory_space<vmem>>) dst(%dma_wait3A_87 : memref<10240x128xf32, #tpu.memory_space<vmem_shared>>)
    %dma_wait3A_88 = arith.constant 1 : i32
    %dma_wait3A_89 = arith.constant 49 : i32
    %dma_wait3A_90 = arith.constant 0 : i32
    %dma_wait3A_91 = arith.constant 0 : i32
    %dma_wait3A_92 = tpu.memref_slice %arg13[%dma_wait3A_88, %dma_wait3A_90, %dma_wait3A_91] : memref<2x64x128xf32, #tpu.memory_space<vmem>> -> memref<1x64x128xf32, #tpu.memory_space<vmem>>
    %dma_wait3A_93 = tpu.memref_squeeze %dma_wait3A_92 : memref<1x64x128xf32, #tpu.memory_space<vmem>> -> memref<64x128xf32, #tpu.memory_space<vmem>>
    %dma_wait3A_94 = arith.constant 0 : i32
    %dma_wait3A_95 = tpu.memref_slice %arg11[%dma_wait3A_89, %dma_wait3A_94] : memref<50x64xi32, #tpu.memory_space<vmem>> -> memref<1x64xi32, #tpu.memory_space<vmem>>
    %dma_wait3A_96 = tpu.memref_squeeze %dma_wait3A_95 : memref<1x64xi32, #tpu.memory_space<vmem>> -> memref<64xi32, #tpu.memory_space<vmem>>
    %dma_wait3A_97 = arith.constant 0 : i32
    %dma_wait3A_98 = arith.constant 0 : i32
    %dma_wait3A_99 = tpu.memref_slice %arg15[%dma_wait3A_97, %dma_wait3A_98] : memref<10240x128xf32, #tpu.memory_space<vmem_shared>> -> memref<10240x128xf32, #tpu.memory_space<vmem_shared>>
    tpu.wait_indirect_dma semaphore(%arg17 : memref<!tpu.dma_semaphore, #tpu.memory_space<semaphore_mem>>) src(%dma_wait3A_93 : memref<64x128xf32, #tpu.memory_space<vmem>>) dst(%dma_wait3A_99 : memref<10240x128xf32, #tpu.memory_space<vmem_shared>>)
    %barrier3A_100 = arith.constant 0 : index
    tpu.barrier barrier_id(%barrier3A_100)
    %mul3A_101 = arith.constant 640 : i32
    %mul3A_102 = arith.muli %arg1, %mul3A_101 : i32
    %mul3A_103 = arith.constant 640 : i32
    %mul3A_104 = arith.muli %arg1, %mul3A_103 : i32
    %run_scoped3A = arith.constant 0 : i32
    %run_scoped3A_105 = arith.constant 0 : i32
    "tpu.region"() ({
      %run_scoped3A_310 = tpu.sem_alloc : memref<!tpu.dma_semaphore, #tpu.memory_space<semaphore_mem>>
      %dma_start3A_311 = arith.constant 0 : i32
      %dma_start3A_312 = tpu.memref_slice %arg9[%arg0, %run_scoped3A, %run_scoped3A_105, %mul3A_104, %dma_start3A_311] : memref<2x3x1x10240x128xf32, #tpu.memory_space<hbm>> -> memref<1x1x1x640x128xf32, #tpu.memory_space<hbm>>
      %dma_start3A_313 = tpu.memref_squeeze %dma_start3A_312 : memref<1x1x1x640x128xf32, #tpu.memory_space<hbm>> -> memref<640x128xf32, #tpu.memory_space<hbm>>
      %dma_start3A_314 = arith.constant 0 : i32
      %dma_start3A_315 = tpu.memref_slice %arg15[%mul3A_102, %dma_start3A_314] : memref<10240x128xf32, #tpu.memory_space<vmem_shared>> -> memref<640x128xf32, #tpu.memory_space<vmem_shared>>
      tpu.enqueue_dma source(%dma_start3A_315 : memref<640x128xf32, #tpu.memory_space<vmem_shared>>) target(%dma_start3A_313 : memref<640x128xf32, #tpu.memory_space<hbm>>) target_semaphore(%run_scoped3A_310 : memref<!tpu.dma_semaphore, #tpu.memory_space<semaphore_mem>>)
      %dma_wait3A_316 = arith.constant 0 : i32
      %dma_wait3A_317 = tpu.memref_slice %arg9[%arg0, %run_scoped3A, %run_scoped3A_105, %mul3A_104, %dma_wait3A_316] : memref<2x3x1x10240x128xf32, #tpu.memory_space<hbm>> -> memref<1x1x1x640x128xf32, #tpu.memory_space<hbm>>
      %dma_wait3A_318 = tpu.memref_squeeze %dma_wait3A_317 : memref<1x1x1x640x128xf32, #tpu.memory_space<hbm>> -> memref<640x128xf32, #tpu.memory_space<hbm>>
      %dma_wait3A_319 = arith.constant 0 : i32
      %dma_wait3A_320 = tpu.memref_slice %arg15[%mul3A_102, %dma_wait3A_319] : memref<10240x128xf32, #tpu.memory_space<vmem_shared>> -> memref<640x128xf32, #tpu.memory_space<vmem_shared>>
      tpu.wait_dma2 semaphore(%run_scoped3A_310 : memref<!tpu.dma_semaphore, #tpu.memory_space<semaphore_mem>>) src(%dma_wait3A_320 : memref<640x128xf32, #tpu.memory_space<vmem_shared>>) dst(%dma_wait3A_318 : memref<640x128xf32, #tpu.memory_space<hbm>>)
      tpu.yield
    }) : () -> ()
    "tpu.region"() ({
      %run_scoped3A_310 = tpu.sem_alloc : memref<!tpu.dma_semaphore, #tpu.memory_space<semaphore_mem>>
      %dma_start3A_311 = arith.constant 0 : i32
      %dma_start3A_312 = arith.constant 0 : i32
      %dma_start3A_313 = tpu.memref_slice %arg4[%add3A, %dma_start3A_311, %dma_start3A_312] : memref<32x50x64xi32, #tpu.memory_space<hbm>> -> memref<1x50x64xi32, #tpu.memory_space<hbm>>
      %dma_start3A_314 = tpu.memref_squeeze %dma_start3A_313 : memref<1x50x64xi32, #tpu.memory_space<hbm>> -> memref<50x64xi32, #tpu.memory_space<hbm>>
      %dma_start3A_315 = arith.constant 0 : i32
      %dma_start3A_316 = arith.constant 0 : i32
      %dma_start3A_317 = tpu.memref_slice %arg4[%add3A, %dma_start3A_315, %dma_start3A_316] : memref<32x50x64xi32, #tpu.memory_space<hbm>> -> memref<1x50x64xi32, #tpu.memory_space<hbm>>
      %dma_start3A_318 = tpu.memref_squeeze %dma_start3A_317 : memref<1x50x64xi32, #tpu.memory_space<hbm>> -> memref<50x64xi32, #tpu.memory_space<hbm>>
      tpu.enqueue_dma source(%dma_start3A_318 : memref<50x64xi32, #tpu.memory_space<hbm>>) target(%arg10 : memref<50x64xi32, #tpu.memory_space<vmem>>) target_semaphore(%run_scoped3A_310 : memref<!tpu.dma_semaphore, #tpu.memory_space<semaphore_mem>>)
      %dma_wait3A_319 = arith.constant 0 : i32
      %dma_wait3A_320 = arith.constant 0 : i32
      %dma_wait3A_321 = tpu.memref_slice %arg4[%add3A, %dma_wait3A_319, %dma_wait3A_320] : memref<32x50x64xi32, #tpu.memory_space<hbm>> -> memref<1x50x64xi32, #tpu.memory_space<hbm>>
      %dma_wait3A_322 = tpu.memref_squeeze %dma_wait3A_321 : memref<1x50x64xi32, #tpu.memory_space<hbm>> -> memref<50x64xi32, #tpu.memory_space<hbm>>
      %dma_wait3A_323 = arith.constant 0 : i32
      %dma_wait3A_324 = arith.constant 0 : i32
      %dma_wait3A_325 = tpu.memref_slice %arg4[%add3A, %dma_wait3A_323, %dma_wait3A_324] : memref<32x50x64xi32, #tpu.memory_space<hbm>> -> memref<1x50x64xi32, #tpu.memory_space<hbm>>
      %dma_wait3A_326 = tpu.memref_squeeze %dma_wait3A_325 : memref<1x50x64xi32, #tpu.memory_space<hbm>> -> memref<50x64xi32, #tpu.memory_space<hbm>>
      tpu.wait_dma2 semaphore(%run_scoped3A_310 : memref<!tpu.dma_semaphore, #tpu.memory_space<semaphore_mem>>) src(%dma_wait3A_326 : memref<50x64xi32, #tpu.memory_space<hbm>>) dst(%arg10 : memref<50x64xi32, #tpu.memory_space<vmem>>)
      tpu.yield
    }) : () -> ()
    "tpu.region"() ({
      %run_scoped3A_310 = tpu.sem_alloc : memref<!tpu.dma_semaphore, #tpu.memory_space<semaphore_mem>>
      %dma_start3A_311 = arith.constant 0 : i32
      %dma_start3A_312 = arith.constant 0 : i32
      %dma_start3A_313 = tpu.memref_slice %arg7[%add3A, %dma_start3A_311, %dma_start3A_312] : memref<32x50x64xi32, #tpu.memory_space<hbm>> -> memref<1x50x64xi32, #tpu.memory_space<hbm>>
      %dma_start3A_314 = tpu.memref_squeeze %dma_start3A_313 : memref<1x50x64xi32, #tpu.memory_space<hbm>> -> memref<50x64xi32, #tpu.memory_space<hbm>>
      %dma_start3A_315 = arith.constant 0 : i32
      %dma_start3A_316 = arith.constant 0 : i32
      %dma_start3A_317 = tpu.memref_slice %arg7[%add3A, %dma_start3A_315, %dma_start3A_316] : memref<32x50x64xi32, #tpu.memory_space<hbm>> -> memref<1x50x64xi32, #tpu.memory_space<hbm>>
      %dma_start3A_318 = tpu.memref_squeeze %dma_start3A_317 : memref<1x50x64xi32, #tpu.memory_space<hbm>> -> memref<50x64xi32, #tpu.memory_space<hbm>>
      tpu.enqueue_dma source(%dma_start3A_318 : memref<50x64xi32, #tpu.memory_space<hbm>>) target(%arg11 : memref<50x64xi32, #tpu.memory_space<vmem>>) target_semaphore(%run_scoped3A_310 : memref<!tpu.dma_semaphore, #tpu.memory_space<semaphore_mem>>)
      %dma_wait3A_319 = arith.constant 0 : i32
      %dma_wait3A_320 = arith.constant 0 : i32
      %dma_wait3A_321 = tpu.memref_slice %arg7[%add3A, %dma_wait3A_319, %dma_wait3A_320] : memref<32x50x64xi32, #tpu.memory_space<hbm>> -> memref<1x50x64xi32, #tpu.memory_space<hbm>>
      %dma_wait3A_322 = tpu.memref_squeeze %dma_wait3A_321 : memref<1x50x64xi32, #tpu.memory_space<hbm>> -> memref<50x64xi32, #tpu.memory_space<hbm>>
      %dma_wait3A_323 = arith.constant 0 : i32
      %dma_wait3A_324 = arith.constant 0 : i32
      %dma_wait3A_325 = tpu.memref_slice %arg7[%add3A, %dma_wait3A_323, %dma_wait3A_324] : memref<32x50x64xi32, #tpu.memory_space<hbm>> -> memref<1x50x64xi32, #tpu.memory_space<hbm>>
      %dma_wait3A_326 = tpu.memref_squeeze %dma_wait3A_325 : memref<1x50x64xi32, #tpu.memory_space<hbm>> -> memref<50x64xi32, #tpu.memory_space<hbm>>
      tpu.wait_dma2 semaphore(%run_scoped3A_310 : memref<!tpu.dma_semaphore, #tpu.memory_space<semaphore_mem>>) src(%dma_wait3A_326 : memref<50x64xi32, #tpu.memory_space<hbm>>) dst(%arg11 : memref<50x64xi32, #tpu.memory_space<vmem>>)
      tpu.yield
    }) : () -> ()
    %scan3A_106 = arith.constant 0 : i32
    %scan3A_107 = arith.constant 0 : i32
    %scan3A_108 = arith.constant 10 : i32
    %scan3A_109 = arith.addi %scan3A_107, %scan3A_108 : i32
    %scan3A_110 = arith.constant 1 : i32
    %scan3A_111 = scf.for %scan3A_310 = %scan3A_107 to %scan3A_109 step %scan3A_110 iter_args(%scan3A_311 = %scan3A_106) -> (i32)  : i32 {
      %mul3A_312 = arith.constant 640 : i32
      %mul3A_313 = arith.muli %arg1, %mul3A_312 : i32
      %mul3A_314 = arith.constant 64 : i32
      %mul3A_315 = arith.muli %scan3A_310, %mul3A_314 : i32
      %add3A_316 = arith.addi %mul3A_313, %mul3A_315 : i32
      "tpu.region"() ({
        %run_scoped3A_318 = tpu.sem_alloc : memref<!tpu.dma_semaphore, #tpu.memory_space<semaphore_mem>>
        %dma_start3A_319 = arith.constant 0 : i32
        %dma_start3A_320 = tpu.memref_slice %arg15[%add3A_316, %dma_start3A_319] : memref<10240x128xf32, #tpu.memory_space<vmem_shared>> -> memref<64x128xf32, #tpu.memory_space<vmem_shared>>
        %dma_start3A_321 = arith.constant 0 : i32
        %dma_start3A_322 = tpu.memref_slice %arg15[%add3A_316, %dma_start3A_321] : memref<10240x128xf32, #tpu.memory_space<vmem_shared>> -> memref<64x128xf32, #tpu.memory_space<vmem_shared>>
        tpu.enqueue_dma source(%arg14 : memref<64x128xf32, #tpu.memory_space<vmem>>) target(%dma_start3A_322 : memref<64x128xf32, #tpu.memory_space<vmem_shared>>) target_semaphore(%run_scoped3A_318 : memref<!tpu.dma_semaphore, #tpu.memory_space<semaphore_mem>>)
        %dma_wait3A_323 = arith.constant 0 : i32
        %dma_wait3A_324 = tpu.memref_slice %arg15[%add3A_316, %dma_wait3A_323] : memref<10240x128xf32, #tpu.memory_space<vmem_shared>> -> memref<64x128xf32, #tpu.memory_space<vmem_shared>>
        %dma_wait3A_325 = arith.constant 0 : i32
        %dma_wait3A_326 = tpu.memref_slice %arg15[%add3A_316, %dma_wait3A_325] : memref<10240x128xf32, #tpu.memory_space<vmem_shared>> -> memref<64x128xf32, #tpu.memory_space<vmem_shared>>
        tpu.wait_dma2 semaphore(%run_scoped3A_318 : memref<!tpu.dma_semaphore, #tpu.memory_space<semaphore_mem>>) src(%arg14 : memref<64x128xf32, #tpu.memory_space<vmem>>) dst(%dma_wait3A_326 : memref<64x128xf32, #tpu.memory_space<vmem_shared>>)
        tpu.yield
      }) : () -> ()
      %scan3A_317 = arith.constant 0 : i32
      scf.yield %scan3A_317 : i32
    }
    %scan3A_112 = arith.constant 10 : i32
    %barrier3A_113 = arith.constant 0 : index
    tpu.barrier barrier_id(%barrier3A_113)
    %dma_start3A_114 = arith.constant 1 : i32
    %dma_start3A_115 = arith.constant 0 : i32
    %dma_start3A_116 = arith.constant 0 : i32
    %dma_start3A_117 = arith.constant 0 : i32
    %dma_start3A_118 = arith.constant 0 : i32
    %dma_start3A_119 = arith.constant 0 : i32
    %dma_start3A_120 = tpu.memref_slice %arg12[%dma_start3A_117, %dma_start3A_118, %dma_start3A_119] : memref<4x64x64xi32, #tpu.memory_space<vmem>> -> memref<1x64x64xi32, #tpu.memory_space<vmem>>
    %dma_start3A_121 = tpu.memref_squeeze %dma_start3A_120 : memref<1x64x64xi32, #tpu.memory_space<vmem>> -> memref<64x64xi32, #tpu.memory_space<vmem>>
    %dma_start3A_122 = arith.constant 0 : i32
    %dma_start3A_123 = tpu.memref_slice %arg10[%dma_start3A_116, %dma_start3A_122] : memref<50x64xi32, #tpu.memory_space<vmem>> -> memref<1x64xi32, #tpu.memory_space<vmem>>
    %dma_start3A_124 = tpu.memref_squeeze %dma_start3A_123 : memref<1x64xi32, #tpu.memory_space<vmem>> -> memref<64xi32, #tpu.memory_space<vmem>>
    %dma_start3A_125 = arith.constant 0 : i32
    %dma_start3A_126 = arith.constant 0 : i32
    %dma_start3A_127 = tpu.memref_slice %arg2[%dma_start3A_114, %dma_start3A_115, %dma_start3A_125, %dma_start3A_126] : memref<3x1x10240x64xi32, #tpu.memory_space<hbm>> -> memref<1x1x10240x64xi32, #tpu.memory_space<hbm>>
    %dma_start3A_128 = tpu.memref_squeeze %dma_start3A_127 : memref<1x1x10240x64xi32, #tpu.memory_space<hbm>> -> memref<10240x64xi32, #tpu.memory_space<hbm>>
    %dma_start3A_129 = arith.constant 0 : i32
    %dma_start3A_130 = arith.constant 0 : i32
    %dma_start3A_131 = tpu.memref_slice %dma_start3A_128[%dma_start3A_129, %dma_start3A_130] : memref<10240x64xi32, #tpu.memory_space<hbm>> -> memref<10240x64xi32, #tpu.memory_space<hbm>>
    tpu.enqueue_indirect_dma source(%dma_start3A_131 : memref<10240x64xi32, #tpu.memory_space<hbm>>) target(%dma_start3A_121 : memref<64x64xi32, #tpu.memory_space<vmem>>) offsets(%dma_start3A_124 : memref<64xi32, #tpu.memory_space<vmem>>) semaphore(%arg16 : memref<!tpu.dma_semaphore, #tpu.memory_space<semaphore_mem>>)
    %dma_start3A_132 = arith.constant 1 : i32
    %dma_start3A_133 = arith.constant 0 : i32
    %dma_start3A_134 = arith.constant 1 : i32
    %dma_start3A_135 = arith.constant 1 : i32
    %dma_start3A_136 = arith.constant 0 : i32
    %dma_start3A_137 = arith.constant 0 : i32
    %dma_start3A_138 = tpu.memref_slice %arg12[%dma_start3A_135, %dma_start3A_136, %dma_start3A_137] : memref<4x64x64xi32, #tpu.memory_space<vmem>> -> memref<1x64x64xi32, #tpu.memory_space<vmem>>
    %dma_start3A_139 = tpu.memref_squeeze %dma_start3A_138 : memref<1x64x64xi32, #tpu.memory_space<vmem>> -> memref<64x64xi32, #tpu.memory_space<vmem>>
    %dma_start3A_140 = arith.constant 0 : i32
    %dma_start3A_141 = tpu.memref_slice %arg10[%dma_start3A_134, %dma_start3A_140] : memref<50x64xi32, #tpu.memory_space<vmem>> -> memref<1x64xi32, #tpu.memory_space<vmem>>
    %dma_start3A_142 = tpu.memref_squeeze %dma_start3A_141 : memref<1x64xi32, #tpu.memory_space<vmem>> -> memref<64xi32, #tpu.memory_space<vmem>>
    %dma_start3A_143 = arith.constant 0 : i32
    %dma_start3A_144 = arith.constant 0 : i32
    %dma_start3A_145 = tpu.memref_slice %arg2[%dma_start3A_132, %dma_start3A_133, %dma_start3A_143, %dma_start3A_144] : memref<3x1x10240x64xi32, #tpu.memory_space<hbm>> -> memref<1x1x10240x64xi32, #tpu.memory_space<hbm>>
    %dma_start3A_146 = tpu.memref_squeeze %dma_start3A_145 : memref<1x1x10240x64xi32, #tpu.memory_space<hbm>> -> memref<10240x64xi32, #tpu.memory_space<hbm>>
    %dma_start3A_147 = arith.constant 0 : i32
    %dma_start3A_148 = arith.constant 0 : i32
    %dma_start3A_149 = tpu.memref_slice %dma_start3A_146[%dma_start3A_147, %dma_start3A_148] : memref<10240x64xi32, #tpu.memory_space<hbm>> -> memref<10240x64xi32, #tpu.memory_space<hbm>>
    tpu.enqueue_indirect_dma source(%dma_start3A_149 : memref<10240x64xi32, #tpu.memory_space<hbm>>) target(%dma_start3A_139 : memref<64x64xi32, #tpu.memory_space<vmem>>) offsets(%dma_start3A_142 : memref<64xi32, #tpu.memory_space<vmem>>) semaphore(%arg16 : memref<!tpu.dma_semaphore, #tpu.memory_space<semaphore_mem>>)
    %dma_start3A_150 = arith.constant 1 : i32
    %dma_start3A_151 = arith.constant 0 : i32
    %dma_start3A_152 = arith.constant 2 : i32
    %dma_start3A_153 = arith.constant 2 : i32
    %dma_start3A_154 = arith.constant 0 : i32
    %dma_start3A_155 = arith.constant 0 : i32
    %dma_start3A_156 = tpu.memref_slice %arg12[%dma_start3A_153, %dma_start3A_154, %dma_start3A_155] : memref<4x64x64xi32, #tpu.memory_space<vmem>> -> memref<1x64x64xi32, #tpu.memory_space<vmem>>
    %dma_start3A_157 = tpu.memref_squeeze %dma_start3A_156 : memref<1x64x64xi32, #tpu.memory_space<vmem>> -> memref<64x64xi32, #tpu.memory_space<vmem>>
    %dma_start3A_158 = arith.constant 0 : i32
    %dma_start3A_159 = tpu.memref_slice %arg10[%dma_start3A_152, %dma_start3A_158] : memref<50x64xi32, #tpu.memory_space<vmem>> -> memref<1x64xi32, #tpu.memory_space<vmem>>
    %dma_start3A_160 = tpu.memref_squeeze %dma_start3A_159 : memref<1x64xi32, #tpu.memory_space<vmem>> -> memref<64xi32, #tpu.memory_space<vmem>>
    %dma_start3A_161 = arith.constant 0 : i32
    %dma_start3A_162 = arith.constant 0 : i32
    %dma_start3A_163 = tpu.memref_slice %arg2[%dma_start3A_150, %dma_start3A_151, %dma_start3A_161, %dma_start3A_162] : memref<3x1x10240x64xi32, #tpu.memory_space<hbm>> -> memref<1x1x10240x64xi32, #tpu.memory_space<hbm>>
    %dma_start3A_164 = tpu.memref_squeeze %dma_start3A_163 : memref<1x1x10240x64xi32, #tpu.memory_space<hbm>> -> memref<10240x64xi32, #tpu.memory_space<hbm>>
    %dma_start3A_165 = arith.constant 0 : i32
    %dma_start3A_166 = arith.constant 0 : i32
    %dma_start3A_167 = tpu.memref_slice %dma_start3A_164[%dma_start3A_165, %dma_start3A_166] : memref<10240x64xi32, #tpu.memory_space<hbm>> -> memref<10240x64xi32, #tpu.memory_space<hbm>>
    tpu.enqueue_indirect_dma source(%dma_start3A_167 : memref<10240x64xi32, #tpu.memory_space<hbm>>) target(%dma_start3A_157 : memref<64x64xi32, #tpu.memory_space<vmem>>) offsets(%dma_start3A_160 : memref<64xi32, #tpu.memory_space<vmem>>) semaphore(%arg16 : memref<!tpu.dma_semaphore, #tpu.memory_space<semaphore_mem>>)
    %scan3A_168 = arith.constant 1 : i32
    %scan3A_169 = arith.constant 0 : i32
    %scan3A_170 = arith.constant 0 : i32
    %scan3A_171 = arith.constant 0 : i32
    %scan3A_172 = arith.constant 50 : i32
    %scan3A_173 = arith.addi %scan3A_171, %scan3A_172 : i32
    %scan3A_174 = arith.constant 1 : i32
    %scan3A_175 = scf.for %scan3A_310 = %scan3A_171 to %scan3A_173 step %scan3A_174 iter_args(%scan3A_311 = %scan3A_170) -> (i32)  : i32 {
      %rem3A = arith.constant 2 : i32
      %rem3A_312 = arith.remsi %scan3A_310, %rem3A : i32
      %rem3A_313 = arith.constant 4 : i32
      %rem3A_314 = arith.remsi %scan3A_310, %rem3A_313 : i32
      %add3A_315 = arith.constant 3 : i32
      %add3A_316 = arith.addi %scan3A_310, %add3A_315 : i32
      %lt3A = arith.constant 50 : i32
      %lt3A_317 = arith.cmpi slt, %add3A_316, %lt3A : i32
      %convert_element_type3A = arith.extui %lt3A_317 : i1 to i32
      %cond3A = arith.constant 0 : i32
      %cond3A_318 = arith.cmpi ne, %convert_element_type3A, %cond3A : i32
      scf.if %cond3A_318 {
        %add3A_355 = arith.constant 3 : i32
        %add3A_356 = arith.addi %scan3A_310, %add3A_355 : i32
        %add3A_357 = arith.constant 3 : i32
        %add3A_358 = arith.addi %scan3A_310, %add3A_357 : i32
        %rem3A_359 = arith.constant 4 : i32
        %rem3A_360 = arith.remsi %add3A_358, %rem3A_359 : i32
        %dma_start3A_361 = arith.constant 0 : i32
        %dma_start3A_362 = arith.constant 0 : i32
        %dma_start3A_363 = tpu.memref_slice %arg12[%rem3A_360, %dma_start3A_361, %dma_start3A_362] : memref<4x64x64xi32, #tpu.memory_space<vmem>> -> memref<1x64x64xi32, #tpu.memory_space<vmem>>
        %dma_start3A_364 = tpu.memref_squeeze %dma_start3A_363 : memref<1x64x64xi32, #tpu.memory_space<vmem>> -> memref<64x64xi32, #tpu.memory_space<vmem>>
        %dma_start3A_365 = arith.constant 0 : i32
        %dma_start3A_366 = tpu.memref_slice %arg10[%add3A_356, %dma_start3A_365] : memref<50x64xi32, #tpu.memory_space<vmem>> -> memref<1x64xi32, #tpu.memory_space<vmem>>
        %dma_start3A_367 = tpu.memref_squeeze %dma_start3A_366 : memref<1x64xi32, #tpu.memory_space<vmem>> -> memref<64xi32, #tpu.memory_space<vmem>>
        %dma_start3A_368 = arith.constant 0 : i32
        %dma_start3A_369 = arith.constant 0 : i32
        %dma_start3A_370 = tpu.memref_slice %arg2[%scan3A_168, %scan3A_169, %dma_start3A_368, %dma_start3A_369] : memref<3x1x10240x64xi32, #tpu.memory_space<hbm>> -> memref<1x1x10240x64xi32, #tpu.memory_space<hbm>>
        %dma_start3A_371 = tpu.memref_squeeze %dma_start3A_370 : memref<1x1x10240x64xi32, #tpu.memory_space<hbm>> -> memref<10240x64xi32, #tpu.memory_space<hbm>>
        %dma_start3A_372 = arith.constant 0 : i32
        %dma_start3A_373 = arith.constant 0 : i32
        %dma_start3A_374 = tpu.memref_slice %dma_start3A_371[%dma_start3A_372, %dma_start3A_373] : memref<10240x64xi32, #tpu.memory_space<hbm>> -> memref<10240x64xi32, #tpu.memory_space<hbm>>
        tpu.enqueue_indirect_dma source(%dma_start3A_374 : memref<10240x64xi32, #tpu.memory_space<hbm>>) target(%dma_start3A_364 : memref<64x64xi32, #tpu.memory_space<vmem>>) offsets(%dma_start3A_367 : memref<64xi32, #tpu.memory_space<vmem>>) semaphore(%arg16 : memref<!tpu.dma_semaphore, #tpu.memory_space<semaphore_mem>>)
      } else {
      }
      %dma_wait3A_319 = arith.constant 0 : i32
      %dma_wait3A_320 = arith.constant 0 : i32
      %dma_wait3A_321 = tpu.memref_slice %arg12[%rem3A_314, %dma_wait3A_319, %dma_wait3A_320] : memref<4x64x64xi32, #tpu.memory_space<vmem>> -> memref<1x64x64xi32, #tpu.memory_space<vmem>>
      %dma_wait3A_322 = tpu.memref_squeeze %dma_wait3A_321 : memref<1x64x64xi32, #tpu.memory_space<vmem>> -> memref<64x64xi32, #tpu.memory_space<vmem>>
      %dma_wait3A_323 = arith.constant 0 : i32
      %dma_wait3A_324 = tpu.memref_slice %arg10[%scan3A_310, %dma_wait3A_323] : memref<50x64xi32, #tpu.memory_space<vmem>> -> memref<1x64xi32, #tpu.memory_space<vmem>>
      %dma_wait3A_325 = tpu.memref_squeeze %dma_wait3A_324 : memref<1x64xi32, #tpu.memory_space<vmem>> -> memref<64xi32, #tpu.memory_space<vmem>>
      %dma_wait3A_326 = arith.constant 0 : i32
      %dma_wait3A_327 = arith.constant 0 : i32
      %dma_wait3A_328 = tpu.memref_slice %arg2[%scan3A_168, %scan3A_169, %dma_wait3A_326, %dma_wait3A_327] : memref<3x1x10240x64xi32, #tpu.memory_space<hbm>> -> memref<1x1x10240x64xi32, #tpu.memory_space<hbm>>
      %dma_wait3A_329 = tpu.memref_squeeze %dma_wait3A_328 : memref<1x1x10240x64xi32, #tpu.memory_space<hbm>> -> memref<10240x64xi32, #tpu.memory_space<hbm>>
      %dma_wait3A_330 = arith.constant 0 : i32
      %dma_wait3A_331 = arith.constant 0 : i32
      %dma_wait3A_332 = tpu.memref_slice %dma_wait3A_329[%dma_wait3A_330, %dma_wait3A_331] : memref<10240x64xi32, #tpu.memory_space<hbm>> -> memref<10240x64xi32, #tpu.memory_space<hbm>>
      tpu.wait_indirect_dma semaphore(%arg16 : memref<!tpu.dma_semaphore, #tpu.memory_space<semaphore_mem>>) src(%dma_wait3A_332 : memref<10240x64xi32, #tpu.memory_space<hbm>>) dst(%dma_wait3A_322 : memref<64x64xi32, #tpu.memory_space<vmem>>)
      %ge3A = arith.constant 2 : i32
      %ge3A_333 = arith.cmpi sge, %scan3A_310, %ge3A : i32
      %convert_element_type3A_334 = arith.extui %ge3A_333 : i1 to i32
      %cond3A_335 = arith.constant 0 : i32
      %cond3A_336 = arith.cmpi ne, %convert_element_type3A_334, %cond3A_335 : i32
      scf.if %cond3A_336 {
        %sub3A = arith.constant 2 : i32
        %sub3A_355 = arith.subi %scan3A_310, %sub3A : i32
        %dma_wait3A_356 = arith.constant 0 : i32
        %dma_wait3A_357 = arith.constant 0 : i32
        %dma_wait3A_358 = tpu.memref_slice %arg13[%rem3A_312, %dma_wait3A_356, %dma_wait3A_357] : memref<2x64x128xf32, #tpu.memory_space<vmem>> -> memref<1x64x128xf32, #tpu.memory_space<vmem>>
        %dma_wait3A_359 = tpu.memref_squeeze %dma_wait3A_358 : memref<1x64x128xf32, #tpu.memory_space<vmem>> -> memref<64x128xf32, #tpu.memory_space<vmem>>
        %dma_wait3A_360 = arith.constant 0 : i32
        %dma_wait3A_361 = tpu.memref_slice %arg11[%sub3A_355, %dma_wait3A_360] : memref<50x64xi32, #tpu.memory_space<vmem>> -> memref<1x64xi32, #tpu.memory_space<vmem>>
        %dma_wait3A_362 = tpu.memref_squeeze %dma_wait3A_361 : memref<1x64xi32, #tpu.memory_space<vmem>> -> memref<64xi32, #tpu.memory_space<vmem>>
        %dma_wait3A_363 = arith.constant 0 : i32
        %dma_wait3A_364 = arith.constant 0 : i32
        %dma_wait3A_365 = tpu.memref_slice %arg15[%dma_wait3A_363, %dma_wait3A_364] : memref<10240x128xf32, #tpu.memory_space<vmem_shared>> -> memref<10240x128xf32, #tpu.memory_space<vmem_shared>>
        tpu.wait_indirect_dma semaphore(%arg17 : memref<!tpu.dma_semaphore, #tpu.memory_space<semaphore_mem>>) src(%dma_wait3A_359 : memref<64x128xf32, #tpu.memory_space<vmem>>) dst(%dma_wait3A_365 : memref<10240x128xf32, #tpu.memory_space<vmem_shared>>)
      } else {
      }
      %scan3A_337 = arith.constant 0 : i32
      %scan3A_338 = arith.constant 0 : i32
      %scan3A_339 = arith.constant 64 : i32
      %scan3A_340 = arith.addi %scan3A_338, %scan3A_339 : i32
      %scan3A_341 = arith.constant 1 : i32
      %scan3A_342 = scf.for %scan3A_355 = %scan3A_338 to %scan3A_340 step %scan3A_341 iter_args(%scan3A_356 = %scan3A_337) -> (i32)  : i32 {
        %get3A = arith.index_cast %rem3A_314 : i32 to index
        %get3A_357 = arith.index_cast %scan3A_355 : i32 to index
        %get3A_358 = arith.constant 0 : index
        %get3A_359 = tpu.vector_load %arg12[%get3A, %get3A_357, %get3A_358] {strides = array<i32>} : memref<4x64x64xi32, #tpu.memory_space<vmem>>, vector<16xi32>,
        %bitcast3A = vector.bitcast %get3A_359 : vector<16xi32> to vector<32xbf16>
        %unpack3A = tpu.unpack_subelements %bitcast3A, 0 {pack_format = #tpu.pack_format<interleaved>} : vector<32xbf16> -> vector<16xf32>
        %unpack3A_360 = tpu.unpack_subelements %bitcast3A, 1 {pack_format = #tpu.pack_format<interleaved>} : vector<32xbf16> -> vector<16xf32>
        %swap3A = arith.index_cast %rem3A_312 : i32 to index
        %swap3A_361 = arith.index_cast %scan3A_355 : i32 to index
        %swap3A_362 = arith.constant 0 : index
        %swap3A_363 = tpu.vector_load %arg13[%swap3A, %swap3A_361, %swap3A_362] {strides = array<i32>} : memref<2x64x128xf32, #tpu.memory_space<vmem>>, vector<16xf32>,
        tpu.vector_store %arg13[%swap3A, %swap3A_361, %swap3A_362], %unpack3A {strides = array<i32>} : memref<2x64x128xf32, #tpu.memory_space<vmem>>, vector<16xf32>,
        %swap3A_364 = arith.index_cast %rem3A_312 : i32 to index
        %swap3A_365 = arith.index_cast %scan3A_355 : i32 to index
        %swap3A_366 = arith.constant 16 : index
        %swap3A_367 = tpu.vector_load %arg13[%swap3A_364, %swap3A_365, %swap3A_366] {strides = array<i32>} : memref<2x64x128xf32, #tpu.memory_space<vmem>>, vector<16xf32>,
        tpu.vector_store %arg13[%swap3A_364, %swap3A_365, %swap3A_366], %unpack3A_360 {strides = array<i32>} : memref<2x64x128xf32, #tpu.memory_space<vmem>>, vector<16xf32>,
        %get3A_368 = arith.index_cast %rem3A_314 : i32 to index
        %get3A_369 = arith.index_cast %scan3A_355 : i32 to index
        %get3A_370 = arith.constant 16 : index
        %get3A_371 = tpu.vector_load %arg12[%get3A_368, %get3A_369, %get3A_370] {strides = array<i32>} : memref<4x64x64xi32, #tpu.memory_space<vmem>>, vector<16xi32>,
        %bitcast3A_372 = vector.bitcast %get3A_371 : vector<16xi32> to vector<32xbf16>
        %unpack3A_373 = tpu.unpack_subelements %bitcast3A_372, 0 {pack_format = #tpu.pack_format<interleaved>} : vector<32xbf16> -> vector<16xf32>
        %unpack3A_374 = tpu.unpack_subelements %bitcast3A_372, 1 {pack_format = #tpu.pack_format<interleaved>} : vector<32xbf16> -> vector<16xf32>
        %swap3A_375 = arith.index_cast %rem3A_312 : i32 to index
        %swap3A_376 = arith.index_cast %scan3A_355 : i32 to index
        %swap3A_377 = arith.constant 32 : index
        %swap3A_378 = tpu.vector_load %arg13[%swap3A_375, %swap3A_376, %swap3A_377] {strides = array<i32>} : memref<2x64x128xf32, #tpu.memory_space<vmem>>, vector<16xf32>,
        tpu.vector_store %arg13[%swap3A_375, %swap3A_376, %swap3A_377], %unpack3A_373 {strides = array<i32>} : memref<2x64x128xf32, #tpu.memory_space<vmem>>, vector<16xf32>,
        %swap3A_379 = arith.index_cast %rem3A_312 : i32 to index
        %swap3A_380 = arith.index_cast %scan3A_355 : i32 to index
        %swap3A_381 = arith.constant 48 : index
        %swap3A_382 = tpu.vector_load %arg13[%swap3A_379, %swap3A_380, %swap3A_381] {strides = array<i32>} : memref<2x64x128xf32, #tpu.memory_space<vmem>>, vector<16xf32>,
        tpu.vector_store %arg13[%swap3A_379, %swap3A_380, %swap3A_381], %unpack3A_374 {strides = array<i32>} : memref<2x64x128xf32, #tpu.memory_space<vmem>>, vector<16xf32>,
        %get3A_383 = arith.index_cast %rem3A_314 : i32 to index
        %get3A_384 = arith.index_cast %scan3A_355 : i32 to index
        %get3A_385 = arith.constant 32 : index
        %get3A_386 = tpu.vector_load %arg12[%get3A_383, %get3A_384, %get3A_385] {strides = array<i32>} : memref<4x64x64xi32, #tpu.memory_space<vmem>>, vector<16xi32>,
        %bitcast3A_387 = vector.bitcast %get3A_386 : vector<16xi32> to vector<32xbf16>
        %unpack3A_388 = tpu.unpack_subelements %bitcast3A_387, 0 {pack_format = #tpu.pack_format<interleaved>} : vector<32xbf16> -> vector<16xf32>
        %unpack3A_389 = tpu.unpack_subelements %bitcast3A_387, 1 {pack_format = #tpu.pack_format<interleaved>} : vector<32xbf16> -> vector<16xf32>
        %swap3A_390 = arith.index_cast %rem3A_312 : i32 to index
        %swap3A_391 = arith.index_cast %scan3A_355 : i32 to index
        %swap3A_392 = arith.constant 64 : index
        %swap3A_393 = tpu.vector_load %arg13[%swap3A_390, %swap3A_391, %swap3A_392] {strides = array<i32>} : memref<2x64x128xf32, #tpu.memory_space<vmem>>, vector<16xf32>,
        tpu.vector_store %arg13[%swap3A_390, %swap3A_391, %swap3A_392], %unpack3A_388 {strides = array<i32>} : memref<2x64x128xf32, #tpu.memory_space<vmem>>, vector<16xf32>,
        %swap3A_394 = arith.index_cast %rem3A_312 : i32 to index
        %swap3A_395 = arith.index_cast %scan3A_355 : i32 to index
        %swap3A_396 = arith.constant 80 : index
        %swap3A_397 = tpu.vector_load %arg13[%swap3A_394, %swap3A_395, %swap3A_396] {strides = array<i32>} : memref<2x64x128xf32, #tpu.memory_space<vmem>>, vector<16xf32>,
        tpu.vector_store %arg13[%swap3A_394, %swap3A_395, %swap3A_396], %unpack3A_389 {strides = array<i32>} : memref<2x64x128xf32, #tpu.memory_space<vmem>>, vector<16xf32>,
        %get3A_398 = arith.index_cast %rem3A_314 : i32 to index
        %get3A_399 = arith.index_cast %scan3A_355 : i32 to index
        %get3A_400 = arith.constant 48 : index
        %get3A_401 = tpu.vector_load %arg12[%get3A_398, %get3A_399, %get3A_400] {strides = array<i32>} : memref<4x64x64xi32, #tpu.memory_space<vmem>>, vector<16xi32>,
        %bitcast3A_402 = vector.bitcast %get3A_401 : vector<16xi32> to vector<32xbf16>
        %unpack3A_403 = tpu.unpack_subelements %bitcast3A_402, 0 {pack_format = #tpu.pack_format<interleaved>} : vector<32xbf16> -> vector<16xf32>
        %unpack3A_404 = tpu.unpack_subelements %bitcast3A_402, 1 {pack_format = #tpu.pack_format<interleaved>} : vector<32xbf16> -> vector<16xf32>
        %swap3A_405 = arith.index_cast %rem3A_312 : i32 to index
        %swap3A_406 = arith.index_cast %scan3A_355 : i32 to index
        %swap3A_407 = arith.constant 96 : index
        %swap3A_408 = tpu.vector_load %arg13[%swap3A_405, %swap3A_406, %swap3A_407] {strides = array<i32>} : memref<2x64x128xf32, #tpu.memory_space<vmem>>, vector<16xf32>,
        tpu.vector_store %arg13[%swap3A_405, %swap3A_406, %swap3A_407], %unpack3A_403 {strides = array<i32>} : memref<2x64x128xf32, #tpu.memory_space<vmem>>, vector<16xf32>,
        %swap3A_409 = arith.index_cast %rem3A_312 : i32 to index
        %swap3A_410 = arith.index_cast %scan3A_355 : i32 to index
        %swap3A_411 = arith.constant 112 : index
        %swap3A_412 = tpu.vector_load %arg13[%swap3A_409, %swap3A_410, %swap3A_411] {strides = array<i32>} : memref<2x64x128xf32, #tpu.memory_space<vmem>>, vector<16xf32>,
        tpu.vector_store %arg13[%swap3A_409, %swap3A_410, %swap3A_411], %unpack3A_404 {strides = array<i32>} : memref<2x64x128xf32, #tpu.memory_space<vmem>>, vector<16xf32>,
        %scan3A_413 = arith.constant 0 : i32
        scf.yield %scan3A_413 : i32
      }
      %scan3A_343 = arith.constant 64 : i32
      %dma_start3A_344 = arith.constant 0 : i32
      %dma_start3A_345 = arith.constant 0 : i32
      %dma_start3A_346 = tpu.memref_slice %arg13[%rem3A_312, %dma_start3A_344, %dma_start3A_345] : memref<2x64x128xf32, #tpu.memory_space<vmem>> -> memref<1x64x128xf32, #tpu.memory_space<vmem>>
      %dma_start3A_347 = tpu.memref_squeeze %dma_start3A_346 : memref<1x64x128xf32, #tpu.memory_space<vmem>> -> memref<64x128xf32, #tpu.memory_space<vmem>>
      %dma_start3A_348 = arith.constant 0 : i32
      %dma_start3A_349 = tpu.memref_slice %arg11[%scan3A_310, %dma_start3A_348] : memref<50x64xi32, #tpu.memory_space<vmem>> -> memref<1x64xi32, #tpu.memory_space<vmem>>
      %dma_start3A_350 = tpu.memref_squeeze %dma_start3A_349 : memref<1x64xi32, #tpu.memory_space<vmem>> -> memref<64xi32, #tpu.memory_space<vmem>>
      %dma_start3A_351 = arith.constant 0 : i32
      %dma_start3A_352 = arith.constant 0 : i32
      %dma_start3A_353 = tpu.memref_slice %arg15[%dma_start3A_351, %dma_start3A_352] : memref<10240x128xf32, #tpu.memory_space<vmem_shared>> -> memref<10240x128xf32, #tpu.memory_space<vmem_shared>>
      tpu.enqueue_indirect_dma source(%dma_start3A_347 : memref<64x128xf32, #tpu.memory_space<vmem>>) target(%dma_start3A_353 : memref<10240x128xf32, #tpu.memory_space<vmem_shared>>) offsets(%dma_start3A_350 : memref<64xi32, #tpu.memory_space<vmem>>) semaphore(%arg17 : memref<!tpu.dma_semaphore, #tpu.memory_space<semaphore_mem>>) {add = true}
      %scan3A_354 = arith.constant 0 : i32
      scf.yield %scan3A_354 : i32
    }
    %scan3A_176 = arith.constant 50 : i32
    %dma_wait3A_177 = arith.constant 0 : i32
    %dma_wait3A_178 = arith.constant 48 : i32
    %dma_wait3A_179 = arith.constant 0 : i32
    %dma_wait3A_180 = arith.constant 0 : i32
    %dma_wait3A_181 = tpu.memref_slice %arg13[%dma_wait3A_177, %dma_wait3A_179, %dma_wait3A_180] : memref<2x64x128xf32, #tpu.memory_space<vmem>> -> memref<1x64x128xf32, #tpu.memory_space<vmem>>
    %dma_wait3A_182 = tpu.memref_squeeze %dma_wait3A_181 : memref<1x64x128xf32, #tpu.memory_space<vmem>> -> memref<64x128xf32, #tpu.memory_space<vmem>>
    %dma_wait3A_183 = arith.constant 0 : i32
    %dma_wait3A_184 = tpu.memref_slice %arg11[%dma_wait3A_178, %dma_wait3A_183] : memref<50x64xi32, #tpu.memory_space<vmem>> -> memref<1x64xi32, #tpu.memory_space<vmem>>
    %dma_wait3A_185 = tpu.memref_squeeze %dma_wait3A_184 : memref<1x64xi32, #tpu.memory_space<vmem>> -> memref<64xi32, #tpu.memory_space<vmem>>
    %dma_wait3A_186 = arith.constant 0 : i32
    %dma_wait3A_187 = arith.constant 0 : i32
    %dma_wait3A_188 = tpu.memref_slice %arg15[%dma_wait3A_186, %dma_wait3A_187] : memref<10240x128xf32, #tpu.memory_space<vmem_shared>> -> memref<10240x128xf32, #tpu.memory_space<vmem_shared>>
    tpu.wait_indirect_dma semaphore(%arg17 : memref<!tpu.dma_semaphore, #tpu.memory_space<semaphore_mem>>) src(%dma_wait3A_182 : memref<64x128xf32, #tpu.memory_space<vmem>>) dst(%dma_wait3A_188 : memref<10240x128xf32, #tpu.memory_space<vmem_shared>>)
    %dma_wait3A_189 = arith.constant 1 : i32
    %dma_wait3A_190 = arith.constant 49 : i32
    %dma_wait3A_191 = arith.constant 0 : i32
    %dma_wait3A_192 = arith.constant 0 : i32
    %dma_wait3A_193 = tpu.memref_slice %arg13[%dma_wait3A_189, %dma_wait3A_191, %dma_wait3A_192] : memref<2x64x128xf32, #tpu.memory_space<vmem>> -> memref<1x64x128xf32, #tpu.memory_space<vmem>>
    %dma_wait3A_194 = tpu.memref_squeeze %dma_wait3A_193 : memref<1x64x128xf32, #tpu.memory_space<vmem>> -> memref<64x128xf32, #tpu.memory_space<vmem>>
    %dma_wait3A_195 = arith.constant 0 : i32
    %dma_wait3A_196 = tpu.memref_slice %arg11[%dma_wait3A_190, %dma_wait3A_195] : memref<50x64xi32, #tpu.memory_space<vmem>> -> memref<1x64xi32, #tpu.memory_space<vmem>>
    %dma_wait3A_197 = tpu.memref_squeeze %dma_wait3A_196 : memref<1x64xi32, #tpu.memory_space<vmem>> -> memref<64xi32, #tpu.memory_space<vmem>>
    %dma_wait3A_198 = arith.constant 0 : i32
    %dma_wait3A_199 = arith.constant 0 : i32
    %dma_wait3A_200 = tpu.memref_slice %arg15[%dma_wait3A_198, %dma_wait3A_199] : memref<10240x128xf32, #tpu.memory_space<vmem_shared>> -> memref<10240x128xf32, #tpu.memory_space<vmem_shared>>
    tpu.wait_indirect_dma semaphore(%arg17 : memref<!tpu.dma_semaphore, #tpu.memory_space<semaphore_mem>>) src(%dma_wait3A_194 : memref<64x128xf32, #tpu.memory_space<vmem>>) dst(%dma_wait3A_200 : memref<10240x128xf32, #tpu.memory_space<vmem_shared>>)
    %barrier3A_201 = arith.constant 0 : index
    tpu.barrier barrier_id(%barrier3A_201)
    %mul3A_202 = arith.constant 640 : i32
    %mul3A_203 = arith.muli %arg1, %mul3A_202 : i32
    %mul3A_204 = arith.constant 640 : i32
    %mul3A_205 = arith.muli %arg1, %mul3A_204 : i32
    %run_scoped3A_206 = arith.constant 1 : i32
    %run_scoped3A_207 = arith.constant 0 : i32
    "tpu.region"() ({
      %run_scoped3A_310 = tpu.sem_alloc : memref<!tpu.dma_semaphore, #tpu.memory_space<semaphore_mem>>
      %dma_start3A_311 = arith.constant 0 : i32
      %dma_start3A_312 = tpu.memref_slice %arg9[%arg0, %run_scoped3A_206, %run_scoped3A_207, %mul3A_205, %dma_start3A_311] : memref<2x3x1x10240x128xf32, #tpu.memory_space<hbm>> -> memref<1x1x1x640x128xf32, #tpu.memory_space<hbm>>
      %dma_start3A_313 = tpu.memref_squeeze %dma_start3A_312 : memref<1x1x1x640x128xf32, #tpu.memory_space<hbm>> -> memref<640x128xf32, #tpu.memory_space<hbm>>
      %dma_start3A_314 = arith.constant 0 : i32
      %dma_start3A_315 = tpu.memref_slice %arg15[%mul3A_203, %dma_start3A_314] : memref<10240x128xf32, #tpu.memory_space<vmem_shared>> -> memref<640x128xf32, #tpu.memory_space<vmem_shared>>
      tpu.enqueue_dma source(%dma_start3A_315 : memref<640x128xf32, #tpu.memory_space<vmem_shared>>) target(%dma_start3A_313 : memref<640x128xf32, #tpu.memory_space<hbm>>) target_semaphore(%run_scoped3A_310 : memref<!tpu.dma_semaphore, #tpu.memory_space<semaphore_mem>>)
      %dma_wait3A_316 = arith.constant 0 : i32
      %dma_wait3A_317 = tpu.memref_slice %arg9[%arg0, %run_scoped3A_206, %run_scoped3A_207, %mul3A_205, %dma_wait3A_316] : memref<2x3x1x10240x128xf32, #tpu.memory_space<hbm>> -> memref<1x1x1x640x128xf32, #tpu.memory_space<hbm>>
      %dma_wait3A_318 = tpu.memref_squeeze %dma_wait3A_317 : memref<1x1x1x640x128xf32, #tpu.memory_space<hbm>> -> memref<640x128xf32, #tpu.memory_space<hbm>>
      %dma_wait3A_319 = arith.constant 0 : i32
      %dma_wait3A_320 = tpu.memref_slice %arg15[%mul3A_203, %dma_wait3A_319] : memref<10240x128xf32, #tpu.memory_space<vmem_shared>> -> memref<640x128xf32, #tpu.memory_space<vmem_shared>>
      tpu.wait_dma2 semaphore(%run_scoped3A_310 : memref<!tpu.dma_semaphore, #tpu.memory_space<semaphore_mem>>) src(%dma_wait3A_320 : memref<640x128xf32, #tpu.memory_space<vmem_shared>>) dst(%dma_wait3A_318 : memref<640x128xf32, #tpu.memory_space<hbm>>)
      tpu.yield
    }) : () -> ()
    "tpu.region"() ({
      %run_scoped3A_310 = tpu.sem_alloc : memref<!tpu.dma_semaphore, #tpu.memory_space<semaphore_mem>>
      %dma_start3A_311 = arith.constant 0 : i32
      %dma_start3A_312 = arith.constant 0 : i32
      %dma_start3A_313 = tpu.memref_slice %arg5[%add3A, %dma_start3A_311, %dma_start3A_312] : memref<32x50x64xi32, #tpu.memory_space<hbm>> -> memref<1x50x64xi32, #tpu.memory_space<hbm>>
      %dma_start3A_314 = tpu.memref_squeeze %dma_start3A_313 : memref<1x50x64xi32, #tpu.memory_space<hbm>> -> memref<50x64xi32, #tpu.memory_space<hbm>>
      %dma_start3A_315 = arith.constant 0 : i32
      %dma_start3A_316 = arith.constant 0 : i32
      %dma_start3A_317 = tpu.memref_slice %arg5[%add3A, %dma_start3A_315, %dma_start3A_316] : memref<32x50x64xi32, #tpu.memory_space<hbm>> -> memref<1x50x64xi32, #tpu.memory_space<hbm>>
      %dma_start3A_318 = tpu.memref_squeeze %dma_start3A_317 : memref<1x50x64xi32, #tpu.memory_space<hbm>> -> memref<50x64xi32, #tpu.memory_space<hbm>>
      tpu.enqueue_dma source(%dma_start3A_318 : memref<50x64xi32, #tpu.memory_space<hbm>>) target(%arg10 : memref<50x64xi32, #tpu.memory_space<vmem>>) target_semaphore(%run_scoped3A_310 : memref<!tpu.dma_semaphore, #tpu.memory_space<semaphore_mem>>)
      %dma_wait3A_319 = arith.constant 0 : i32
      %dma_wait3A_320 = arith.constant 0 : i32
      %dma_wait3A_321 = tpu.memref_slice %arg5[%add3A, %dma_wait3A_319, %dma_wait3A_320] : memref<32x50x64xi32, #tpu.memory_space<hbm>> -> memref<1x50x64xi32, #tpu.memory_space<hbm>>
      %dma_wait3A_322 = tpu.memref_squeeze %dma_wait3A_321 : memref<1x50x64xi32, #tpu.memory_space<hbm>> -> memref<50x64xi32, #tpu.memory_space<hbm>>
      %dma_wait3A_323 = arith.constant 0 : i32
      %dma_wait3A_324 = arith.constant 0 : i32
      %dma_wait3A_325 = tpu.memref_slice %arg5[%add3A, %dma_wait3A_323, %dma_wait3A_324] : memref<32x50x64xi32, #tpu.memory_space<hbm>> -> memref<1x50x64xi32, #tpu.memory_space<hbm>>
      %dma_wait3A_326 = tpu.memref_squeeze %dma_wait3A_325 : memref<1x50x64xi32, #tpu.memory_space<hbm>> -> memref<50x64xi32, #tpu.memory_space<hbm>>
      tpu.wait_dma2 semaphore(%run_scoped3A_310 : memref<!tpu.dma_semaphore, #tpu.memory_space<semaphore_mem>>) src(%dma_wait3A_326 : memref<50x64xi32, #tpu.memory_space<hbm>>) dst(%arg10 : memref<50x64xi32, #tpu.memory_space<vmem>>)
      tpu.yield
    }) : () -> ()
    "tpu.region"() ({
      %run_scoped3A_310 = tpu.sem_alloc : memref<!tpu.dma_semaphore, #tpu.memory_space<semaphore_mem>>
      %dma_start3A_311 = arith.constant 0 : i32
      %dma_start3A_312 = arith.constant 0 : i32
      %dma_start3A_313 = tpu.memref_slice %arg8[%add3A, %dma_start3A_311, %dma_start3A_312] : memref<32x50x64xi32, #tpu.memory_space<hbm>> -> memref<1x50x64xi32, #tpu.memory_space<hbm>>
      %dma_start3A_314 = tpu.memref_squeeze %dma_start3A_313 : memref<1x50x64xi32, #tpu.memory_space<hbm>> -> memref<50x64xi32, #tpu.memory_space<hbm>>
      %dma_start3A_315 = arith.constant 0 : i32
      %dma_start3A_316 = arith.constant 0 : i32
      %dma_start3A_317 = tpu.memref_slice %arg8[%add3A, %dma_start3A_315, %dma_start3A_316] : memref<32x50x64xi32, #tpu.memory_space<hbm>> -> memref<1x50x64xi32, #tpu.memory_space<hbm>>
      %dma_start3A_318 = tpu.memref_squeeze %dma_start3A_317 : memref<1x50x64xi32, #tpu.memory_space<hbm>> -> memref<50x64xi32, #tpu.memory_space<hbm>>
      tpu.enqueue_dma source(%dma_start3A_318 : memref<50x64xi32, #tpu.memory_space<hbm>>) target(%arg11 : memref<50x64xi32, #tpu.memory_space<vmem>>) target_semaphore(%run_scoped3A_310 : memref<!tpu.dma_semaphore, #tpu.memory_space<semaphore_mem>>)
      %dma_wait3A_319 = arith.constant 0 : i32
      %dma_wait3A_320 = arith.constant 0 : i32
      %dma_wait3A_321 = tpu.memref_slice %arg8[%add3A, %dma_wait3A_319, %dma_wait3A_320] : memref<32x50x64xi32, #tpu.memory_space<hbm>> -> memref<1x50x64xi32, #tpu.memory_space<hbm>>
      %dma_wait3A_322 = tpu.memref_squeeze %dma_wait3A_321 : memref<1x50x64xi32, #tpu.memory_space<hbm>> -> memref<50x64xi32, #tpu.memory_space<hbm>>
      %dma_wait3A_323 = arith.constant 0 : i32
      %dma_wait3A_324 = arith.constant 0 : i32
      %dma_wait3A_325 = tpu.memref_slice %arg8[%add3A, %dma_wait3A_323, %dma_wait3A_324] : memref<32x50x64xi32, #tpu.memory_space<hbm>> -> memref<1x50x64xi32, #tpu.memory_space<hbm>>
      %dma_wait3A_326 = tpu.memref_squeeze %dma_wait3A_325 : memref<1x50x64xi32, #tpu.memory_space<hbm>> -> memref<50x64xi32, #tpu.memory_space<hbm>>
      tpu.wait_dma2 semaphore(%run_scoped3A_310 : memref<!tpu.dma_semaphore, #tpu.memory_space<semaphore_mem>>) src(%dma_wait3A_326 : memref<50x64xi32, #tpu.memory_space<hbm>>) dst(%arg11 : memref<50x64xi32, #tpu.memory_space<vmem>>)
      tpu.yield
    }) : () -> ()
    %scan3A_208 = arith.constant 0 : i32
    %scan3A_209 = arith.constant 0 : i32
    %scan3A_210 = arith.constant 10 : i32
    %scan3A_211 = arith.addi %scan3A_209, %scan3A_210 : i32
    %scan3A_212 = arith.constant 1 : i32
    %scan3A_213 = scf.for %scan3A_310 = %scan3A_209 to %scan3A_211 step %scan3A_212 iter_args(%scan3A_311 = %scan3A_208) -> (i32)  : i32 {
      %mul3A_312 = arith.constant 640 : i32
      %mul3A_313 = arith.muli %arg1, %mul3A_312 : i32
      %mul3A_314 = arith.constant 64 : i32
      %mul3A_315 = arith.muli %scan3A_310, %mul3A_314 : i32
      %add3A_316 = arith.addi %mul3A_313, %mul3A_315 : i32
      "tpu.region"() ({
        %run_scoped3A_318 = tpu.sem_alloc : memref<!tpu.dma_semaphore, #tpu.memory_space<semaphore_mem>>
        %dma_start3A_319 = arith.constant 0 : i32
        %dma_start3A_320 = tpu.memref_slice %arg15[%add3A_316, %dma_start3A_319] : memref<10240x128xf32, #tpu.memory_space<vmem_shared>> -> memref<64x128xf32, #tpu.memory_space<vmem_shared>>
        %dma_start3A_321 = arith.constant 0 : i32
        %dma_start3A_322 = tpu.memref_slice %arg15[%add3A_316, %dma_start3A_321] : memref<10240x128xf32, #tpu.memory_space<vmem_shared>> -> memref<64x128xf32, #tpu.memory_space<vmem_shared>>
        tpu.enqueue_dma source(%arg14 : memref<64x128xf32, #tpu.memory_space<vmem>>) target(%dma_start3A_322 : memref<64x128xf32, #tpu.memory_space<vmem_shared>>) target_semaphore(%run_scoped3A_318 : memref<!tpu.dma_semaphore, #tpu.memory_space<semaphore_mem>>)
        %dma_wait3A_323 = arith.constant 0 : i32
        %dma_wait3A_324 = tpu.memref_slice %arg15[%add3A_316, %dma_wait3A_323] : memref<10240x128xf32, #tpu.memory_space<vmem_shared>> -> memref<64x128xf32, #tpu.memory_space<vmem_shared>>
        %dma_wait3A_325 = arith.constant 0 : i32
        %dma_wait3A_326 = tpu.memref_slice %arg15[%add3A_316, %dma_wait3A_325] : memref<10240x128xf32, #tpu.memory_space<vmem_shared>> -> memref<64x128xf32, #tpu.memory_space<vmem_shared>>
        tpu.wait_dma2 semaphore(%run_scoped3A_318 : memref<!tpu.dma_semaphore, #tpu.memory_space<semaphore_mem>>) src(%arg14 : memref<64x128xf32, #tpu.memory_space<vmem>>) dst(%dma_wait3A_326 : memref<64x128xf32, #tpu.memory_space<vmem_shared>>)
        tpu.yield
      }) : () -> ()
      %scan3A_317 = arith.constant 0 : i32
      scf.yield %scan3A_317 : i32
    }
    %scan3A_214 = arith.constant 10 : i32
    %barrier3A_215 = arith.constant 0 : index
    tpu.barrier barrier_id(%barrier3A_215)
    %dma_start3A_216 = arith.constant 2 : i32
    %dma_start3A_217 = arith.constant 0 : i32
    %dma_start3A_218 = arith.constant 0 : i32
    %dma_start3A_219 = arith.constant 0 : i32
    %dma_start3A_220 = arith.constant 0 : i32
    %dma_start3A_221 = arith.constant 0 : i32
    %dma_start3A_222 = tpu.memref_slice %arg12[%dma_start3A_219, %dma_start3A_220, %dma_start3A_221] : memref<4x64x64xi32, #tpu.memory_space<vmem>> -> memref<1x64x64xi32, #tpu.memory_space<vmem>>
    %dma_start3A_223 = tpu.memref_squeeze %dma_start3A_222 : memref<1x64x64xi32, #tpu.memory_space<vmem>> -> memref<64x64xi32, #tpu.memory_space<vmem>>
    %dma_start3A_224 = arith.constant 0 : i32
    %dma_start3A_225 = tpu.memref_slice %arg10[%dma_start3A_218, %dma_start3A_224] : memref<50x64xi32, #tpu.memory_space<vmem>> -> memref<1x64xi32, #tpu.memory_space<vmem>>
    %dma_start3A_226 = tpu.memref_squeeze %dma_start3A_225 : memref<1x64xi32, #tpu.memory_space<vmem>> -> memref<64xi32, #tpu.memory_space<vmem>>
    %dma_start3A_227 = arith.constant 0 : i32
    %dma_start3A_228 = arith.constant 0 : i32
    %dma_start3A_229 = tpu.memref_slice %arg2[%dma_start3A_216, %dma_start3A_217, %dma_start3A_227, %dma_start3A_228] : memref<3x1x10240x64xi32, #tpu.memory_space<hbm>> -> memref<1x1x10240x64xi32, #tpu.memory_space<hbm>>
    %dma_start3A_230 = tpu.memref_squeeze %dma_start3A_229 : memref<1x1x10240x64xi32, #tpu.memory_space<hbm>> -> memref<10240x64xi32, #tpu.memory_space<hbm>>
    %dma_start3A_231 = arith.constant 0 : i32
    %dma_start3A_232 = arith.constant 0 : i32
    %dma_start3A_233 = tpu.memref_slice %dma_start3A_230[%dma_start3A_231, %dma_start3A_232] : memref<10240x64xi32, #tpu.memory_space<hbm>> -> memref<10240x64xi32, #tpu.memory_space<hbm>>
    tpu.enqueue_indirect_dma source(%dma_start3A_233 : memref<10240x64xi32, #tpu.memory_space<hbm>>) target(%dma_start3A_223 : memref<64x64xi32, #tpu.memory_space<vmem>>) offsets(%dma_start3A_226 : memref<64xi32, #tpu.memory_space<vmem>>) semaphore(%arg16 : memref<!tpu.dma_semaphore, #tpu.memory_space<semaphore_mem>>)
    %dma_start3A_234 = arith.constant 2 : i32
    %dma_start3A_235 = arith.constant 0 : i32
    %dma_start3A_236 = arith.constant 1 : i32
    %dma_start3A_237 = arith.constant 1 : i32
    %dma_start3A_238 = arith.constant 0 : i32
    %dma_start3A_239 = arith.constant 0 : i32
    %dma_start3A_240 = tpu.memref_slice %arg12[%dma_start3A_237, %dma_start3A_238, %dma_start3A_239] : memref<4x64x64xi32, #tpu.memory_space<vmem>> -> memref<1x64x64xi32, #tpu.memory_space<vmem>>
    %dma_start3A_241 = tpu.memref_squeeze %dma_start3A_240 : memref<1x64x64xi32, #tpu.memory_space<vmem>> -> memref<64x64xi32, #tpu.memory_space<vmem>>
    %dma_start3A_242 = arith.constant 0 : i32
    %dma_start3A_243 = tpu.memref_slice %arg10[%dma_start3A_236, %dma_start3A_242] : memref<50x64xi32, #tpu.memory_space<vmem>> -> memref<1x64xi32, #tpu.memory_space<vmem>>
    %dma_start3A_244 = tpu.memref_squeeze %dma_start3A_243 : memref<1x64xi32, #tpu.memory_space<vmem>> -> memref<64xi32, #tpu.memory_space<vmem>>
    %dma_start3A_245 = arith.constant 0 : i32
    %dma_start3A_246 = arith.constant 0 : i32
    %dma_start3A_247 = tpu.memref_slice %arg2[%dma_start3A_234, %dma_start3A_235, %dma_start3A_245, %dma_start3A_246] : memref<3x1x10240x64xi32, #tpu.memory_space<hbm>> -> memref<1x1x10240x64xi32, #tpu.memory_space<hbm>>
    %dma_start3A_248 = tpu.memref_squeeze %dma_start3A_247 : memref<1x1x10240x64xi32, #tpu.memory_space<hbm>> -> memref<10240x64xi32, #tpu.memory_space<hbm>>
    %dma_start3A_249 = arith.constant 0 : i32
    %dma_start3A_250 = arith.constant 0 : i32
    %dma_start3A_251 = tpu.memref_slice %dma_start3A_248[%dma_start3A_249, %dma_start3A_250] : memref<10240x64xi32, #tpu.memory_space<hbm>> -> memref<10240x64xi32, #tpu.memory_space<hbm>>
    tpu.enqueue_indirect_dma source(%dma_start3A_251 : memref<10240x64xi32, #tpu.memory_space<hbm>>) target(%dma_start3A_241 : memref<64x64xi32, #tpu.memory_space<vmem>>) offsets(%dma_start3A_244 : memref<64xi32, #tpu.memory_space<vmem>>) semaphore(%arg16 : memref<!tpu.dma_semaphore, #tpu.memory_space<semaphore_mem>>)
    %dma_start3A_252 = arith.constant 2 : i32
    %dma_start3A_253 = arith.constant 0 : i32
    %dma_start3A_254 = arith.constant 2 : i32
    %dma_start3A_255 = arith.constant 2 : i32
    %dma_start3A_256 = arith.constant 0 : i32
    %dma_start3A_257 = arith.constant 0 : i32
    %dma_start3A_258 = tpu.memref_slice %arg12[%dma_start3A_255, %dma_start3A_256, %dma_start3A_257] : memref<4x64x64xi32, #tpu.memory_space<vmem>> -> memref<1x64x64xi32, #tpu.memory_space<vmem>>
    %dma_start3A_259 = tpu.memref_squeeze %dma_start3A_258 : memref<1x64x64xi32, #tpu.memory_space<vmem>> -> memref<64x64xi32, #tpu.memory_space<vmem>>
    %dma_start3A_260 = arith.constant 0 : i32
    %dma_start3A_261 = tpu.memref_slice %arg10[%dma_start3A_254, %dma_start3A_260] : memref<50x64xi32, #tpu.memory_space<vmem>> -> memref<1x64xi32, #tpu.memory_space<vmem>>
    %dma_start3A_262 = tpu.memref_squeeze %dma_start3A_261 : memref<1x64xi32, #tpu.memory_space<vmem>> -> memref<64xi32, #tpu.memory_space<vmem>>
    %dma_start3A_263 = arith.constant 0 : i32
    %dma_start3A_264 = arith.constant 0 : i32
    %dma_start3A_265 = tpu.memref_slice %arg2[%dma_start3A_252, %dma_start3A_253, %dma_start3A_263, %dma_start3A_264] : memref<3x1x10240x64xi32, #tpu.memory_space<hbm>> -> memref<1x1x10240x64xi32, #tpu.memory_space<hbm>>
    %dma_start3A_266 = tpu.memref_squeeze %dma_start3A_265 : memref<1x1x10240x64xi32, #tpu.memory_space<hbm>> -> memref<10240x64xi32, #tpu.memory_space<hbm>>
    %dma_start3A_267 = arith.constant 0 : i32
    %dma_start3A_268 = arith.constant 0 : i32
    %dma_start3A_269 = tpu.memref_slice %dma_start3A_266[%dma_start3A_267, %dma_start3A_268] : memref<10240x64xi32, #tpu.memory_space<hbm>> -> memref<10240x64xi32, #tpu.memory_space<hbm>>
    tpu.enqueue_indirect_dma source(%dma_start3A_269 : memref<10240x64xi32, #tpu.memory_space<hbm>>) target(%dma_start3A_259 : memref<64x64xi32, #tpu.memory_space<vmem>>) offsets(%dma_start3A_262 : memref<64xi32, #tpu.memory_space<vmem>>) semaphore(%arg16 : memref<!tpu.dma_semaphore, #tpu.memory_space<semaphore_mem>>)
    %scan3A_270 = arith.constant 2 : i32
    %scan3A_271 = arith.constant 0 : i32
    %scan3A_272 = arith.constant 0 : i32
    %scan3A_273 = arith.constant 0 : i32
    %scan3A_274 = arith.constant 50 : i32
    %scan3A_275 = arith.addi %scan3A_273, %scan3A_274 : i32
    %scan3A_276 = arith.constant 1 : i32
    %scan3A_277 = scf.for %scan3A_310 = %scan3A_273 to %scan3A_275 step %scan3A_276 iter_args(%scan3A_311 = %scan3A_272) -> (i32)  : i32 {
      %rem3A = arith.constant 2 : i32
      %rem3A_312 = arith.remsi %scan3A_310, %rem3A : i32
      %rem3A_313 = arith.constant 4 : i32
      %rem3A_314 = arith.remsi %scan3A_310, %rem3A_313 : i32
      %add3A_315 = arith.constant 3 : i32
      %add3A_316 = arith.addi %scan3A_310, %add3A_315 : i32
      %lt3A = arith.constant 50 : i32
      %lt3A_317 = arith.cmpi slt, %add3A_316, %lt3A : i32
      %convert_element_type3A = arith.extui %lt3A_317 : i1 to i32
      %cond3A = arith.constant 0 : i32
      %cond3A_318 = arith.cmpi ne, %convert_element_type3A, %cond3A : i32
      scf.if %cond3A_318 {
        %add3A_355 = arith.constant 3 : i32
        %add3A_356 = arith.addi %scan3A_310, %add3A_355 : i32
        %add3A_357 = arith.constant 3 : i32
        %add3A_358 = arith.addi %scan3A_310, %add3A_357 : i32
        %rem3A_359 = arith.constant 4 : i32
        %rem3A_360 = arith.remsi %add3A_358, %rem3A_359 : i32
        %dma_start3A_361 = arith.constant 0 : i32
        %dma_start3A_362 = arith.constant 0 : i32
        %dma_start3A_363 = tpu.memref_slice %arg12[%rem3A_360, %dma_start3A_361, %dma_start3A_362] : memref<4x64x64xi32, #tpu.memory_space<vmem>> -> memref<1x64x64xi32, #tpu.memory_space<vmem>>
        %dma_start3A_364 = tpu.memref_squeeze %dma_start3A_363 : memref<1x64x64xi32, #tpu.memory_space<vmem>> -> memref<64x64xi32, #tpu.memory_space<vmem>>
        %dma_start3A_365 = arith.constant 0 : i32
        %dma_start3A_366 = tpu.memref_slice %arg10[%add3A_356, %dma_start3A_365] : memref<50x64xi32, #tpu.memory_space<vmem>> -> memref<1x64xi32, #tpu.memory_space<vmem>>
        %dma_start3A_367 = tpu.memref_squeeze %dma_start3A_366 : memref<1x64xi32, #tpu.memory_space<vmem>> -> memref<64xi32, #tpu.memory_space<vmem>>
        %dma_start3A_368 = arith.constant 0 : i32
        %dma_start3A_369 = arith.constant 0 : i32
        %dma_start3A_370 = tpu.memref_slice %arg2[%scan3A_270, %scan3A_271, %dma_start3A_368, %dma_start3A_369] : memref<3x1x10240x64xi32, #tpu.memory_space<hbm>> -> memref<1x1x10240x64xi32, #tpu.memory_space<hbm>>
        %dma_start3A_371 = tpu.memref_squeeze %dma_start3A_370 : memref<1x1x10240x64xi32, #tpu.memory_space<hbm>> -> memref<10240x64xi32, #tpu.memory_space<hbm>>
        %dma_start3A_372 = arith.constant 0 : i32
        %dma_start3A_373 = arith.constant 0 : i32
        %dma_start3A_374 = tpu.memref_slice %dma_start3A_371[%dma_start3A_372, %dma_start3A_373] : memref<10240x64xi32, #tpu.memory_space<hbm>> -> memref<10240x64xi32, #tpu.memory_space<hbm>>
        tpu.enqueue_indirect_dma source(%dma_start3A_374 : memref<10240x64xi32, #tpu.memory_space<hbm>>) target(%dma_start3A_364 : memref<64x64xi32, #tpu.memory_space<vmem>>) offsets(%dma_start3A_367 : memref<64xi32, #tpu.memory_space<vmem>>) semaphore(%arg16 : memref<!tpu.dma_semaphore, #tpu.memory_space<semaphore_mem>>)
      } else {
      }
      %dma_wait3A_319 = arith.constant 0 : i32
      %dma_wait3A_320 = arith.constant 0 : i32
      %dma_wait3A_321 = tpu.memref_slice %arg12[%rem3A_314, %dma_wait3A_319, %dma_wait3A_320] : memref<4x64x64xi32, #tpu.memory_space<vmem>> -> memref<1x64x64xi32, #tpu.memory_space<vmem>>
      %dma_wait3A_322 = tpu.memref_squeeze %dma_wait3A_321 : memref<1x64x64xi32, #tpu.memory_space<vmem>> -> memref<64x64xi32, #tpu.memory_space<vmem>>
      %dma_wait3A_323 = arith.constant 0 : i32
      %dma_wait3A_324 = tpu.memref_slice %arg10[%scan3A_310, %dma_wait3A_323] : memref<50x64xi32, #tpu.memory_space<vmem>> -> memref<1x64xi32, #tpu.memory_space<vmem>>
      %dma_wait3A_325 = tpu.memref_squeeze %dma_wait3A_324 : memref<1x64xi32, #tpu.memory_space<vmem>> -> memref<64xi32, #tpu.memory_space<vmem>>
      %dma_wait3A_326 = arith.constant 0 : i32
      %dma_wait3A_327 = arith.constant 0 : i32
      %dma_wait3A_328 = tpu.memref_slice %arg2[%scan3A_270, %scan3A_271, %dma_wait3A_326, %dma_wait3A_327] : memref<3x1x10240x64xi32, #tpu.memory_space<hbm>> -> memref<1x1x10240x64xi32, #tpu.memory_space<hbm>>
      %dma_wait3A_329 = tpu.memref_squeeze %dma_wait3A_328 : memref<1x1x10240x64xi32, #tpu.memory_space<hbm>> -> memref<10240x64xi32, #tpu.memory_space<hbm>>
      %dma_wait3A_330 = arith.constant 0 : i32
      %dma_wait3A_331 = arith.constant 0 : i32
      %dma_wait3A_332 = tpu.memref_slice %dma_wait3A_329[%dma_wait3A_330, %dma_wait3A_331] : memref<10240x64xi32, #tpu.memory_space<hbm>> -> memref<10240x64xi32, #tpu.memory_space<hbm>>
      tpu.wait_indirect_dma semaphore(%arg16 : memref<!tpu.dma_semaphore, #tpu.memory_space<semaphore_mem>>) src(%dma_wait3A_332 : memref<10240x64xi32, #tpu.memory_space<hbm>>) dst(%dma_wait3A_322 : memref<64x64xi32, #tpu.memory_space<vmem>>)
      %ge3A = arith.constant 2 : i32
      %ge3A_333 = arith.cmpi sge, %scan3A_310, %ge3A : i32
      %convert_element_type3A_334 = arith.extui %ge3A_333 : i1 to i32
      %cond3A_335 = arith.constant 0 : i32
      %cond3A_336 = arith.cmpi ne, %convert_element_type3A_334, %cond3A_335 : i32
      scf.if %cond3A_336 {
        %sub3A = arith.constant 2 : i32
        %sub3A_355 = arith.subi %scan3A_310, %sub3A : i32
        %dma_wait3A_356 = arith.constant 0 : i32
        %dma_wait3A_357 = arith.constant 0 : i32
        %dma_wait3A_358 = tpu.memref_slice %arg13[%rem3A_312, %dma_wait3A_356, %dma_wait3A_357] : memref<2x64x128xf32, #tpu.memory_space<vmem>> -> memref<1x64x128xf32, #tpu.memory_space<vmem>>
        %dma_wait3A_359 = tpu.memref_squeeze %dma_wait3A_358 : memref<1x64x128xf32, #tpu.memory_space<vmem>> -> memref<64x128xf32, #tpu.memory_space<vmem>>
        %dma_wait3A_360 = arith.constant 0 : i32
        %dma_wait3A_361 = tpu.memref_slice %arg11[%sub3A_355, %dma_wait3A_360] : memref<50x64xi32, #tpu.memory_space<vmem>> -> memref<1x64xi32, #tpu.memory_space<vmem>>
        %dma_wait3A_362 = tpu.memref_squeeze %dma_wait3A_361 : memref<1x64xi32, #tpu.memory_space<vmem>> -> memref<64xi32, #tpu.memory_space<vmem>>
        %dma_wait3A_363 = arith.constant 0 : i32
        %dma_wait3A_364 = arith.constant 0 : i32
        %dma_wait3A_365 = tpu.memref_slice %arg15[%dma_wait3A_363, %dma_wait3A_364] : memref<10240x128xf32, #tpu.memory_space<vmem_shared>> -> memref<10240x128xf32, #tpu.memory_space<vmem_shared>>
        tpu.wait_indirect_dma semaphore(%arg17 : memref<!tpu.dma_semaphore, #tpu.memory_space<semaphore_mem>>) src(%dma_wait3A_359 : memref<64x128xf32, #tpu.memory_space<vmem>>) dst(%dma_wait3A_365 : memref<10240x128xf32, #tpu.memory_space<vmem_shared>>)
      } else {
      }
      %scan3A_337 = arith.constant 0 : i32
      %scan3A_338 = arith.constant 0 : i32
      %scan3A_339 = arith.constant 64 : i32
      %scan3A_340 = arith.addi %scan3A_338, %scan3A_339 : i32
      %scan3A_341 = arith.constant 1 : i32
      %scan3A_342 = scf.for %scan3A_355 = %scan3A_338 to %scan3A_340 step %scan3A_341 iter_args(%scan3A_356 = %scan3A_337) -> (i32)  : i32 {
        %get3A = arith.index_cast %rem3A_314 : i32 to index
        %get3A_357 = arith.index_cast %scan3A_355 : i32 to index
        %get3A_358 = arith.constant 0 : index
        %get3A_359 = tpu.vector_load %arg12[%get3A, %get3A_357, %get3A_358] {strides = array<i32>} : memref<4x64x64xi32, #tpu.memory_space<vmem>>, vector<16xi32>,
        %bitcast3A = vector.bitcast %get3A_359 : vector<16xi32> to vector<32xbf16>
        %unpack3A = tpu.unpack_subelements %bitcast3A, 0 {pack_format = #tpu.pack_format<interleaved>} : vector<32xbf16> -> vector<16xf32>
        %unpack3A_360 = tpu.unpack_subelements %bitcast3A, 1 {pack_format = #tpu.pack_format<interleaved>} : vector<32xbf16> -> vector<16xf32>
        %swap3A = arith.index_cast %rem3A_312 : i32 to index
        %swap3A_361 = arith.index_cast %scan3A_355 : i32 to index
        %swap3A_362 = arith.constant 0 : index
        %swap3A_363 = tpu.vector_load %arg13[%swap3A, %swap3A_361, %swap3A_362] {strides = array<i32>} : memref<2x64x128xf32, #tpu.memory_space<vmem>>, vector<16xf32>,
        tpu.vector_store %arg13[%swap3A, %swap3A_361, %swap3A_362], %unpack3A {strides = array<i32>} : memref<2x64x128xf32, #tpu.memory_space<vmem>>, vector<16xf32>,
        %swap3A_364 = arith.index_cast %rem3A_312 : i32 to index
        %swap3A_365 = arith.index_cast %scan3A_355 : i32 to index
        %swap3A_366 = arith.constant 16 : index
        %swap3A_367 = tpu.vector_load %arg13[%swap3A_364, %swap3A_365, %swap3A_366] {strides = array<i32>} : memref<2x64x128xf32, #tpu.memory_space<vmem>>, vector<16xf32>,
        tpu.vector_store %arg13[%swap3A_364, %swap3A_365, %swap3A_366], %unpack3A_360 {strides = array<i32>} : memref<2x64x128xf32, #tpu.memory_space<vmem>>, vector<16xf32>,
        %get3A_368 = arith.index_cast %rem3A_314 : i32 to index
        %get3A_369 = arith.index_cast %scan3A_355 : i32 to index
        %get3A_370 = arith.constant 16 : index
        %get3A_371 = tpu.vector_load %arg12[%get3A_368, %get3A_369, %get3A_370] {strides = array<i32>} : memref<4x64x64xi32, #tpu.memory_space<vmem>>, vector<16xi32>,
        %bitcast3A_372 = vector.bitcast %get3A_371 : vector<16xi32> to vector<32xbf16>
        %unpack3A_373 = tpu.unpack_subelements %bitcast3A_372, 0 {pack_format = #tpu.pack_format<interleaved>} : vector<32xbf16> -> vector<16xf32>
        %unpack3A_374 = tpu.unpack_subelements %bitcast3A_372, 1 {pack_format = #tpu.pack_format<interleaved>} : vector<32xbf16> -> vector<16xf32>
        %swap3A_375 = arith.index_cast %rem3A_312 : i32 to index
        %swap3A_376 = arith.index_cast %scan3A_355 : i32 to index
        %swap3A_377 = arith.constant 32 : index
        %swap3A_378 = tpu.vector_load %arg13[%swap3A_375, %swap3A_376, %swap3A_377] {strides = array<i32>} : memref<2x64x128xf32, #tpu.memory_space<vmem>>, vector<16xf32>,
        tpu.vector_store %arg13[%swap3A_375, %swap3A_376, %swap3A_377], %unpack3A_373 {strides = array<i32>} : memref<2x64x128xf32, #tpu.memory_space<vmem>>, vector<16xf32>,
        %swap3A_379 = arith.index_cast %rem3A_312 : i32 to index
        %swap3A_380 = arith.index_cast %scan3A_355 : i32 to index
        %swap3A_381 = arith.constant 48 : index
        %swap3A_382 = tpu.vector_load %arg13[%swap3A_379, %swap3A_380, %swap3A_381] {strides = array<i32>} : memref<2x64x128xf32, #tpu.memory_space<vmem>>, vector<16xf32>,
        tpu.vector_store %arg13[%swap3A_379, %swap3A_380, %swap3A_381], %unpack3A_374 {strides = array<i32>} : memref<2x64x128xf32, #tpu.memory_space<vmem>>, vector<16xf32>,
        %get3A_383 = arith.index_cast %rem3A_314 : i32 to index
        %get3A_384 = arith.index_cast %scan3A_355 : i32 to index
        %get3A_385 = arith.constant 32 : index
        %get3A_386 = tpu.vector_load %arg12[%get3A_383, %get3A_384, %get3A_385] {strides = array<i32>} : memref<4x64x64xi32, #tpu.memory_space<vmem>>, vector<16xi32>,
        %bitcast3A_387 = vector.bitcast %get3A_386 : vector<16xi32> to vector<32xbf16>
        %unpack3A_388 = tpu.unpack_subelements %bitcast3A_387, 0 {pack_format = #tpu.pack_format<interleaved>} : vector<32xbf16> -> vector<16xf32>
        %unpack3A_389 = tpu.unpack_subelements %bitcast3A_387, 1 {pack_format = #tpu.pack_format<interleaved>} : vector<32xbf16> -> vector<16xf32>
        %swap3A_390 = arith.index_cast %rem3A_312 : i32 to index
        %swap3A_391 = arith.index_cast %scan3A_355 : i32 to index
        %swap3A_392 = arith.constant 64 : index
        %swap3A_393 = tpu.vector_load %arg13[%swap3A_390, %swap3A_391, %swap3A_392] {strides = array<i32>} : memref<2x64x128xf32, #tpu.memory_space<vmem>>, vector<16xf32>,
        tpu.vector_store %arg13[%swap3A_390, %swap3A_391, %swap3A_392], %unpack3A_388 {strides = array<i32>} : memref<2x64x128xf32, #tpu.memory_space<vmem>>, vector<16xf32>,
        %swap3A_394 = arith.index_cast %rem3A_312 : i32 to index
        %swap3A_395 = arith.index_cast %scan3A_355 : i32 to index
        %swap3A_396 = arith.constant 80 : index
        %swap3A_397 = tpu.vector_load %arg13[%swap3A_394, %swap3A_395, %swap3A_396] {strides = array<i32>} : memref<2x64x128xf32, #tpu.memory_space<vmem>>, vector<16xf32>,
        tpu.vector_store %arg13[%swap3A_394, %swap3A_395, %swap3A_396], %unpack3A_389 {strides = array<i32>} : memref<2x64x128xf32, #tpu.memory_space<vmem>>, vector<16xf32>,
        %get3A_398 = arith.index_cast %rem3A_314 : i32 to index
        %get3A_399 = arith.index_cast %scan3A_355 : i32 to index
        %get3A_400 = arith.constant 48 : index
        %get3A_401 = tpu.vector_load %arg12[%get3A_398, %get3A_399, %get3A_400] {strides = array<i32>} : memref<4x64x64xi32, #tpu.memory_space<vmem>>, vector<16xi32>,
        %bitcast3A_402 = vector.bitcast %get3A_401 : vector<16xi32> to vector<32xbf16>
        %unpack3A_403 = tpu.unpack_subelements %bitcast3A_402, 0 {pack_format = #tpu.pack_format<interleaved>} : vector<32xbf16> -> vector<16xf32>
        %unpack3A_404 = tpu.unpack_subelements %bitcast3A_402, 1 {pack_format = #tpu.pack_format<interleaved>} : vector<32xbf16> -> vector<16xf32>
        %swap3A_405 = arith.index_cast %rem3A_312 : i32 to index
        %swap3A_406 = arith.index_cast %scan3A_355 : i32 to index
        %swap3A_407 = arith.constant 96 : index
        %swap3A_408 = tpu.vector_load %arg13[%swap3A_405, %swap3A_406, %swap3A_407] {strides = array<i32>} : memref<2x64x128xf32, #tpu.memory_space<vmem>>, vector<16xf32>,
        tpu.vector_store %arg13[%swap3A_405, %swap3A_406, %swap3A_407], %unpack3A_403 {strides = array<i32>} : memref<2x64x128xf32, #tpu.memory_space<vmem>>, vector<16xf32>,
        %swap3A_409 = arith.index_cast %rem3A_312 : i32 to index
        %swap3A_410 = arith.index_cast %scan3A_355 : i32 to index
        %swap3A_411 = arith.constant 112 : index
        %swap3A_412 = tpu.vector_load %arg13[%swap3A_409, %swap3A_410, %swap3A_411] {strides = array<i32>} : memref<2x64x128xf32, #tpu.memory_space<vmem>>, vector<16xf32>,
        tpu.vector_store %arg13[%swap3A_409, %swap3A_410, %swap3A_411], %unpack3A_404 {strides = array<i32>} : memref<2x64x128xf32, #tpu.memory_space<vmem>>, vector<16xf32>,
        %scan3A_413 = arith.constant 0 : i32
        scf.yield %scan3A_413 : i32
      }
      %scan3A_343 = arith.constant 64 : i32
      %dma_start3A_344 = arith.constant 0 : i32
      %dma_start3A_345 = arith.constant 0 : i32
      %dma_start3A_346 = tpu.memref_slice %arg13[%rem3A_312, %dma_start3A_344, %dma_start3A_345] : memref<2x64x128xf32, #tpu.memory_space<vmem>> -> memref<1x64x128xf32, #tpu.memory_space<vmem>>
      %dma_start3A_347 = tpu.memref_squeeze %dma_start3A_346 : memref<1x64x128xf32, #tpu.memory_space<vmem>> -> memref<64x128xf32, #tpu.memory_space<vmem>>
      %dma_start3A_348 = arith.constant 0 : i32
      %dma_start3A_349 = tpu.memref_slice %arg11[%scan3A_310, %dma_start3A_348] : memref<50x64xi32, #tpu.memory_space<vmem>> -> memref<1x64xi32, #tpu.memory_space<vmem>>
      %dma_start3A_350 = tpu.memref_squeeze %dma_start3A_349 : memref<1x64xi32, #tpu.memory_space<vmem>> -> memref<64xi32, #tpu.memory_space<vmem>>
      %dma_start3A_351 = arith.constant 0 : i32
      %dma_start3A_352 = arith.constant 0 : i32
      %dma_start3A_353 = tpu.memref_slice %arg15[%dma_start3A_351, %dma_start3A_352] : memref<10240x128xf32, #tpu.memory_space<vmem_shared>> -> memref<10240x128xf32, #tpu.memory_space<vmem_shared>>
      tpu.enqueue_indirect_dma source(%dma_start3A_347 : memref<64x128xf32, #tpu.memory_space<vmem>>) target(%dma_start3A_353 : memref<10240x128xf32, #tpu.memory_space<vmem_shared>>) offsets(%dma_start3A_350 : memref<64xi32, #tpu.memory_space<vmem>>) semaphore(%arg17 : memref<!tpu.dma_semaphore, #tpu.memory_space<semaphore_mem>>) {add = true}
      %scan3A_354 = arith.constant 0 : i32
      scf.yield %scan3A_354 : i32
    }
    %scan3A_278 = arith.constant 50 : i32
    %dma_wait3A_279 = arith.constant 0 : i32
    %dma_wait3A_280 = arith.constant 48 : i32
    %dma_wait3A_281 = arith.constant 0 : i32
    %dma_wait3A_282 = arith.constant 0 : i32
    %dma_wait3A_283 = tpu.memref_slice %arg13[%dma_wait3A_279, %dma_wait3A_281, %dma_wait3A_282] : memref<2x64x128xf32, #tpu.memory_space<vmem>> -> memref<1x64x128xf32, #tpu.memory_space<vmem>>
    %dma_wait3A_284 = tpu.memref_squeeze %dma_wait3A_283 : memref<1x64x128xf32, #tpu.memory_space<vmem>> -> memref<64x128xf32, #tpu.memory_space<vmem>>
    %dma_wait3A_285 = arith.constant 0 : i32
    %dma_wait3A_286 = tpu.memref_slice %arg11[%dma_wait3A_280, %dma_wait3A_285] : memref<50x64xi32, #tpu.memory_space<vmem>> -> memref<1x64xi32, #tpu.memory_space<vmem>>
    %dma_wait3A_287 = tpu.memref_squeeze %dma_wait3A_286 : memref<1x64xi32, #tpu.memory_space<vmem>> -> memref<64xi32, #tpu.memory_space<vmem>>
    %dma_wait3A_288 = arith.constant 0 : i32
    %dma_wait3A_289 = arith.constant 0 : i32
    %dma_wait3A_290 = tpu.memref_slice %arg15[%dma_wait3A_288, %dma_wait3A_289] : memref<10240x128xf32, #tpu.memory_space<vmem_shared>> -> memref<10240x128xf32, #tpu.memory_space<vmem_shared>>
    tpu.wait_indirect_dma semaphore(%arg17 : memref<!tpu.dma_semaphore, #tpu.memory_space<semaphore_mem>>) src(%dma_wait3A_284 : memref<64x128xf32, #tpu.memory_space<vmem>>) dst(%dma_wait3A_290 : memref<10240x128xf32, #tpu.memory_space<vmem_shared>>)
    %dma_wait3A_291 = arith.constant 1 : i32
    %dma_wait3A_292 = arith.constant 49 : i32
    %dma_wait3A_293 = arith.constant 0 : i32
    %dma_wait3A_294 = arith.constant 0 : i32
    %dma_wait3A_295 = tpu.memref_slice %arg13[%dma_wait3A_291, %dma_wait3A_293, %dma_wait3A_294] : memref<2x64x128xf32, #tpu.memory_space<vmem>> -> memref<1x64x128xf32, #tpu.memory_space<vmem>>
    %dma_wait3A_296 = tpu.memref_squeeze %dma_wait3A_295 : memref<1x64x128xf32, #tpu.memory_space<vmem>> -> memref<64x128xf32, #tpu.memory_space<vmem>>
    %dma_wait3A_297 = arith.constant 0 : i32
    %dma_wait3A_298 = tpu.memref_slice %arg11[%dma_wait3A_292, %dma_wait3A_297] : memref<50x64xi32, #tpu.memory_space<vmem>> -> memref<1x64xi32, #tpu.memory_space<vmem>>
    %dma_wait3A_299 = tpu.memref_squeeze %dma_wait3A_298 : memref<1x64xi32, #tpu.memory_space<vmem>> -> memref<64xi32, #tpu.memory_space<vmem>>
    %dma_wait3A_300 = arith.constant 0 : i32
    %dma_wait3A_301 = arith.constant 0 : i32
    %dma_wait3A_302 = tpu.memref_slice %arg15[%dma_wait3A_300, %dma_wait3A_301] : memref<10240x128xf32, #tpu.memory_space<vmem_shared>> -> memref<10240x128xf32, #tpu.memory_space<vmem_shared>>
    tpu.wait_indirect_dma semaphore(%arg17 : memref<!tpu.dma_semaphore, #tpu.memory_space<semaphore_mem>>) src(%dma_wait3A_296 : memref<64x128xf32, #tpu.memory_space<vmem>>) dst(%dma_wait3A_302 : memref<10240x128xf32, #tpu.memory_space<vmem_shared>>)
    %barrier3A_303 = arith.constant 0 : index
    tpu.barrier barrier_id(%barrier3A_303)
    %mul3A_304 = arith.constant 640 : i32
    %mul3A_305 = arith.muli %arg1, %mul3A_304 : i32
    %mul3A_306 = arith.constant 640 : i32
    %mul3A_307 = arith.muli %arg1, %mul3A_306 : i32
    %run_scoped3A_308 = arith.constant 2 : i32
    %run_scoped3A_309 = arith.constant 0 : i32
    "tpu.region"() ({
      %run_scoped3A_310 = tpu.sem_alloc : memref<!tpu.dma_semaphore, #tpu.memory_space<semaphore_mem>>
      %dma_start3A_311 = arith.constant 0 : i32
      %dma_start3A_312 = tpu.memref_slice %arg9[%arg0, %run_scoped3A_308, %run_scoped3A_309, %mul3A_307, %dma_start3A_311] : memref<2x3x1x10240x128xf32, #tpu.memory_space<hbm>> -> memref<1x1x1x640x128xf32, #tpu.memory_space<hbm>>
      %dma_start3A_313 = tpu.memref_squeeze %dma_start3A_312 : memref<1x1x1x640x128xf32, #tpu.memory_space<hbm>> -> memref<640x128xf32, #tpu.memory_space<hbm>>
      %dma_start3A_314 = arith.constant 0 : i32
      %dma_start3A_315 = tpu.memref_slice %arg15[%mul3A_305, %dma_start3A_314] : memref<10240x128xf32, #tpu.memory_space<vmem_shared>> -> memref<640x128xf32, #tpu.memory_space<vmem_shared>>
      tpu.enqueue_dma source(%dma_start3A_315 : memref<640x128xf32, #tpu.memory_space<vmem_shared>>) target(%dma_start3A_313 : memref<640x128xf32, #tpu.memory_space<hbm>>) target_semaphore(%run_scoped3A_310 : memref<!tpu.dma_semaphore, #tpu.memory_space<semaphore_mem>>)
      %dma_wait3A_316 = arith.constant 0 : i32
      %dma_wait3A_317 = tpu.memref_slice %arg9[%arg0, %run_scoped3A_308, %run_scoped3A_309, %mul3A_307, %dma_wait3A_316] : memref<2x3x1x10240x128xf32, #tpu.memory_space<hbm>> -> memref<1x1x1x640x128xf32, #tpu.memory_space<hbm>>
      %dma_wait3A_318 = tpu.memref_squeeze %dma_wait3A_317 : memref<1x1x1x640x128xf32, #tpu.memory_space<hbm>> -> memref<640x128xf32, #tpu.memory_space<hbm>>
      %dma_wait3A_319 = arith.constant 0 : i32
      %dma_wait3A_320 = tpu.memref_slice %arg15[%mul3A_305, %dma_wait3A_319] : memref<10240x128xf32, #tpu.memory_space<vmem_shared>> -> memref<640x128xf32, #tpu.memory_space<vmem_shared>>
      tpu.wait_dma2 semaphore(%run_scoped3A_310 : memref<!tpu.dma_semaphore, #tpu.memory_space<semaphore_mem>>) src(%dma_wait3A_320 : memref<640x128xf32, #tpu.memory_space<vmem_shared>>) dst(%dma_wait3A_318 : memref<640x128xf32, #tpu.memory_space<hbm>>)
      tpu.yield
    }) : () -> ()
    return
  }
}

module attributes {stable_mosaic.version = 14 : i64} {
  func.func @_tc1_body(%arg0: i32, %arg1: memref<512x128xf32, #tpu.memory_space<vmem>>, %arg2: memref<3x128x128xf32, #tpu.memory_space<vmem>>, %arg3: memref<2x16x6x512xf32, #tpu.memory_space<vmem>>, %arg4: memref<3x1x512x64xi32, #tpu.memory_space<vmem>>, %arg5: memref<3x512xf32, #tpu.memory_space<vmem>>, %arg6: memref<3x512xf32, #tpu.memory_space<vmem>>) attributes {dimension_semantics = [#tpu.dimension_semantics<arbitrary>], iteration_bounds = array<i64: 20>, scalar_prefetch = 0 : i64, scratch_operands = 0 : i64, tpu.core_type = #tpu.core_type<tc>, window_params = [{transform_indices = @transform_0, window_bounds = array<i64: 512, 128>}, {pipeline_mode = #tpu.pipeline_mode<synchronous>, transform_indices = @transform_1, window_bounds = array<i64: 3, 128, 128>}, {transform_indices = @transform_2, window_bounds = array<i64: 2, 16, 6, 512>}, {transform_indices = @transform_3, window_bounds = array<i64: 3, 1, 512, 64>}, {transform_indices = @transform_4, window_bounds = array<i64: 3, 512>}, {transform_indices = @transform_5, window_bounds = array<i64: 3, 512>}]} {
    %get3A = arith.constant 0 : index
    %get3A_0 = arith.constant 0 : index
    %get3A_1 = arith.constant 0 : index
    %get3A_2 = arith.constant 0 : index
    %get3A_3 = vector.load %arg3[%get3A, %get3A_0, %get3A_1, %get3A_2] : memref<2x16x6x512xf32, #tpu.memory_space<vmem>>, vector<2x16x6x512xf32>
    %reduce_sum3A = arith.constant dense<0.000000e+00> : vector<6x512xf32>
    %reduce_sum3A_4 = vector.multi_reduction <add>, %get3A_3, %reduce_sum3A [0, 1] : vector<2x16x6x512xf32> to vector<6x512xf32>
    %max3A = arith.constant 1.000000e+00 : f32
    %max3A_5 = vector.broadcast %max3A : f32 to vector<6x512xf32>
    %max3A_6 = arith.maximumf %reduce_sum3A_4, %max3A_5 : vector<6x512xf32>
    %rsqrt3A = math.rsqrt %max3A_6 : vector<6x512xf32>
    %slice3A = vector.extract_strided_slice %rsqrt3A {offsets = [0, 0], sizes = [3, 512], strides = [1, 1]} : vector<6x512xf32> to vector<3x512xf32>
    %slice3A_7 = vector.extract_strided_slice %rsqrt3A {offsets = [3, 0], sizes = [3, 512], strides = [1, 1]} : vector<6x512xf32> to vector<3x512xf32>
    %swap3A = arith.constant 0 : index
    %swap3A_8 = arith.constant 0 : index
    %swap3A_9 = vector.load %arg5[%swap3A, %swap3A_8] : memref<3x512xf32, #tpu.memory_space<vmem>>, vector<3x512xf32>
    tpu.vector_store %arg5[%swap3A, %swap3A_8], %slice3A {strides = array<i32>} : memref<3x512xf32, #tpu.memory_space<vmem>>, vector<3x512xf32>,
    %swap3A_10 = arith.constant 0 : index
    %swap3A_11 = arith.constant 0 : index
    %swap3A_12 = vector.load %arg6[%swap3A_10, %swap3A_11] : memref<3x512xf32, #tpu.memory_space<vmem>>, vector<3x512xf32>
    tpu.vector_store %arg6[%swap3A_10, %swap3A_11], %slice3A_7 {strides = array<i32>} : memref<3x512xf32, #tpu.memory_space<vmem>>, vector<3x512xf32>,
    %get3A_13 = arith.constant 0 : index
    %get3A_14 = arith.constant 0 : index
    %get3A_15 = vector.load %arg1[%get3A_13, %get3A_14] : memref<512x128xf32, #tpu.memory_space<vmem>>, vector<512x128xf32>
    %get3A_16 = arith.constant 0 : index
    %get3A_17 = arith.constant 0 : index
    %get3A_18 = arith.constant 0 : index
    %get3A_19 = vector.load %arg2[%get3A_16, %get3A_17, %get3A_18] : memref<3x128x128xf32, #tpu.memory_space<vmem>>, vector<1x128x128xf32>
    %get3A_20 = vector.shape_cast %get3A_19 : vector<1x128x128xf32> to vector<128x128xf32>
    %dot_general3A = arith.constant dense<0.000000e+00> : vector<512x128xf32>
    %dot_general3A_21 = tpu.matmul %get3A_15, %get3A_20, %dot_general3A {dimension_numbers = #tpu.dot_dimension_numbers<[1], [0], [0], [1], [0, 0, 1, 1], [], []>, transpose_lhs_hint = false} : vector<512x128xf32>, vector<128x128xf32>, vector<512x128xf32> -> vector<512x128xf32>
    %slice3A_22 = vector.extract_strided_slice %slice3A {offsets = [0, 0], sizes = [1, 512], strides = [1, 1]} : vector<3x512xf32> to vector<1x512xf32>
    %squeeze3A = vector.shape_cast %slice3A_22 : vector<1x512xf32> to vector<512xf32>
    %broadcast_in_dim3A = vector.shape_cast %squeeze3A : vector<512xf32> to vector<512x1xf32>
    %mul3A = vector.broadcast %broadcast_in_dim3A : vector<512x1xf32> to vector<512x128xf32>
    %mul3A_23 = arith.mulf %dot_general3A_21, %mul3A : vector<512x128xf32>
    %slice3A_24 = vector.extract_strided_slice %mul3A_23 {offsets = [0, 0], sizes = [512, 16], strides = [1, 1]} : vector<512x128xf32> to vector<512x16xf32>
    %slice3A_25 = vector.extract_strided_slice %mul3A_23 {offsets = [0, 16], sizes = [512, 16], strides = [1, 1]} : vector<512x128xf32> to vector<512x16xf32>
    %convert_element_type3A = arith.truncf %slice3A_24 : vector<512x16xf32> to vector<512x16xbf16>
    %bitcast_convert_type3A = tpu.bitcast %convert_element_type3A : vector<512x16xbf16> -> vector<512x16xi16>
    %convert_element_type3A_26 = arith.extui %bitcast_convert_type3A : vector<512x16xi16> to vector<512x16xi32>
    %convert_element_type3A_27 = arith.truncf %slice3A_25 : vector<512x16xf32> to vector<512x16xbf16>
    %bitcast_convert_type3A_28 = tpu.bitcast %convert_element_type3A_27 : vector<512x16xbf16> -> vector<512x16xi16>
    %convert_element_type3A_29 = arith.extui %bitcast_convert_type3A_28 : vector<512x16xi16> to vector<512x16xi32>
    %shift_left3A = arith.constant 16 : i32
    %shift_left3A_30 = vector.broadcast %shift_left3A : i32 to vector<512x16xi32>
    %shift_left3A_31 = arith.shli %convert_element_type3A_29, %shift_left3A_30 : vector<512x16xi32>
    %or3A = arith.ori %shift_left3A_31, %convert_element_type3A_26 : vector<512x16xi32>
    %slice3A_32 = vector.extract_strided_slice %mul3A_23 {offsets = [0, 32], sizes = [512, 16], strides = [1, 1]} : vector<512x128xf32> to vector<512x16xf32>
    %slice3A_33 = vector.extract_strided_slice %mul3A_23 {offsets = [0, 48], sizes = [512, 16], strides = [1, 1]} : vector<512x128xf32> to vector<512x16xf32>
    %convert_element_type3A_34 = arith.truncf %slice3A_32 : vector<512x16xf32> to vector<512x16xbf16>
    %bitcast_convert_type3A_35 = tpu.bitcast %convert_element_type3A_34 : vector<512x16xbf16> -> vector<512x16xi16>
    %convert_element_type3A_36 = arith.extui %bitcast_convert_type3A_35 : vector<512x16xi16> to vector<512x16xi32>
    %convert_element_type3A_37 = arith.truncf %slice3A_33 : vector<512x16xf32> to vector<512x16xbf16>
    %bitcast_convert_type3A_38 = tpu.bitcast %convert_element_type3A_37 : vector<512x16xbf16> -> vector<512x16xi16>
    %convert_element_type3A_39 = arith.extui %bitcast_convert_type3A_38 : vector<512x16xi16> to vector<512x16xi32>
    %shift_left3A_40 = arith.constant 16 : i32
    %shift_left3A_41 = vector.broadcast %shift_left3A_40 : i32 to vector<512x16xi32>
    %shift_left3A_42 = arith.shli %convert_element_type3A_39, %shift_left3A_41 : vector<512x16xi32>
    %or3A_43 = arith.ori %shift_left3A_42, %convert_element_type3A_36 : vector<512x16xi32>
    %slice3A_44 = vector.extract_strided_slice %mul3A_23 {offsets = [0, 64], sizes = [512, 16], strides = [1, 1]} : vector<512x128xf32> to vector<512x16xf32>
    %slice3A_45 = vector.extract_strided_slice %mul3A_23 {offsets = [0, 80], sizes = [512, 16], strides = [1, 1]} : vector<512x128xf32> to vector<512x16xf32>
    %convert_element_type3A_46 = arith.truncf %slice3A_44 : vector<512x16xf32> to vector<512x16xbf16>
    %bitcast_convert_type3A_47 = tpu.bitcast %convert_element_type3A_46 : vector<512x16xbf16> -> vector<512x16xi16>
    %convert_element_type3A_48 = arith.extui %bitcast_convert_type3A_47 : vector<512x16xi16> to vector<512x16xi32>
    %convert_element_type3A_49 = arith.truncf %slice3A_45 : vector<512x16xf32> to vector<512x16xbf16>
    %bitcast_convert_type3A_50 = tpu.bitcast %convert_element_type3A_49 : vector<512x16xbf16> -> vector<512x16xi16>
    %convert_element_type3A_51 = arith.extui %bitcast_convert_type3A_50 : vector<512x16xi16> to vector<512x16xi32>
    %shift_left3A_52 = arith.constant 16 : i32
    %shift_left3A_53 = vector.broadcast %shift_left3A_52 : i32 to vector<512x16xi32>
    %shift_left3A_54 = arith.shli %convert_element_type3A_51, %shift_left3A_53 : vector<512x16xi32>
    %or3A_55 = arith.ori %shift_left3A_54, %convert_element_type3A_48 : vector<512x16xi32>
    %slice3A_56 = vector.extract_strided_slice %mul3A_23 {offsets = [0, 96], sizes = [512, 16], strides = [1, 1]} : vector<512x128xf32> to vector<512x16xf32>
    %slice3A_57 = vector.extract_strided_slice %mul3A_23 {offsets = [0, 112], sizes = [512, 16], strides = [1, 1]} : vector<512x128xf32> to vector<512x16xf32>
    %convert_element_type3A_58 = arith.truncf %slice3A_56 : vector<512x16xf32> to vector<512x16xbf16>
    %bitcast_convert_type3A_59 = tpu.bitcast %convert_element_type3A_58 : vector<512x16xbf16> -> vector<512x16xi16>
    %convert_element_type3A_60 = arith.extui %bitcast_convert_type3A_59 : vector<512x16xi16> to vector<512x16xi32>
    %convert_element_type3A_61 = arith.truncf %slice3A_57 : vector<512x16xf32> to vector<512x16xbf16>
    %bitcast_convert_type3A_62 = tpu.bitcast %convert_element_type3A_61 : vector<512x16xbf16> -> vector<512x16xi16>
    %convert_element_type3A_63 = arith.extui %bitcast_convert_type3A_62 : vector<512x16xi16> to vector<512x16xi32>
    %shift_left3A_64 = arith.constant 16 : i32
    %shift_left3A_65 = vector.broadcast %shift_left3A_64 : i32 to vector<512x16xi32>
    %shift_left3A_66 = arith.shli %convert_element_type3A_63, %shift_left3A_65 : vector<512x16xi32>
    %or3A_67 = arith.ori %shift_left3A_66, %convert_element_type3A_60 : vector<512x16xi32>
    %concatenate3A = tpu.concatenate %or3A, %or3A_43, %or3A_55, %or3A_67 in 1 : vector<512x16xi32>, vector<512x16xi32>, vector<512x16xi32>, vector<512x16xi32> -> vector<512x64xi32>
    %swap3A_68 = arith.constant 0 : index
    %swap3A_69 = arith.constant 0 : index
    %swap3A_70 = arith.constant 0 : index
    %swap3A_71 = arith.constant 0 : index
    %swap3A_72 = vector.load %arg4[%swap3A_68, %swap3A_69, %swap3A_70, %swap3A_71] : memref<3x1x512x64xi32, #tpu.memory_space<vmem>>, vector<1x1x512x64xi32>
    %swap3A_73 = vector.shape_cast %swap3A_72 : vector<1x1x512x64xi32> to vector<512x64xi32>
    %swap3A_74 = vector.shape_cast %concatenate3A : vector<512x64xi32> to vector<1x1x512x64xi32>
    tpu.vector_store %arg4[%swap3A_68, %swap3A_69, %swap3A_70, %swap3A_71], %swap3A_74 {strides = array<i32>} : memref<3x1x512x64xi32, #tpu.memory_space<vmem>>, vector<1x1x512x64xi32>,
    %get3A_75 = arith.constant 1 : index
    %get3A_76 = arith.constant 0 : index
    %get3A_77 = arith.constant 0 : index
    %get3A_78 = vector.load %arg2[%get3A_75, %get3A_76, %get3A_77] : memref<3x128x128xf32, #tpu.memory_space<vmem>>, vector<1x128x128xf32>
    %get3A_79 = vector.shape_cast %get3A_78 : vector<1x128x128xf32> to vector<128x128xf32>
    %dot_general3A_80 = arith.constant dense<0.000000e+00> : vector<512x128xf32>
    %dot_general3A_81 = tpu.matmul %get3A_15, %get3A_79, %dot_general3A_80 {dimension_numbers = #tpu.dot_dimension_numbers<[1], [0], [0], [1], [0, 0, 1, 1], [], []>, transpose_lhs_hint = false} : vector<512x128xf32>, vector<128x128xf32>, vector<512x128xf32> -> vector<512x128xf32>
    %slice3A_82 = vector.extract_strided_slice %slice3A {offsets = [1, 0], sizes = [1, 512], strides = [1, 1]} : vector<3x512xf32> to vector<1x512xf32>
    %squeeze3A_83 = vector.shape_cast %slice3A_82 : vector<1x512xf32> to vector<512xf32>
    %broadcast_in_dim3A_84 = vector.shape_cast %squeeze3A_83 : vector<512xf32> to vector<512x1xf32>
    %mul3A_85 = vector.broadcast %broadcast_in_dim3A_84 : vector<512x1xf32> to vector<512x128xf32>
    %mul3A_86 = arith.mulf %dot_general3A_81, %mul3A_85 : vector<512x128xf32>
    %slice3A_87 = vector.extract_strided_slice %mul3A_86 {offsets = [0, 0], sizes = [512, 16], strides = [1, 1]} : vector<512x128xf32> to vector<512x16xf32>
    %slice3A_88 = vector.extract_strided_slice %mul3A_86 {offsets = [0, 16], sizes = [512, 16], strides = [1, 1]} : vector<512x128xf32> to vector<512x16xf32>
    %convert_element_type3A_89 = arith.truncf %slice3A_87 : vector<512x16xf32> to vector<512x16xbf16>
    %bitcast_convert_type3A_90 = tpu.bitcast %convert_element_type3A_89 : vector<512x16xbf16> -> vector<512x16xi16>
    %convert_element_type3A_91 = arith.extui %bitcast_convert_type3A_90 : vector<512x16xi16> to vector<512x16xi32>
    %convert_element_type3A_92 = arith.truncf %slice3A_88 : vector<512x16xf32> to vector<512x16xbf16>
    %bitcast_convert_type3A_93 = tpu.bitcast %convert_element_type3A_92 : vector<512x16xbf16> -> vector<512x16xi16>
    %convert_element_type3A_94 = arith.extui %bitcast_convert_type3A_93 : vector<512x16xi16> to vector<512x16xi32>
    %shift_left3A_95 = arith.constant 16 : i32
    %shift_left3A_96 = vector.broadcast %shift_left3A_95 : i32 to vector<512x16xi32>
    %shift_left3A_97 = arith.shli %convert_element_type3A_94, %shift_left3A_96 : vector<512x16xi32>
    %or3A_98 = arith.ori %shift_left3A_97, %convert_element_type3A_91 : vector<512x16xi32>
    %slice3A_99 = vector.extract_strided_slice %mul3A_86 {offsets = [0, 32], sizes = [512, 16], strides = [1, 1]} : vector<512x128xf32> to vector<512x16xf32>
    %slice3A_100 = vector.extract_strided_slice %mul3A_86 {offsets = [0, 48], sizes = [512, 16], strides = [1, 1]} : vector<512x128xf32> to vector<512x16xf32>
    %convert_element_type3A_101 = arith.truncf %slice3A_99 : vector<512x16xf32> to vector<512x16xbf16>
    %bitcast_convert_type3A_102 = tpu.bitcast %convert_element_type3A_101 : vector<512x16xbf16> -> vector<512x16xi16>
    %convert_element_type3A_103 = arith.extui %bitcast_convert_type3A_102 : vector<512x16xi16> to vector<512x16xi32>
    %convert_element_type3A_104 = arith.truncf %slice3A_100 : vector<512x16xf32> to vector<512x16xbf16>
    %bitcast_convert_type3A_105 = tpu.bitcast %convert_element_type3A_104 : vector<512x16xbf16> -> vector<512x16xi16>
    %convert_element_type3A_106 = arith.extui %bitcast_convert_type3A_105 : vector<512x16xi16> to vector<512x16xi32>
    %shift_left3A_107 = arith.constant 16 : i32
    %shift_left3A_108 = vector.broadcast %shift_left3A_107 : i32 to vector<512x16xi32>
    %shift_left3A_109 = arith.shli %convert_element_type3A_106, %shift_left3A_108 : vector<512x16xi32>
    %or3A_110 = arith.ori %shift_left3A_109, %convert_element_type3A_103 : vector<512x16xi32>
    %slice3A_111 = vector.extract_strided_slice %mul3A_86 {offsets = [0, 64], sizes = [512, 16], strides = [1, 1]} : vector<512x128xf32> to vector<512x16xf32>
    %slice3A_112 = vector.extract_strided_slice %mul3A_86 {offsets = [0, 80], sizes = [512, 16], strides = [1, 1]} : vector<512x128xf32> to vector<512x16xf32>
    %convert_element_type3A_113 = arith.truncf %slice3A_111 : vector<512x16xf32> to vector<512x16xbf16>
    %bitcast_convert_type3A_114 = tpu.bitcast %convert_element_type3A_113 : vector<512x16xbf16> -> vector<512x16xi16>
    %convert_element_type3A_115 = arith.extui %bitcast_convert_type3A_114 : vector<512x16xi16> to vector<512x16xi32>
    %convert_element_type3A_116 = arith.truncf %slice3A_112 : vector<512x16xf32> to vector<512x16xbf16>
    %bitcast_convert_type3A_117 = tpu.bitcast %convert_element_type3A_116 : vector<512x16xbf16> -> vector<512x16xi16>
    %convert_element_type3A_118 = arith.extui %bitcast_convert_type3A_117 : vector<512x16xi16> to vector<512x16xi32>
    %shift_left3A_119 = arith.constant 16 : i32
    %shift_left3A_120 = vector.broadcast %shift_left3A_119 : i32 to vector<512x16xi32>
    %shift_left3A_121 = arith.shli %convert_element_type3A_118, %shift_left3A_120 : vector<512x16xi32>
    %or3A_122 = arith.ori %shift_left3A_121, %convert_element_type3A_115 : vector<512x16xi32>
    %slice3A_123 = vector.extract_strided_slice %mul3A_86 {offsets = [0, 96], sizes = [512, 16], strides = [1, 1]} : vector<512x128xf32> to vector<512x16xf32>
    %slice3A_124 = vector.extract_strided_slice %mul3A_86 {offsets = [0, 112], sizes = [512, 16], strides = [1, 1]} : vector<512x128xf32> to vector<512x16xf32>
    %convert_element_type3A_125 = arith.truncf %slice3A_123 : vector<512x16xf32> to vector<512x16xbf16>
    %bitcast_convert_type3A_126 = tpu.bitcast %convert_element_type3A_125 : vector<512x16xbf16> -> vector<512x16xi16>
    %convert_element_type3A_127 = arith.extui %bitcast_convert_type3A_126 : vector<512x16xi16> to vector<512x16xi32>
    %convert_element_type3A_128 = arith.truncf %slice3A_124 : vector<512x16xf32> to vector<512x16xbf16>
    %bitcast_convert_type3A_129 = tpu.bitcast %convert_element_type3A_128 : vector<512x16xbf16> -> vector<512x16xi16>
    %convert_element_type3A_130 = arith.extui %bitcast_convert_type3A_129 : vector<512x16xi16> to vector<512x16xi32>
    %shift_left3A_131 = arith.constant 16 : i32
    %shift_left3A_132 = vector.broadcast %shift_left3A_131 : i32 to vector<512x16xi32>
    %shift_left3A_133 = arith.shli %convert_element_type3A_130, %shift_left3A_132 : vector<512x16xi32>
    %or3A_134 = arith.ori %shift_left3A_133, %convert_element_type3A_127 : vector<512x16xi32>
    %concatenate3A_135 = tpu.concatenate %or3A_98, %or3A_110, %or3A_122, %or3A_134 in 1 : vector<512x16xi32>, vector<512x16xi32>, vector<512x16xi32>, vector<512x16xi32> -> vector<512x64xi32>
    %swap3A_136 = arith.constant 1 : index
    %swap3A_137 = arith.constant 0 : index
    %swap3A_138 = arith.constant 0 : index
    %swap3A_139 = arith.constant 0 : index
    %swap3A_140 = vector.load %arg4[%swap3A_136, %swap3A_137, %swap3A_138, %swap3A_139] : memref<3x1x512x64xi32, #tpu.memory_space<vmem>>, vector<1x1x512x64xi32>
    %swap3A_141 = vector.shape_cast %swap3A_140 : vector<1x1x512x64xi32> to vector<512x64xi32>
    %swap3A_142 = vector.shape_cast %concatenate3A_135 : vector<512x64xi32> to vector<1x1x512x64xi32>
    tpu.vector_store %arg4[%swap3A_136, %swap3A_137, %swap3A_138, %swap3A_139], %swap3A_142 {strides = array<i32>} : memref<3x1x512x64xi32, #tpu.memory_space<vmem>>, vector<1x1x512x64xi32>,
    %get3A_143 = arith.constant 2 : index
    %get3A_144 = arith.constant 0 : index
    %get3A_145 = arith.constant 0 : index
    %get3A_146 = vector.load %arg2[%get3A_143, %get3A_144, %get3A_145] : memref<3x128x128xf32, #tpu.memory_space<vmem>>, vector<1x128x128xf32>
    %get3A_147 = vector.shape_cast %get3A_146 : vector<1x128x128xf32> to vector<128x128xf32>
    %dot_general3A_148 = arith.constant dense<0.000000e+00> : vector<512x128xf32>
    %dot_general3A_149 = tpu.matmul %get3A_15, %get3A_147, %dot_general3A_148 {dimension_numbers = #tpu.dot_dimension_numbers<[1], [0], [0], [1], [0, 0, 1, 1], [], []>, transpose_lhs_hint = false} : vector<512x128xf32>, vector<128x128xf32>, vector<512x128xf32> -> vector<512x128xf32>
    %slice3A_150 = vector.extract_strided_slice %slice3A {offsets = [2, 0], sizes = [1, 512], strides = [1, 1]} : vector<3x512xf32> to vector<1x512xf32>
    %squeeze3A_151 = vector.shape_cast %slice3A_150 : vector<1x512xf32> to vector<512xf32>
    %broadcast_in_dim3A_152 = vector.shape_cast %squeeze3A_151 : vector<512xf32> to vector<512x1xf32>
    %mul3A_153 = vector.broadcast %broadcast_in_dim3A_152 : vector<512x1xf32> to vector<512x128xf32>
    %mul3A_154 = arith.mulf %dot_general3A_149, %mul3A_153 : vector<512x128xf32>
    %slice3A_155 = vector.extract_strided_slice %mul3A_154 {offsets = [0, 0], sizes = [512, 16], strides = [1, 1]} : vector<512x128xf32> to vector<512x16xf32>
    %slice3A_156 = vector.extract_strided_slice %mul3A_154 {offsets = [0, 16], sizes = [512, 16], strides = [1, 1]} : vector<512x128xf32> to vector<512x16xf32>
    %convert_element_type3A_157 = arith.truncf %slice3A_155 : vector<512x16xf32> to vector<512x16xbf16>
    %bitcast_convert_type3A_158 = tpu.bitcast %convert_element_type3A_157 : vector<512x16xbf16> -> vector<512x16xi16>
    %convert_element_type3A_159 = arith.extui %bitcast_convert_type3A_158 : vector<512x16xi16> to vector<512x16xi32>
    %convert_element_type3A_160 = arith.truncf %slice3A_156 : vector<512x16xf32> to vector<512x16xbf16>
    %bitcast_convert_type3A_161 = tpu.bitcast %convert_element_type3A_160 : vector<512x16xbf16> -> vector<512x16xi16>
    %convert_element_type3A_162 = arith.extui %bitcast_convert_type3A_161 : vector<512x16xi16> to vector<512x16xi32>
    %shift_left3A_163 = arith.constant 16 : i32
    %shift_left3A_164 = vector.broadcast %shift_left3A_163 : i32 to vector<512x16xi32>
    %shift_left3A_165 = arith.shli %convert_element_type3A_162, %shift_left3A_164 : vector<512x16xi32>
    %or3A_166 = arith.ori %shift_left3A_165, %convert_element_type3A_159 : vector<512x16xi32>
    %slice3A_167 = vector.extract_strided_slice %mul3A_154 {offsets = [0, 32], sizes = [512, 16], strides = [1, 1]} : vector<512x128xf32> to vector<512x16xf32>
    %slice3A_168 = vector.extract_strided_slice %mul3A_154 {offsets = [0, 48], sizes = [512, 16], strides = [1, 1]} : vector<512x128xf32> to vector<512x16xf32>
    %convert_element_type3A_169 = arith.truncf %slice3A_167 : vector<512x16xf32> to vector<512x16xbf16>
    %bitcast_convert_type3A_170 = tpu.bitcast %convert_element_type3A_169 : vector<512x16xbf16> -> vector<512x16xi16>
    %convert_element_type3A_171 = arith.extui %bitcast_convert_type3A_170 : vector<512x16xi16> to vector<512x16xi32>
    %convert_element_type3A_172 = arith.truncf %slice3A_168 : vector<512x16xf32> to vector<512x16xbf16>
    %bitcast_convert_type3A_173 = tpu.bitcast %convert_element_type3A_172 : vector<512x16xbf16> -> vector<512x16xi16>
    %convert_element_type3A_174 = arith.extui %bitcast_convert_type3A_173 : vector<512x16xi16> to vector<512x16xi32>
    %shift_left3A_175 = arith.constant 16 : i32
    %shift_left3A_176 = vector.broadcast %shift_left3A_175 : i32 to vector<512x16xi32>
    %shift_left3A_177 = arith.shli %convert_element_type3A_174, %shift_left3A_176 : vector<512x16xi32>
    %or3A_178 = arith.ori %shift_left3A_177, %convert_element_type3A_171 : vector<512x16xi32>
    %slice3A_179 = vector.extract_strided_slice %mul3A_154 {offsets = [0, 64], sizes = [512, 16], strides = [1, 1]} : vector<512x128xf32> to vector<512x16xf32>
    %slice3A_180 = vector.extract_strided_slice %mul3A_154 {offsets = [0, 80], sizes = [512, 16], strides = [1, 1]} : vector<512x128xf32> to vector<512x16xf32>
    %convert_element_type3A_181 = arith.truncf %slice3A_179 : vector<512x16xf32> to vector<512x16xbf16>
    %bitcast_convert_type3A_182 = tpu.bitcast %convert_element_type3A_181 : vector<512x16xbf16> -> vector<512x16xi16>
    %convert_element_type3A_183 = arith.extui %bitcast_convert_type3A_182 : vector<512x16xi16> to vector<512x16xi32>
    %convert_element_type3A_184 = arith.truncf %slice3A_180 : vector<512x16xf32> to vector<512x16xbf16>
    %bitcast_convert_type3A_185 = tpu.bitcast %convert_element_type3A_184 : vector<512x16xbf16> -> vector<512x16xi16>
    %convert_element_type3A_186 = arith.extui %bitcast_convert_type3A_185 : vector<512x16xi16> to vector<512x16xi32>
    %shift_left3A_187 = arith.constant 16 : i32
    %shift_left3A_188 = vector.broadcast %shift_left3A_187 : i32 to vector<512x16xi32>
    %shift_left3A_189 = arith.shli %convert_element_type3A_186, %shift_left3A_188 : vector<512x16xi32>
    %or3A_190 = arith.ori %shift_left3A_189, %convert_element_type3A_183 : vector<512x16xi32>
    %slice3A_191 = vector.extract_strided_slice %mul3A_154 {offsets = [0, 96], sizes = [512, 16], strides = [1, 1]} : vector<512x128xf32> to vector<512x16xf32>
    %slice3A_192 = vector.extract_strided_slice %mul3A_154 {offsets = [0, 112], sizes = [512, 16], strides = [1, 1]} : vector<512x128xf32> to vector<512x16xf32>
    %convert_element_type3A_193 = arith.truncf %slice3A_191 : vector<512x16xf32> to vector<512x16xbf16>
    %bitcast_convert_type3A_194 = tpu.bitcast %convert_element_type3A_193 : vector<512x16xbf16> -> vector<512x16xi16>
    %convert_element_type3A_195 = arith.extui %bitcast_convert_type3A_194 : vector<512x16xi16> to vector<512x16xi32>
    %convert_element_type3A_196 = arith.truncf %slice3A_192 : vector<512x16xf32> to vector<512x16xbf16>
    %bitcast_convert_type3A_197 = tpu.bitcast %convert_element_type3A_196 : vector<512x16xbf16> -> vector<512x16xi16>
    %convert_element_type3A_198 = arith.extui %bitcast_convert_type3A_197 : vector<512x16xi16> to vector<512x16xi32>
    %shift_left3A_199 = arith.constant 16 : i32
    %shift_left3A_200 = vector.broadcast %shift_left3A_199 : i32 to vector<512x16xi32>
    %shift_left3A_201 = arith.shli %convert_element_type3A_198, %shift_left3A_200 : vector<512x16xi32>
    %or3A_202 = arith.ori %shift_left3A_201, %convert_element_type3A_195 : vector<512x16xi32>
    %concatenate3A_203 = tpu.concatenate %or3A_166, %or3A_178, %or3A_190, %or3A_202 in 1 : vector<512x16xi32>, vector<512x16xi32>, vector<512x16xi32>, vector<512x16xi32> -> vector<512x64xi32>
    %swap3A_204 = arith.constant 2 : index
    %swap3A_205 = arith.constant 0 : index
    %swap3A_206 = arith.constant 0 : index
    %swap3A_207 = arith.constant 0 : index
    %swap3A_208 = vector.load %arg4[%swap3A_204, %swap3A_205, %swap3A_206, %swap3A_207] : memref<3x1x512x64xi32, #tpu.memory_space<vmem>>, vector<1x1x512x64xi32>
    %swap3A_209 = vector.shape_cast %swap3A_208 : vector<1x1x512x64xi32> to vector<512x64xi32>
    %swap3A_210 = vector.shape_cast %concatenate3A_203 : vector<512x64xi32> to vector<1x1x512x64xi32>
    tpu.vector_store %arg4[%swap3A_204, %swap3A_205, %swap3A_206, %swap3A_207], %swap3A_210 {strides = array<i32>} : memref<3x1x512x64xi32, #tpu.memory_space<vmem>>, vector<1x1x512x64xi32>,
    return
  }
  func.func @transform_0(%arg0: i32) -> (i32, i32) {
    %c0_i32 = arith.constant 0 : i32
    %c0_i32_0 = arith.constant 0 : i32
    return %arg0, %c0_i32 : i32, i32
  }
  func.func @transform_1(%arg0: i32) -> (i32, i32, i32) {
    %c0_i32 = arith.constant 0 : i32
    %c0_i32_0 = arith.constant 0 : i32
    %c0_i32_1 = arith.constant 0 : i32
    %c0_i32_2 = arith.constant 0 : i32
    return %c0_i32, %c0_i32_0, %c0_i32_1 : i32, i32, i32
  }
  func.func @transform_2(%arg0: i32) -> (i32, i32, i32, i32) {
    %c0_i32 = arith.constant 0 : i32
    %c0_i32_0 = arith.constant 0 : i32
    %c0_i32_1 = arith.constant 0 : i32
    %c0_i32_2 = arith.constant 0 : i32
    return %c0_i32, %c0_i32_0, %c0_i32_1, %arg0 : i32, i32, i32, i32
  }
  func.func @transform_3(%arg0: i32) -> (i32, i32, i32, i32) {
    %c0_i32 = arith.constant 0 : i32
    %c0_i32_0 = arith.constant 0 : i32
    %c0_i32_1 = arith.constant 0 : i32
    %c0_i32_2 = arith.constant 0 : i32
    return %c0_i32, %c0_i32_0, %arg0, %c0_i32_1 : i32, i32, i32, i32
  }
  func.func @transform_4(%arg0: i32) -> (i32, i32) {
    %c0_i32 = arith.constant 0 : i32
    %c0_i32_0 = arith.constant 0 : i32
    return %c0_i32, %arg0 : i32, i32
  }
  func.func @transform_5(%arg0: i32) -> (i32, i32) {
    %c0_i32 = arith.constant 0 : i32
    %c0_i32_0 = arith.constant 0 : i32
    return %c0_i32, %arg0 : i32, i32
  }
}

module attributes {stable_mosaic.version = 14 : i64} {
  func.func @_tc2_body(%arg0: i32, %arg1: memref<2x3x1x512x128xf32, #tpu.memory_space<vmem>>, %arg2: memref<3x512xf32, #tpu.memory_space<vmem>>, %arg3: memref<3x512xf32, #tpu.memory_space<vmem>>, %arg4: memref<1x128xf32, #tpu.memory_space<vmem>>, %arg5: memref<3x128x128xf32, #tpu.memory_space<vmem>>, %arg6: memref<3x1x512x64xi32, #tpu.memory_space<vmem>>) attributes {dimension_semantics = [#tpu.dimension_semantics<arbitrary>], iteration_bounds = array<i64: 20>, scalar_prefetch = 0 : i64, scratch_operands = 0 : i64, tpu.core_type = #tpu.core_type<tc>, window_params = [{transform_indices = @transform_0, window_bounds = array<i64: 2, 3, 1, 512, 128>}, {transform_indices = @transform_1, window_bounds = array<i64: 3, 512>}, {transform_indices = @transform_2, window_bounds = array<i64: 3, 512>}, {pipeline_mode = #tpu.pipeline_mode<synchronous>, transform_indices = @transform_3, window_bounds = array<i64: 1, 128>}, {pipeline_mode = #tpu.pipeline_mode<synchronous>, transform_indices = @transform_4, window_bounds = array<i64: 3, 128, 128>}, {transform_indices = @transform_5, window_bounds = array<i64: 3, 1, 512, 64>}]} {
    %get3A = arith.constant 0 : index
    %get3A_0 = arith.constant 0 : index
    %get3A_1 = vector.load %arg2[%get3A, %get3A_0] : memref<3x512xf32, #tpu.memory_space<vmem>>, vector<3x512xf32>
    %get3A_2 = arith.constant 0 : index
    %get3A_3 = arith.constant 0 : index
    %get3A_4 = vector.load %arg3[%get3A_2, %get3A_3] : memref<3x512xf32, #tpu.memory_space<vmem>>, vector<3x512xf32>
    %get3A_5 = arith.constant 0 : index
    %get3A_6 = arith.constant 0 : index
    %get3A_7 = vector.load %arg4[%get3A_5, %get3A_6] : memref<1x128xf32, #tpu.memory_space<vmem>>, vector<1x128xf32>
    %broadcast_in_dim3A = arith.constant 1.000000e+00 : f32
    %broadcast_in_dim3A_8 = vector.broadcast %broadcast_in_dim3A : f32 to vector<512x1xf32>
    %mul3A = vector.broadcast %get3A_7 : vector<1x128xf32> to vector<512x128xf32>
    %mul3A_9 = vector.broadcast %broadcast_in_dim3A_8 : vector<512x1xf32> to vector<512x128xf32>
    %mul3A_10 = arith.mulf %mul3A, %mul3A_9 : vector<512x128xf32>
    %get3A_11 = arith.constant 0 : index
    %get3A_12 = arith.constant 0 : index
    %get3A_13 = arith.constant 0 : index
    %get3A_14 = arith.constant 0 : index
    %get3A_15 = arith.constant 0 : index
    %get3A_16 = vector.load %arg1[%get3A_11, %get3A_12, %get3A_13, %get3A_14, %get3A_15] : memref<2x3x1x512x128xf32, #tpu.memory_space<vmem>>, vector<1x1x1x512x128xf32>
    %get3A_17 = vector.shape_cast %get3A_16 : vector<1x1x1x512x128xf32> to vector<512x128xf32>
    %get3A_18 = arith.constant 1 : index
    %get3A_19 = arith.constant 0 : index
    %get3A_20 = arith.constant 0 : index
    %get3A_21 = arith.constant 0 : index
    %get3A_22 = arith.constant 0 : index
    %get3A_23 = vector.load %arg1[%get3A_18, %get3A_19, %get3A_20, %get3A_21, %get3A_22] : memref<2x3x1x512x128xf32, #tpu.memory_space<vmem>>, vector<1x1x1x512x128xf32>
    %get3A_24 = vector.shape_cast %get3A_23 : vector<1x1x1x512x128xf32> to vector<512x128xf32>
    %add3A = arith.addf %get3A_17, %get3A_24 : vector<512x128xf32>
    %slice3A = vector.extract_strided_slice %get3A_1 {offsets = [0, 0], sizes = [1, 512], strides = [1, 1]} : vector<3x512xf32> to vector<1x512xf32>
    %squeeze3A = vector.shape_cast %slice3A : vector<1x512xf32> to vector<512xf32>
    %broadcast_in_dim3A_25 = vector.shape_cast %squeeze3A : vector<512xf32> to vector<512x1xf32>
    %mul3A_26 = vector.broadcast %broadcast_in_dim3A_25 : vector<512x1xf32> to vector<512x128xf32>
    %mul3A_27 = arith.mulf %add3A, %mul3A_26 : vector<512x128xf32>
    %add3A_28 = arith.addf %mul3A_10, %mul3A_27 : vector<512x128xf32>
    %get3A_29 = arith.constant 0 : index
    %get3A_30 = arith.constant 1 : index
    %get3A_31 = arith.constant 0 : index
    %get3A_32 = arith.constant 0 : index
    %get3A_33 = arith.constant 0 : index
    %get3A_34 = vector.load %arg1[%get3A_29, %get3A_30, %get3A_31, %get3A_32, %get3A_33] : memref<2x3x1x512x128xf32, #tpu.memory_space<vmem>>, vector<1x1x1x512x128xf32>
    %get3A_35 = vector.shape_cast %get3A_34 : vector<1x1x1x512x128xf32> to vector<512x128xf32>
    %get3A_36 = arith.constant 1 : index
    %get3A_37 = arith.constant 1 : index
    %get3A_38 = arith.constant 0 : index
    %get3A_39 = arith.constant 0 : index
    %get3A_40 = arith.constant 0 : index
    %get3A_41 = vector.load %arg1[%get3A_36, %get3A_37, %get3A_38, %get3A_39, %get3A_40] : memref<2x3x1x512x128xf32, #tpu.memory_space<vmem>>, vector<1x1x1x512x128xf32>
    %get3A_42 = vector.shape_cast %get3A_41 : vector<1x1x1x512x128xf32> to vector<512x128xf32>
    %add3A_43 = arith.addf %get3A_35, %get3A_42 : vector<512x128xf32>
    %slice3A_44 = vector.extract_strided_slice %get3A_1 {offsets = [1, 0], sizes = [1, 512], strides = [1, 1]} : vector<3x512xf32> to vector<1x512xf32>
    %squeeze3A_45 = vector.shape_cast %slice3A_44 : vector<1x512xf32> to vector<512xf32>
    %broadcast_in_dim3A_46 = vector.shape_cast %squeeze3A_45 : vector<512xf32> to vector<512x1xf32>
    %mul3A_47 = vector.broadcast %broadcast_in_dim3A_46 : vector<512x1xf32> to vector<512x128xf32>
    %mul3A_48 = arith.mulf %add3A_43, %mul3A_47 : vector<512x128xf32>
    %add3A_49 = arith.addf %add3A_28, %mul3A_48 : vector<512x128xf32>
    %get3A_50 = arith.constant 0 : index
    %get3A_51 = arith.constant 2 : index
    %get3A_52 = arith.constant 0 : index
    %get3A_53 = arith.constant 0 : index
    %get3A_54 = arith.constant 0 : index
    %get3A_55 = vector.load %arg1[%get3A_50, %get3A_51, %get3A_52, %get3A_53, %get3A_54] : memref<2x3x1x512x128xf32, #tpu.memory_space<vmem>>, vector<1x1x1x512x128xf32>
    %get3A_56 = vector.shape_cast %get3A_55 : vector<1x1x1x512x128xf32> to vector<512x128xf32>
    %get3A_57 = arith.constant 1 : index
    %get3A_58 = arith.constant 2 : index
    %get3A_59 = arith.constant 0 : index
    %get3A_60 = arith.constant 0 : index
    %get3A_61 = arith.constant 0 : index
    %get3A_62 = vector.load %arg1[%get3A_57, %get3A_58, %get3A_59, %get3A_60, %get3A_61] : memref<2x3x1x512x128xf32, #tpu.memory_space<vmem>>, vector<1x1x1x512x128xf32>
    %get3A_63 = vector.shape_cast %get3A_62 : vector<1x1x1x512x128xf32> to vector<512x128xf32>
    %add3A_64 = arith.addf %get3A_56, %get3A_63 : vector<512x128xf32>
    %slice3A_65 = vector.extract_strided_slice %get3A_1 {offsets = [2, 0], sizes = [1, 512], strides = [1, 1]} : vector<3x512xf32> to vector<1x512xf32>
    %squeeze3A_66 = vector.shape_cast %slice3A_65 : vector<1x512xf32> to vector<512xf32>
    %broadcast_in_dim3A_67 = vector.shape_cast %squeeze3A_66 : vector<512xf32> to vector<512x1xf32>
    %mul3A_68 = vector.broadcast %broadcast_in_dim3A_67 : vector<512x1xf32> to vector<512x128xf32>
    %mul3A_69 = arith.mulf %add3A_64, %mul3A_68 : vector<512x128xf32>
    %add3A_70 = arith.addf %add3A_49, %mul3A_69 : vector<512x128xf32>
    %tanh3A = math.tanh %add3A_70 : vector<512x128xf32>
    %get3A_71 = arith.constant 0 : index
    %get3A_72 = arith.constant 0 : index
    %get3A_73 = arith.constant 0 : index
    %get3A_74 = vector.load %arg5[%get3A_71, %get3A_72, %get3A_73] : memref<3x128x128xf32, #tpu.memory_space<vmem>>, vector<1x128x128xf32>
    %get3A_75 = vector.shape_cast %get3A_74 : vector<1x128x128xf32> to vector<128x128xf32>
    %dot_general3A = arith.constant dense<0.000000e+00> : vector<512x128xf32>
    %dot_general3A_76 = tpu.matmul %tanh3A, %get3A_75, %dot_general3A {dimension_numbers = #tpu.dot_dimension_numbers<[1], [0], [0], [1], [0, 0, 1, 1], [], []>, transpose_lhs_hint = false} : vector<512x128xf32>, vector<128x128xf32>, vector<512x128xf32> -> vector<512x128xf32>
    %slice3A_77 = vector.extract_strided_slice %get3A_4 {offsets = [0, 0], sizes = [1, 512], strides = [1, 1]} : vector<3x512xf32> to vector<1x512xf32>
    %squeeze3A_78 = vector.shape_cast %slice3A_77 : vector<1x512xf32> to vector<512xf32>
    %broadcast_in_dim3A_79 = vector.shape_cast %squeeze3A_78 : vector<512xf32> to vector<512x1xf32>
    %mul3A_80 = vector.broadcast %broadcast_in_dim3A_79 : vector<512x1xf32> to vector<512x128xf32>
    %mul3A_81 = arith.mulf %dot_general3A_76, %mul3A_80 : vector<512x128xf32>
    %slice3A_82 = vector.extract_strided_slice %mul3A_81 {offsets = [0, 0], sizes = [512, 16], strides = [1, 1]} : vector<512x128xf32> to vector<512x16xf32>
    %slice3A_83 = vector.extract_strided_slice %mul3A_81 {offsets = [0, 16], sizes = [512, 16], strides = [1, 1]} : vector<512x128xf32> to vector<512x16xf32>
    %convert_element_type3A = arith.truncf %slice3A_82 : vector<512x16xf32> to vector<512x16xbf16>
    %bitcast_convert_type3A = tpu.bitcast %convert_element_type3A : vector<512x16xbf16> -> vector<512x16xi16>
    %convert_element_type3A_84 = arith.extui %bitcast_convert_type3A : vector<512x16xi16> to vector<512x16xi32>
    %convert_element_type3A_85 = arith.truncf %slice3A_83 : vector<512x16xf32> to vector<512x16xbf16>
    %bitcast_convert_type3A_86 = tpu.bitcast %convert_element_type3A_85 : vector<512x16xbf16> -> vector<512x16xi16>
    %convert_element_type3A_87 = arith.extui %bitcast_convert_type3A_86 : vector<512x16xi16> to vector<512x16xi32>
    %shift_left3A = arith.constant 16 : i32
    %shift_left3A_88 = vector.broadcast %shift_left3A : i32 to vector<512x16xi32>
    %shift_left3A_89 = arith.shli %convert_element_type3A_87, %shift_left3A_88 : vector<512x16xi32>
    %or3A = arith.ori %shift_left3A_89, %convert_element_type3A_84 : vector<512x16xi32>
    %slice3A_90 = vector.extract_strided_slice %mul3A_81 {offsets = [0, 32], sizes = [512, 16], strides = [1, 1]} : vector<512x128xf32> to vector<512x16xf32>
    %slice3A_91 = vector.extract_strided_slice %mul3A_81 {offsets = [0, 48], sizes = [512, 16], strides = [1, 1]} : vector<512x128xf32> to vector<512x16xf32>
    %convert_element_type3A_92 = arith.truncf %slice3A_90 : vector<512x16xf32> to vector<512x16xbf16>
    %bitcast_convert_type3A_93 = tpu.bitcast %convert_element_type3A_92 : vector<512x16xbf16> -> vector<512x16xi16>
    %convert_element_type3A_94 = arith.extui %bitcast_convert_type3A_93 : vector<512x16xi16> to vector<512x16xi32>
    %convert_element_type3A_95 = arith.truncf %slice3A_91 : vector<512x16xf32> to vector<512x16xbf16>
    %bitcast_convert_type3A_96 = tpu.bitcast %convert_element_type3A_95 : vector<512x16xbf16> -> vector<512x16xi16>
    %convert_element_type3A_97 = arith.extui %bitcast_convert_type3A_96 : vector<512x16xi16> to vector<512x16xi32>
    %shift_left3A_98 = arith.constant 16 : i32
    %shift_left3A_99 = vector.broadcast %shift_left3A_98 : i32 to vector<512x16xi32>
    %shift_left3A_100 = arith.shli %convert_element_type3A_97, %shift_left3A_99 : vector<512x16xi32>
    %or3A_101 = arith.ori %shift_left3A_100, %convert_element_type3A_94 : vector<512x16xi32>
    %slice3A_102 = vector.extract_strided_slice %mul3A_81 {offsets = [0, 64], sizes = [512, 16], strides = [1, 1]} : vector<512x128xf32> to vector<512x16xf32>
    %slice3A_103 = vector.extract_strided_slice %mul3A_81 {offsets = [0, 80], sizes = [512, 16], strides = [1, 1]} : vector<512x128xf32> to vector<512x16xf32>
    %convert_element_type3A_104 = arith.truncf %slice3A_102 : vector<512x16xf32> to vector<512x16xbf16>
    %bitcast_convert_type3A_105 = tpu.bitcast %convert_element_type3A_104 : vector<512x16xbf16> -> vector<512x16xi16>
    %convert_element_type3A_106 = arith.extui %bitcast_convert_type3A_105 : vector<512x16xi16> to vector<512x16xi32>
    %convert_element_type3A_107 = arith.truncf %slice3A_103 : vector<512x16xf32> to vector<512x16xbf16>
    %bitcast_convert_type3A_108 = tpu.bitcast %convert_element_type3A_107 : vector<512x16xbf16> -> vector<512x16xi16>
    %convert_element_type3A_109 = arith.extui %bitcast_convert_type3A_108 : vector<512x16xi16> to vector<512x16xi32>
    %shift_left3A_110 = arith.constant 16 : i32
    %shift_left3A_111 = vector.broadcast %shift_left3A_110 : i32 to vector<512x16xi32>
    %shift_left3A_112 = arith.shli %convert_element_type3A_109, %shift_left3A_111 : vector<512x16xi32>
    %or3A_113 = arith.ori %shift_left3A_112, %convert_element_type3A_106 : vector<512x16xi32>
    %slice3A_114 = vector.extract_strided_slice %mul3A_81 {offsets = [0, 96], sizes = [512, 16], strides = [1, 1]} : vector<512x128xf32> to vector<512x16xf32>
    %slice3A_115 = vector.extract_strided_slice %mul3A_81 {offsets = [0, 112], sizes = [512, 16], strides = [1, 1]} : vector<512x128xf32> to vector<512x16xf32>
    %convert_element_type3A_116 = arith.truncf %slice3A_114 : vector<512x16xf32> to vector<512x16xbf16>
    %bitcast_convert_type3A_117 = tpu.bitcast %convert_element_type3A_116 : vector<512x16xbf16> -> vector<512x16xi16>
    %convert_element_type3A_118 = arith.extui %bitcast_convert_type3A_117 : vector<512x16xi16> to vector<512x16xi32>
    %convert_element_type3A_119 = arith.truncf %slice3A_115 : vector<512x16xf32> to vector<512x16xbf16>
    %bitcast_convert_type3A_120 = tpu.bitcast %convert_element_type3A_119 : vector<512x16xbf16> -> vector<512x16xi16>
    %convert_element_type3A_121 = arith.extui %bitcast_convert_type3A_120 : vector<512x16xi16> to vector<512x16xi32>
    %shift_left3A_122 = arith.constant 16 : i32
    %shift_left3A_123 = vector.broadcast %shift_left3A_122 : i32 to vector<512x16xi32>
    %shift_left3A_124 = arith.shli %convert_element_type3A_121, %shift_left3A_123 : vector<512x16xi32>
    %or3A_125 = arith.ori %shift_left3A_124, %convert_element_type3A_118 : vector<512x16xi32>
    %concatenate3A = tpu.concatenate %or3A, %or3A_101, %or3A_113, %or3A_125 in 1 : vector<512x16xi32>, vector<512x16xi32>, vector<512x16xi32>, vector<512x16xi32> -> vector<512x64xi32>
    %swap3A = arith.constant 0 : index
    %swap3A_126 = arith.constant 0 : index
    %swap3A_127 = arith.constant 0 : index
    %swap3A_128 = arith.constant 0 : index
    %swap3A_129 = vector.load %arg6[%swap3A, %swap3A_126, %swap3A_127, %swap3A_128] : memref<3x1x512x64xi32, #tpu.memory_space<vmem>>, vector<1x1x512x64xi32>
    %swap3A_130 = vector.shape_cast %swap3A_129 : vector<1x1x512x64xi32> to vector<512x64xi32>
    %swap3A_131 = vector.shape_cast %concatenate3A : vector<512x64xi32> to vector<1x1x512x64xi32>
    tpu.vector_store %arg6[%swap3A, %swap3A_126, %swap3A_127, %swap3A_128], %swap3A_131 {strides = array<i32>} : memref<3x1x512x64xi32, #tpu.memory_space<vmem>>, vector<1x1x512x64xi32>,
    %get3A_132 = arith.constant 1 : index
    %get3A_133 = arith.constant 0 : index
    %get3A_134 = arith.constant 0 : index
    %get3A_135 = vector.load %arg5[%get3A_132, %get3A_133, %get3A_134] : memref<3x128x128xf32, #tpu.memory_space<vmem>>, vector<1x128x128xf32>
    %get3A_136 = vector.shape_cast %get3A_135 : vector<1x128x128xf32> to vector<128x128xf32>
    %dot_general3A_137 = arith.constant dense<0.000000e+00> : vector<512x128xf32>
    %dot_general3A_138 = tpu.matmul %tanh3A, %get3A_136, %dot_general3A_137 {dimension_numbers = #tpu.dot_dimension_numbers<[1], [0], [0], [1], [0, 0, 1, 1], [], []>, transpose_lhs_hint = false} : vector<512x128xf32>, vector<128x128xf32>, vector<512x128xf32> -> vector<512x128xf32>
    %slice3A_139 = vector.extract_strided_slice %get3A_4 {offsets = [1, 0], sizes = [1, 512], strides = [1, 1]} : vector<3x512xf32> to vector<1x512xf32>
    %squeeze3A_140 = vector.shape_cast %slice3A_139 : vector<1x512xf32> to vector<512xf32>
    %broadcast_in_dim3A_141 = vector.shape_cast %squeeze3A_140 : vector<512xf32> to vector<512x1xf32>
    %mul3A_142 = vector.broadcast %broadcast_in_dim3A_141 : vector<512x1xf32> to vector<512x128xf32>
    %mul3A_143 = arith.mulf %dot_general3A_138, %mul3A_142 : vector<512x128xf32>
    %slice3A_144 = vector.extract_strided_slice %mul3A_143 {offsets = [0, 0], sizes = [512, 16], strides = [1, 1]} : vector<512x128xf32> to vector<512x16xf32>
    %slice3A_145 = vector.extract_strided_slice %mul3A_143 {offsets = [0, 16], sizes = [512, 16], strides = [1, 1]} : vector<512x128xf32> to vector<512x16xf32>
    %convert_element_type3A_146 = arith.truncf %slice3A_144 : vector<512x16xf32> to vector<512x16xbf16>
    %bitcast_convert_type3A_147 = tpu.bitcast %convert_element_type3A_146 : vector<512x16xbf16> -> vector<512x16xi16>
    %convert_element_type3A_148 = arith.extui %bitcast_convert_type3A_147 : vector<512x16xi16> to vector<512x16xi32>
    %convert_element_type3A_149 = arith.truncf %slice3A_145 : vector<512x16xf32> to vector<512x16xbf16>
    %bitcast_convert_type3A_150 = tpu.bitcast %convert_element_type3A_149 : vector<512x16xbf16> -> vector<512x16xi16>
    %convert_element_type3A_151 = arith.extui %bitcast_convert_type3A_150 : vector<512x16xi16> to vector<512x16xi32>
    %shift_left3A_152 = arith.constant 16 : i32
    %shift_left3A_153 = vector.broadcast %shift_left3A_152 : i32 to vector<512x16xi32>
    %shift_left3A_154 = arith.shli %convert_element_type3A_151, %shift_left3A_153 : vector<512x16xi32>
    %or3A_155 = arith.ori %shift_left3A_154, %convert_element_type3A_148 : vector<512x16xi32>
    %slice3A_156 = vector.extract_strided_slice %mul3A_143 {offsets = [0, 32], sizes = [512, 16], strides = [1, 1]} : vector<512x128xf32> to vector<512x16xf32>
    %slice3A_157 = vector.extract_strided_slice %mul3A_143 {offsets = [0, 48], sizes = [512, 16], strides = [1, 1]} : vector<512x128xf32> to vector<512x16xf32>
    %convert_element_type3A_158 = arith.truncf %slice3A_156 : vector<512x16xf32> to vector<512x16xbf16>
    %bitcast_convert_type3A_159 = tpu.bitcast %convert_element_type3A_158 : vector<512x16xbf16> -> vector<512x16xi16>
    %convert_element_type3A_160 = arith.extui %bitcast_convert_type3A_159 : vector<512x16xi16> to vector<512x16xi32>
    %convert_element_type3A_161 = arith.truncf %slice3A_157 : vector<512x16xf32> to vector<512x16xbf16>
    %bitcast_convert_type3A_162 = tpu.bitcast %convert_element_type3A_161 : vector<512x16xbf16> -> vector<512x16xi16>
    %convert_element_type3A_163 = arith.extui %bitcast_convert_type3A_162 : vector<512x16xi16> to vector<512x16xi32>
    %shift_left3A_164 = arith.constant 16 : i32
    %shift_left3A_165 = vector.broadcast %shift_left3A_164 : i32 to vector<512x16xi32>
    %shift_left3A_166 = arith.shli %convert_element_type3A_163, %shift_left3A_165 : vector<512x16xi32>
    %or3A_167 = arith.ori %shift_left3A_166, %convert_element_type3A_160 : vector<512x16xi32>
    %slice3A_168 = vector.extract_strided_slice %mul3A_143 {offsets = [0, 64], sizes = [512, 16], strides = [1, 1]} : vector<512x128xf32> to vector<512x16xf32>
    %slice3A_169 = vector.extract_strided_slice %mul3A_143 {offsets = [0, 80], sizes = [512, 16], strides = [1, 1]} : vector<512x128xf32> to vector<512x16xf32>
    %convert_element_type3A_170 = arith.truncf %slice3A_168 : vector<512x16xf32> to vector<512x16xbf16>
    %bitcast_convert_type3A_171 = tpu.bitcast %convert_element_type3A_170 : vector<512x16xbf16> -> vector<512x16xi16>
    %convert_element_type3A_172 = arith.extui %bitcast_convert_type3A_171 : vector<512x16xi16> to vector<512x16xi32>
    %convert_element_type3A_173 = arith.truncf %slice3A_169 : vector<512x16xf32> to vector<512x16xbf16>
    %bitcast_convert_type3A_174 = tpu.bitcast %convert_element_type3A_173 : vector<512x16xbf16> -> vector<512x16xi16>
    %convert_element_type3A_175 = arith.extui %bitcast_convert_type3A_174 : vector<512x16xi16> to vector<512x16xi32>
    %shift_left3A_176 = arith.constant 16 : i32
    %shift_left3A_177 = vector.broadcast %shift_left3A_176 : i32 to vector<512x16xi32>
    %shift_left3A_178 = arith.shli %convert_element_type3A_175, %shift_left3A_177 : vector<512x16xi32>
    %or3A_179 = arith.ori %shift_left3A_178, %convert_element_type3A_172 : vector<512x16xi32>
    %slice3A_180 = vector.extract_strided_slice %mul3A_143 {offsets = [0, 96], sizes = [512, 16], strides = [1, 1]} : vector<512x128xf32> to vector<512x16xf32>
    %slice3A_181 = vector.extract_strided_slice %mul3A_143 {offsets = [0, 112], sizes = [512, 16], strides = [1, 1]} : vector<512x128xf32> to vector<512x16xf32>
    %convert_element_type3A_182 = arith.truncf %slice3A_180 : vector<512x16xf32> to vector<512x16xbf16>
    %bitcast_convert_type3A_183 = tpu.bitcast %convert_element_type3A_182 : vector<512x16xbf16> -> vector<512x16xi16>
    %convert_element_type3A_184 = arith.extui %bitcast_convert_type3A_183 : vector<512x16xi16> to vector<512x16xi32>
    %convert_element_type3A_185 = arith.truncf %slice3A_181 : vector<512x16xf32> to vector<512x16xbf16>
    %bitcast_convert_type3A_186 = tpu.bitcast %convert_element_type3A_185 : vector<512x16xbf16> -> vector<512x16xi16>
    %convert_element_type3A_187 = arith.extui %bitcast_convert_type3A_186 : vector<512x16xi16> to vector<512x16xi32>
    %shift_left3A_188 = arith.constant 16 : i32
    %shift_left3A_189 = vector.broadcast %shift_left3A_188 : i32 to vector<512x16xi32>
    %shift_left3A_190 = arith.shli %convert_element_type3A_187, %shift_left3A_189 : vector<512x16xi32>
    %or3A_191 = arith.ori %shift_left3A_190, %convert_element_type3A_184 : vector<512x16xi32>
    %concatenate3A_192 = tpu.concatenate %or3A_155, %or3A_167, %or3A_179, %or3A_191 in 1 : vector<512x16xi32>, vector<512x16xi32>, vector<512x16xi32>, vector<512x16xi32> -> vector<512x64xi32>
    %swap3A_193 = arith.constant 1 : index
    %swap3A_194 = arith.constant 0 : index
    %swap3A_195 = arith.constant 0 : index
    %swap3A_196 = arith.constant 0 : index
    %swap3A_197 = vector.load %arg6[%swap3A_193, %swap3A_194, %swap3A_195, %swap3A_196] : memref<3x1x512x64xi32, #tpu.memory_space<vmem>>, vector<1x1x512x64xi32>
    %swap3A_198 = vector.shape_cast %swap3A_197 : vector<1x1x512x64xi32> to vector<512x64xi32>
    %swap3A_199 = vector.shape_cast %concatenate3A_192 : vector<512x64xi32> to vector<1x1x512x64xi32>
    tpu.vector_store %arg6[%swap3A_193, %swap3A_194, %swap3A_195, %swap3A_196], %swap3A_199 {strides = array<i32>} : memref<3x1x512x64xi32, #tpu.memory_space<vmem>>, vector<1x1x512x64xi32>,
    %get3A_200 = arith.constant 2 : index
    %get3A_201 = arith.constant 0 : index
    %get3A_202 = arith.constant 0 : index
    %get3A_203 = vector.load %arg5[%get3A_200, %get3A_201, %get3A_202] : memref<3x128x128xf32, #tpu.memory_space<vmem>>, vector<1x128x128xf32>
    %get3A_204 = vector.shape_cast %get3A_203 : vector<1x128x128xf32> to vector<128x128xf32>
    %dot_general3A_205 = arith.constant dense<0.000000e+00> : vector<512x128xf32>
    %dot_general3A_206 = tpu.matmul %tanh3A, %get3A_204, %dot_general3A_205 {dimension_numbers = #tpu.dot_dimension_numbers<[1], [0], [0], [1], [0, 0, 1, 1], [], []>, transpose_lhs_hint = false} : vector<512x128xf32>, vector<128x128xf32>, vector<512x128xf32> -> vector<512x128xf32>
    %slice3A_207 = vector.extract_strided_slice %get3A_4 {offsets = [2, 0], sizes = [1, 512], strides = [1, 1]} : vector<3x512xf32> to vector<1x512xf32>
    %squeeze3A_208 = vector.shape_cast %slice3A_207 : vector<1x512xf32> to vector<512xf32>
    %broadcast_in_dim3A_209 = vector.shape_cast %squeeze3A_208 : vector<512xf32> to vector<512x1xf32>
    %mul3A_210 = vector.broadcast %broadcast_in_dim3A_209 : vector<512x1xf32> to vector<512x128xf32>
    %mul3A_211 = arith.mulf %dot_general3A_206, %mul3A_210 : vector<512x128xf32>
    %slice3A_212 = vector.extract_strided_slice %mul3A_211 {offsets = [0, 0], sizes = [512, 16], strides = [1, 1]} : vector<512x128xf32> to vector<512x16xf32>
    %slice3A_213 = vector.extract_strided_slice %mul3A_211 {offsets = [0, 16], sizes = [512, 16], strides = [1, 1]} : vector<512x128xf32> to vector<512x16xf32>
    %convert_element_type3A_214 = arith.truncf %slice3A_212 : vector<512x16xf32> to vector<512x16xbf16>
    %bitcast_convert_type3A_215 = tpu.bitcast %convert_element_type3A_214 : vector<512x16xbf16> -> vector<512x16xi16>
    %convert_element_type3A_216 = arith.extui %bitcast_convert_type3A_215 : vector<512x16xi16> to vector<512x16xi32>
    %convert_element_type3A_217 = arith.truncf %slice3A_213 : vector<512x16xf32> to vector<512x16xbf16>
    %bitcast_convert_type3A_218 = tpu.bitcast %convert_element_type3A_217 : vector<512x16xbf16> -> vector<512x16xi16>
    %convert_element_type3A_219 = arith.extui %bitcast_convert_type3A_218 : vector<512x16xi16> to vector<512x16xi32>
    %shift_left3A_220 = arith.constant 16 : i32
    %shift_left3A_221 = vector.broadcast %shift_left3A_220 : i32 to vector<512x16xi32>
    %shift_left3A_222 = arith.shli %convert_element_type3A_219, %shift_left3A_221 : vector<512x16xi32>
    %or3A_223 = arith.ori %shift_left3A_222, %convert_element_type3A_216 : vector<512x16xi32>
    %slice3A_224 = vector.extract_strided_slice %mul3A_211 {offsets = [0, 32], sizes = [512, 16], strides = [1, 1]} : vector<512x128xf32> to vector<512x16xf32>
    %slice3A_225 = vector.extract_strided_slice %mul3A_211 {offsets = [0, 48], sizes = [512, 16], strides = [1, 1]} : vector<512x128xf32> to vector<512x16xf32>
    %convert_element_type3A_226 = arith.truncf %slice3A_224 : vector<512x16xf32> to vector<512x16xbf16>
    %bitcast_convert_type3A_227 = tpu.bitcast %convert_element_type3A_226 : vector<512x16xbf16> -> vector<512x16xi16>
    %convert_element_type3A_228 = arith.extui %bitcast_convert_type3A_227 : vector<512x16xi16> to vector<512x16xi32>
    %convert_element_type3A_229 = arith.truncf %slice3A_225 : vector<512x16xf32> to vector<512x16xbf16>
    %bitcast_convert_type3A_230 = tpu.bitcast %convert_element_type3A_229 : vector<512x16xbf16> -> vector<512x16xi16>
    %convert_element_type3A_231 = arith.extui %bitcast_convert_type3A_230 : vector<512x16xi16> to vector<512x16xi32>
    %shift_left3A_232 = arith.constant 16 : i32
    %shift_left3A_233 = vector.broadcast %shift_left3A_232 : i32 to vector<512x16xi32>
    %shift_left3A_234 = arith.shli %convert_element_type3A_231, %shift_left3A_233 : vector<512x16xi32>
    %or3A_235 = arith.ori %shift_left3A_234, %convert_element_type3A_228 : vector<512x16xi32>
    %slice3A_236 = vector.extract_strided_slice %mul3A_211 {offsets = [0, 64], sizes = [512, 16], strides = [1, 1]} : vector<512x128xf32> to vector<512x16xf32>
    %slice3A_237 = vector.extract_strided_slice %mul3A_211 {offsets = [0, 80], sizes = [512, 16], strides = [1, 1]} : vector<512x128xf32> to vector<512x16xf32>
    %convert_element_type3A_238 = arith.truncf %slice3A_236 : vector<512x16xf32> to vector<512x16xbf16>
    %bitcast_convert_type3A_239 = tpu.bitcast %convert_element_type3A_238 : vector<512x16xbf16> -> vector<512x16xi16>
    %convert_element_type3A_240 = arith.extui %bitcast_convert_type3A_239 : vector<512x16xi16> to vector<512x16xi32>
    %convert_element_type3A_241 = arith.truncf %slice3A_237 : vector<512x16xf32> to vector<512x16xbf16>
    %bitcast_convert_type3A_242 = tpu.bitcast %convert_element_type3A_241 : vector<512x16xbf16> -> vector<512x16xi16>
    %convert_element_type3A_243 = arith.extui %bitcast_convert_type3A_242 : vector<512x16xi16> to vector<512x16xi32>
    %shift_left3A_244 = arith.constant 16 : i32
    %shift_left3A_245 = vector.broadcast %shift_left3A_244 : i32 to vector<512x16xi32>
    %shift_left3A_246 = arith.shli %convert_element_type3A_243, %shift_left3A_245 : vector<512x16xi32>
    %or3A_247 = arith.ori %shift_left3A_246, %convert_element_type3A_240 : vector<512x16xi32>
    %slice3A_248 = vector.extract_strided_slice %mul3A_211 {offsets = [0, 96], sizes = [512, 16], strides = [1, 1]} : vector<512x128xf32> to vector<512x16xf32>
    %slice3A_249 = vector.extract_strided_slice %mul3A_211 {offsets = [0, 112], sizes = [512, 16], strides = [1, 1]} : vector<512x128xf32> to vector<512x16xf32>
    %convert_element_type3A_250 = arith.truncf %slice3A_248 : vector<512x16xf32> to vector<512x16xbf16>
    %bitcast_convert_type3A_251 = tpu.bitcast %convert_element_type3A_250 : vector<512x16xbf16> -> vector<512x16xi16>
    %convert_element_type3A_252 = arith.extui %bitcast_convert_type3A_251 : vector<512x16xi16> to vector<512x16xi32>
    %convert_element_type3A_253 = arith.truncf %slice3A_249 : vector<512x16xf32> to vector<512x16xbf16>
    %bitcast_convert_type3A_254 = tpu.bitcast %convert_element_type3A_253 : vector<512x16xbf16> -> vector<512x16xi16>
    %convert_element_type3A_255 = arith.extui %bitcast_convert_type3A_254 : vector<512x16xi16> to vector<512x16xi32>
    %shift_left3A_256 = arith.constant 16 : i32
    %shift_left3A_257 = vector.broadcast %shift_left3A_256 : i32 to vector<512x16xi32>
    %shift_left3A_258 = arith.shli %convert_element_type3A_255, %shift_left3A_257 : vector<512x16xi32>
    %or3A_259 = arith.ori %shift_left3A_258, %convert_element_type3A_252 : vector<512x16xi32>
    %concatenate3A_260 = tpu.concatenate %or3A_223, %or3A_235, %or3A_247, %or3A_259 in 1 : vector<512x16xi32>, vector<512x16xi32>, vector<512x16xi32>, vector<512x16xi32> -> vector<512x64xi32>
    %swap3A_261 = arith.constant 2 : index
    %swap3A_262 = arith.constant 0 : index
    %swap3A_263 = arith.constant 0 : index
    %swap3A_264 = arith.constant 0 : index
    %swap3A_265 = vector.load %arg6[%swap3A_261, %swap3A_262, %swap3A_263, %swap3A_264] : memref<3x1x512x64xi32, #tpu.memory_space<vmem>>, vector<1x1x512x64xi32>
    %swap3A_266 = vector.shape_cast %swap3A_265 : vector<1x1x512x64xi32> to vector<512x64xi32>
    %swap3A_267 = vector.shape_cast %concatenate3A_260 : vector<512x64xi32> to vector<1x1x512x64xi32>
    tpu.vector_store %arg6[%swap3A_261, %swap3A_262, %swap3A_263, %swap3A_264], %swap3A_267 {strides = array<i32>} : memref<3x1x512x64xi32, #tpu.memory_space<vmem>>, vector<1x1x512x64xi32>,
    return
  }
  func.func @transform_0(%arg0: i32) -> (i32, i32, i32, i32, i32) {
    %c0_i32 = arith.constant 0 : i32
    %c0_i32_0 = arith.constant 0 : i32
    %c0_i32_1 = arith.constant 0 : i32
    %c0_i32_2 = arith.constant 0 : i32
    %c0_i32_3 = arith.constant 0 : i32
    return %c0_i32, %c0_i32_0, %c0_i32_1, %arg0, %c0_i32_2 : i32, i32, i32, i32, i32
  }
  func.func @transform_1(%arg0: i32) -> (i32, i32) {
    %c0_i32 = arith.constant 0 : i32
    %c0_i32_0 = arith.constant 0 : i32
    return %c0_i32, %arg0 : i32, i32
  }
  func.func @transform_2(%arg0: i32) -> (i32, i32) {
    %c0_i32 = arith.constant 0 : i32
    %c0_i32_0 = arith.constant 0 : i32
    return %c0_i32, %arg0 : i32, i32
  }
  func.func @transform_3(%arg0: i32) -> (i32, i32) {
    %c0_i32 = arith.constant 0 : i32
    %c0_i32_0 = arith.constant 0 : i32
    %c0_i32_1 = arith.constant 0 : i32
    return %c0_i32, %c0_i32_0 : i32, i32
  }
  func.func @transform_4(%arg0: i32) -> (i32, i32, i32) {
    %c0_i32 = arith.constant 0 : i32
    %c0_i32_0 = arith.constant 0 : i32
    %c0_i32_1 = arith.constant 0 : i32
    %c0_i32_2 = arith.constant 0 : i32
    return %c0_i32, %c0_i32_0, %c0_i32_1 : i32, i32, i32
  }
  func.func @transform_5(%arg0: i32) -> (i32, i32, i32, i32) {
    %c0_i32 = arith.constant 0 : i32
    %c0_i32_0 = arith.constant 0 : i32
    %c0_i32_1 = arith.constant 0 : i32
    %c0_i32_2 = arith.constant 0 : i32
    return %c0_i32, %c0_i32_0, %arg0, %c0_i32_1 : i32, i32, i32, i32
  }
}

module attributes {stable_mosaic.version = 14 : i64} {
  func.func @_tc3_body(%arg0: i32, %arg1: memref<2x3x1x512x128xf32, #tpu.memory_space<vmem>>, %arg2: memref<3x512xf32, #tpu.memory_space<vmem>>, %arg3: memref<1x128xf32, #tpu.memory_space<vmem>>, %arg4: memref<512x128xf32, #tpu.memory_space<vmem>>) attributes {dimension_semantics = [#tpu.dimension_semantics<arbitrary>], iteration_bounds = array<i64: 20>, scalar_prefetch = 0 : i64, scratch_operands = 0 : i64, tpu.core_type = #tpu.core_type<tc>, window_params = [{transform_indices = @transform_0, window_bounds = array<i64: 2, 3, 1, 512, 128>}, {transform_indices = @transform_1, window_bounds = array<i64: 3, 512>}, {pipeline_mode = #tpu.pipeline_mode<synchronous>, transform_indices = @transform_2, window_bounds = array<i64: 1, 128>}, {transform_indices = @transform_3, window_bounds = array<i64: 512, 128>}]} {
    %get3A = arith.constant 0 : index
    %get3A_0 = arith.constant 0 : index
    %get3A_1 = vector.load %arg2[%get3A, %get3A_0] : memref<3x512xf32, #tpu.memory_space<vmem>>, vector<3x512xf32>
    %get3A_2 = arith.constant 0 : index
    %get3A_3 = arith.constant 0 : index
    %get3A_4 = vector.load %arg3[%get3A_2, %get3A_3] : memref<1x128xf32, #tpu.memory_space<vmem>>, vector<1x128xf32>
    %broadcast_in_dim3A = arith.constant 1.000000e+00 : f32
    %broadcast_in_dim3A_5 = vector.broadcast %broadcast_in_dim3A : f32 to vector<512x1xf32>
    %mul3A = vector.broadcast %get3A_4 : vector<1x128xf32> to vector<512x128xf32>
    %mul3A_6 = vector.broadcast %broadcast_in_dim3A_5 : vector<512x1xf32> to vector<512x128xf32>
    %mul3A_7 = arith.mulf %mul3A, %mul3A_6 : vector<512x128xf32>
    %get3A_8 = arith.constant 0 : index
    %get3A_9 = arith.constant 0 : index
    %get3A_10 = arith.constant 0 : index
    %get3A_11 = arith.constant 0 : index
    %get3A_12 = arith.constant 0 : index
    %get3A_13 = vector.load %arg1[%get3A_8, %get3A_9, %get3A_10, %get3A_11, %get3A_12] : memref<2x3x1x512x128xf32, #tpu.memory_space<vmem>>, vector<1x1x1x512x128xf32>
    %get3A_14 = vector.shape_cast %get3A_13 : vector<1x1x1x512x128xf32> to vector<512x128xf32>
    %get3A_15 = arith.constant 1 : index
    %get3A_16 = arith.constant 0 : index
    %get3A_17 = arith.constant 0 : index
    %get3A_18 = arith.constant 0 : index
    %get3A_19 = arith.constant 0 : index
    %get3A_20 = vector.load %arg1[%get3A_15, %get3A_16, %get3A_17, %get3A_18, %get3A_19] : memref<2x3x1x512x128xf32, #tpu.memory_space<vmem>>, vector<1x1x1x512x128xf32>
    %get3A_21 = vector.shape_cast %get3A_20 : vector<1x1x1x512x128xf32> to vector<512x128xf32>
    %add3A = arith.addf %get3A_14, %get3A_21 : vector<512x128xf32>
    %slice3A = vector.extract_strided_slice %get3A_1 {offsets = [0, 0], sizes = [1, 512], strides = [1, 1]} : vector<3x512xf32> to vector<1x512xf32>
    %squeeze3A = vector.shape_cast %slice3A : vector<1x512xf32> to vector<512xf32>
    %broadcast_in_dim3A_22 = vector.shape_cast %squeeze3A : vector<512xf32> to vector<512x1xf32>
    %mul3A_23 = vector.broadcast %broadcast_in_dim3A_22 : vector<512x1xf32> to vector<512x128xf32>
    %mul3A_24 = arith.mulf %add3A, %mul3A_23 : vector<512x128xf32>
    %add3A_25 = arith.addf %mul3A_7, %mul3A_24 : vector<512x128xf32>
    %get3A_26 = arith.constant 0 : index
    %get3A_27 = arith.constant 1 : index
    %get3A_28 = arith.constant 0 : index
    %get3A_29 = arith.constant 0 : index
    %get3A_30 = arith.constant 0 : index
    %get3A_31 = vector.load %arg1[%get3A_26, %get3A_27, %get3A_28, %get3A_29, %get3A_30] : memref<2x3x1x512x128xf32, #tpu.memory_space<vmem>>, vector<1x1x1x512x128xf32>
    %get3A_32 = vector.shape_cast %get3A_31 : vector<1x1x1x512x128xf32> to vector<512x128xf32>
    %get3A_33 = arith.constant 1 : index
    %get3A_34 = arith.constant 1 : index
    %get3A_35 = arith.constant 0 : index
    %get3A_36 = arith.constant 0 : index
    %get3A_37 = arith.constant 0 : index
    %get3A_38 = vector.load %arg1[%get3A_33, %get3A_34, %get3A_35, %get3A_36, %get3A_37] : memref<2x3x1x512x128xf32, #tpu.memory_space<vmem>>, vector<1x1x1x512x128xf32>
    %get3A_39 = vector.shape_cast %get3A_38 : vector<1x1x1x512x128xf32> to vector<512x128xf32>
    %add3A_40 = arith.addf %get3A_32, %get3A_39 : vector<512x128xf32>
    %slice3A_41 = vector.extract_strided_slice %get3A_1 {offsets = [1, 0], sizes = [1, 512], strides = [1, 1]} : vector<3x512xf32> to vector<1x512xf32>
    %squeeze3A_42 = vector.shape_cast %slice3A_41 : vector<1x512xf32> to vector<512xf32>
    %broadcast_in_dim3A_43 = vector.shape_cast %squeeze3A_42 : vector<512xf32> to vector<512x1xf32>
    %mul3A_44 = vector.broadcast %broadcast_in_dim3A_43 : vector<512x1xf32> to vector<512x128xf32>
    %mul3A_45 = arith.mulf %add3A_40, %mul3A_44 : vector<512x128xf32>
    %add3A_46 = arith.addf %add3A_25, %mul3A_45 : vector<512x128xf32>
    %get3A_47 = arith.constant 0 : index
    %get3A_48 = arith.constant 2 : index
    %get3A_49 = arith.constant 0 : index
    %get3A_50 = arith.constant 0 : index
    %get3A_51 = arith.constant 0 : index
    %get3A_52 = vector.load %arg1[%get3A_47, %get3A_48, %get3A_49, %get3A_50, %get3A_51] : memref<2x3x1x512x128xf32, #tpu.memory_space<vmem>>, vector<1x1x1x512x128xf32>
    %get3A_53 = vector.shape_cast %get3A_52 : vector<1x1x1x512x128xf32> to vector<512x128xf32>
    %get3A_54 = arith.constant 1 : index
    %get3A_55 = arith.constant 2 : index
    %get3A_56 = arith.constant 0 : index
    %get3A_57 = arith.constant 0 : index
    %get3A_58 = arith.constant 0 : index
    %get3A_59 = vector.load %arg1[%get3A_54, %get3A_55, %get3A_56, %get3A_57, %get3A_58] : memref<2x3x1x512x128xf32, #tpu.memory_space<vmem>>, vector<1x1x1x512x128xf32>
    %get3A_60 = vector.shape_cast %get3A_59 : vector<1x1x1x512x128xf32> to vector<512x128xf32>
    %add3A_61 = arith.addf %get3A_53, %get3A_60 : vector<512x128xf32>
    %slice3A_62 = vector.extract_strided_slice %get3A_1 {offsets = [2, 0], sizes = [1, 512], strides = [1, 1]} : vector<3x512xf32> to vector<1x512xf32>
    %squeeze3A_63 = vector.shape_cast %slice3A_62 : vector<1x512xf32> to vector<512xf32>
    %broadcast_in_dim3A_64 = vector.shape_cast %squeeze3A_63 : vector<512xf32> to vector<512x1xf32>
    %mul3A_65 = vector.broadcast %broadcast_in_dim3A_64 : vector<512x1xf32> to vector<512x128xf32>
    %mul3A_66 = arith.mulf %add3A_61, %mul3A_65 : vector<512x128xf32>
    %add3A_67 = arith.addf %add3A_46, %mul3A_66 : vector<512x128xf32>
    %tanh3A = math.tanh %add3A_67 : vector<512x128xf32>
    %swap3A = arith.constant 0 : index
    %swap3A_68 = arith.constant 0 : index
    %swap3A_69 = vector.load %arg4[%swap3A, %swap3A_68] : memref<512x128xf32, #tpu.memory_space<vmem>>, vector<512x128xf32>
    tpu.vector_store %arg4[%swap3A, %swap3A_68], %tanh3A {strides = array<i32>} : memref<512x128xf32, #tpu.memory_space<vmem>>, vector<512x128xf32>,
    return
  }
  func.func @transform_0(%arg0: i32) -> (i32, i32, i32, i32, i32) {
    %c0_i32 = arith.constant 0 : i32
    %c0_i32_0 = arith.constant 0 : i32
    %c0_i32_1 = arith.constant 0 : i32
    %c0_i32_2 = arith.constant 0 : i32
    %c0_i32_3 = arith.constant 0 : i32
    return %c0_i32, %c0_i32_0, %c0_i32_1, %arg0, %c0_i32_2 : i32, i32, i32, i32, i32
  }
  func.func @transform_1(%arg0: i32) -> (i32, i32) {
    %c0_i32 = arith.constant 0 : i32
    %c0_i32_0 = arith.constant 0 : i32
    return %c0_i32, %arg0 : i32, i32
  }
  func.func @transform_2(%arg0: i32) -> (i32, i32) {
    %c0_i32 = arith.constant 0 : i32
    %c0_i32_0 = arith.constant 0 : i32
    %c0_i32_1 = arith.constant 0 : i32
    return %c0_i32, %c0_i32_0 : i32, i32
  }
  func.func @transform_3(%arg0: i32) -> (i32, i32) {
    %c0_i32 = arith.constant 0 : i32
    %c0_i32_0 = arith.constant 0 : i32
    return %arg0, %c0_i32 : i32, i32
  }
}

</mosaic_0001>

<sc_bundles>
// kernel: kernel.12.cloned.1.call-start
scs
__scs_entry_jumppad:
0x0: {  	(pc) =	sbr.rel $0x88, $3  }
0x1: {  	(tag) =	ssettag $0x0;
	lr =	simm.s32 $0x1  }
0x2: {  	[smem:$0x3F8F] =	sst lr;
	_ =	strace $0xD0000000  }
0x3: {  	_ = 	snop  }
0x4: {  	_ = 	snop  }
0x5: {  	_ = 	snop  }
0x6: {  	_ = 	snop  }
0x7: {  	_ = 	snop  }
__scs_overlays_trampoline_lowered:
0x8: {  	[smem:$0x3F9E] =	sst s0  }
0x9: {  	[smem:$0x3F9F] =	sst s1  }
0xa: {  	[smem:$0x3FA0] =	sst s2  }
0xb: {  	[smem:$0x3FA1] =	sst s3  }
0xc: {  	[smem:$0x3FA2] =	sst s4  }
0xd: {  	[smem:$0x3FA3] =	sst s5  }
0xe: {  	[smem:$0x3FA4] =	sst s6  }
0xf: {  	[smem:$0x3FA5] =	sst s7  }
0x10: {  	[smem:$0x3FA6] =	sst s8  }
0x11: {  	[smem:$0x3FA7] =	sst s9;
	s0 =	simm.s32 @!p0 $0x0  }
0x12: {  	s1 =	sld [smem:$0x3F8D];
	s0 =	simm.s32 @p0 $0x1  }
0x13: {  	[smem:$0x3FA8] =	sst s0;
	s0 =	simm.s32 @!p1 $0x0  }
0x14: {  	s2 =	sld [smem:$0x3F8C];
	s0 =	simm.s32 @p1 $0x1  }
0x15: {  	[smem:$0x3FA9] =	sst s0;
	s0 =	simm.s32 @!p2 $0x0  }
0x16: {  	s3 =	sld [smem:$0x3FDB];
	s0 =	simm.s32 @p2 $0x1  }
0x17: {  	s4 =	simm.s32 $0x1BF5;
	[smem:$0x3FAB] =	sst s0  }
0x18: {  	s0 =	sld [smem:$0x3F8E];
	_ =	swait.ge [sflag:s4], $0x0  }
0x19: {  	s7 =	sld [smem:$0x3F8F]  }
0x1a: {  	s8 =	sadd.s32 $0xFFFFE003, lr  }
0x1b: {  	s9 =	sadd.s32 $0xFFFFFEF7, lr;
	s5 =	simm.s32 $0xFFFFFFFF;
	p2 =	slt.u32 s8, $0xFFFFF086  }
0x1c: {  	p1 =	slt.u32 s9, $0xF7A;
	s5 =	simm.s32 @!p2 $0x0  }
0x1d: {  	s5 =	simm.s32 @p1 $0x1;
	p0 =	seq.s32 s7, s2  }
0x1e: {  	s7 =	smul.u32 @!p0 $0xF7A, s2;
	p2 =	seq.s32 @!p0 s5, $0x0  }
0x1f: {  	s9 =	smul.u32 $0xF7A, s1;
	s8 =	simm.s32 @!p0 $0x1BF5;
	p2 =	por !p2, p0  }
0x20: {  	[sflag:s8] =	ssyncset.s32 @!p0 $0xFFFFF086;
	s6 =	sadd.s32 @!p0 s3, s7;
	s7 =	simm.s32 @!p0 $0x108  }
0x21: {  	s3 =	sadd.s32 s3, s9;
	s6 =	sadd.s32 @!p0 $0x88, s6;
	s7 =	simm.s32 @p2 $0x1082  }
0x22: {  	[simem:s7], [sflag:s8] =	dma.local @!p0 [hbm:s6], $0xF7A  }
0x23: {  	s9 =	sor.u32 $0xD0000000, s2;
	s6 =	simm.s32 $0x108;
	_ =	swait.ge @!p0 [sflag:s8], $0x0  }
0x24: {  	s3 =	sadd.s32 $0x88, s3;
	s6 =	simm.s32 @!p1 $0x1082;
	[sflag:s4] =	ssyncset.s32 $0xFFFFF086  }
0x25: {  	[simem:s6], [sflag:s4] =	dma.local [hbm:s3], $0xF7A  }
0x26: {  	[smem:$0x3F8F] =	sst s1;
	(tag) =	ssettag s2;
	_ =	strace s9  }
0x27: {  	s1 =	sld [smem:$0x3F9F]  }
0x28: {  	s2 =	sld [smem:$0x3FA0]  }
0x29: {  	s4 =	sld [smem:$0x3FA2]  }
0x2a: {  	p0 =	seq.s32 s5, $0x0;
	s5 =	sld [smem:$0x3FA3]  }
0x2b: {  	s6 =	sld [smem:$0x3FA4]  }
0x2c: {  	s7 =	sld [smem:$0x3FA5]  }
0x2d: {  	s3 =	simm.s32 $0x108;
	s8 =	sld [smem:$0x3FA6]  }
0x2e: {  	s3 =	simm.s32 @!p0 $0x1082;
	s9 =	sld [smem:$0x3FA7]  }
0x2f: {  	lr =	sadd.s32 s0, s3;
	s0 =	sld [smem:$0x3F9E]  }
0x30: {  	s3 =	sld [smem:$0x3FA1]  }
0x31: {  	[smem:$0x3FAA] =	sst s10  }
0x32: {  	s10 =	sld [smem:$0x3FA8];
	_ =	sdelay $0x3  }
0x33: {  	p0 =	seq.s32 s10, $0x1;
	s10 =	sld [smem:$0x3FAA];
	_ =	sdelay $0x3  }
0x34: {  	[smem:$0x3FAA] =	sst s10  }
0x35: {  	s10 =	sld [smem:$0x3FA9];
	_ =	sdelay $0x3  }
0x36: {  	p1 =	seq.s32 s10, $0x1;
	s10 =	sld [smem:$0x3FAA];
	_ =	sdelay $0x3  }
0x37: {  	[smem:$0x3FAA] =	sst s10  }
0x38: {  	s10 =	sld [smem:$0x3FAB]  }
0x39: {  	_ = 	snop;
	(pc) =	sbr.ind lr, $3  }
0x3a: {  	_ = 	snop  }
0x3b: {  	_ = 	snop  }
0x3c: {  	p2 =	seq.s32 s10, $0x1;
	s10 =	sld [smem:$0x3FAA]  }
0x3d: {  	_ =	shalt  }
0x3e: {  	_ =	shalt  }
0x3f: {  	_ =	shalt  }
0x40: {  	_ =	shalt  }
0x41: {  	_ =	shalt  }
0x42: {  	_ =	shalt  }
0x43: {  	_ =	shalt  }
0x44: {  	_ =	shalt  }
0x45: {  	_ =	shalt  }
0x46: {  	_ =	shalt  }
0x47: {  	_ =	shalt  }
0x48: {  	_ =	shalt  }
0x49: {  	_ =	shalt  }
0x4a: {  	_ =	shalt  }
0x4b: {  	_ =	shalt  }
0x4c: {  	_ =	shalt  }
0x4d: {  	_ =	shalt  }
0x4e: {  	_ =	shalt  }
0x4f: {  	_ =	shalt  }
0x50: {  	_ =	shalt  }
0x51: {  	_ =	shalt  }
0x52: {  	_ =	shalt  }
0x53: {  	_ =	shalt  }
0x54: {  	_ =	shalt  }
0x55: {  	_ =	shalt  }
0x56: {  	_ =	shalt  }
0x57: {  	_ =	shalt  }
0x58: {  	_ =	shalt  }
0x59: {  	_ =	shalt  }
0x5a: {  	_ =	shalt  }
0x5b: {  	_ =	shalt  }
0x5c: {  	_ =	shalt  }
0x5d: {  	_ =	shalt  }
0x5e: {  	_ =	shalt  }
0x5f: {  	_ =	shalt  }
0x60: {  	_ =	shalt  }
0x61: {  	_ =	shalt  }
0x62: {  	_ =	shalt  }
0x63: {  	_ =	shalt  }
0x64: {  	_ =	shalt  }
0x65: {  	_ =	shalt  }
0x66: {  	_ =	shalt  }
0x67: {  	_ =	shalt  }
0x68: {  	_ =	shalt  }
0x69: {  	_ =	shalt  }
0x6a: {  	_ =	shalt  }
0x6b: {  	_ =	shalt  }
0x6c: {  	_ =	shalt  }
0x6d: {  	_ =	shalt  }
0x6e: {  	_ =	shalt  }
0x6f: {  	_ =	shalt  }
0x70: {  	_ =	shalt  }
0x71: {  	_ =	shalt  }
0x72: {  	_ =	shalt  }
0x73: {  	_ =	shalt  }
0x74: {  	_ =	shalt  }
0x75: {  	_ =	shalt  }
0x76: {  	_ =	shalt  }
0x77: {  	_ =	shalt  }
0x78: {  	_ =	shalt  }
0x79: {  	_ =	shalt  }
0x7a: {  	_ =	shalt  }
0x7b: {  	_ =	shalt  }
0x7c: {  	_ =	shalt  }
0x7d: {  	_ =	shalt  }
0x7e: {  	_ =	shalt  }
0x7f: {  	_ =	shalt  }
0x80: {  	_ =	shalt  }
0x81: {  	_ =	shalt  }
0x82: {  	_ =	shalt  }
0x83: {  	_ =	shalt  }
0x84: {  	_ =	shalt  }
0x85: {  	_ =	shalt  }
0x86: {  	_ =	shalt  }
0x87: {  	_ =	shalt  }
.Lfunc_end0:
.L_simem_size_0:
called_computation.1_lowered:
.L_overlay_start_0:
0x88: {  	s2 =	sld [smem:$0x3FD9]  }
0x89: {  	s3 =	sld [smem:$0x3FFE];
	_ =	sdelay $0x1  }
0x8a: {  	s1 =	srdreg.scid  }
0x8b: {  	s0 =	sand.u32 $0x1, s1  }
0x8c: {  	s16 =	sshll.u32 s0, $0xA;
	s2 =	sadd.s32 s3, s2  }
0x8d: {  	s2 =	sadd.s32 s2, s16  }
0x8e: {  	[smem:$0x3FB6] =	sst s2  }
0x8f: {  	_ = 	snop  }
0x90: {  	(tm) =	ssettm $0x1  }
0x91: {  	s17 =	sld [smem:$0x3FFB];
	_ =	sdelay $0x3  }
0x92: {  	_ =	strace s17  }
0x93: {  	s2 =	sld [smem:$0x3FFC];
	_ =	sdelay $0x3  }
0x94: {  	_ =	strace s2  }
0x95: {  	s2 =	sld [smem:$0x3FFD];
	_ =	sdelay $0x3  }
0x96: {  	_ =	strace s2  }
0x97: {  	_ =	strace $0x8FFFFFFF  }
0x98: {  	s18 =	sld [smem:$0x3FDB];
	_ =	sdelay $0x1  }
0x99: {  	s19 =	simm.s32 $_scs_section_size  }
0x9a: {  	s4 =	simm.s32 $_size__tile_overlayer_lowered;
	s5 =	simm.s32 $_tile_overlayer_lowered  }
0x9b: {  	s22 =	simm.s32 $0x1BFF;
	s21 =	sshll.u32 s5, $0x1;
	s2 =	sadd.s32 s19, s18  }
0x9c: {  	s6 =	simm.s32 $0x0;
	s20 =	sshll.u32 s4, $0x1;
	s4 =	sadd.s32 s21, s2  }
0x9d: {  	[timem:s6], [sflag:s22] =	dma.local [hbm:s4], s20  }
0x9e: {  	_ =	swait.ge [sflag:s22], s20  }
0x9f: {  	s3 =	ssub.s32 $0x0, s20;
	[sflag:s22] =	ssyncset.done $0x0  }
0xa0: {  	[sflag:s22] =	ssyncadd.s32 s3;
	_ =	sdelay $0x1  }
0xa1: {  	s23 =	simm.s32 $0x1B8B  }
0xa2: {  	_ =	swait.ge [sflag:s23], $0x1  }
0xa3: {  	[sflag:s23] =	ssyncset.done $0x0  }
0xa4: {  	s25 =	simm.s32 $0x1B8E;
	s24 =	sld [smem:$0x3FFE];
	[sflag:s23] =	ssyncadd.s32 $0xFFFFFFFF  }
0xa5: {  	s26 =	simm.s32 $execute0_lowered;
	[smem:$0x3FD2] =	sst s25  }
0xa6: {  	s4 =	sshll.u32 s26, $0x1;
	_ =	strace $0x80000049;
	[dreg:$0x1] =	wrdreg $0xFFFFFFFF  }
0xa7: {  	s28 =	simm.s32 $_size_execute0_lowered;
	s2 =	sadd.s32 s2, s4;
	[dreg:$0x0] =	wrdreg $0x0  }
0xa8: {  	s4 =	sshll.u32 s28, $0x1;
	[dreg:$0x2] =	wrdreg s2  }
0xa9: {  	[dreg:$0x3] =	wrdreg s4  }
0xaa: {  	[dreg:$0x4] =	wrdreg $0xC0  }
0xab: {  	_ =	task [dreg:s6], $0x5FFFF  }
0xac: {  	[dreg:$0x1] =	wrdreg $0xFFFFFFFF  }
0xad: {  	[dreg:$0x0] =	wrdreg $0x60  }
0xae: {  	[dreg:$0x2] =	wrdreg s24  }
0xaf: {  	[dreg:$0x3] =	wrdreg $0xB9000  }
0xb0: {  	[dreg:$0x4] =	wrdreg $0x9  }
0xb1: {  	_ =	task.clear_ibuf [dreg:s6], $0x5FFFF;
	_ =	strace $0x90000049  }
0xb2: {  	s29 =	simm.s32 $0x9;
	_ =	strace $0x8000004B  }
0xb3: {  	_ =	swait.ge [sflag:s29], $0x1  }
0xb4: {  	[sflag:s29] =	ssyncadd.s32 $0xFFFFFFFF  }
0xb5: {  	_ =	strace $0x9000004B  }
0xb6: {  	_ =	sfence  }
0xb7: {  	s30 =	sld [smem:$0x0];
	_ =	sdelay $0x2  }
0xb8: {  	s31 =	sshll.u32 s1, $0xD;
	s1 =	sshrl.u32 s1, $0x2  }
0xb9: {  	s3 =	sand.u32 $0x4000, s31;
	s1 =	sadd.s32 s1, s30  }
0xba: {  	s0 =	sor.u32 s3, s0;
	s1 =	sshll.u32 s1, $0x11  }
0xbb: {  	s0 =	sor.u32 s1, s0  }
0xbc: {  	s0 =	sadd.s32 $0x8F2B, s0  }
0xbd: {  	[sflag:s0] =	ssyncadd.remote.s32 $0x1  }
0xbe: {  	_ =	sfence.sel $0xFFFF  }
0xbf: {  	[dreg:$0x0] =	wrdreg $0xFFFFFFFF;
	(pc) =	sbr.abs _section_cstart, $3  }
0xc0: {  	[dreg:$0x1] =	wrdreg $0xFFFFFFFF  }
0xc1: {  	_ =	task.clear_ibuf [dreg:s6], $0x2FFFF;
	_ =	strace $0x9FFFFFFF  }
0xc2: {  	(tm) =	ssettm $0x7FFFFFFF  }
0xc3: {  	_ =	shalt  }
tec
execute0_lowered:
.L_overlay_start_1:
0x0: {  	(tag) =	ssettag $0x1  }
0x1: {  	s0 =	rddreg [dreg:$0x0]  }
0x2: {  	s2 =	rddreg [dreg:$0x1]  }
0x3: {  	s1 =	srdreg.scid;
	s7 =	stileid.u32;
	s3 =	simm.s32 $0x0  }
0x4: {  	s29 =	simm.s32 $0x3;
	s31 =	simm.s32 $0x9900;
	s10 =	simm.s32 $0x2  }
0x5: {  	s1 =	sand.u32 $0x1, s1;
	s4 =	sshll.u32 s7, $0x1;
	s8 =	smul.u32 $0x14000, s7  }
0x6: {  	[smem:$0x7FF] =	sst s3;
	s7 =	smul.u32 $0x50000, s7;
	s12 =	sadd.s32 $0xAD600, s0  }
0x7: {  	s16 =	sadd.s32 $0xC1600, s0;
	s5 =	smul.u32 $0x3C0000, s1;
	s6 =	sor.u32 s1, s4  }
0x8: {  	_ =	strace $0x8000004A;
	s4 =	sadd.s32 $0x99600, s0;
	s1 =	ssub.s32 $0x2, s1  }
0x9: {  	s6 =	smul.u32 $0x190, s6;
	s9 =	sshrl.u32 s1, $0x1;
	s7 =	sshrl.u32 s7, $0x2  }
0xa: {  	s5 =	sadd.s32 s8, s5;
	s1 =	ssub.s32 s1, s9;
	s7 =	sadd.s32 s7, s2  }
0xb: {  	s8 =	sadd.s32 s8, s2;
	s9 =	simm.s32 $0x1;
	s6 =	sadd.s32 s6, s0  }
0xc: {  	s5 =	sshrl.u32 s5, $0x3;
	[dreg:$0x6] =	wrdreg s8;
	s30 =	smax.u32 s1, $0x1  }
0xd: {  	s28 =	sadd.s32 $0x12000, s7;
	s19 =	sadd.s32 $0x2A00, s6;
	[dreg:$0xd] =	wrdreg s30  }
0xe: {  	s8 =	simm.s32 $0x3900;
	s20 =	sadd.s32 $0x5C00, s6;
	[dreg:$0x3] =	wrdreg s19  }
0xf: {  	s5 =	sadd.s32 s5, s0;
	s22 =	sadd.s32 $0xCE00, s6;
	[dreg:$0x4] =	wrdreg s20  }
0x10: {  	s23 =	sadd.s32 $0x10000, s6;
	s25 =	sadd.s32 $0x17200, s6;
	[dreg:$0x7] =	wrdreg s22  }
0x11: {  	s6 =	sadd.s32 $0x1E400, s6;
	s0 =	simm.s32 $0x40;
	[dreg:$0x8] =	wrdreg s23  }
0x12: {  	s21 =	sadd.s32 $0xD5600, s5;
	s24 =	sadd.s32 $0xFD600, s5;
	[dreg:$0xa] =	wrdreg s25  }
0x13: {  	[dreg:$0xb] =	wrdreg s6;
	s26 =	sadd.s32 $0x125600, s5;
	s19 =	sadd.s32 $0x2000, s7  }
0x14: {  	s20 =	sadd.s32 $0x4000, s7;
	s22 =	sadd.s32 $0x8000, s7;
	[dreg:$0x5] =	wrdreg s21  }
0x15: {  	s23 =	sadd.s32 $0xA000, s7;
	s25 =	sadd.s32 $0xE000, s7;
	[dreg:$0x9] =	wrdreg s24  }
0x16: {  	s5 =	simm.s32 $0x2900;
	s6 =	simm.s32 $0x80;
	[dreg:$0xc] =	wrdreg s26  }
0x17: {  	v0 =	vimm.f32 $0.0e+00;
	s21 =	sadd.s32 $0x6000, s7;
	s24 =	sadd.s32 $0xC000, s7;
	s26 =	sadd.s32 $0x10000, s7  }
.LBB2_1:
0x18: {  	s1 =	simm.s32 $0x0;
	s11 =	simm.s32 $0x200  }
.LBB2_2:
0x19: {  	p0 =	sne.s32 s11, $0x7E00;
	[tilespmem:s1+$0x9970] =	vst v0  }
0x1a: {  	[tilespmem:s1+$0x9900] =	vst v0  }
0x1b: {  	[tilespmem:s1+$0x9910] =	vst v0  }
.Ltmp0:
0x1c: {  	[tilespmem:s1+$0x9920] =	vst v0;
	(pc) =	sbr.rel @p0 .LBB2_2-.Ltmp0, $4  }
0x1d: {  	[tilespmem:s1+$0x9930] =	vst v0  }
0x1e: {  	[tilespmem:s1+$0x9940] =	vst v0  }
0x1f: {  	[tilespmem:s1+$0x9950] =	vst v0  }
0x20: {  	[tilespmem:s1+$0x9960] =	vst v0;
	s1 =	sshra.s32 s11, $0x2;
	s11 =	sadd.s32 $0x200, s11  }
0x21: {  	[tilespmem:s1+$0x9970] =	vst v0  }
0x22: {  	[tilespmem:s1+$0x9900] =	vst v0  }
0x23: {  	[tilespmem:s1+$0x9910] =	vst v0  }
0x24: {  	[tilespmem:s1+$0x9920] =	vst v0  }
0x25: {  	[tilespmem:s1+$0x9930] =	vst v0  }
0x26: {  	[tilespmem:s1+$0x9940] =	vst v0  }
0x27: {  	[tilespmem:s1+$0x9950] =	vst v0  }
0x28: {  	[tilespmem:s1+$0x9960] =	vst v0;
	s11 =	simm.s32 $0x0;
	s17 =	rddreg [dreg:$0x3]  }
0x29: {  	[tilespmem:s11], [sflag:$0x3] =	stream.linear.gather [hbm4b:s17+s11], $0xC80, $0x38;
	[tilespmem:$0x1F900] =	vst v63  }
0x2a: {  	_ =	swait.ge [sflag:s29], $0xC80  }
0x2b: {  	[sflag:s29] =	ssyncset.done $0x0  }
0x2c: {  	s13 =	simm.s32 $0xC80;
	s18 =	rddreg [dreg:$0x4];
	[sflag:s29] =	ssyncadd.s32 $0xFFFFF380  }
0x2d: {  	[tilespmem:s13], [sflag:$0x3] =	stream.linear.gather [hbm4b:s18+s11], $0xC80, $0x38;
	[tilespmem:$0x1F900] =	vst v63  }
0x2e: {  	_ =	swait.ge [sflag:s29], $0xC80  }
0x2f: {  	[sflag:s29] =	ssyncset.done $0x0  }
0x30: {  	[sflag:s29] =	ssyncadd.s32 $0xFFFFF380  }
0x31: {  	[spmem:s7] =	stream.linear.scatter [tilespmem:s31], [sflag:$0x3], $0x2000, $0x38;
	[tilespmem:$0x1F900] =	vst v63  }
0x32: {  	_ =	swait.ge [sflag:s29], $0x2000  }
0x33: {  	[sflag:s29] =	ssyncset.done $0x0  }
0x34: {  	[sflag:s29] =	ssyncadd.s32 $0xFFFFE000  }
0x35: {  	[spmem:s19] =	stream.linear.scatter [tilespmem:s31], [sflag:$0x3], $0x2000, $0x38;
	[tilespmem:$0x1F900] =	vst v63  }
0x36: {  	_ =	swait.ge [sflag:s29], $0x2000  }
0x37: {  	[sflag:s29] =	ssyncset.done $0x0  }
0x38: {  	[sflag:s29] =	ssyncadd.s32 $0xFFFFE000  }
0x39: {  	[spmem:s20] =	stream.linear.scatter [tilespmem:s31], [sflag:$0x3], $0x2000, $0x38;
	[tilespmem:$0x1F900] =	vst v63  }
0x3a: {  	_ =	swait.ge [sflag:s29], $0x2000  }
0x3b: {  	[sflag:s29] =	ssyncset.done $0x0  }
0x3c: {  	[sflag:s29] =	ssyncadd.s32 $0xFFFFE000  }
0x3d: {  	[spmem:s21] =	stream.linear.scatter [tilespmem:s31], [sflag:$0x3], $0x2000, $0x38;
	[tilespmem:$0x1F900] =	vst v63  }
0x3e: {  	_ =	swait.ge [sflag:s29], $0x2000  }
0x3f: {  	[sflag:s29] =	ssyncset.done $0x0  }
0x40: {  	[sflag:s29] =	ssyncadd.s32 $0xFFFFE000  }
0x41: {  	[spmem:s22] =	stream.linear.scatter [tilespmem:s31], [sflag:$0x3], $0x2000, $0x38;
	[tilespmem:$0x1F900] =	vst v63  }
0x42: {  	_ =	swait.ge [sflag:s29], $0x2000  }
0x43: {  	[sflag:s29] =	ssyncset.done $0x0  }
0x44: {  	[sflag:s29] =	ssyncadd.s32 $0xFFFFE000  }
0x45: {  	[spmem:s23] =	stream.linear.scatter [tilespmem:s31], [sflag:$0x3], $0x2000, $0x38;
	[tilespmem:$0x1F900] =	vst v63  }
0x46: {  	_ =	swait.ge [sflag:s29], $0x2000  }
0x47: {  	[sflag:s29] =	ssyncset.done $0x0  }
0x48: {  	[sflag:s29] =	ssyncadd.s32 $0xFFFFE000  }
0x49: {  	[spmem:s24] =	stream.linear.scatter [tilespmem:s31], [sflag:$0x3], $0x2000, $0x38;
	[tilespmem:$0x1F900] =	vst v63  }
0x4a: {  	_ =	swait.ge [sflag:s29], $0x2000  }
0x4b: {  	[sflag:s29] =	ssyncset.done $0x0  }
0x4c: {  	[sflag:s29] =	ssyncadd.s32 $0xFFFFE000  }
0x4d: {  	[spmem:s25] =	stream.linear.scatter [tilespmem:s31], [sflag:$0x3], $0x2000, $0x38;
	[tilespmem:$0x1F900] =	vst v63  }
0x4e: {  	_ =	swait.ge [sflag:s29], $0x2000  }
0x4f: {  	[sflag:s29] =	ssyncset.done $0x0  }
0x50: {  	[sflag:s29] =	ssyncadd.s32 $0xFFFFE000  }
0x51: {  	[spmem:s26] =	stream.linear.scatter [tilespmem:s31], [sflag:$0x3], $0x2000, $0x38;
	[tilespmem:$0x1F900] =	vst v63  }
0x52: {  	_ =	swait.ge [sflag:s29], $0x2000  }
0x53: {  	[sflag:s29] =	ssyncset.done $0x0  }
0x54: {  	[sflag:s29] =	ssyncadd.s32 $0xFFFFE000  }
0x55: {  	[spmem:s28] =	stream.linear.scatter [tilespmem:s31], [sflag:$0x3], $0x2000, $0x38;
	[tilespmem:$0x1F900] =	vst v63  }
0x56: {  	_ =	swait.ge [sflag:s29], $0x2000  }
0x57: {  	[sflag:s29] =	ssyncset.done $0x0  }
0x58: {  	[sflag:s29] =	ssyncadd.s32 $0xFFFFE000  }
0x59: {  	s30 =	simm.s32 $0x1900;
	[bflag:$0x0] =	sbarrier.arrive $0xFFFF  }
0x5a: {  	[tilespmem:s30], [sflag:$0x1] =	stream.indirect.gather [hbm4b:s4+s0], $0x40, s11, s0, $0xb8;
	[tilespmem:$0x1F900] =	vst v63  }
0x5b: {  	_ = 	snop  }
0x5c: {  	[tilespmem:s5], [sflag:$0x1] =	stream.indirect.gather [hbm4b:s4+s0], $0x40, s0, s0, $0xb8;
	[tilespmem:$0x1F900] =	vst v63  }
0x5d: {  	p0 =	por $0x0, $0x0;
	s13 =	simm.s32 $0x0  }
0x5e: {  	[tilespmem:s8], [sflag:$0x1] =	stream.indirect.gather [hbm4b:s4+s0], $0x40, s6, s0, $0xb8;
	[tilespmem:$0x1F900] =	vst v63  }
.LBB2_4:
0x5f: {  	p1 =	sgt.u32 s13, $0x2E  }
0x60: {  	s1 =	sadd.s32 @!p1 $0x3, s13  }
0x61: {  	s14 =	sand.u32 $0x3, s11;
	s15 =	sshll.u32 @!p1 s1, $0xC  }
0x62: {  	s14 =	sshll.u32 s14, $0xC;
	s1 =	sshll.u32 @!p1 s1, $0x6;
	s15 =	sand.u32 @!p1 $0x3000, s15  }
0x63: {  	s17 =	simm.s32 @!p1 $0x40;
	s1 =	sand.u32 @!p1 $0x3FFFFFC0, s1;
	s15 =	sadd.s32 @!p1 $0x1900, s15  }
0x64: {  	[tilespmem:s15], [sflag:$0x1] =	stream.indirect.gather @!p1 [hbm4b:s4+s17], $0x40, s1, s17, $0xb8;
	[tilespmem:$0x1F900] =	vst v63  }
0x65: {  	s17 =	sadd.s32 $0x1900, s14;
	_ =	swait.ge [sflag:s9], $0x1000  }
0x66: {  	p1 =	slt.u32 s13, $0x2;
	v1 =	vmov s17;
	[sflag:s9] =	ssyncset.done $0x0  }
0x67: {  	s1 =	simm.s32 @!p1 $0x2;
	[sflag:s9] =	ssyncadd.s32 $0xFFFFF000  }
0x68: {  	_ =	swait.ge @!p1 [sflag:s1], $0x2000  }
0x69: {  	[sflag:s1] =	ssyncset.done @!p1 $0x0  }
0x6a: {  	s18 =	simm.s32 $0x0;
	[sflag:s1] =	ssyncadd.s32 @!p1 $0xFFFFE000  }
0x6b: {  	v2 =	vld.idx.msk [tilespmem:v1+s18+$0x0 ss:$0x1], $0xffff;
	_ =	sdelay $0x1  }
0x6c: {  	s14 =	simm.s32 $0x1  }
0x6d: {  	s14 =	simm.s32 @!p0 $0x0  }
0x6e: {  	s14 =	sshll.u32 s14, $0xD  }
0x6f: {  	s14 =	sor.u32 $0x5940, s14;
	v3 =	vunpack.i.l.bf16.f32 v2  }
0x70: {  	v2 =	vunpack.i.u.bf16.f32 v2;
	[tilespmem:s14+$0xFFFFFFC0] =	vst v3  }
0x71: {  	[tilespmem:s14+$0xFFFFFFD0] =	vst v2  }
0x72: {  	v2 =	vld.idx.msk [tilespmem:v1+s18+$0x10 ss:$0x1], $0xffff;
	_ =	sdelay $0x4  }
0x73: {  	v3 =	vunpack.i.l.bf16.f32 v2  }
0x74: {  	v2 =	vunpack.i.u.bf16.f32 v2;
	[tilespmem:s14+$0xFFFFFFE0] =	vst v3  }
0x75: {  	[tilespmem:s14+$0xFFFFFFF0] =	vst v2  }
0x76: {  	v2 =	vld.idx.msk [tilespmem:v1+s18+$0x20 ss:$0x1], $0xffff;
	_ =	sdelay $0x4  }
0x77: {  	v3 =	vunpack.i.u.bf16.f32 v2  }
0x78: {  	v2 =	vunpack.i.l.bf16.f32 v2;
	[tilespmem:s14+$0x10] =	vst v3  }
0x79: {  	[tilespmem:s14+$0x0] =	vst v2  }
0x7a: {  	v2 =	vld.idx.msk [tilespmem:v1+s18+$0x30 ss:$0x1], $0xffff;
	_ =	sdelay $0x4  }
0x7b: {  	v3 =	vunpack.i.l.bf16.f32 v2  }
0x7c: {  	s30 =	sshll.u32 s13, $0xD;
	v2 =	vunpack.i.u.bf16.f32 v2;
	[tilespmem:s14+$0x20] =	vst v3  }
0x7d: {  	s17 =	simm.s32 $0x40;
	s1 =	sand.u32 $0x2000, s30;
	[tilespmem:s14+$0x30] =	vst v2  }
0x7e: {  	s15 =	sor.u32 $0x5900, s1;
	s18 =	simm.s32 $0x200;
	v2 =	vld.idx.msk [tilespmem:v1+s17+$0x0 ss:$0x1], $0xffff  }
.LBB2_5:
0x7f: {  	p1 =	sne.s32 s18, $0x3F00;
	_ =	sdelay $0x3  }
0x80: {  	s14 =	sadd.s32 $0x80, s14;
	v3 =	vunpack.i.l.bf16.f32 v2  }
0x81: {  	v2 =	vunpack.i.u.bf16.f32 v2;
	[tilespmem:s14+$0xFFFFFFC0] =	vst v3  }
0x82: {  	[tilespmem:s14+$0xFFFFFFD0] =	vst v2  }
0x83: {  	v2 =	vld.idx.msk [tilespmem:v1+s17+$0x10 ss:$0x1], $0xffff;
	_ =	sdelay $0x5  }
0x84: {  	v3 =	vunpack.i.l.bf16.f32 v2  }
0x85: {  	v2 =	vunpack.i.u.bf16.f32 v2;
	[tilespmem:s14+$0xFFFFFFE0] =	vst v3  }
0x86: {  	[tilespmem:s14+$0xFFFFFFF0] =	vst v2  }
0x87: {  	v2 =	vld.idx.msk [tilespmem:v1+s17+$0x20 ss:$0x1], $0xffff;
	_ =	sdelay $0x5  }
0x88: {  	v3 =	vunpack.i.u.bf16.f32 v2;
	v2 =	vunpack.i.l.bf16.f32 v2  }
0x89: {  	[tilespmem:s14+$0x10] =	vst v3  }
0x8a: {  	[tilespmem:s14+$0x0] =	vst v2  }
0x8b: {  	v2 =	vld.idx.msk [tilespmem:v1+s17+$0x30 ss:$0x1], $0xffff;
	_ =	sdelay $0x5  }
.Ltmp1:
0x8c: {  	v3 =	vunpack.i.u.bf16.f32 v2;
	v2 =	vunpack.i.l.bf16.f32 v2;
	(pc) =	sbr.rel @p1 .LBB2_5-.Ltmp1, $4  }
0x8d: {  	[tilespmem:s14+$0x20] =	vst v2  }
0x8e: {  	s17 =	sshra.s32 s18, $0x2;
	[tilespmem:s14+$0x30] =	vst v3  }
0x8f: {  	v2 =	vld.idx.msk [tilespmem:v1+s17+$0x0 ss:$0x1], $0xffff  }
0x90: {  	s18 =	sadd.s32 $0x100, s18  }
0x91: {  	_ =	sdelay $0x2  }
0x92: {  	s1 =	sadd.s32 $0x80, s14;
	v3 =	vunpack.i.l.bf16.f32 v2  }
0x93: {  	v2 =	vunpack.i.u.bf16.f32 v2;
	[tilespmem:s1+$0xFFFFFFC0] =	vst v3  }
0x94: {  	[tilespmem:s1+$0xFFFFFFD0] =	vst v2  }
0x95: {  	v2 =	vld.idx.msk [tilespmem:v1+s17+$0x10 ss:$0x1], $0xffff;
	_ =	sdelay $0x4  }
0x96: {  	v3 =	vunpack.i.l.bf16.f32 v2  }
0x97: {  	v2 =	vunpack.i.u.bf16.f32 v2;
	[tilespmem:s1+$0xFFFFFFE0] =	vst v3  }
0x98: {  	[tilespmem:s1+$0xFFFFFFF0] =	vst v2  }
0x99: {  	v2 =	vld.idx.msk [tilespmem:v1+s17+$0x20 ss:$0x1], $0xffff;
	_ =	sdelay $0x4  }
0x9a: {  	v3 =	vunpack.i.u.bf16.f32 v2  }
0x9b: {  	v2 =	vunpack.i.l.bf16.f32 v2;
	[tilespmem:s1+$0x10] =	vst v3  }
0x9c: {  	[tilespmem:s1+$0x0] =	vst v2  }
0x9d: {  	v1 =	vld.idx.msk [tilespmem:v1+s17+$0x30 ss:$0x1], $0xffff;
	_ =	sdelay $0x1  }
0x9e: {  	s18 =	sshll.u32 s13, $0x6;
	s13 =	sadd.s32 $0x1, s13  }
0x9f: {  	p1 =	sne.s32 s13, $0x32  }
.Ltmp2:
0xa0: {  	_ = 	snop;
	(pc) =	sbr.rel @p1 .LBB2_4-.Ltmp2, $4  }
0xa1: {  	v2 =	vunpack.i.l.bf16.f32 v1  }
0xa2: {  	s14 =	sand.u32 $0x3FFFFFC0, s18;
	v1 =	vunpack.i.u.bf16.f32 v1;
	[tilespmem:s1+$0x20] =	vst v2  }
0xa3: {  	p0 =	por !p0, !p0;
	s11 =	sadd.s32 $0x1, s11;
	s30 =	sadd.s32 $0xC80, s14;
	[tilespmem:s1+$0x30] =	vst v1  }
0xa4: {  	[spmem:s2] =	stream.indirect.scatter.add.f32 [tilespmem:s15], [sflag:$0x2], $0x80, s30, s0, $0xb8;
	[tilespmem:$0x1F900] =	vst v63  }
0xa5: {  	_ =	swait.ge [sflag:s10], $0x2000  }
0xa6: {  	[sflag:s10] =	ssyncset.done $0x0  }
0xa7: {  	[sflag:s10] =	ssyncadd.s32 $0xFFFFE000  }
0xa8: {  	_ =	swait.ge [sflag:s10], $0x2000  }
0xa9: {  	[sflag:s10] =	ssyncset.done $0x0  }
0xaa: {  	[sflag:s10] =	ssyncadd.s32 $0xFFFFE000  }
0xab: {  	s1 =	stileid.u32;
	[bflag:$0x0] =	sbarrier.arrive $0xFFFF  }
0xac: {  	s1 =	sshll.u32 s1, $0x6;
	s14 =	rddreg [dreg:$0x6]  }
0xad: {  	s11 =	sor.u32 $0x1C03, s1;
	s15 =	rddreg [dreg:$0x5];
	s13 =	sshrl.u32 s14, $0x3  }
0xae: {  	[hbm:s15], [sflag:s11] =	dma.local [spmem:s13], $0x2800  }
0xaf: {  	_ =	swait.ge [sflag:s29], $0x2800  }
0xb0: {  	[sflag:s29] =	ssyncset.done $0x0  }
0xb1: {  	s14 =	simm.s32 $0x0;
	s17 =	rddreg [dreg:$0x7];
	[sflag:s29] =	ssyncadd.s32 $0xFFFFD800  }
0xb2: {  	[tilespmem:s14], [sflag:$0x3] =	stream.linear.gather [hbm4b:s17+s14], $0xC80, $0x38;
	[tilespmem:$0x1F900] =	vst v63  }
0xb3: {  	_ =	swait.ge [sflag:s29], $0xC80  }
0xb4: {  	[sflag:s29] =	ssyncset.done $0x0  }
0xb5: {  	s15 =	simm.s32 $0xC80;
	s18 =	rddreg [dreg:$0x8];
	[sflag:s29] =	ssyncadd.s32 $0xFFFFF380  }
0xb6: {  	[tilespmem:s15], [sflag:$0x3] =	stream.linear.gather [hbm4b:s18+s14], $0xC80, $0x38;
	[tilespmem:$0x1F900] =	vst v63  }
0xb7: {  	_ =	swait.ge [sflag:s29], $0xC80  }
0xb8: {  	[sflag:s29] =	ssyncset.done $0x0  }
0xb9: {  	[sflag:s29] =	ssyncadd.s32 $0xFFFFF380  }
0xba: {  	[spmem:s7] =	stream.linear.scatter [tilespmem:s31], [sflag:$0x3], $0x2000, $0x38;
	[tilespmem:$0x1F900] =	vst v63  }
0xbb: {  	_ =	swait.ge [sflag:s29], $0x2000  }
0xbc: {  	[sflag:s29] =	ssyncset.done $0x0  }
0xbd: {  	[sflag:s29] =	ssyncadd.s32 $0xFFFFE000  }
0xbe: {  	[spmem:s19] =	stream.linear.scatter [tilespmem:s31], [sflag:$0x3], $0x2000, $0x38;
	[tilespmem:$0x1F900] =	vst v63  }
0xbf: {  	_ =	swait.ge [sflag:s29], $0x2000  }
0xc0: {  	[sflag:s29] =	ssyncset.done $0x0  }
0xc1: {  	[sflag:s29] =	ssyncadd.s32 $0xFFFFE000  }
0xc2: {  	[spmem:s20] =	stream.linear.scatter [tilespmem:s31], [sflag:$0x3], $0x2000, $0x38;
	[tilespmem:$0x1F900] =	vst v63  }
0xc3: {  	_ =	swait.ge [sflag:s29], $0x2000  }
0xc4: {  	[sflag:s29] =	ssyncset.done $0x0  }
0xc5: {  	[sflag:s29] =	ssyncadd.s32 $0xFFFFE000  }
0xc6: {  	[spmem:s21] =	stream.linear.scatter [tilespmem:s31], [sflag:$0x3], $0x2000, $0x38;
	[tilespmem:$0x1F900] =	vst v63  }
0xc7: {  	_ =	swait.ge [sflag:s29], $0x2000  }
0xc8: {  	[sflag:s29] =	ssyncset.done $0x0  }
0xc9: {  	[sflag:s29] =	ssyncadd.s32 $0xFFFFE000  }
0xca: {  	[spmem:s22] =	stream.linear.scatter [tilespmem:s31], [sflag:$0x3], $0x2000, $0x38;
	[tilespmem:$0x1F900] =	vst v63  }
0xcb: {  	_ =	swait.ge [sflag:s29], $0x2000  }
0xcc: {  	[sflag:s29] =	ssyncset.done $0x0  }
0xcd: {  	[sflag:s29] =	ssyncadd.s32 $0xFFFFE000  }
0xce: {  	[spmem:s23] =	stream.linear.scatter [tilespmem:s31], [sflag:$0x3], $0x2000, $0x38;
	[tilespmem:$0x1F900] =	vst v63  }
0xcf: {  	_ =	swait.ge [sflag:s29], $0x2000  }
0xd0: {  	[sflag:s29] =	ssyncset.done $0x0  }
0xd1: {  	[sflag:s29] =	ssyncadd.s32 $0xFFFFE000  }
0xd2: {  	[spmem:s24] =	stream.linear.scatter [tilespmem:s31], [sflag:$0x3], $0x2000, $0x38;
	[tilespmem:$0x1F900] =	vst v63  }
0xd3: {  	_ =	swait.ge [sflag:s29], $0x2000  }
0xd4: {  	[sflag:s29] =	ssyncset.done $0x0  }
0xd5: {  	[sflag:s29] =	ssyncadd.s32 $0xFFFFE000  }
0xd6: {  	[spmem:s25] =	stream.linear.scatter [tilespmem:s31], [sflag:$0x3], $0x2000, $0x38;
	[tilespmem:$0x1F900] =	vst v63  }
0xd7: {  	_ =	swait.ge [sflag:s29], $0x2000  }
0xd8: {  	[sflag:s29] =	ssyncset.done $0x0  }
0xd9: {  	[sflag:s29] =	ssyncadd.s32 $0xFFFFE000  }
0xda: {  	[spmem:s26] =	stream.linear.scatter [tilespmem:s31], [sflag:$0x3], $0x2000, $0x38;
	[tilespmem:$0x1F900] =	vst v63  }
0xdb: {  	_ =	swait.ge [sflag:s29], $0x2000  }
0xdc: {  	[sflag:s29] =	ssyncset.done $0x0  }
0xdd: {  	[sflag:s29] =	ssyncadd.s32 $0xFFFFE000  }
0xde: {  	[spmem:s28] =	stream.linear.scatter [tilespmem:s31], [sflag:$0x3], $0x2000, $0x38;
	[tilespmem:$0x1F900] =	vst v63  }
0xdf: {  	_ =	swait.ge [sflag:s29], $0x2000  }
0xe0: {  	[sflag:s29] =	ssyncset.done $0x0  }
0xe1: {  	[sflag:s29] =	ssyncadd.s32 $0xFFFFE000  }
0xe2: {  	s30 =	simm.s32 $0x1900;
	[bflag:$0x0] =	sbarrier.arrive $0xFFFF  }
0xe3: {  	[tilespmem:s30], [sflag:$0x1] =	stream.indirect.gather [hbm4b:s12+s0], $0x40, s14, s0, $0xb8;
	[tilespmem:$0x1F900] =	vst v63  }
0xe4: {  	_ = 	snop  }
0xe5: {  	[tilespmem:s5], [sflag:$0x1] =	stream.indirect.gather [hbm4b:s12+s0], $0x40, s0, s0, $0xb8;
	[tilespmem:$0x1F900] =	vst v63  }
0xe6: {  	p0 =	por $0x0, $0x0;
	s15 =	simm.s32 $0x0  }
0xe7: {  	[tilespmem:s8], [sflag:$0x1] =	stream.indirect.gather [hbm4b:s12+s0], $0x40, s6, s0, $0xb8;
	[tilespmem:$0x1F900] =	vst v63  }
.LBB2_8:
0xe8: {  	p1 =	sgt.u32 s15, $0x2E  }
0xe9: {  	s1 =	sadd.s32 @!p1 $0x3, s15  }
0xea: {  	s17 =	sand.u32 $0x3, s14;
	s18 =	sshll.u32 @!p1 s1, $0xC  }
0xeb: {  	s17 =	sshll.u32 s17, $0xC;
	s1 =	sshll.u32 @!p1 s1, $0x6;
	s18 =	sand.u32 @!p1 $0x3000, s18  }
0xec: {  	s30 =	simm.s32 @!p1 $0x40;
	s1 =	sand.u32 @!p1 $0x3FFFFFC0, s1;
	s18 =	sadd.s32 @!p1 $0x1900, s18  }
0xed: {  	[tilespmem:s18], [sflag:$0x1] =	stream.indirect.gather @!p1 [hbm4b:s12+s30], $0x40, s1, s30, $0xb8;
	[tilespmem:$0x1F900] =	vst v63  }
0xee: {  	s17 =	sadd.s32 $0x1900, s17;
	_ =	swait.ge [sflag:s9], $0x1000  }
0xef: {  	v1 =	vmov s17;
	p1 =	slt.u32 s15, $0x2;
	[sflag:s9] =	ssyncset.done $0x0  }
0xf0: {  	s1 =	simm.s32 @!p1 $0x2;
	[sflag:s9] =	ssyncadd.s32 $0xFFFFF000  }
0xf1: {  	_ =	swait.ge @!p1 [sflag:s1], $0x2000  }
0xf2: {  	[sflag:s1] =	ssyncset.done @!p1 $0x0  }
0xf3: {  	s18 =	simm.s32 $0x0;
	[sflag:s1] =	ssyncadd.s32 @!p1 $0xFFFFE000  }
0xf4: {  	v2 =	vld.idx.msk [tilespmem:v1+s18+$0x0 ss:$0x1], $0xffff;
	_ =	sdelay $0x1  }
0xf5: {  	s17 =	simm.s32 $0x1  }
0xf6: {  	s17 =	simm.s32 @!p0 $0x0  }
0xf7: {  	s17 =	sshll.u32 s17, $0xD  }
0xf8: {  	s17 =	sor.u32 $0x5940, s17;
	v3 =	vunpack.i.l.bf16.f32 v2  }
0xf9: {  	v2 =	vunpack.i.u.bf16.f32 v2;
	[tilespmem:s17+$0xFFFFFFC0] =	vst v3  }
0xfa: {  	[tilespmem:s17+$0xFFFFFFD0] =	vst v2  }
0xfb: {  	v2 =	vld.idx.msk [tilespmem:v1+s18+$0x10 ss:$0x1], $0xffff;
	_ =	sdelay $0x4  }
0xfc: {  	v3 =	vunpack.i.l.bf16.f32 v2  }
0xfd: {  	v2 =	vunpack.i.u.bf16.f32 v2;
	[tilespmem:s17+$0xFFFFFFE0] =	vst v3  }
0xfe: {  	[tilespmem:s17+$0xFFFFFFF0] =	vst v2  }
0xff: {  	v2 =	vld.idx.msk [tilespmem:v1+s18+$0x20 ss:$0x1], $0xffff;
	_ =	sdelay $0x4  }
0x100: {  	v3 =	vunpack.i.u.bf16.f32 v2  }
0x101: {  	v2 =	vunpack.i.l.bf16.f32 v2;
	[tilespmem:s17+$0x10] =	vst v3  }
0x102: {  	[tilespmem:s17+$0x0] =	vst v2  }
0x103: {  	v2 =	vld.idx.msk [tilespmem:v1+s18+$0x30 ss:$0x1], $0xffff;
	_ =	sdelay $0x4  }
0x104: {  	v3 =	vunpack.i.l.bf16.f32 v2  }
0x105: {  	s18 =	sshll.u32 s15, $0xD;
	v2 =	vunpack.i.u.bf16.f32 v2;
	[tilespmem:s17+$0x20] =	vst v3  }
0x106: {  	s30 =	simm.s32 $0x40;
	s1 =	sand.u32 $0x2000, s18;
	[tilespmem:s17+$0x30] =	vst v2  }
0x107: {  	s18 =	sor.u32 $0x5900, s1;
	s1 =	simm.s32 $0x200;
	v2 =	vld.idx.msk [tilespmem:v1+s30+$0x0 ss:$0x1], $0xffff  }
.LBB2_9:
0x108: {  	p1 =	sne.s32 s1, $0x3F00;
	_ =	sdelay $0x3  }
0x109: {  	s17 =	sadd.s32 $0x80, s17;
	v3 =	vunpack.i.l.bf16.f32 v2  }
0x10a: {  	v2 =	vunpack.i.u.bf16.f32 v2;
	[tilespmem:s17+$0xFFFFFFC0] =	vst v3  }
0x10b: {  	[tilespmem:s17+$0xFFFFFFD0] =	vst v2  }
0x10c: {  	v2 =	vld.idx.msk [tilespmem:v1+s30+$0x10 ss:$0x1], $0xffff;
	_ =	sdelay $0x5  }
0x10d: {  	v3 =	vunpack.i.l.bf16.f32 v2  }
0x10e: {  	v2 =	vunpack.i.u.bf16.f32 v2;
	[tilespmem:s17+$0xFFFFFFE0] =	vst v3  }
0x10f: {  	[tilespmem:s17+$0xFFFFFFF0] =	vst v2  }
0x110: {  	v2 =	vld.idx.msk [tilespmem:v1+s30+$0x20 ss:$0x1], $0xffff;
	_ =	sdelay $0x5  }
0x111: {  	v3 =	vunpack.i.u.bf16.f32 v2;
	v2 =	vunpack.i.l.bf16.f32 v2  }
0x112: {  	[tilespmem:s17+$0x10] =	vst v3  }
0x113: {  	[tilespmem:s17+$0x0] =	vst v2  }
0x114: {  	v2 =	vld.idx.msk [tilespmem:v1+s30+$0x30 ss:$0x1], $0xffff;
	_ =	sdelay $0x5  }
.Ltmp3:
0x115: {  	v3 =	vunpack.i.u.bf16.f32 v2;
	v2 =	vunpack.i.l.bf16.f32 v2;
	(pc) =	sbr.rel @p1 .LBB2_9-.Ltmp3, $4  }
0x116: {  	[tilespmem:s17+$0x20] =	vst v2  }
0x117: {  	s30 =	sshra.s32 s1, $0x2;
	[tilespmem:s17+$0x30] =	vst v3  }
0x118: {  	v2 =	vld.idx.msk [tilespmem:v1+s30+$0x0 ss:$0x1], $0xffff  }
0x119: {  	s1 =	sadd.s32 $0x100, s1  }
0x11a: {  	_ =	sdelay $0x2  }
0x11b: {  	s1 =	sadd.s32 $0x80, s17;
	v3 =	vunpack.i.l.bf16.f32 v2  }
0x11c: {  	v2 =	vunpack.i.u.bf16.f32 v2;
	[tilespmem:s1+$0xFFFFFFC0] =	vst v3  }
0x11d: {  	[tilespmem:s1+$0xFFFFFFD0] =	vst v2  }
0x11e: {  	v2 =	vld.idx.msk [tilespmem:v1+s30+$0x10 ss:$0x1], $0xffff;
	_ =	sdelay $0x4  }
0x11f: {  	v3 =	vunpack.i.l.bf16.f32 v2  }
0x120: {  	v2 =	vunpack.i.u.bf16.f32 v2;
	[tilespmem:s1+$0xFFFFFFE0] =	vst v3  }
0x121: {  	[tilespmem:s1+$0xFFFFFFF0] =	vst v2  }
0x122: {  	v2 =	vld.idx.msk [tilespmem:v1+s30+$0x20 ss:$0x1], $0xffff;
	_ =	sdelay $0x4  }
0x123: {  	v3 =	vunpack.i.u.bf16.f32 v2  }
0x124: {  	v2 =	vunpack.i.l.bf16.f32 v2;
	[tilespmem:s1+$0x10] =	vst v3  }
0x125: {  	[tilespmem:s1+$0x0] =	vst v2  }
0x126: {  	v1 =	vld.idx.msk [tilespmem:v1+s30+$0x30 ss:$0x1], $0xffff;
	_ =	sdelay $0x1  }
0x127: {  	s30 =	sshll.u32 s15, $0x6;
	s15 =	sadd.s32 $0x1, s15  }
0x128: {  	p1 =	sne.s32 s15, $0x32  }
.Ltmp4:
0x129: {  	_ = 	snop;
	(pc) =	sbr.rel @p1 .LBB2_8-.Ltmp4, $4  }
0x12a: {  	v2 =	vunpack.i.l.bf16.f32 v1  }
0x12b: {  	s17 =	sand.u32 $0x3FFFFFC0, s30;
	v1 =	vunpack.i.u.bf16.f32 v1;
	[tilespmem:s1+$0x20] =	vst v2  }
0x12c: {  	p0 =	por !p0, !p0;
	s14 =	sadd.s32 $0x1, s14;
	s30 =	sadd.s32 $0xC80, s17;
	[tilespmem:s1+$0x30] =	vst v1  }
0x12d: {  	[spmem:s2] =	stream.indirect.scatter.add.f32 [tilespmem:s18], [sflag:$0x2], $0x80, s30, s0, $0xb8;
	[tilespmem:$0x1F900] =	vst v63  }
0x12e: {  	_ =	swait.ge [sflag:s10], $0x2000  }
0x12f: {  	[sflag:s10] =	ssyncset.done $0x0  }
0x130: {  	[sflag:s10] =	ssyncadd.s32 $0xFFFFE000  }
0x131: {  	_ =	swait.ge [sflag:s10], $0x2000  }
0x132: {  	[sflag:s10] =	ssyncset.done $0x0  }
0x133: {  	[sflag:s10] =	ssyncadd.s32 $0xFFFFE000  }
0x134: {  	[bflag:$0x0] =	sbarrier.arrive $0xFFFF  }
0x135: {  	s1 =	rddreg [dreg:$0x9]  }
0x136: {  	[hbm:s1], [sflag:s11] =	dma.local [spmem:s13], $0x2800  }
0x137: {  	_ =	swait.ge [sflag:s29], $0x2800  }
0x138: {  	[sflag:s29] =	ssyncset.done $0x0  }
0x139: {  	s14 =	simm.s32 $0x0;
	s17 =	rddreg [dreg:$0xa];
	[sflag:s29] =	ssyncadd.s32 $0xFFFFD800  }
0x13a: {  	[tilespmem:s14], [sflag:$0x3] =	stream.linear.gather [hbm4b:s17+s14], $0xC80, $0x38;
	[tilespmem:$0x1F900] =	vst v63  }
0x13b: {  	_ =	swait.ge [sflag:s29], $0xC80  }
0x13c: {  	[sflag:s29] =	ssyncset.done $0x0  }
0x13d: {  	s15 =	simm.s32 $0xC80;
	s18 =	rddreg [dreg:$0xb];
	[sflag:s29] =	ssyncadd.s32 $0xFFFFF380  }
0x13e: {  	[tilespmem:s15], [sflag:$0x3] =	stream.linear.gather [hbm4b:s18+s14], $0xC80, $0x38;
	[tilespmem:$0x1F900] =	vst v63  }
0x13f: {  	_ =	swait.ge [sflag:s29], $0xC80  }
0x140: {  	[sflag:s29] =	ssyncset.done $0x0  }
0x141: {  	[sflag:s29] =	ssyncadd.s32 $0xFFFFF380  }
0x142: {  	[spmem:s7] =	stream.linear.scatter [tilespmem:s31], [sflag:$0x3], $0x2000, $0x38;
	[tilespmem:$0x1F900] =	vst v63  }
0x143: {  	_ =	swait.ge [sflag:s29], $0x2000  }
0x144: {  	[sflag:s29] =	ssyncset.done $0x0  }
0x145: {  	[sflag:s29] =	ssyncadd.s32 $0xFFFFE000  }
0x146: {  	[spmem:s19] =	stream.linear.scatter [tilespmem:s31], [sflag:$0x3], $0x2000, $0x38;
	[tilespmem:$0x1F900] =	vst v63  }
0x147: {  	_ =	swait.ge [sflag:s29], $0x2000  }
0x148: {  	[sflag:s29] =	ssyncset.done $0x0  }
0x149: {  	[sflag:s29] =	ssyncadd.s32 $0xFFFFE000  }
0x14a: {  	[spmem:s20] =	stream.linear.scatter [tilespmem:s31], [sflag:$0x3], $0x2000, $0x38;
	[tilespmem:$0x1F900] =	vst v63  }
0x14b: {  	_ =	swait.ge [sflag:s29], $0x2000  }
0x14c: {  	[sflag:s29] =	ssyncset.done $0x0  }
0x14d: {  	[sflag:s29] =	ssyncadd.s32 $0xFFFFE000  }
0x14e: {  	[spmem:s21] =	stream.linear.scatter [tilespmem:s31], [sflag:$0x3], $0x2000, $0x38;
	[tilespmem:$0x1F900] =	vst v63  }
0x14f: {  	_ =	swait.ge [sflag:s29], $0x2000  }
0x150: {  	[sflag:s29] =	ssyncset.done $0x0  }
0x151: {  	[sflag:s29] =	ssyncadd.s32 $0xFFFFE000  }
0x152: {  	[spmem:s22] =	stream.linear.scatter [tilespmem:s31], [sflag:$0x3], $0x2000, $0x38;
	[tilespmem:$0x1F900] =	vst v63  }
0x153: {  	_ =	swait.ge [sflag:s29], $0x2000  }
0x154: {  	[sflag:s29] =	ssyncset.done $0x0  }
0x155: {  	[sflag:s29] =	ssyncadd.s32 $0xFFFFE000  }
0x156: {  	[spmem:s23] =	stream.linear.scatter [tilespmem:s31], [sflag:$0x3], $0x2000, $0x38;
	[tilespmem:$0x1F900] =	vst v63  }
0x157: {  	_ =	swait.ge [sflag:s29], $0x2000  }
0x158: {  	[sflag:s29] =	ssyncset.done $0x0  }
0x159: {  	[sflag:s29] =	ssyncadd.s32 $0xFFFFE000  }
0x15a: {  	[spmem:s24] =	stream.linear.scatter [tilespmem:s31], [sflag:$0x3], $0x2000, $0x38;
	[tilespmem:$0x1F900] =	vst v63  }
0x15b: {  	_ =	swait.ge [sflag:s29], $0x2000  }
0x15c: {  	[sflag:s29] =	ssyncset.done $0x0  }
0x15d: {  	[sflag:s29] =	ssyncadd.s32 $0xFFFFE000  }
0x15e: {  	[spmem:s25] =	stream.linear.scatter [tilespmem:s31], [sflag:$0x3], $0x2000, $0x38;
	[tilespmem:$0x1F900] =	vst v63  }
0x15f: {  	_ =	swait.ge [sflag:s29], $0x2000  }
0x160: {  	[sflag:s29] =	ssyncset.done $0x0  }
0x161: {  	[sflag:s29] =	ssyncadd.s32 $0xFFFFE000  }
0x162: {  	[spmem:s26] =	stream.linear.scatter [tilespmem:s31], [sflag:$0x3], $0x2000, $0x38;
	[tilespmem:$0x1F900] =	vst v63  }
0x163: {  	_ =	swait.ge [sflag:s29], $0x2000  }
0x164: {  	[sflag:s29] =	ssyncset.done $0x0  }
0x165: {  	[sflag:s29] =	ssyncadd.s32 $0xFFFFE000  }
0x166: {  	[spmem:s28] =	stream.linear.scatter [tilespmem:s31], [sflag:$0x3], $0x2000, $0x38;
	[tilespmem:$0x1F900] =	vst v63  }
0x167: {  	_ =	swait.ge [sflag:s29], $0x2000  }
0x168: {  	[sflag:s29] =	ssyncset.done $0x0  }
0x169: {  	[sflag:s29] =	ssyncadd.s32 $0xFFFFE000  }
0x16a: {  	s30 =	simm.s32 $0x1900;
	[bflag:$0x0] =	sbarrier.arrive $0xFFFF  }
0x16b: {  	[tilespmem:s30], [sflag:$0x1] =	stream.indirect.gather [hbm4b:s16+s0], $0x40, s14, s0, $0xb8;
	[tilespmem:$0x1F900] =	vst v63  }
0x16c: {  	_ = 	snop  }
0x16d: {  	[tilespmem:s5], [sflag:$0x1] =	stream.indirect.gather [hbm4b:s16+s0], $0x40, s0, s0, $0xb8;
	[tilespmem:$0x1F900] =	vst v63  }
0x16e: {  	p0 =	por $0x0, $0x0;
	s15 =	simm.s32 $0x0  }
0x16f: {  	[tilespmem:s8], [sflag:$0x1] =	stream.indirect.gather [hbm4b:s16+s0], $0x40, s6, s0, $0xb8;
	[tilespmem:$0x1F900] =	vst v63  }
.LBB2_12:
0x170: {  	p1 =	sgt.u32 s15, $0x2E  }
0x171: {  	s1 =	sadd.s32 @!p1 $0x3, s15  }
0x172: {  	s17 =	sand.u32 $0x3, s14;
	s18 =	sshll.u32 @!p1 s1, $0xC  }
0x173: {  	s17 =	sshll.u32 s17, $0xC;
	s1 =	sshll.u32 @!p1 s1, $0x6;
	s18 =	sand.u32 @!p1 $0x3000, s18  }
0x174: {  	s30 =	simm.s32 @!p1 $0x40;
	s1 =	sand.u32 @!p1 $0x3FFFFFC0, s1;
	s18 =	sadd.s32 @!p1 $0x1900, s18  }
0x175: {  	[tilespmem:s18], [sflag:$0x1] =	stream.indirect.gather @!p1 [hbm4b:s16+s30], $0x40, s1, s30, $0xb8;
	[tilespmem:$0x1F900] =	vst v63  }
0x176: {  	s17 =	sadd.s32 $0x1900, s17;
	_ =	swait.ge [sflag:s9], $0x1000  }
0x177: {  	v1 =	vmov s17;
	p1 =	slt.u32 s15, $0x2;
	[sflag:s9] =	ssyncset.done $0x0  }
0x178: {  	s1 =	simm.s32 @!p1 $0x2;
	[sflag:s9] =	ssyncadd.s32 $0xFFFFF000  }
0x179: {  	_ =	swait.ge @!p1 [sflag:s1], $0x2000  }
0x17a: {  	[sflag:s1] =	ssyncset.done @!p1 $0x0  }
0x17b: {  	s18 =	simm.s32 $0x0;
	[sflag:s1] =	ssyncadd.s32 @!p1 $0xFFFFE000  }
0x17c: {  	v2 =	vld.idx.msk [tilespmem:v1+s18+$0x0 ss:$0x1], $0xffff;
	_ =	sdelay $0x1  }
0x17d: {  	s17 =	simm.s32 $0x1  }
0x17e: {  	s17 =	simm.s32 @!p0 $0x0  }
0x17f: {  	s17 =	sshll.u32 s17, $0xD  }
0x180: {  	s17 =	sor.u32 $0x5940, s17;
	v3 =	vunpack.i.l.bf16.f32 v2  }
0x181: {  	v2 =	vunpack.i.u.bf16.f32 v2;
	[tilespmem:s17+$0xFFFFFFC0] =	vst v3  }
0x182: {  	[tilespmem:s17+$0xFFFFFFD0] =	vst v2  }
0x183: {  	v2 =	vld.idx.msk [tilespmem:v1+s18+$0x10 ss:$0x1], $0xffff;
	_ =	sdelay $0x4  }
0x184: {  	v3 =	vunpack.i.l.bf16.f32 v2  }
0x185: {  	v2 =	vunpack.i.u.bf16.f32 v2;
	[tilespmem:s17+$0xFFFFFFE0] =	vst v3  }
0x186: {  	[tilespmem:s17+$0xFFFFFFF0] =	vst v2  }
0x187: {  	v2 =	vld.idx.msk [tilespmem:v1+s18+$0x20 ss:$0x1], $0xffff;
	_ =	sdelay $0x4  }
0x188: {  	v3 =	vunpack.i.u.bf16.f32 v2  }
0x189: {  	v2 =	vunpack.i.l.bf16.f32 v2;
	[tilespmem:s17+$0x10] =	vst v3  }
0x18a: {  	[tilespmem:s17+$0x0] =	vst v2  }
0x18b: {  	v2 =	vld.idx.msk [tilespmem:v1+s18+$0x30 ss:$0x1], $0xffff;
	_ =	sdelay $0x4  }
0x18c: {  	v3 =	vunpack.i.l.bf16.f32 v2  }
0x18d: {  	s18 =	sshll.u32 s15, $0xD;
	v2 =	vunpack.i.u.bf16.f32 v2;
	[tilespmem:s17+$0x20] =	vst v3  }
0x18e: {  	s30 =	simm.s32 $0x40;
	s1 =	sand.u32 $0x2000, s18;
	[tilespmem:s17+$0x30] =	vst v2  }
0x18f: {  	s18 =	sor.u32 $0x5900, s1;
	s1 =	simm.s32 $0x200;
	v2 =	vld.idx.msk [tilespmem:v1+s30+$0x0 ss:$0x1], $0xffff  }
.LBB2_13:
0x190: {  	p1 =	sne.s32 s1, $0x3F00;
	_ =	sdelay $0x3  }
0x191: {  	s17 =	sadd.s32 $0x80, s17;
	v3 =	vunpack.i.l.bf16.f32 v2  }
0x192: {  	v2 =	vunpack.i.u.bf16.f32 v2;
	[tilespmem:s17+$0xFFFFFFC0] =	vst v3  }
0x193: {  	[tilespmem:s17+$0xFFFFFFD0] =	vst v2  }
0x194: {  	v2 =	vld.idx.msk [tilespmem:v1+s30+$0x10 ss:$0x1], $0xffff;
	_ =	sdelay $0x5  }
0x195: {  	v3 =	vunpack.i.l.bf16.f32 v2  }
0x196: {  	v2 =	vunpack.i.u.bf16.f32 v2;
	[tilespmem:s17+$0xFFFFFFE0] =	vst v3  }
0x197: {  	[tilespmem:s17+$0xFFFFFFF0] =	vst v2  }
0x198: {  	v2 =	vld.idx.msk [tilespmem:v1+s30+$0x20 ss:$0x1], $0xffff;
	_ =	sdelay $0x5  }
0x199: {  	v3 =	vunpack.i.u.bf16.f32 v2;
	v2 =	vunpack.i.l.bf16.f32 v2  }
0x19a: {  	[tilespmem:s17+$0x10] =	vst v3  }
0x19b: {  	[tilespmem:s17+$0x0] =	vst v2  }
0x19c: {  	v2 =	vld.idx.msk [tilespmem:v1+s30+$0x30 ss:$0x1], $0xffff;
	_ =	sdelay $0x5  }
.Ltmp5:
0x19d: {  	v3 =	vunpack.i.u.bf16.f32 v2;
	v2 =	vunpack.i.l.bf16.f32 v2;
	(pc) =	sbr.rel @p1 .LBB2_13-.Ltmp5, $4  }
0x19e: {  	[tilespmem:s17+$0x20] =	vst v2  }
0x19f: {  	s30 =	sshra.s32 s1, $0x2;
	[tilespmem:s17+$0x30] =	vst v3  }
0x1a0: {  	v2 =	vld.idx.msk [tilespmem:v1+s30+$0x0 ss:$0x1], $0xffff  }
0x1a1: {  	s1 =	sadd.s32 $0x100, s1  }
0x1a2: {  	_ =	sdelay $0x2  }
0x1a3: {  	s1 =	sadd.s32 $0x80, s17;
	v3 =	vunpack.i.l.bf16.f32 v2  }
0x1a4: {  	v2 =	vunpack.i.u.bf16.f32 v2;
	[tilespmem:s1+$0xFFFFFFC0] =	vst v3  }
0x1a5: {  	[tilespmem:s1+$0xFFFFFFD0] =	vst v2  }
0x1a6: {  	v2 =	vld.idx.msk [tilespmem:v1+s30+$0x10 ss:$0x1], $0xffff;
	_ =	sdelay $0x4  }
0x1a7: {  	v3 =	vunpack.i.l.bf16.f32 v2  }
0x1a8: {  	v2 =	vunpack.i.u.bf16.f32 v2;
	[tilespmem:s1+$0xFFFFFFE0] =	vst v3  }
0x1a9: {  	[tilespmem:s1+$0xFFFFFFF0] =	vst v2  }
0x1aa: {  	v2 =	vld.idx.msk [tilespmem:v1+s30+$0x20 ss:$0x1], $0xffff;
	_ =	sdelay $0x4  }
0x1ab: {  	v3 =	vunpack.i.u.bf16.f32 v2  }
0x1ac: {  	v2 =	vunpack.i.l.bf16.f32 v2;
	[tilespmem:s1+$0x10] =	vst v3  }
0x1ad: {  	[tilespmem:s1+$0x0] =	vst v2  }
0x1ae: {  	v1 =	vld.idx.msk [tilespmem:v1+s30+$0x30 ss:$0x1], $0xffff;
	_ =	sdelay $0x1  }
0x1af: {  	s30 =	sshll.u32 s15, $0x6;
	s15 =	sadd.s32 $0x1, s15  }
0x1b0: {  	p1 =	sne.s32 s15, $0x32  }
.Ltmp6:
0x1b1: {  	_ = 	snop;
	(pc) =	sbr.rel @p1 .LBB2_12-.Ltmp6, $4  }
0x1b2: {  	v2 =	vunpack.i.l.bf16.f32 v1  }
0x1b3: {  	s17 =	sand.u32 $0x3FFFFFC0, s30;
	v1 =	vunpack.i.u.bf16.f32 v1;
	[tilespmem:s1+$0x20] =	vst v2  }
0x1b4: {  	p0 =	por !p0, !p0;
	s14 =	sadd.s32 $0x1, s14;
	s30 =	sadd.s32 $0xC80, s17;
	[tilespmem:s1+$0x30] =	vst v1  }
0x1b5: {  	[spmem:s2] =	stream.indirect.scatter.add.f32 [tilespmem:s18], [sflag:$0x2], $0x80, s30, s0, $0xb8;
	[tilespmem:$0x1F900] =	vst v63  }
0x1b6: {  	_ =	swait.ge [sflag:s10], $0x2000  }
0x1b7: {  	[sflag:s10] =	ssyncset.done $0x0  }
0x1b8: {  	[sflag:s10] =	ssyncadd.s32 $0xFFFFE000  }
0x1b9: {  	_ =	swait.ge [sflag:s10], $0x2000  }
0x1ba: {  	[sflag:s10] =	ssyncset.done $0x0  }
0x1bb: {  	[sflag:s10] =	ssyncadd.s32 $0xFFFFE000  }
0x1bc: {  	[bflag:$0x0] =	sbarrier.arrive $0xFFFF  }
0x1bd: {  	s1 =	rddreg [dreg:$0xc]  }
0x1be: {  	[hbm:s1], [sflag:s11] =	dma.local [spmem:s13], $0x2800  }
0x1bf: {  	_ =	swait.ge [sflag:s29], $0x2800  }
0x1c0: {  	s3 =	sadd.s32 $0x1, s3;
	s30 =	rddreg [dreg:$0xd]  }
0x1c1: {  	p0 =	sne.s32 s3, s30  }
.Ltmp7:
0x1c2: {  	_ = 	snop;
	(pc) =	sbr.rel @p0 .LBB2_1-.Ltmp7, $3  }
0x1c3: {  	_ =	sdelay $0x1  }
0x1c4: {  	[sflag:s29] =	ssyncset.done $0x0  }
0x1c5: {  	[sflag:s29] =	ssyncadd.s32 $0xFFFFD800  }
0x1c6: {  	_ =	sfence.sel $0x180000  }
0x1c7: {  	[bflag:$0x0] =	sbarrier.arrive $0xFFFF  }
0x1c8: {  	_ =	strace $0x9000004A  }
0x1c9: {  	s0 =	stileid.u32;
	[bflag:$0x2] =	sbarrier.arrive $0xFFFF  }
0x1ca: {  	p0 =	sne.s32 s0, $0x0;
	s0 =	rddreg [dreg:$0x2]  }
0x1cb: {  	s0 =	sadd.s32 @!p0 $0x100000, s0  }
0x1cc: {  	[sflag:s0] =	ssyncadd.tile.s32 @!p0 $0x1;
	_ =	shalt  }
.Lfunc_end2:
_tile_overlayer_lowered:
.L_overlay_start_2:
0x1cd: {  	(tag) =	ssettag $0x2  }
0x1ce: {  	s0 =	rddreg [dreg:$0x0];
	s2 =	stileid.u32  }
0x1cf: {  	s1 =	rddreg [dreg:$0x1];
	p0 =	sne.s32 s2, $0x0  }
0x1d0: {  	s3 =	rddreg [dreg:$0x2];
	[bflag:$0x3] =	sbarrier.arrive $0xFFFF;
	s2 =	simm.s32 @!p0 $0x1C03  }
0x1d1: {  	[timem:s3], [sflag:s2] =	dma.local @!p0 [hbm:s0], s1  }
0x1d2: {  	s0 =	simm.s32 @!p0 $0x3  }
0x1d3: {  	_ =	swait.ge @!p0 [sflag:s0], s1  }
0x1d4: {  	s1 =	ssub.s32 @!p0 $0x0, s1;
	[sflag:s0] =	ssyncset.done @!p0 $0x0  }
0x1d5: {  	[sflag:s0] =	ssyncadd.s32 @!p0 s1  }
0x1d6: {  	[bflag:$0x3] =	sbarrier.arrive $0xFFFF  }
0x1d7: {  	_ =	shalt  }

// kernel: kernel.15.cloned.1.call-start
scs
__scs_entry_jumppad:
0x0: {  	(pc) =	sbr.rel $0x88, $3  }
0x1: {  	(tag) =	ssettag $0x0;
	lr =	simm.s32 $0x1  }
0x2: {  	[smem:$0x3F8F] =	sst lr;
	_ =	strace $0xD0000000  }
0x3: {  	_ = 	snop  }
0x4: {  	_ = 	snop  }
0x5: {  	_ = 	snop  }
0x6: {  	_ = 	snop  }
0x7: {  	_ = 	snop  }
__scs_overlays_trampoline_lowered:
0x8: {  	[smem:$0x3F9E] =	sst s0  }
0x9: {  	[smem:$0x3F9F] =	sst s1  }
0xa: {  	[smem:$0x3FA0] =	sst s2  }
0xb: {  	[smem:$0x3FA1] =	sst s3  }
0xc: {  	[smem:$0x3FA2] =	sst s4  }
0xd: {  	[smem:$0x3FA3] =	sst s5  }
0xe: {  	[smem:$0x3FA4] =	sst s6  }
0xf: {  	[smem:$0x3FA5] =	sst s7  }
0x10: {  	[smem:$0x3FA6] =	sst s8  }
0x11: {  	[smem:$0x3FA7] =	sst s9;
	s0 =	simm.s32 @!p0 $0x0  }
0x12: {  	s1 =	sld [smem:$0x3F8D];
	s0 =	simm.s32 @p0 $0x1  }
0x13: {  	[smem:$0x3FA8] =	sst s0;
	s0 =	simm.s32 @!p1 $0x0  }
0x14: {  	s2 =	sld [smem:$0x3F8C];
	s0 =	simm.s32 @p1 $0x1  }
0x15: {  	[smem:$0x3FA9] =	sst s0;
	s0 =	simm.s32 @!p2 $0x0  }
0x16: {  	s3 =	sld [smem:$0x3FDB];
	s0 =	simm.s32 @p2 $0x1  }
0x17: {  	s4 =	simm.s32 $0x1BF5;
	[smem:$0x3FAB] =	sst s0  }
0x18: {  	s0 =	sld [smem:$0x3F8E];
	_ =	swait.ge [sflag:s4], $0x0  }
0x19: {  	s7 =	sld [smem:$0x3F8F]  }
0x1a: {  	s8 =	sadd.s32 $0xFFFFE003, lr  }
0x1b: {  	s9 =	sadd.s32 $0xFFFFFEF7, lr;
	s5 =	simm.s32 $0xFFFFFFFF;
	p2 =	slt.u32 s8, $0xFFFFF086  }
0x1c: {  	p1 =	slt.u32 s9, $0xF7A;
	s5 =	simm.s32 @!p2 $0x0  }
0x1d: {  	s5 =	simm.s32 @p1 $0x1;
	p0 =	seq.s32 s7, s2  }
0x1e: {  	s7 =	smul.u32 @!p0 $0xF7A, s2;
	p2 =	seq.s32 @!p0 s5, $0x0  }
0x1f: {  	s9 =	smul.u32 $0xF7A, s1;
	s8 =	simm.s32 @!p0 $0x1BF5;
	p2 =	por !p2, p0  }
0x20: {  	[sflag:s8] =	ssyncset.s32 @!p0 $0xFFFFF086;
	s6 =	sadd.s32 @!p0 s3, s7;
	s7 =	simm.s32 @!p0 $0x108  }
0x21: {  	s3 =	sadd.s32 s3, s9;
	s6 =	sadd.s32 @!p0 $0x88, s6;
	s7 =	simm.s32 @p2 $0x1082  }
0x22: {  	[simem:s7], [sflag:s8] =	dma.local @!p0 [hbm:s6], $0xF7A  }
0x23: {  	s9 =	sor.u32 $0xD0000000, s2;
	s6 =	simm.s32 $0x108;
	_ =	swait.ge @!p0 [sflag:s8], $0x0  }
0x24: {  	s3 =	sadd.s32 $0x88, s3;
	s6 =	simm.s32 @!p1 $0x1082;
	[sflag:s4] =	ssyncset.s32 $0xFFFFF086  }
0x25: {  	[simem:s6], [sflag:s4] =	dma.local [hbm:s3], $0xF7A  }
0x26: {  	[smem:$0x3F8F] =	sst s1;
	(tag) =	ssettag s2;
	_ =	strace s9  }
0x27: {  	s1 =	sld [smem:$0x3F9F]  }
0x28: {  	s2 =	sld [smem:$0x3FA0]  }
0x29: {  	s4 =	sld [smem:$0x3FA2]  }
0x2a: {  	p0 =	seq.s32 s5, $0x0;
	s5 =	sld [smem:$0x3FA3]  }
0x2b: {  	s6 =	sld [smem:$0x3FA4]  }
0x2c: {  	s7 =	sld [smem:$0x3FA5]  }
0x2d: {  	s3 =	simm.s32 $0x108;
	s8 =	sld [smem:$0x3FA6]  }
0x2e: {  	s3 =	simm.s32 @!p0 $0x1082;
	s9 =	sld [smem:$0x3FA7]  }
0x2f: {  	lr =	sadd.s32 s0, s3;
	s0 =	sld [smem:$0x3F9E]  }
0x30: {  	s3 =	sld [smem:$0x3FA1]  }
0x31: {  	[smem:$0x3FAA] =	sst s10  }
0x32: {  	s10 =	sld [smem:$0x3FA8];
	_ =	sdelay $0x3  }
0x33: {  	p0 =	seq.s32 s10, $0x1;
	s10 =	sld [smem:$0x3FAA];
	_ =	sdelay $0x3  }
0x34: {  	[smem:$0x3FAA] =	sst s10  }
0x35: {  	s10 =	sld [smem:$0x3FA9];
	_ =	sdelay $0x3  }
0x36: {  	p1 =	seq.s32 s10, $0x1;
	s10 =	sld [smem:$0x3FAA];
	_ =	sdelay $0x3  }
0x37: {  	[smem:$0x3FAA] =	sst s10  }
0x38: {  	s10 =	sld [smem:$0x3FAB]  }
0x39: {  	_ = 	snop;
	(pc) =	sbr.ind lr, $3  }
0x3a: {  	_ = 	snop  }
0x3b: {  	_ = 	snop  }
0x3c: {  	p2 =	seq.s32 s10, $0x1;
	s10 =	sld [smem:$0x3FAA]  }
0x3d: {  	_ =	shalt  }
0x3e: {  	_ =	shalt  }
0x3f: {  	_ =	shalt  }
0x40: {  	_ =	shalt  }
0x41: {  	_ =	shalt  }
0x42: {  	_ =	shalt  }
0x43: {  	_ =	shalt  }
0x44: {  	_ =	shalt  }
0x45: {  	_ =	shalt  }
0x46: {  	_ =	shalt  }
0x47: {  	_ =	shalt  }
0x48: {  	_ =	shalt  }
0x49: {  	_ =	shalt  }
0x4a: {  	_ =	shalt  }
0x4b: {  	_ =	shalt  }
0x4c: {  	_ =	shalt  }
0x4d: {  	_ =	shalt  }
0x4e: {  	_ =	shalt  }
0x4f: {  	_ =	shalt  }
0x50: {  	_ =	shalt  }
0x51: {  	_ =	shalt  }
0x52: {  	_ =	shalt  }
0x53: {  	_ =	shalt  }
0x54: {  	_ =	shalt  }
0x55: {  	_ =	shalt  }
0x56: {  	_ =	shalt  }
0x57: {  	_ =	shalt  }
0x58: {  	_ =	shalt  }
0x59: {  	_ =	shalt  }
0x5a: {  	_ =	shalt  }
0x5b: {  	_ =	shalt  }
0x5c: {  	_ =	shalt  }
0x5d: {  	_ =	shalt  }
0x5e: {  	_ =	shalt  }
0x5f: {  	_ =	shalt  }
0x60: {  	_ =	shalt  }
0x61: {  	_ =	shalt  }
0x62: {  	_ =	shalt  }
0x63: {  	_ =	shalt  }
0x64: {  	_ =	shalt  }
0x65: {  	_ =	shalt  }
0x66: {  	_ =	shalt  }
0x67: {  	_ =	shalt  }
0x68: {  	_ =	shalt  }
0x69: {  	_ =	shalt  }
0x6a: {  	_ =	shalt  }
0x6b: {  	_ =	shalt  }
0x6c: {  	_ =	shalt  }
0x6d: {  	_ =	shalt  }
0x6e: {  	_ =	shalt  }
0x6f: {  	_ =	shalt  }
0x70: {  	_ =	shalt  }
0x71: {  	_ =	shalt  }
0x72: {  	_ =	shalt  }
0x73: {  	_ =	shalt  }
0x74: {  	_ =	shalt  }
0x75: {  	_ =	shalt  }
0x76: {  	_ =	shalt  }
0x77: {  	_ =	shalt  }
0x78: {  	_ =	shalt  }
0x79: {  	_ =	shalt  }
0x7a: {  	_ =	shalt  }
0x7b: {  	_ =	shalt  }
0x7c: {  	_ =	shalt  }
0x7d: {  	_ =	shalt  }
0x7e: {  	_ =	shalt  }
0x7f: {  	_ =	shalt  }
0x80: {  	_ =	shalt  }
0x81: {  	_ =	shalt  }
0x82: {  	_ =	shalt  }
0x83: {  	_ =	shalt  }
0x84: {  	_ =	shalt  }
0x85: {  	_ =	shalt  }
0x86: {  	_ =	shalt  }
0x87: {  	_ =	shalt  }
.Lfunc_end0:
.L_simem_size_0:
called_computation.2_lowered:
.L_overlay_start_0:
0x88: {  	s2 =	sld [smem:$0x3FD9]  }
0x89: {  	s3 =	sld [smem:$0x3FFE];
	_ =	sdelay $0x1  }
0x8a: {  	s1 =	srdreg.scid  }
0x8b: {  	s0 =	sand.u32 $0x1, s1  }
0x8c: {  	s16 =	sshll.u32 s0, $0xA;
	s2 =	sadd.s32 s3, s2  }
0x8d: {  	s2 =	sadd.s32 s2, s16  }
0x8e: {  	[smem:$0x3FB6] =	sst s2  }
0x8f: {  	_ = 	snop  }
0x90: {  	(tm) =	ssettm $0x1  }
0x91: {  	s17 =	sld [smem:$0x3FFB];
	_ =	sdelay $0x3  }
0x92: {  	_ =	strace s17  }
0x93: {  	s2 =	sld [smem:$0x3FFC];
	_ =	sdelay $0x3  }
0x94: {  	_ =	strace s2  }
0x95: {  	s2 =	sld [smem:$0x3FFD];
	_ =	sdelay $0x3  }
0x96: {  	_ =	strace s2  }
0x97: {  	_ =	strace $0x8FFFFFFF  }
0x98: {  	s18 =	sld [smem:$0x3FDB];
	_ =	sdelay $0x1  }
0x99: {  	s19 =	simm.s32 $_scs_section_size  }
0x9a: {  	s4 =	simm.s32 $_size__tile_overlayer_lowered;
	s5 =	simm.s32 $_tile_overlayer_lowered  }
0x9b: {  	s22 =	simm.s32 $0x1BFF;
	s21 =	sshll.u32 s5, $0x1;
	s2 =	sadd.s32 s19, s18  }
0x9c: {  	s6 =	simm.s32 $0x0;
	s20 =	sshll.u32 s4, $0x1;
	s4 =	sadd.s32 s21, s2  }
0x9d: {  	[timem:s6], [sflag:s22] =	dma.local [hbm:s4], s20  }
0x9e: {  	_ =	swait.ge [sflag:s22], s20  }
0x9f: {  	s3 =	ssub.s32 $0x0, s20;
	[sflag:s22] =	ssyncset.done $0x0  }
0xa0: {  	[sflag:s22] =	ssyncadd.s32 s3;
	_ =	sdelay $0x1  }
0xa1: {  	s23 =	simm.s32 $0x1B8B  }
0xa2: {  	_ =	swait.ge [sflag:s23], $0x1  }
0xa3: {  	[sflag:s23] =	ssyncset.done $0x0  }
0xa4: {  	s25 =	simm.s32 $0x1B8E;
	s24 =	sld [smem:$0x3FFE];
	[sflag:s23] =	ssyncadd.s32 $0xFFFFFFFF  }
0xa5: {  	s26 =	simm.s32 $execute0_lowered;
	[smem:$0x3FD2] =	sst s25  }
0xa6: {  	s4 =	sshll.u32 s26, $0x1;
	_ =	strace $0x8000004C;
	[dreg:$0x1] =	wrdreg $0xFFFFFFFF  }
0xa7: {  	s28 =	simm.s32 $_size_execute0_lowered;
	s2 =	sadd.s32 s2, s4;
	[dreg:$0x0] =	wrdreg $0x0  }
0xa8: {  	s4 =	sshll.u32 s28, $0x1;
	[dreg:$0x2] =	wrdreg s2  }
0xa9: {  	[dreg:$0x3] =	wrdreg s4  }
0xaa: {  	[dreg:$0x4] =	wrdreg $0xC0  }
0xab: {  	_ =	task [dreg:s6], $0x5FFFF  }
0xac: {  	[dreg:$0x1] =	wrdreg $0xFFFFFFFF  }
0xad: {  	[dreg:$0x0] =	wrdreg $0x60  }
0xae: {  	[dreg:$0x2] =	wrdreg s24  }
0xaf: {  	[dreg:$0x3] =	wrdreg $0xB9000  }
0xb0: {  	[dreg:$0x4] =	wrdreg $0x9  }
0xb1: {  	_ =	task.clear_ibuf [dreg:s6], $0x5FFFF;
	_ =	strace $0x9000004C  }
0xb2: {  	s29 =	simm.s32 $0x9;
	_ =	strace $0x8000004E  }
0xb3: {  	_ =	swait.ge [sflag:s29], $0x1  }
0xb4: {  	[sflag:s29] =	ssyncadd.s32 $0xFFFFFFFF  }
0xb5: {  	_ =	strace $0x9000004E  }
0xb6: {  	_ =	sfence  }
0xb7: {  	s30 =	sld [smem:$0x0];
	_ =	sdelay $0x2  }
0xb8: {  	s31 =	sshll.u32 s1, $0xD;
	s1 =	sshrl.u32 s1, $0x2  }
0xb9: {  	s3 =	sand.u32 $0x4000, s31;
	s1 =	sadd.s32 s1, s30  }
0xba: {  	s0 =	sor.u32 s3, s0;
	s1 =	sshll.u32 s1, $0x11  }
0xbb: {  	s0 =	sor.u32 s1, s0  }
0xbc: {  	s0 =	sadd.s32 $0x8F2B, s0  }
0xbd: {  	[sflag:s0] =	ssyncadd.remote.s32 $0x1  }
0xbe: {  	_ =	sfence.sel $0xFFFF  }
0xbf: {  	[dreg:$0x0] =	wrdreg $0xFFFFFFFF;
	(pc) =	sbr.abs _section_cstart, $3  }
0xc0: {  	[dreg:$0x1] =	wrdreg $0xFFFFFFFF  }
0xc1: {  	_ =	task.clear_ibuf [dreg:s6], $0x2FFFF;
	_ =	strace $0x9FFFFFFF  }
0xc2: {  	(tm) =	ssettm $0x7FFFFFFF  }
0xc3: {  	_ =	shalt  }
tec
execute0_lowered:
.L_overlay_start_1:
0x0: {  	(tag) =	ssettag $0x1  }
0x1: {  	s0 =	rddreg [dreg:$0x0]  }
0x2: {  	s2 =	rddreg [dreg:$0x1]  }
0x3: {  	s1 =	srdreg.scid;
	s7 =	stileid.u32;
	s3 =	simm.s32 $0x0  }
0x4: {  	s29 =	simm.s32 $0x3;
	s31 =	simm.s32 $0x9900;
	s10 =	simm.s32 $0x2  }
0x5: {  	s1 =	sand.u32 $0x1, s1;
	s4 =	sshll.u32 s7, $0x1;
	s8 =	smul.u32 $0x14000, s7  }
0x6: {  	[smem:$0x7FF] =	sst s3;
	s7 =	smul.u32 $0x50000, s7;
	s12 =	sadd.s32 $0x35600, s0  }
0x7: {  	s16 =	sadd.s32 $0x49600, s0;
	s5 =	smul.u32 $0x3C0000, s1;
	s6 =	sor.u32 s1, s4  }
0x8: {  	_ =	strace $0x8000004D;
	s4 =	sadd.s32 $0x21600, s0;
	s1 =	ssub.s32 $0x2, s1  }
0x9: {  	s6 =	smul.u32 $0x190, s6;
	s9 =	sshrl.u32 s1, $0x1;
	s7 =	sshrl.u32 s7, $0x2  }
0xa: {  	s5 =	sadd.s32 s8, s5;
	s1 =	ssub.s32 s1, s9;
	s7 =	sadd.s32 s7, s2  }
0xb: {  	s8 =	sadd.s32 s8, s2;
	s9 =	simm.s32 $0x1;
	s6 =	sadd.s32 s6, s0  }
0xc: {  	s5 =	sshrl.u32 s5, $0x3;
	[dreg:$0x6] =	wrdreg s8;
	s30 =	smax.u32 s1, $0x1  }
0xd: {  	s28 =	sadd.s32 $0x12000, s7;
	s19 =	sadd.s32 $0x2A00, s6;
	[dreg:$0xd] =	wrdreg s30  }
0xe: {  	s8 =	simm.s32 $0x3900;
	s20 =	sadd.s32 $0x5C00, s6;
	[dreg:$0x3] =	wrdreg s19  }
0xf: {  	s5 =	sadd.s32 s5, s0;
	s22 =	sadd.s32 $0xCE00, s6;
	[dreg:$0x4] =	wrdreg s20  }
0x10: {  	s23 =	sadd.s32 $0x10000, s6;
	s25 =	sadd.s32 $0x17200, s6;
	[dreg:$0x7] =	wrdreg s22  }
0x11: {  	s6 =	sadd.s32 $0x1E400, s6;
	s0 =	simm.s32 $0x40;
	[dreg:$0x8] =	wrdreg s23  }
0x12: {  	s21 =	sadd.s32 $0x5D600, s5;
	s24 =	sadd.s32 $0x85600, s5;
	[dreg:$0xa] =	wrdreg s25  }
0x13: {  	[dreg:$0xb] =	wrdreg s6;
	s26 =	sadd.s32 $0xAD600, s5;
	s19 =	sadd.s32 $0x2000, s7  }
0x14: {  	s20 =	sadd.s32 $0x4000, s7;
	s22 =	sadd.s32 $0x8000, s7;
	[dreg:$0x5] =	wrdreg s21  }
0x15: {  	s23 =	sadd.s32 $0xA000, s7;
	s25 =	sadd.s32 $0xE000, s7;
	[dreg:$0x9] =	wrdreg s24  }
0x16: {  	s5 =	simm.s32 $0x2900;
	s6 =	simm.s32 $0x80;
	[dreg:$0xc] =	wrdreg s26  }
0x17: {  	v0 =	vimm.f32 $0.0e+00;
	s21 =	sadd.s32 $0x6000, s7;
	s24 =	sadd.s32 $0xC000, s7;
	s26 =	sadd.s32 $0x10000, s7  }
.LBB2_1:
0x18: {  	s1 =	simm.s32 $0x0;
	s11 =	simm.s32 $0x200  }
.LBB2_2:
0x19: {  	p0 =	sne.s32 s11, $0x7E00;
	[tilespmem:s1+$0x9970] =	vst v0  }
0x1a: {  	[tilespmem:s1+$0x9900] =	vst v0  }
0x1b: {  	[tilespmem:s1+$0x9910] =	vst v0  }
.Ltmp0:
0x1c: {  	[tilespmem:s1+$0x9920] =	vst v0;
	(pc) =	sbr.rel @p0 .LBB2_2-.Ltmp0, $4  }
0x1d: {  	[tilespmem:s1+$0x9930] =	vst v0  }
0x1e: {  	[tilespmem:s1+$0x9940] =	vst v0  }
0x1f: {  	[tilespmem:s1+$0x9950] =	vst v0  }
0x20: {  	[tilespmem:s1+$0x9960] =	vst v0;
	s1 =	sshra.s32 s11, $0x2;
	s11 =	sadd.s32 $0x200, s11  }
0x21: {  	[tilespmem:s1+$0x9970] =	vst v0  }
0x22: {  	[tilespmem:s1+$0x9900] =	vst v0  }
0x23: {  	[tilespmem:s1+$0x9910] =	vst v0  }
0x24: {  	[tilespmem:s1+$0x9920] =	vst v0  }
0x25: {  	[tilespmem:s1+$0x9930] =	vst v0  }
0x26: {  	[tilespmem:s1+$0x9940] =	vst v0  }
0x27: {  	[tilespmem:s1+$0x9950] =	vst v0  }
0x28: {  	[tilespmem:s1+$0x9960] =	vst v0;
	s11 =	simm.s32 $0x0;
	s17 =	rddreg [dreg:$0x3]  }
0x29: {  	[tilespmem:s11], [sflag:$0x3] =	stream.linear.gather [hbm4b:s17+s11], $0xC80, $0x38;
	[tilespmem:$0x1F900] =	vst v63  }
0x2a: {  	_ =	swait.ge [sflag:s29], $0xC80  }
0x2b: {  	[sflag:s29] =	ssyncset.done $0x0  }
0x2c: {  	s13 =	simm.s32 $0xC80;
	s18 =	rddreg [dreg:$0x4];
	[sflag:s29] =	ssyncadd.s32 $0xFFFFF380  }
0x2d: {  	[tilespmem:s13], [sflag:$0x3] =	stream.linear.gather [hbm4b:s18+s11], $0xC80, $0x38;
	[tilespmem:$0x1F900] =	vst v63  }
0x2e: {  	_ =	swait.ge [sflag:s29], $0xC80  }
0x2f: {  	[sflag:s29] =	ssyncset.done $0x0  }
0x30: {  	[sflag:s29] =	ssyncadd.s32 $0xFFFFF380  }
0x31: {  	[spmem:s7] =	stream.linear.scatter [tilespmem:s31], [sflag:$0x3], $0x2000, $0x38;
	[tilespmem:$0x1F900] =	vst v63  }
0x32: {  	_ =	swait.ge [sflag:s29], $0x2000  }
0x33: {  	[sflag:s29] =	ssyncset.done $0x0  }
0x34: {  	[sflag:s29] =	ssyncadd.s32 $0xFFFFE000  }
0x35: {  	[spmem:s19] =	stream.linear.scatter [tilespmem:s31], [sflag:$0x3], $0x2000, $0x38;
	[tilespmem:$0x1F900] =	vst v63  }
0x36: {  	_ =	swait.ge [sflag:s29], $0x2000  }
0x37: {  	[sflag:s29] =	ssyncset.done $0x0  }
0x38: {  	[sflag:s29] =	ssyncadd.s32 $0xFFFFE000  }
0x39: {  	[spmem:s20] =	stream.linear.scatter [tilespmem:s31], [sflag:$0x3], $0x2000, $0x38;
	[tilespmem:$0x1F900] =	vst v63  }
0x3a: {  	_ =	swait.ge [sflag:s29], $0x2000  }
0x3b: {  	[sflag:s29] =	ssyncset.done $0x0  }
0x3c: {  	[sflag:s29] =	ssyncadd.s32 $0xFFFFE000  }
0x3d: {  	[spmem:s21] =	stream.linear.scatter [tilespmem:s31], [sflag:$0x3], $0x2000, $0x38;
	[tilespmem:$0x1F900] =	vst v63  }
0x3e: {  	_ =	swait.ge [sflag:s29], $0x2000  }
0x3f: {  	[sflag:s29] =	ssyncset.done $0x0  }
0x40: {  	[sflag:s29] =	ssyncadd.s32 $0xFFFFE000  }
0x41: {  	[spmem:s22] =	stream.linear.scatter [tilespmem:s31], [sflag:$0x3], $0x2000, $0x38;
	[tilespmem:$0x1F900] =	vst v63  }
0x42: {  	_ =	swait.ge [sflag:s29], $0x2000  }
0x43: {  	[sflag:s29] =	ssyncset.done $0x0  }
0x44: {  	[sflag:s29] =	ssyncadd.s32 $0xFFFFE000  }
0x45: {  	[spmem:s23] =	stream.linear.scatter [tilespmem:s31], [sflag:$0x3], $0x2000, $0x38;
	[tilespmem:$0x1F900] =	vst v63  }
0x46: {  	_ =	swait.ge [sflag:s29], $0x2000  }
0x47: {  	[sflag:s29] =	ssyncset.done $0x0  }
0x48: {  	[sflag:s29] =	ssyncadd.s32 $0xFFFFE000  }
0x49: {  	[spmem:s24] =	stream.linear.scatter [tilespmem:s31], [sflag:$0x3], $0x2000, $0x38;
	[tilespmem:$0x1F900] =	vst v63  }
0x4a: {  	_ =	swait.ge [sflag:s29], $0x2000  }
0x4b: {  	[sflag:s29] =	ssyncset.done $0x0  }
0x4c: {  	[sflag:s29] =	ssyncadd.s32 $0xFFFFE000  }
0x4d: {  	[spmem:s25] =	stream.linear.scatter [tilespmem:s31], [sflag:$0x3], $0x2000, $0x38;
	[tilespmem:$0x1F900] =	vst v63  }
0x4e: {  	_ =	swait.ge [sflag:s29], $0x2000  }
0x4f: {  	[sflag:s29] =	ssyncset.done $0x0  }
0x50: {  	[sflag:s29] =	ssyncadd.s32 $0xFFFFE000  }
0x51: {  	[spmem:s26] =	stream.linear.scatter [tilespmem:s31], [sflag:$0x3], $0x2000, $0x38;
	[tilespmem:$0x1F900] =	vst v63  }
0x52: {  	_ =	swait.ge [sflag:s29], $0x2000  }
0x53: {  	[sflag:s29] =	ssyncset.done $0x0  }
0x54: {  	[sflag:s29] =	ssyncadd.s32 $0xFFFFE000  }
0x55: {  	[spmem:s28] =	stream.linear.scatter [tilespmem:s31], [sflag:$0x3], $0x2000, $0x38;
	[tilespmem:$0x1F900] =	vst v63  }
0x56: {  	_ =	swait.ge [sflag:s29], $0x2000  }
0x57: {  	[sflag:s29] =	ssyncset.done $0x0  }
0x58: {  	[sflag:s29] =	ssyncadd.s32 $0xFFFFE000  }
0x59: {  	s30 =	simm.s32 $0x1900;
	[bflag:$0x0] =	sbarrier.arrive $0xFFFF  }
0x5a: {  	[tilespmem:s30], [sflag:$0x1] =	stream.indirect.gather [hbm4b:s4+s0], $0x40, s11, s0, $0xb8;
	[tilespmem:$0x1F900] =	vst v63  }
0x5b: {  	_ = 	snop  }
0x5c: {  	[tilespmem:s5], [sflag:$0x1] =	stream.indirect.gather [hbm4b:s4+s0], $0x40, s0, s0, $0xb8;
	[tilespmem:$0x1F900] =	vst v63  }
0x5d: {  	p0 =	por $0x0, $0x0;
	s13 =	simm.s32 $0x0  }
0x5e: {  	[tilespmem:s8], [sflag:$0x1] =	stream.indirect.gather [hbm4b:s4+s0], $0x40, s6, s0, $0xb8;
	[tilespmem:$0x1F900] =	vst v63  }
.LBB2_4:
0x5f: {  	p1 =	sgt.u32 s13, $0x2E  }
0x60: {  	s1 =	sadd.s32 @!p1 $0x3, s13  }
0x61: {  	s14 =	sand.u32 $0x3, s11;
	s15 =	sshll.u32 @!p1 s1, $0xC  }
0x62: {  	s14 =	sshll.u32 s14, $0xC;
	s1 =	sshll.u32 @!p1 s1, $0x6;
	s15 =	sand.u32 @!p1 $0x3000, s15  }
0x63: {  	s17 =	simm.s32 @!p1 $0x40;
	s1 =	sand.u32 @!p1 $0x3FFFFFC0, s1;
	s15 =	sadd.s32 @!p1 $0x1900, s15  }
0x64: {  	[tilespmem:s15], [sflag:$0x1] =	stream.indirect.gather @!p1 [hbm4b:s4+s17], $0x40, s1, s17, $0xb8;
	[tilespmem:$0x1F900] =	vst v63  }
0x65: {  	s17 =	sadd.s32 $0x1900, s14;
	_ =	swait.ge [sflag:s9], $0x1000  }
0x66: {  	p1 =	slt.u32 s13, $0x2;
	v1 =	vmov s17;
	[sflag:s9] =	ssyncset.done $0x0  }
0x67: {  	s1 =	simm.s32 @!p1 $0x2;
	[sflag:s9] =	ssyncadd.s32 $0xFFFFF000  }
0x68: {  	_ =	swait.ge @!p1 [sflag:s1], $0x2000  }
0x69: {  	[sflag:s1] =	ssyncset.done @!p1 $0x0  }
0x6a: {  	s18 =	simm.s32 $0x0;
	[sflag:s1] =	ssyncadd.s32 @!p1 $0xFFFFE000  }
0x6b: {  	v2 =	vld.idx.msk [tilespmem:v1+s18+$0x0 ss:$0x1], $0xffff;
	_ =	sdelay $0x1  }
0x6c: {  	s14 =	simm.s32 $0x1  }
0x6d: {  	s14 =	simm.s32 @!p0 $0x0  }
0x6e: {  	s14 =	sshll.u32 s14, $0xD  }
0x6f: {  	s14 =	sor.u32 $0x5940, s14;
	v3 =	vunpack.i.l.bf16.f32 v2  }
0x70: {  	v2 =	vunpack.i.u.bf16.f32 v2;
	[tilespmem:s14+$0xFFFFFFC0] =	vst v3  }
0x71: {  	[tilespmem:s14+$0xFFFFFFD0] =	vst v2  }
0x72: {  	v2 =	vld.idx.msk [tilespmem:v1+s18+$0x10 ss:$0x1], $0xffff;
	_ =	sdelay $0x4  }
0x73: {  	v3 =	vunpack.i.l.bf16.f32 v2  }
0x74: {  	v2 =	vunpack.i.u.bf16.f32 v2;
	[tilespmem:s14+$0xFFFFFFE0] =	vst v3  }
0x75: {  	[tilespmem:s14+$0xFFFFFFF0] =	vst v2  }
0x76: {  	v2 =	vld.idx.msk [tilespmem:v1+s18+$0x20 ss:$0x1], $0xffff;
	_ =	sdelay $0x4  }
0x77: {  	v3 =	vunpack.i.u.bf16.f32 v2  }
0x78: {  	v2 =	vunpack.i.l.bf16.f32 v2;
	[tilespmem:s14+$0x10] =	vst v3  }
0x79: {  	[tilespmem:s14+$0x0] =	vst v2  }
0x7a: {  	v2 =	vld.idx.msk [tilespmem:v1+s18+$0x30 ss:$0x1], $0xffff;
	_ =	sdelay $0x4  }
0x7b: {  	v3 =	vunpack.i.l.bf16.f32 v2  }
0x7c: {  	s30 =	sshll.u32 s13, $0xD;
	v2 =	vunpack.i.u.bf16.f32 v2;
	[tilespmem:s14+$0x20] =	vst v3  }
0x7d: {  	s17 =	simm.s32 $0x40;
	s1 =	sand.u32 $0x2000, s30;
	[tilespmem:s14+$0x30] =	vst v2  }
0x7e: {  	s15 =	sor.u32 $0x5900, s1;
	s18 =	simm.s32 $0x200;
	v2 =	vld.idx.msk [tilespmem:v1+s17+$0x0 ss:$0x1], $0xffff  }
.LBB2_5:
0x7f: {  	p1 =	sne.s32 s18, $0x3F00;
	_ =	sdelay $0x3  }
0x80: {  	s14 =	sadd.s32 $0x80, s14;
	v3 =	vunpack.i.l.bf16.f32 v2  }
0x81: {  	v2 =	vunpack.i.u.bf16.f32 v2;
	[tilespmem:s14+$0xFFFFFFC0] =	vst v3  }
0x82: {  	[tilespmem:s14+$0xFFFFFFD0] =	vst v2  }
0x83: {  	v2 =	vld.idx.msk [tilespmem:v1+s17+$0x10 ss:$0x1], $0xffff;
	_ =	sdelay $0x5  }
0x84: {  	v3 =	vunpack.i.l.bf16.f32 v2  }
0x85: {  	v2 =	vunpack.i.u.bf16.f32 v2;
	[tilespmem:s14+$0xFFFFFFE0] =	vst v3  }
0x86: {  	[tilespmem:s14+$0xFFFFFFF0] =	vst v2  }
0x87: {  	v2 =	vld.idx.msk [tilespmem:v1+s17+$0x20 ss:$0x1], $0xffff;
	_ =	sdelay $0x5  }
0x88: {  	v3 =	vunpack.i.u.bf16.f32 v2;
	v2 =	vunpack.i.l.bf16.f32 v2  }
0x89: {  	[tilespmem:s14+$0x10] =	vst v3  }
0x8a: {  	[tilespmem:s14+$0x0] =	vst v2  }
0x8b: {  	v2 =	vld.idx.msk [tilespmem:v1+s17+$0x30 ss:$0x1], $0xffff;
	_ =	sdelay $0x5  }
.Ltmp1:
0x8c: {  	v3 =	vunpack.i.u.bf16.f32 v2;
	v2 =	vunpack.i.l.bf16.f32 v2;
	(pc) =	sbr.rel @p1 .LBB2_5-.Ltmp1, $4  }
0x8d: {  	[tilespmem:s14+$0x20] =	vst v2  }
0x8e: {  	s17 =	sshra.s32 s18, $0x2;
	[tilespmem:s14+$0x30] =	vst v3  }
0x8f: {  	v2 =	vld.idx.msk [tilespmem:v1+s17+$0x0 ss:$0x1], $0xffff  }
0x90: {  	s18 =	sadd.s32 $0x100, s18  }
0x91: {  	_ =	sdelay $0x2  }
0x92: {  	s1 =	sadd.s32 $0x80, s14;
	v3 =	vunpack.i.l.bf16.f32 v2  }
0x93: {  	v2 =	vunpack.i.u.bf16.f32 v2;
	[tilespmem:s1+$0xFFFFFFC0] =	vst v3  }
0x94: {  	[tilespmem:s1+$0xFFFFFFD0] =	vst v2  }
0x95: {  	v2 =	vld.idx.msk [tilespmem:v1+s17+$0x10 ss:$0x1], $0xffff;
	_ =	sdelay $0x4  }
0x96: {  	v3 =	vunpack.i.l.bf16.f32 v2  }
0x97: {  	v2 =	vunpack.i.u.bf16.f32 v2;
	[tilespmem:s1+$0xFFFFFFE0] =	vst v3  }
0x98: {  	[tilespmem:s1+$0xFFFFFFF0] =	vst v2  }
0x99: {  	v2 =	vld.idx.msk [tilespmem:v1+s17+$0x20 ss:$0x1], $0xffff;
	_ =	sdelay $0x4  }
0x9a: {  	v3 =	vunpack.i.u.bf16.f32 v2  }
0x9b: {  	v2 =	vunpack.i.l.bf16.f32 v2;
	[tilespmem:s1+$0x10] =	vst v3  }
0x9c: {  	[tilespmem:s1+$0x0] =	vst v2  }
0x9d: {  	v1 =	vld.idx.msk [tilespmem:v1+s17+$0x30 ss:$0x1], $0xffff;
	_ =	sdelay $0x1  }
0x9e: {  	s18 =	sshll.u32 s13, $0x6;
	s13 =	sadd.s32 $0x1, s13  }
0x9f: {  	p1 =	sne.s32 s13, $0x32  }
.Ltmp2:
0xa0: {  	_ = 	snop;
	(pc) =	sbr.rel @p1 .LBB2_4-.Ltmp2, $4  }
0xa1: {  	v2 =	vunpack.i.l.bf16.f32 v1  }
0xa2: {  	s14 =	sand.u32 $0x3FFFFFC0, s18;
	v1 =	vunpack.i.u.bf16.f32 v1;
	[tilespmem:s1+$0x20] =	vst v2  }
0xa3: {  	p0 =	por !p0, !p0;
	s11 =	sadd.s32 $0x1, s11;
	s30 =	sadd.s32 $0xC80, s14;
	[tilespmem:s1+$0x30] =	vst v1  }
0xa4: {  	[spmem:s2] =	stream.indirect.scatter.add.f32 [tilespmem:s15], [sflag:$0x2], $0x80, s30, s0, $0xb8;
	[tilespmem:$0x1F900] =	vst v63  }
0xa5: {  	_ =	swait.ge [sflag:s10], $0x2000  }
0xa6: {  	[sflag:s10] =	ssyncset.done $0x0  }
0xa7: {  	[sflag:s10] =	ssyncadd.s32 $0xFFFFE000  }
0xa8: {  	_ =	swait.ge [sflag:s10], $0x2000  }
0xa9: {  	[sflag:s10] =	ssyncset.done $0x0  }
0xaa: {  	[sflag:s10] =	ssyncadd.s32 $0xFFFFE000  }
0xab: {  	s1 =	stileid.u32;
	[bflag:$0x0] =	sbarrier.arrive $0xFFFF  }
0xac: {  	s1 =	sshll.u32 s1, $0x6;
	s14 =	rddreg [dreg:$0x6]  }
0xad: {  	s11 =	sor.u32 $0x1C03, s1;
	s15 =	rddreg [dreg:$0x5];
	s13 =	sshrl.u32 s14, $0x3  }
0xae: {  	[hbm:s15], [sflag:s11] =	dma.local [spmem:s13], $0x2800  }
0xaf: {  	_ =	swait.ge [sflag:s29], $0x2800  }
0xb0: {  	[sflag:s29] =	ssyncset.done $0x0  }
0xb1: {  	s14 =	simm.s32 $0x0;
	s17 =	rddreg [dreg:$0x7];
	[sflag:s29] =	ssyncadd.s32 $0xFFFFD800  }
0xb2: {  	[tilespmem:s14], [sflag:$0x3] =	stream.linear.gather [hbm4b:s17+s14], $0xC80, $0x38;
	[tilespmem:$0x1F900] =	vst v63  }
0xb3: {  	_ =	swait.ge [sflag:s29], $0xC80  }
0xb4: {  	[sflag:s29] =	ssyncset.done $0x0  }
0xb5: {  	s15 =	simm.s32 $0xC80;
	s18 =	rddreg [dreg:$0x8];
	[sflag:s29] =	ssyncadd.s32 $0xFFFFF380  }
0xb6: {  	[tilespmem:s15], [sflag:$0x3] =	stream.linear.gather [hbm4b:s18+s14], $0xC80, $0x38;
	[tilespmem:$0x1F900] =	vst v63  }
0xb7: {  	_ =	swait.ge [sflag:s29], $0xC80  }
0xb8: {  	[sflag:s29] =	ssyncset.done $0x0  }
0xb9: {  	[sflag:s29] =	ssyncadd.s32 $0xFFFFF380  }
0xba: {  	[spmem:s7] =	stream.linear.scatter [tilespmem:s31], [sflag:$0x3], $0x2000, $0x38;
	[tilespmem:$0x1F900] =	vst v63  }
0xbb: {  	_ =	swait.ge [sflag:s29], $0x2000  }
0xbc: {  	[sflag:s29] =	ssyncset.done $0x0  }
0xbd: {  	[sflag:s29] =	ssyncadd.s32 $0xFFFFE000  }
0xbe: {  	[spmem:s19] =	stream.linear.scatter [tilespmem:s31], [sflag:$0x3], $0x2000, $0x38;
	[tilespmem:$0x1F900] =	vst v63  }
0xbf: {  	_ =	swait.ge [sflag:s29], $0x2000  }
0xc0: {  	[sflag:s29] =	ssyncset.done $0x0  }
0xc1: {  	[sflag:s29] =	ssyncadd.s32 $0xFFFFE000  }
0xc2: {  	[spmem:s20] =	stream.linear.scatter [tilespmem:s31], [sflag:$0x3], $0x2000, $0x38;
	[tilespmem:$0x1F900] =	vst v63  }
0xc3: {  	_ =	swait.ge [sflag:s29], $0x2000  }
0xc4: {  	[sflag:s29] =	ssyncset.done $0x0  }
0xc5: {  	[sflag:s29] =	ssyncadd.s32 $0xFFFFE000  }
0xc6: {  	[spmem:s21] =	stream.linear.scatter [tilespmem:s31], [sflag:$0x3], $0x2000, $0x38;
	[tilespmem:$0x1F900] =	vst v63  }
0xc7: {  	_ =	swait.ge [sflag:s29], $0x2000  }
0xc8: {  	[sflag:s29] =	ssyncset.done $0x0  }
0xc9: {  	[sflag:s29] =	ssyncadd.s32 $0xFFFFE000  }
0xca: {  	[spmem:s22] =	stream.linear.scatter [tilespmem:s31], [sflag:$0x3], $0x2000, $0x38;
	[tilespmem:$0x1F900] =	vst v63  }
0xcb: {  	_ =	swait.ge [sflag:s29], $0x2000  }
0xcc: {  	[sflag:s29] =	ssyncset.done $0x0  }
0xcd: {  	[sflag:s29] =	ssyncadd.s32 $0xFFFFE000  }
0xce: {  	[spmem:s23] =	stream.linear.scatter [tilespmem:s31], [sflag:$0x3], $0x2000, $0x38;
	[tilespmem:$0x1F900] =	vst v63  }
0xcf: {  	_ =	swait.ge [sflag:s29], $0x2000  }
0xd0: {  	[sflag:s29] =	ssyncset.done $0x0  }
0xd1: {  	[sflag:s29] =	ssyncadd.s32 $0xFFFFE000  }
0xd2: {  	[spmem:s24] =	stream.linear.scatter [tilespmem:s31], [sflag:$0x3], $0x2000, $0x38;
	[tilespmem:$0x1F900] =	vst v63  }
0xd3: {  	_ =	swait.ge [sflag:s29], $0x2000  }
0xd4: {  	[sflag:s29] =	ssyncset.done $0x0  }
0xd5: {  	[sflag:s29] =	ssyncadd.s32 $0xFFFFE000  }
0xd6: {  	[spmem:s25] =	stream.linear.scatter [tilespmem:s31], [sflag:$0x3], $0x2000, $0x38;
	[tilespmem:$0x1F900] =	vst v63  }
0xd7: {  	_ =	swait.ge [sflag:s29], $0x2000  }
0xd8: {  	[sflag:s29] =	ssyncset.done $0x0  }
0xd9: {  	[sflag:s29] =	ssyncadd.s32 $0xFFFFE000  }
0xda: {  	[spmem:s26] =	stream.linear.scatter [tilespmem:s31], [sflag:$0x3], $0x2000, $0x38;
	[tilespmem:$0x1F900] =	vst v63  }
0xdb: {  	_ =	swait.ge [sflag:s29], $0x2000  }
0xdc: {  	[sflag:s29] =	ssyncset.done $0x0  }
0xdd: {  	[sflag:s29] =	ssyncadd.s32 $0xFFFFE000  }
0xde: {  	[spmem:s28] =	stream.linear.scatter [tilespmem:s31], [sflag:$0x3], $0x2000, $0x38;
	[tilespmem:$0x1F900] =	vst v63  }
0xdf: {  	_ =	swait.ge [sflag:s29], $0x2000  }
0xe0: {  	[sflag:s29] =	ssyncset.done $0x0  }
0xe1: {  	[sflag:s29] =	ssyncadd.s32 $0xFFFFE000  }
0xe2: {  	s30 =	simm.s32 $0x1900;
	[bflag:$0x0] =	sbarrier.arrive $0xFFFF  }
0xe3: {  	[tilespmem:s30], [sflag:$0x1] =	stream.indirect.gather [hbm4b:s12+s0], $0x40, s14, s0, $0xb8;
	[tilespmem:$0x1F900] =	vst v63  }
0xe4: {  	_ = 	snop  }
0xe5: {  	[tilespmem:s5], [sflag:$0x1] =	stream.indirect.gather [hbm4b:s12+s0], $0x40, s0, s0, $0xb8;
	[tilespmem:$0x1F900] =	vst v63  }
0xe6: {  	p0 =	por $0x0, $0x0;
	s15 =	simm.s32 $0x0  }
0xe7: {  	[tilespmem:s8], [sflag:$0x1] =	stream.indirect.gather [hbm4b:s12+s0], $0x40, s6, s0, $0xb8;
	[tilespmem:$0x1F900] =	vst v63  }
.LBB2_8:
0xe8: {  	p1 =	sgt.u32 s15, $0x2E  }
0xe9: {  	s1 =	sadd.s32 @!p1 $0x3, s15  }
0xea: {  	s17 =	sand.u32 $0x3, s14;
	s18 =	sshll.u32 @!p1 s1, $0xC  }
0xeb: {  	s17 =	sshll.u32 s17, $0xC;
	s1 =	sshll.u32 @!p1 s1, $0x6;
	s18 =	sand.u32 @!p1 $0x3000, s18  }
0xec: {  	s30 =	simm.s32 @!p1 $0x40;
	s1 =	sand.u32 @!p1 $0x3FFFFFC0, s1;
	s18 =	sadd.s32 @!p1 $0x1900, s18  }
0xed: {  	[tilespmem:s18], [sflag:$0x1] =	stream.indirect.gather @!p1 [hbm4b:s12+s30], $0x40, s1, s30, $0xb8;
	[tilespmem:$0x1F900] =	vst v63  }
0xee: {  	s17 =	sadd.s32 $0x1900, s17;
	_ =	swait.ge [sflag:s9], $0x1000  }
0xef: {  	v1 =	vmov s17;
	p1 =	slt.u32 s15, $0x2;
	[sflag:s9] =	ssyncset.done $0x0  }
0xf0: {  	s1 =	simm.s32 @!p1 $0x2;
	[sflag:s9] =	ssyncadd.s32 $0xFFFFF000  }
0xf1: {  	_ =	swait.ge @!p1 [sflag:s1], $0x2000  }
0xf2: {  	[sflag:s1] =	ssyncset.done @!p1 $0x0  }
0xf3: {  	s18 =	simm.s32 $0x0;
	[sflag:s1] =	ssyncadd.s32 @!p1 $0xFFFFE000  }
0xf4: {  	v2 =	vld.idx.msk [tilespmem:v1+s18+$0x0 ss:$0x1], $0xffff;
	_ =	sdelay $0x1  }
0xf5: {  	s17 =	simm.s32 $0x1  }
0xf6: {  	s17 =	simm.s32 @!p0 $0x0  }
0xf7: {  	s17 =	sshll.u32 s17, $0xD  }
0xf8: {  	s17 =	sor.u32 $0x5940, s17;
	v3 =	vunpack.i.l.bf16.f32 v2  }
0xf9: {  	v2 =	vunpack.i.u.bf16.f32 v2;
	[tilespmem:s17+$0xFFFFFFC0] =	vst v3  }
0xfa: {  	[tilespmem:s17+$0xFFFFFFD0] =	vst v2  }
0xfb: {  	v2 =	vld.idx.msk [tilespmem:v1+s18+$0x10 ss:$0x1], $0xffff;
	_ =	sdelay $0x4  }
0xfc: {  	v3 =	vunpack.i.l.bf16.f32 v2  }
0xfd: {  	v2 =	vunpack.i.u.bf16.f32 v2;
	[tilespmem:s17+$0xFFFFFFE0] =	vst v3  }
0xfe: {  	[tilespmem:s17+$0xFFFFFFF0] =	vst v2  }
0xff: {  	v2 =	vld.idx.msk [tilespmem:v1+s18+$0x20 ss:$0x1], $0xffff;
	_ =	sdelay $0x4  }
0x100: {  	v3 =	vunpack.i.u.bf16.f32 v2  }
0x101: {  	v2 =	vunpack.i.l.bf16.f32 v2;
	[tilespmem:s17+$0x10] =	vst v3  }
0x102: {  	[tilespmem:s17+$0x0] =	vst v2  }
0x103: {  	v2 =	vld.idx.msk [tilespmem:v1+s18+$0x30 ss:$0x1], $0xffff;
	_ =	sdelay $0x4  }
0x104: {  	v3 =	vunpack.i.l.bf16.f32 v2  }
0x105: {  	s18 =	sshll.u32 s15, $0xD;
	v2 =	vunpack.i.u.bf16.f32 v2;
	[tilespmem:s17+$0x20] =	vst v3  }
0x106: {  	s30 =	simm.s32 $0x40;
	s1 =	sand.u32 $0x2000, s18;
	[tilespmem:s17+$0x30] =	vst v2  }
0x107: {  	s18 =	sor.u32 $0x5900, s1;
	s1 =	simm.s32 $0x200;
	v2 =	vld.idx.msk [tilespmem:v1+s30+$0x0 ss:$0x1], $0xffff  }
.LBB2_9:
0x108: {  	p1 =	sne.s32 s1, $0x3F00;
	_ =	sdelay $0x3  }
0x109: {  	s17 =	sadd.s32 $0x80, s17;
	v3 =	vunpack.i.l.bf16.f32 v2  }
0x10a: {  	v2 =	vunpack.i.u.bf16.f32 v2;
	[tilespmem:s17+$0xFFFFFFC0] =	vst v3  }
0x10b: {  	[tilespmem:s17+$0xFFFFFFD0] =	vst v2  }
0x10c: {  	v2 =	vld.idx.msk [tilespmem:v1+s30+$0x10 ss:$0x1], $0xffff;
	_ =	sdelay $0x5  }
0x10d: {  	v3 =	vunpack.i.l.bf16.f32 v2  }
0x10e: {  	v2 =	vunpack.i.u.bf16.f32 v2;
	[tilespmem:s17+$0xFFFFFFE0] =	vst v3  }
0x10f: {  	[tilespmem:s17+$0xFFFFFFF0] =	vst v2  }
0x110: {  	v2 =	vld.idx.msk [tilespmem:v1+s30+$0x20 ss:$0x1], $0xffff;
	_ =	sdelay $0x5  }
0x111: {  	v3 =	vunpack.i.u.bf16.f32 v2;
	v2 =	vunpack.i.l.bf16.f32 v2  }
0x112: {  	[tilespmem:s17+$0x10] =	vst v3  }
0x113: {  	[tilespmem:s17+$0x0] =	vst v2  }
0x114: {  	v2 =	vld.idx.msk [tilespmem:v1+s30+$0x30 ss:$0x1], $0xffff;
	_ =	sdelay $0x5  }
.Ltmp3:
0x115: {  	v3 =	vunpack.i.u.bf16.f32 v2;
	v2 =	vunpack.i.l.bf16.f32 v2;
	(pc) =	sbr.rel @p1 .LBB2_9-.Ltmp3, $4  }
0x116: {  	[tilespmem:s17+$0x20] =	vst v2  }
0x117: {  	s30 =	sshra.s32 s1, $0x2;
	[tilespmem:s17+$0x30] =	vst v3  }
0x118: {  	v2 =	vld.idx.msk [tilespmem:v1+s30+$0x0 ss:$0x1], $0xffff  }
0x119: {  	s1 =	sadd.s32 $0x100, s1  }
0x11a: {  	_ =	sdelay $0x2  }
0x11b: {  	s1 =	sadd.s32 $0x80, s17;
	v3 =	vunpack.i.l.bf16.f32 v2  }
0x11c: {  	v2 =	vunpack.i.u.bf16.f32 v2;
	[tilespmem:s1+$0xFFFFFFC0] =	vst v3  }
0x11d: {  	[tilespmem:s1+$0xFFFFFFD0] =	vst v2  }
0x11e: {  	v2 =	vld.idx.msk [tilespmem:v1+s30+$0x10 ss:$0x1], $0xffff;
	_ =	sdelay $0x4  }
0x11f: {  	v3 =	vunpack.i.l.bf16.f32 v2  }
0x120: {  	v2 =	vunpack.i.u.bf16.f32 v2;
	[tilespmem:s1+$0xFFFFFFE0] =	vst v3  }
0x121: {  	[tilespmem:s1+$0xFFFFFFF0] =	vst v2  }
0x122: {  	v2 =	vld.idx.msk [tilespmem:v1+s30+$0x20 ss:$0x1], $0xffff;
	_ =	sdelay $0x4  }
0x123: {  	v3 =	vunpack.i.u.bf16.f32 v2  }
0x124: {  	v2 =	vunpack.i.l.bf16.f32 v2;
	[tilespmem:s1+$0x10] =	vst v3  }
0x125: {  	[tilespmem:s1+$0x0] =	vst v2  }
0x126: {  	v1 =	vld.idx.msk [tilespmem:v1+s30+$0x30 ss:$0x1], $0xffff;
	_ =	sdelay $0x1  }
0x127: {  	s30 =	sshll.u32 s15, $0x6;
	s15 =	sadd.s32 $0x1, s15  }
0x128: {  	p1 =	sne.s32 s15, $0x32  }
.Ltmp4:
0x129: {  	_ = 	snop;
	(pc) =	sbr.rel @p1 .LBB2_8-.Ltmp4, $4  }
0x12a: {  	v2 =	vunpack.i.l.bf16.f32 v1  }
0x12b: {  	s17 =	sand.u32 $0x3FFFFFC0, s30;
	v1 =	vunpack.i.u.bf16.f32 v1;
	[tilespmem:s1+$0x20] =	vst v2  }
0x12c: {  	p0 =	por !p0, !p0;
	s14 =	sadd.s32 $0x1, s14;
	s30 =	sadd.s32 $0xC80, s17;
	[tilespmem:s1+$0x30] =	vst v1  }
0x12d: {  	[spmem:s2] =	stream.indirect.scatter.add.f32 [tilespmem:s18], [sflag:$0x2], $0x80, s30, s0, $0xb8;
	[tilespmem:$0x1F900] =	vst v63  }
0x12e: {  	_ =	swait.ge [sflag:s10], $0x2000  }
0x12f: {  	[sflag:s10] =	ssyncset.done $0x0  }
0x130: {  	[sflag:s10] =	ssyncadd.s32 $0xFFFFE000  }
0x131: {  	_ =	swait.ge [sflag:s10], $0x2000  }
0x132: {  	[sflag:s10] =	ssyncset.done $0x0  }
0x133: {  	[sflag:s10] =	ssyncadd.s32 $0xFFFFE000  }
0x134: {  	[bflag:$0x0] =	sbarrier.arrive $0xFFFF  }
0x135: {  	s1 =	rddreg [dreg:$0x9]  }
0x136: {  	[hbm:s1], [sflag:s11] =	dma.local [spmem:s13], $0x2800  }
0x137: {  	_ =	swait.ge [sflag:s29], $0x2800  }
0x138: {  	[sflag:s29] =	ssyncset.done $0x0  }
0x139: {  	s14 =	simm.s32 $0x0;
	s17 =	rddreg [dreg:$0xa];
	[sflag:s29] =	ssyncadd.s32 $0xFFFFD800  }
0x13a: {  	[tilespmem:s14], [sflag:$0x3] =	stream.linear.gather [hbm4b:s17+s14], $0xC80, $0x38;
	[tilespmem:$0x1F900] =	vst v63  }
0x13b: {  	_ =	swait.ge [sflag:s29], $0xC80  }
0x13c: {  	[sflag:s29] =	ssyncset.done $0x0  }
0x13d: {  	s15 =	simm.s32 $0xC80;
	s18 =	rddreg [dreg:$0xb];
	[sflag:s29] =	ssyncadd.s32 $0xFFFFF380  }
0x13e: {  	[tilespmem:s15], [sflag:$0x3] =	stream.linear.gather [hbm4b:s18+s14], $0xC80, $0x38;
	[tilespmem:$0x1F900] =	vst v63  }
0x13f: {  	_ =	swait.ge [sflag:s29], $0xC80  }
0x140: {  	[sflag:s29] =	ssyncset.done $0x0  }
0x141: {  	[sflag:s29] =	ssyncadd.s32 $0xFFFFF380  }
0x142: {  	[spmem:s7] =	stream.linear.scatter [tilespmem:s31], [sflag:$0x3], $0x2000, $0x38;
	[tilespmem:$0x1F900] =	vst v63  }
0x143: {  	_ =	swait.ge [sflag:s29], $0x2000  }
0x144: {  	[sflag:s29] =	ssyncset.done $0x0  }
0x145: {  	[sflag:s29] =	ssyncadd.s32 $0xFFFFE000  }
0x146: {  	[spmem:s19] =	stream.linear.scatter [tilespmem:s31], [sflag:$0x3], $0x2000, $0x38;
	[tilespmem:$0x1F900] =	vst v63  }
0x147: {  	_ =	swait.ge [sflag:s29], $0x2000  }
0x148: {  	[sflag:s29] =	ssyncset.done $0x0  }
0x149: {  	[sflag:s29] =	ssyncadd.s32 $0xFFFFE000  }
0x14a: {  	[spmem:s20] =	stream.linear.scatter [tilespmem:s31], [sflag:$0x3], $0x2000, $0x38;
	[tilespmem:$0x1F900] =	vst v63  }
0x14b: {  	_ =	swait.ge [sflag:s29], $0x2000  }
0x14c: {  	[sflag:s29] =	ssyncset.done $0x0  }
0x14d: {  	[sflag:s29] =	ssyncadd.s32 $0xFFFFE000  }
0x14e: {  	[spmem:s21] =	stream.linear.scatter [tilespmem:s31], [sflag:$0x3], $0x2000, $0x38;
	[tilespmem:$0x1F900] =	vst v63  }
0x14f: {  	_ =	swait.ge [sflag:s29], $0x2000  }
0x150: {  	[sflag:s29] =	ssyncset.done $0x0  }
0x151: {  	[sflag:s29] =	ssyncadd.s32 $0xFFFFE000  }
0x152: {  	[spmem:s22] =	stream.linear.scatter [tilespmem:s31], [sflag:$0x3], $0x2000, $0x38;
	[tilespmem:$0x1F900] =	vst v63  }
0x153: {  	_ =	swait.ge [sflag:s29], $0x2000  }
0x154: {  	[sflag:s29] =	ssyncset.done $0x0  }
0x155: {  	[sflag:s29] =	ssyncadd.s32 $0xFFFFE000  }
0x156: {  	[spmem:s23] =	stream.linear.scatter [tilespmem:s31], [sflag:$0x3], $0x2000, $0x38;
	[tilespmem:$0x1F900] =	vst v63  }
0x157: {  	_ =	swait.ge [sflag:s29], $0x2000  }
0x158: {  	[sflag:s29] =	ssyncset.done $0x0  }
0x159: {  	[sflag:s29] =	ssyncadd.s32 $0xFFFFE000  }
0x15a: {  	[spmem:s24] =	stream.linear.scatter [tilespmem:s31], [sflag:$0x3], $0x2000, $0x38;
	[tilespmem:$0x1F900] =	vst v63  }
0x15b: {  	_ =	swait.ge [sflag:s29], $0x2000  }
0x15c: {  	[sflag:s29] =	ssyncset.done $0x0  }
0x15d: {  	[sflag:s29] =	ssyncadd.s32 $0xFFFFE000  }
0x15e: {  	[spmem:s25] =	stream.linear.scatter [tilespmem:s31], [sflag:$0x3], $0x2000, $0x38;
	[tilespmem:$0x1F900] =	vst v63  }
0x15f: {  	_ =	swait.ge [sflag:s29], $0x2000  }
0x160: {  	[sflag:s29] =	ssyncset.done $0x0  }
0x161: {  	[sflag:s29] =	ssyncadd.s32 $0xFFFFE000  }
0x162: {  	[spmem:s26] =	stream.linear.scatter [tilespmem:s31], [sflag:$0x3], $0x2000, $0x38;
	[tilespmem:$0x1F900] =	vst v63  }
0x163: {  	_ =	swait.ge [sflag:s29], $0x2000  }
0x164: {  	[sflag:s29] =	ssyncset.done $0x0  }
0x165: {  	[sflag:s29] =	ssyncadd.s32 $0xFFFFE000  }
0x166: {  	[spmem:s28] =	stream.linear.scatter [tilespmem:s31], [sflag:$0x3], $0x2000, $0x38;
	[tilespmem:$0x1F900] =	vst v63  }
0x167: {  	_ =	swait.ge [sflag:s29], $0x2000  }
0x168: {  	[sflag:s29] =	ssyncset.done $0x0  }
0x169: {  	[sflag:s29] =	ssyncadd.s32 $0xFFFFE000  }
0x16a: {  	s30 =	simm.s32 $0x1900;
	[bflag:$0x0] =	sbarrier.arrive $0xFFFF  }
0x16b: {  	[tilespmem:s30], [sflag:$0x1] =	stream.indirect.gather [hbm4b:s16+s0], $0x40, s14, s0, $0xb8;
	[tilespmem:$0x1F900] =	vst v63  }
0x16c: {  	_ = 	snop  }
0x16d: {  	[tilespmem:s5], [sflag:$0x1] =	stream.indirect.gather [hbm4b:s16+s0], $0x40, s0, s0, $0xb8;
	[tilespmem:$0x1F900] =	vst v63  }
0x16e: {  	p0 =	por $0x0, $0x0;
	s15 =	simm.s32 $0x0  }
0x16f: {  	[tilespmem:s8], [sflag:$0x1] =	stream.indirect.gather [hbm4b:s16+s0], $0x40, s6, s0, $0xb8;
	[tilespmem:$0x1F900] =	vst v63  }
.LBB2_12:
0x170: {  	p1 =	sgt.u32 s15, $0x2E  }
0x171: {  	s1 =	sadd.s32 @!p1 $0x3, s15  }
0x172: {  	s17 =	sand.u32 $0x3, s14;
	s18 =	sshll.u32 @!p1 s1, $0xC  }
0x173: {  	s17 =	sshll.u32 s17, $0xC;
	s1 =	sshll.u32 @!p1 s1, $0x6;
	s18 =	sand.u32 @!p1 $0x3000, s18  }
0x174: {  	s30 =	simm.s32 @!p1 $0x40;
	s1 =	sand.u32 @!p1 $0x3FFFFFC0, s1;
	s18 =	sadd.s32 @!p1 $0x1900, s18  }
0x175: {  	[tilespmem:s18], [sflag:$0x1] =	stream.indirect.gather @!p1 [hbm4b:s16+s30], $0x40, s1, s30, $0xb8;
	[tilespmem:$0x1F900] =	vst v63  }
0x176: {  	s17 =	sadd.s32 $0x1900, s17;
	_ =	swait.ge [sflag:s9], $0x1000  }
0x177: {  	v1 =	vmov s17;
	p1 =	slt.u32 s15, $0x2;
	[sflag:s9] =	ssyncset.done $0x0  }
0x178: {  	s1 =	simm.s32 @!p1 $0x2;
	[sflag:s9] =	ssyncadd.s32 $0xFFFFF000  }
0x179: {  	_ =	swait.ge @!p1 [sflag:s1], $0x2000  }
0x17a: {  	[sflag:s1] =	ssyncset.done @!p1 $0x0  }
0x17b: {  	s18 =	simm.s32 $0x0;
	[sflag:s1] =	ssyncadd.s32 @!p1 $0xFFFFE000  }
0x17c: {  	v2 =	vld.idx.msk [tilespmem:v1+s18+$0x0 ss:$0x1], $0xffff;
	_ =	sdelay $0x1  }
0x17d: {  	s17 =	simm.s32 $0x1  }
0x17e: {  	s17 =	simm.s32 @!p0 $0x0  }
0x17f: {  	s17 =	sshll.u32 s17, $0xD  }
0x180: {  	s17 =	sor.u32 $0x5940, s17;
	v3 =	vunpack.i.l.bf16.f32 v2  }
0x181: {  	v2 =	vunpack.i.u.bf16.f32 v2;
	[tilespmem:s17+$0xFFFFFFC0] =	vst v3  }
0x182: {  	[tilespmem:s17+$0xFFFFFFD0] =	vst v2  }
0x183: {  	v2 =	vld.idx.msk [tilespmem:v1+s18+$0x10 ss:$0x1], $0xffff;
	_ =	sdelay $0x4  }
0x184: {  	v3 =	vunpack.i.l.bf16.f32 v2  }
0x185: {  	v2 =	vunpack.i.u.bf16.f32 v2;
	[tilespmem:s17+$0xFFFFFFE0] =	vst v3  }
0x186: {  	[tilespmem:s17+$0xFFFFFFF0] =	vst v2  }
0x187: {  	v2 =	vld.idx.msk [tilespmem:v1+s18+$0x20 ss:$0x1], $0xffff;
	_ =	sdelay $0x4  }
0x188: {  	v3 =	vunpack.i.u.bf16.f32 v2  }
0x189: {  	v2 =	vunpack.i.l.bf16.f32 v2;
	[tilespmem:s17+$0x10] =	vst v3  }
0x18a: {  	[tilespmem:s17+$0x0] =	vst v2  }
0x18b: {  	v2 =	vld.idx.msk [tilespmem:v1+s18+$0x30 ss:$0x1], $0xffff;
	_ =	sdelay $0x4  }
0x18c: {  	v3 =	vunpack.i.l.bf16.f32 v2  }
0x18d: {  	s18 =	sshll.u32 s15, $0xD;
	v2 =	vunpack.i.u.bf16.f32 v2;
	[tilespmem:s17+$0x20] =	vst v3  }
0x18e: {  	s30 =	simm.s32 $0x40;
	s1 =	sand.u32 $0x2000, s18;
	[tilespmem:s17+$0x30] =	vst v2  }
0x18f: {  	s18 =	sor.u32 $0x5900, s1;
	s1 =	simm.s32 $0x200;
	v2 =	vld.idx.msk [tilespmem:v1+s30+$0x0 ss:$0x1], $0xffff  }
.LBB2_13:
0x190: {  	p1 =	sne.s32 s1, $0x3F00;
	_ =	sdelay $0x3  }
0x191: {  	s17 =	sadd.s32 $0x80, s17;
	v3 =	vunpack.i.l.bf16.f32 v2  }
0x192: {  	v2 =	vunpack.i.u.bf16.f32 v2;
	[tilespmem:s17+$0xFFFFFFC0] =	vst v3  }
0x193: {  	[tilespmem:s17+$0xFFFFFFD0] =	vst v2  }
0x194: {  	v2 =	vld.idx.msk [tilespmem:v1+s30+$0x10 ss:$0x1], $0xffff;
	_ =	sdelay $0x5  }
0x195: {  	v3 =	vunpack.i.l.bf16.f32 v2  }
0x196: {  	v2 =	vunpack.i.u.bf16.f32 v2;
	[tilespmem:s17+$0xFFFFFFE0] =	vst v3  }
0x197: {  	[tilespmem:s17+$0xFFFFFFF0] =	vst v2  }
0x198: {  	v2 =	vld.idx.msk [tilespmem:v1+s30+$0x20 ss:$0x1], $0xffff;
	_ =	sdelay $0x5  }
0x199: {  	v3 =	vunpack.i.u.bf16.f32 v2;
	v2 =	vunpack.i.l.bf16.f32 v2  }
0x19a: {  	[tilespmem:s17+$0x10] =	vst v3  }
0x19b: {  	[tilespmem:s17+$0x0] =	vst v2  }
0x19c: {  	v2 =	vld.idx.msk [tilespmem:v1+s30+$0x30 ss:$0x1], $0xffff;
	_ =	sdelay $0x5  }
.Ltmp5:
0x19d: {  	v3 =	vunpack.i.u.bf16.f32 v2;
	v2 =	vunpack.i.l.bf16.f32 v2;
	(pc) =	sbr.rel @p1 .LBB2_13-.Ltmp5, $4  }
0x19e: {  	[tilespmem:s17+$0x20] =	vst v2  }
0x19f: {  	s30 =	sshra.s32 s1, $0x2;
	[tilespmem:s17+$0x30] =	vst v3  }
0x1a0: {  	v2 =	vld.idx.msk [tilespmem:v1+s30+$0x0 ss:$0x1], $0xffff  }
0x1a1: {  	s1 =	sadd.s32 $0x100, s1  }
0x1a2: {  	_ =	sdelay $0x2  }
0x1a3: {  	s1 =	sadd.s32 $0x80, s17;
	v3 =	vunpack.i.l.bf16.f32 v2  }
0x1a4: {  	v2 =	vunpack.i.u.bf16.f32 v2;
	[tilespmem:s1+$0xFFFFFFC0] =	vst v3  }
0x1a5: {  	[tilespmem:s1+$0xFFFFFFD0] =	vst v2  }
0x1a6: {  	v2 =	vld.idx.msk [tilespmem:v1+s30+$0x10 ss:$0x1], $0xffff;
	_ =	sdelay $0x4  }
0x1a7: {  	v3 =	vunpack.i.l.bf16.f32 v2  }
0x1a8: {  	v2 =	vunpack.i.u.bf16.f32 v2;
	[tilespmem:s1+$0xFFFFFFE0] =	vst v3  }
0x1a9: {  	[tilespmem:s1+$0xFFFFFFF0] =	vst v2  }
0x1aa: {  	v2 =	vld.idx.msk [tilespmem:v1+s30+$0x20 ss:$0x1], $0xffff;
	_ =	sdelay $0x4  }
0x1ab: {  	v3 =	vunpack.i.u.bf16.f32 v2  }
0x1ac: {  	v2 =	vunpack.i.l.bf16.f32 v2;
	[tilespmem:s1+$0x10] =	vst v3  }
0x1ad: {  	[tilespmem:s1+$0x0] =	vst v2  }
0x1ae: {  	v1 =	vld.idx.msk [tilespmem:v1+s30+$0x30 ss:$0x1], $0xffff;
	_ =	sdelay $0x1  }
0x1af: {  	s30 =	sshll.u32 s15, $0x6;
	s15 =	sadd.s32 $0x1, s15  }
0x1b0: {  	p1 =	sne.s32 s15, $0x32  }
.Ltmp6:
0x1b1: {  	_ = 	snop;
	(pc) =	sbr.rel @p1 .LBB2_12-.Ltmp6, $4  }
0x1b2: {  	v2 =	vunpack.i.l.bf16.f32 v1  }
0x1b3: {  	s17 =	sand.u32 $0x3FFFFFC0, s30;
	v1 =	vunpack.i.u.bf16.f32 v1;
	[tilespmem:s1+$0x20] =	vst v2  }
0x1b4: {  	p0 =	por !p0, !p0;
	s14 =	sadd.s32 $0x1, s14;
	s30 =	sadd.s32 $0xC80, s17;
	[tilespmem:s1+$0x30] =	vst v1  }
0x1b5: {  	[spmem:s2] =	stream.indirect.scatter.add.f32 [tilespmem:s18], [sflag:$0x2], $0x80, s30, s0, $0xb8;
	[tilespmem:$0x1F900] =	vst v63  }
0x1b6: {  	_ =	swait.ge [sflag:s10], $0x2000  }
0x1b7: {  	[sflag:s10] =	ssyncset.done $0x0  }
0x1b8: {  	[sflag:s10] =	ssyncadd.s32 $0xFFFFE000  }
0x1b9: {  	_ =	swait.ge [sflag:s10], $0x2000  }
0x1ba: {  	[sflag:s10] =	ssyncset.done $0x0  }
0x1bb: {  	[sflag:s10] =	ssyncadd.s32 $0xFFFFE000  }
0x1bc: {  	[bflag:$0x0] =	sbarrier.arrive $0xFFFF  }
0x1bd: {  	s1 =	rddreg [dreg:$0xc]  }
0x1be: {  	[hbm:s1], [sflag:s11] =	dma.local [spmem:s13], $0x2800  }
0x1bf: {  	_ =	swait.ge [sflag:s29], $0x2800  }
0x1c0: {  	s3 =	sadd.s32 $0x1, s3;
	s30 =	rddreg [dreg:$0xd]  }
0x1c1: {  	p0 =	sne.s32 s3, s30  }
.Ltmp7:
0x1c2: {  	_ = 	snop;
	(pc) =	sbr.rel @p0 .LBB2_1-.Ltmp7, $3  }
0x1c3: {  	_ =	sdelay $0x1  }
0x1c4: {  	[sflag:s29] =	ssyncset.done $0x0  }
0x1c5: {  	[sflag:s29] =	ssyncadd.s32 $0xFFFFD800  }
0x1c6: {  	_ =	sfence.sel $0x180000  }
0x1c7: {  	[bflag:$0x0] =	sbarrier.arrive $0xFFFF  }
0x1c8: {  	_ =	strace $0x9000004D  }
0x1c9: {  	s0 =	stileid.u32;
	[bflag:$0x2] =	sbarrier.arrive $0xFFFF  }
0x1ca: {  	p0 =	sne.s32 s0, $0x0;
	s0 =	rddreg [dreg:$0x2]  }
0x1cb: {  	s0 =	sadd.s32 @!p0 $0x100000, s0  }
0x1cc: {  	[sflag:s0] =	ssyncadd.tile.s32 @!p0 $0x1;
	_ =	shalt  }
.Lfunc_end2:
_tile_overlayer_lowered:
.L_overlay_start_2:
0x1cd: {  	(tag) =	ssettag $0x2  }
0x1ce: {  	s0 =	rddreg [dreg:$0x0];
	s2 =	stileid.u32  }
0x1cf: {  	s1 =	rddreg [dreg:$0x1];
	p0 =	sne.s32 s2, $0x0  }
0x1d0: {  	s3 =	rddreg [dreg:$0x2];
	[bflag:$0x3] =	sbarrier.arrive $0xFFFF;
	s2 =	simm.s32 @!p0 $0x1C03  }
0x1d1: {  	[timem:s3], [sflag:s2] =	dma.local @!p0 [hbm:s0], s1  }
0x1d2: {  	s0 =	simm.s32 @!p0 $0x3  }
0x1d3: {  	_ =	swait.ge @!p0 [sflag:s0], s1  }
0x1d4: {  	s1 =	ssub.s32 @!p0 $0x0, s1;
	[sflag:s0] =	ssyncset.done @!p0 $0x0  }
0x1d5: {  	[sflag:s0] =	ssyncadd.s32 @!p0 s1  }
0x1d6: {  	[bflag:$0x3] =	sbarrier.arrive $0xFFFF  }
0x1d7: {  	_ =	shalt  }

// kernel: kernel.18.cloned.1.call-start
scs
__scs_entry_jumppad:
0x0: {  	(pc) =	sbr.rel $0x88, $3  }
0x1: {  	(tag) =	ssettag $0x0;
	lr =	simm.s32 $0x1  }
0x2: {  	[smem:$0x3F8F] =	sst lr;
	_ =	strace $0xD0000000  }
0x3: {  	_ = 	snop  }
0x4: {  	_ = 	snop  }
0x5: {  	_ = 	snop  }
0x6: {  	_ = 	snop  }
0x7: {  	_ = 	snop  }
__scs_overlays_trampoline_lowered:
0x8: {  	[smem:$0x3F9E] =	sst s0  }
0x9: {  	[smem:$0x3F9F] =	sst s1  }
0xa: {  	[smem:$0x3FA0] =	sst s2  }
0xb: {  	[smem:$0x3FA1] =	sst s3  }
0xc: {  	[smem:$0x3FA2] =	sst s4  }
0xd: {  	[smem:$0x3FA3] =	sst s5  }
0xe: {  	[smem:$0x3FA4] =	sst s6  }
0xf: {  	[smem:$0x3FA5] =	sst s7  }
0x10: {  	[smem:$0x3FA6] =	sst s8  }
0x11: {  	[smem:$0x3FA7] =	sst s9;
	s0 =	simm.s32 @!p0 $0x0  }
0x12: {  	s1 =	sld [smem:$0x3F8D];
	s0 =	simm.s32 @p0 $0x1  }
0x13: {  	[smem:$0x3FA8] =	sst s0;
	s0 =	simm.s32 @!p1 $0x0  }
0x14: {  	s2 =	sld [smem:$0x3F8C];
	s0 =	simm.s32 @p1 $0x1  }
0x15: {  	[smem:$0x3FA9] =	sst s0;
	s0 =	simm.s32 @!p2 $0x0  }
0x16: {  	s3 =	sld [smem:$0x3FDB];
	s0 =	simm.s32 @p2 $0x1  }
0x17: {  	s4 =	simm.s32 $0x1BF5;
	[smem:$0x3FAB] =	sst s0  }
0x18: {  	s0 =	sld [smem:$0x3F8E];
	_ =	swait.ge [sflag:s4], $0x0  }
0x19: {  	s7 =	sld [smem:$0x3F8F]  }
0x1a: {  	s8 =	sadd.s32 $0xFFFFE003, lr  }
0x1b: {  	s9 =	sadd.s32 $0xFFFFFEF7, lr;
	s5 =	simm.s32 $0xFFFFFFFF;
	p2 =	slt.u32 s8, $0xFFFFF086  }
0x1c: {  	p1 =	slt.u32 s9, $0xF7A;
	s5 =	simm.s32 @!p2 $0x0  }
0x1d: {  	s5 =	simm.s32 @p1 $0x1;
	p0 =	seq.s32 s7, s2  }
0x1e: {  	s7 =	smul.u32 @!p0 $0xF7A, s2;
	p2 =	seq.s32 @!p0 s5, $0x0  }
0x1f: {  	s9 =	smul.u32 $0xF7A, s1;
	s8 =	simm.s32 @!p0 $0x1BF5;
	p2 =	por !p2, p0  }
0x20: {  	[sflag:s8] =	ssyncset.s32 @!p0 $0xFFFFF086;
	s6 =	sadd.s32 @!p0 s3, s7;
	s7 =	simm.s32 @!p0 $0x108  }
0x21: {  	s3 =	sadd.s32 s3, s9;
	s6 =	sadd.s32 @!p0 $0x88, s6;
	s7 =	simm.s32 @p2 $0x1082  }
0x22: {  	[simem:s7], [sflag:s8] =	dma.local @!p0 [hbm:s6], $0xF7A  }
0x23: {  	s9 =	sor.u32 $0xD0000000, s2;
	s6 =	simm.s32 $0x108;
	_ =	swait.ge @!p0 [sflag:s8], $0x0  }
0x24: {  	s3 =	sadd.s32 $0x88, s3;
	s6 =	simm.s32 @!p1 $0x1082;
	[sflag:s4] =	ssyncset.s32 $0xFFFFF086  }
0x25: {  	[simem:s6], [sflag:s4] =	dma.local [hbm:s3], $0xF7A  }
0x26: {  	[smem:$0x3F8F] =	sst s1;
	(tag) =	ssettag s2;
	_ =	strace s9  }
0x27: {  	s1 =	sld [smem:$0x3F9F]  }
0x28: {  	s2 =	sld [smem:$0x3FA0]  }
0x29: {  	s4 =	sld [smem:$0x3FA2]  }
0x2a: {  	p0 =	seq.s32 s5, $0x0;
	s5 =	sld [smem:$0x3FA3]  }
0x2b: {  	s6 =	sld [smem:$0x3FA4]  }
0x2c: {  	s7 =	sld [smem:$0x3FA5]  }
0x2d: {  	s3 =	simm.s32 $0x108;
	s8 =	sld [smem:$0x3FA6]  }
0x2e: {  	s3 =	simm.s32 @!p0 $0x1082;
	s9 =	sld [smem:$0x3FA7]  }
0x2f: {  	lr =	sadd.s32 s0, s3;
	s0 =	sld [smem:$0x3F9E]  }
0x30: {  	s3 =	sld [smem:$0x3FA1]  }
0x31: {  	[smem:$0x3FAA] =	sst s10  }
0x32: {  	s10 =	sld [smem:$0x3FA8];
	_ =	sdelay $0x3  }
0x33: {  	p0 =	seq.s32 s10, $0x1;
	s10 =	sld [smem:$0x3FAA];
	_ =	sdelay $0x3  }
0x34: {  	[smem:$0x3FAA] =	sst s10  }
0x35: {  	s10 =	sld [smem:$0x3FA9];
	_ =	sdelay $0x3  }
0x36: {  	p1 =	seq.s32 s10, $0x1;
	s10 =	sld [smem:$0x3FAA];
	_ =	sdelay $0x3  }
0x37: {  	[smem:$0x3FAA] =	sst s10  }
0x38: {  	s10 =	sld [smem:$0x3FAB]  }
0x39: {  	_ = 	snop;
	(pc) =	sbr.ind lr, $3  }
0x3a: {  	_ = 	snop  }
0x3b: {  	_ = 	snop  }
0x3c: {  	p2 =	seq.s32 s10, $0x1;
	s10 =	sld [smem:$0x3FAA]  }
0x3d: {  	_ =	shalt  }
0x3e: {  	_ =	shalt  }
0x3f: {  	_ =	shalt  }
0x40: {  	_ =	shalt  }
0x41: {  	_ =	shalt  }
0x42: {  	_ =	shalt  }
0x43: {  	_ =	shalt  }
0x44: {  	_ =	shalt  }
0x45: {  	_ =	shalt  }
0x46: {  	_ =	shalt  }
0x47: {  	_ =	shalt  }
0x48: {  	_ =	shalt  }
0x49: {  	_ =	shalt  }
0x4a: {  	_ =	shalt  }
0x4b: {  	_ =	shalt  }
0x4c: {  	_ =	shalt  }
0x4d: {  	_ =	shalt  }
0x4e: {  	_ =	shalt  }
0x4f: {  	_ =	shalt  }
0x50: {  	_ =	shalt  }
0x51: {  	_ =	shalt  }
0x52: {  	_ =	shalt  }
0x53: {  	_ =	shalt  }
0x54: {  	_ =	shalt  }
0x55: {  	_ =	shalt  }
0x56: {  	_ =	shalt  }
0x57: {  	_ =	shalt  }
0x58: {  	_ =	shalt  }
0x59: {  	_ =	shalt  }
0x5a: {  	_ =	shalt  }
0x5b: {  	_ =	shalt  }
0x5c: {  	_ =	shalt  }
0x5d: {  	_ =	shalt  }
0x5e: {  	_ =	shalt  }
0x5f: {  	_ =	shalt  }
0x60: {  	_ =	shalt  }
0x61: {  	_ =	shalt  }
0x62: {  	_ =	shalt  }
0x63: {  	_ =	shalt  }
0x64: {  	_ =	shalt  }
0x65: {  	_ =	shalt  }
0x66: {  	_ =	shalt  }
0x67: {  	_ =	shalt  }
0x68: {  	_ =	shalt  }
0x69: {  	_ =	shalt  }
0x6a: {  	_ =	shalt  }
0x6b: {  	_ =	shalt  }
0x6c: {  	_ =	shalt  }
0x6d: {  	_ =	shalt  }
0x6e: {  	_ =	shalt  }
0x6f: {  	_ =	shalt  }
0x70: {  	_ =	shalt  }
0x71: {  	_ =	shalt  }
0x72: {  	_ =	shalt  }
0x73: {  	_ =	shalt  }
0x74: {  	_ =	shalt  }
0x75: {  	_ =	shalt  }
0x76: {  	_ =	shalt  }
0x77: {  	_ =	shalt  }
0x78: {  	_ =	shalt  }
0x79: {  	_ =	shalt  }
0x7a: {  	_ =	shalt  }
0x7b: {  	_ =	shalt  }
0x7c: {  	_ =	shalt  }
0x7d: {  	_ =	shalt  }
0x7e: {  	_ =	shalt  }
0x7f: {  	_ =	shalt  }
0x80: {  	_ =	shalt  }
0x81: {  	_ =	shalt  }
0x82: {  	_ =	shalt  }
0x83: {  	_ =	shalt  }
0x84: {  	_ =	shalt  }
0x85: {  	_ =	shalt  }
0x86: {  	_ =	shalt  }
0x87: {  	_ =	shalt  }
.Lfunc_end0:
.L_simem_size_0:
called_computation.3_lowered:
.L_overlay_start_0:
0x88: {  	s2 =	sld [smem:$0x3FD9]  }
0x89: {  	s3 =	sld [smem:$0x3FFE];
	_ =	sdelay $0x1  }
0x8a: {  	s1 =	srdreg.scid  }
0x8b: {  	s0 =	sand.u32 $0x1, s1  }
0x8c: {  	s14 =	sshll.u32 s0, $0xA;
	s2 =	sadd.s32 s3, s2  }
0x8d: {  	s2 =	sadd.s32 s2, s14  }
0x8e: {  	[smem:$0x3FB6] =	sst s2  }
0x8f: {  	_ = 	snop  }
0x90: {  	s2 =	sld [smem:$0x3FD0];
	_ =	sdelay $0x1  }
0x91: {  	s15 =	sld [smem:$0x3FC6]  }
0x92: {  	s5 =	simm.s32 $0xA;
	s6 =	simm.s32 $0x10;
	s4 =	sld [smem:$0x3FC5]  }
0x93: {  	[smem:s6], [sflag:s5] =	dma.local [hbm:s2], $0x1  }
0x94: {  	_ =	swait.eq [sflag:s5], $0x1  }
0x95: {  	[sflag:s5] =	ssyncset.done $0x0  }
0x96: {  	s16 =	sld [smem:$0x10];
	[sflag:s5] =	ssyncadd.s32 $0xFFFFFFFF  }
0x97: {  	s17 =	sld [smem:$0x11];
	(tm) =	ssettm $0x1  }
0x98: {  	s18 =	sld [smem:$0x3FFB];
	_ =	sdelay $0x3  }
0x99: {  	_ =	strace s18  }
0x9a: {  	s6 =	sld [smem:$0x3FFC];
	_ =	sdelay $0x3  }
0x9b: {  	_ =	strace s6  }
0x9c: {  	s6 =	sld [smem:$0x3FFD];
	_ =	sdelay $0x3  }
0x9d: {  	_ =	strace s6  }
0x9e: {  	_ =	strace $0x8FFFFFFF  }
0x9f: {  	s19 =	sld [smem:$0x3FDB];
	_ =	sdelay $0x1  }
0xa0: {  	s7 =	simm.s32 $_scs_section_size  }
0xa1: {  	s8 =	simm.s32 $_size__tile_overlayer_lowered;
	s9 =	simm.s32 $_tile_overlayer_lowered  }
0xa2: {  	s22 =	simm.s32 $0x1BFF;
	s21 =	sshll.u32 s9, $0x1;
	s6 =	sadd.s32 s7, s19  }
0xa3: {  	s10 =	simm.s32 $0x0;
	s20 =	sshll.u32 s8, $0x1;
	s8 =	sadd.s32 s21, s6  }
0xa4: {  	[timem:s10], [sflag:s22] =	dma.local [hbm:s8], s20  }
0xa5: {  	_ =	swait.ge [sflag:s22], s20  }
0xa6: {  	s7 =	ssub.s32 $0x0, s20;
	[sflag:s22] =	ssyncset.done $0x0  }
0xa7: {  	[sflag:s22] =	ssyncadd.s32 s7;
	_ =	sdelay $0x1  }
0xa8: {  	s23 =	simm.s32 $0x1B8B  }
0xa9: {  	_ =	swait.ge [sflag:s23], $0x1  }
0xaa: {  	[sflag:s23] =	ssyncset.done $0x0  }
0xab: {  	s25 =	simm.s32 $0x1B8E;
	s24 =	sld [smem:$0x3FFE];
	[sflag:s23] =	ssyncadd.s32 $0xFFFFFFFF  }
0xac: {  	s26 =	simm.s32 $execute0_lowered;
	[smem:$0x3FD2] =	sst s25  }
0xad: {  	s8 =	sshll.u32 s26, $0x1;
	_ =	strace $0x8000004F;
	[dreg:$0x1] =	wrdreg $0xFFFFFFFF  }
0xae: {  	s28 =	simm.s32 $_size_execute0_lowered;
	s6 =	sadd.s32 s6, s8;
	[dreg:$0x0] =	wrdreg $0x0  }
0xaf: {  	s8 =	sshll.u32 s28, $0x1;
	[dreg:$0x2] =	wrdreg s6  }
0xb0: {  	[dreg:$0x3] =	wrdreg s8  }
0xb1: {  	[dreg:$0x4] =	wrdreg $0xC0  }
0xb2: {  	_ =	task [dreg:s10], $0x5FFFF  }
0xb3: {  	[dreg:$0x1] =	wrdreg $0xFFFFFFFF  }
0xb4: {  	[dreg:$0x0] =	wrdreg $0x60  }
0xb5: {  	[dreg:$0x2] =	wrdreg s24  }
0xb6: {  	[dreg:$0x3] =	wrdreg s15  }
0xb7: {  	[dreg:$0x4] =	wrdreg s4  }
0xb8: {  	[dreg:$0x5] =	wrdreg s16  }
0xb9: {  	[dreg:$0x6] =	wrdreg s17  }
0xba: {  	[dreg:$0x7] =	wrdreg $0x9  }
0xbb: {  	_ =	task.clear_ibuf [dreg:s10], $0x8FFFF;
	_ =	strace $0x9000004F  }
0xbc: {  	s29 =	simm.s32 $0x9;
	_ =	strace $0x80000051  }
0xbd: {  	_ =	swait.ge [sflag:s29], $0x1  }
0xbe: {  	[sflag:s29] =	ssyncadd.s32 $0xFFFFFFFF  }
0xbf: {  	_ =	strace $0x90000051  }
0xc0: {  	_ =	sfence  }
0xc1: {  	s30 =	sld [smem:$0x0];
	_ =	sdelay $0x2  }
0xc2: {  	s31 =	sshll.u32 s1, $0xD;
	s1 =	sshrl.u32 s1, $0x2  }
0xc3: {  	s3 =	sand.u32 $0x4000, s31;
	s1 =	sadd.s32 s1, s30  }
0xc4: {  	s0 =	sor.u32 s3, s0;
	s1 =	sshll.u32 s1, $0x11  }
0xc5: {  	s0 =	sor.u32 s1, s0  }
0xc6: {  	s0 =	sadd.s32 $0x8F2B, s0  }
0xc7: {  	[sflag:s0] =	ssyncadd.remote.s32 $0x1  }
0xc8: {  	_ =	sfence.sel $0xFFFF  }
0xc9: {  	[dreg:$0x0] =	wrdreg $0xFFFFFFFF;
	(pc) =	sbr.abs _section_cstart, $3  }
0xca: {  	[dreg:$0x1] =	wrdreg $0xFFFFFFFF  }
0xcb: {  	_ =	task.clear_ibuf [dreg:s10], $0x2FFFF;
	_ =	strace $0x9FFFFFFF  }
0xcc: {  	(tm) =	ssettm $0x7FFFFFFF  }
0xcd: {  	_ =	shalt  }
tec
execute0_lowered:
.L_overlay_start_1:
0x0: {  	(tag) =	ssettag $0x1  }
0x1: {  	s5 =	rddreg [dreg:$0x0]  }
0x2: {  	s3 =	rddreg [dreg:$0x1]  }
0x3: {  	s11 =	rddreg [dreg:$0x2]  }
0x4: {  	s10 =	rddreg [dreg:$0x3]  }
0x5: {  	s1 =	srdreg.scid;
	s0 =	stileid.u32  }
0x6: {  	s13 =	rddreg [dreg:$0x4];
	s14 =	sand.u32 $0x1, s1;
	s4 =	sshll.u32 s0, $0x1  }
0x7: {  	s2 =	simm.s32 $0x0;
	s1 =	rddreg [dreg:$0x5];
	s9 =	sor.u32 s14, s4  }
0x8: {  	[smem:$0x7FF] =	sst s2;
	s12 =	sshll.u32 s9, $0x5  }
0x9: {  	_ =	strace $0x80000050;
	s4 =	sadd.s32 s3, s12;
	s3 =	simm.s32 $0x2  }
0xa: {  	[tilespmem:s2], [sflag:$0x2] =	stream.linear.gather [hbm4b:s4+s2], $0x100, $0x38;
	[tilespmem:$0x4100] =	vst v63  }
0xb: {  	_ =	swait.ge [sflag:s3], $0x100  }
0xc: {  	s6 =	simm.s32 $0x80;
	s7 =	simm.s32 $0x100;
	[sflag:s3] =	ssyncset.done $0x0  }
0xd: {  	s8 =	simm.s32 $0x1;
	s5 =	sadd.s32 $0x2A00, s5;
	[sflag:s3] =	ssyncadd.s32 $0xFFFFFF00  }
0xe: {  	[tilespmem:s7], [sflag:$0x1] =	stream.indirect.gather [hbm4b:s5+s6], $0x80, s2, s6, $0xb8;
	[tilespmem:$0x4100] =	vst v63  }
0xf: {  	_ =	swait.ge [sflag:s8], $0x4000  }
0x10: {  	s15 =	sshll.u32 s9, $0xC;
	[sflag:s8] =	ssyncset.done $0x0  }
0x11: {  	s9 =	sadd.s32 s10, s15;
	[sflag:s8] =	ssyncadd.s32 $0xFFFFC000  }
0x12: {  	[hbm4b:s9+s2] =	stream.linear.scatter [tilespmem:s7], [sflag:$0x2], $0x4000, $0x38;
	[tilespmem:$0x4100] =	vst v63  }
0x13: {  	_ =	swait.ge [sflag:s3], $0x4000  }
0x14: {  	[sflag:s3] =	ssyncset.done $0x0  }
0x15: {  	[sflag:s3] =	ssyncadd.s32 $0xFFFFC000  }
0x16: {  	[tilespmem:s7], [sflag:$0x1] =	stream.indirect.gather [hbm4b:s5+s6], $0x80, s6, s6, $0xb8;
	[tilespmem:$0x4100] =	vst v63  }
0x17: {  	_ =	swait.ge [sflag:s8], $0x4000  }
0x18: {  	s16 =	sor.u32 $0x800, s15;
	[sflag:s8] =	ssyncset.done $0x0  }
0x19: {  	s10 =	sadd.s32 s10, s16;
	[sflag:s8] =	ssyncadd.s32 $0xFFFFC000  }
0x1a: {  	[hbm4b:s10+s2] =	stream.linear.scatter [tilespmem:s7], [sflag:$0x2], $0x4000, $0x38;
	[tilespmem:$0x4100] =	vst v63  }
0x1b: {  	_ =	swait.ge [sflag:s3], $0x4000  }
0x1c: {  	[sflag:s3] =	ssyncset.done $0x0  }
0x1d: {  	s11 =	sadd.s32 s11, s12;
	[sflag:s3] =	ssyncadd.s32 $0xFFFFC000  }
0x1e: {  	[tilespmem:s2], [sflag:$0x2] =	stream.linear.gather [hbm4b:s11+s2], $0x100, $0x38;
	[tilespmem:$0x4100] =	vst v63  }
0x1f: {  	_ =	swait.ge [sflag:s3], $0x100  }
0x20: {  	[sflag:s3] =	ssyncset.done $0x0  }
0x21: {  	[sflag:s3] =	ssyncadd.s32 $0xFFFFFF00  }
0x22: {  	[tilespmem:s7], [sflag:$0x1] =	stream.indirect.gather [hbm4b:s5+s6], $0x80, s2, s6, $0xb8;
	[tilespmem:$0x4100] =	vst v63  }
0x23: {  	_ =	swait.ge [sflag:s8], $0x4000  }
0x24: {  	[sflag:s8] =	ssyncset.done $0x0  }
0x25: {  	s14 =	ssub.s32 $0x2, s14;
	s12 =	sadd.s32 s13, s15;
	[sflag:s8] =	ssyncadd.s32 $0xFFFFC000  }
0x26: {  	[hbm4b:s12+s2] =	stream.linear.scatter [tilespmem:s7], [sflag:$0x2], $0x4000, $0x38;
	[tilespmem:$0x4100] =	vst v63  }
0x27: {  	s31 =	sshrl.u32 s14, $0x1;
	_ =	swait.ge [sflag:s3], $0x4000  }
0x28: {  	s14 =	ssub.s32 s14, s31;
	[sflag:s3] =	ssyncset.done $0x0  }
0x29: {  	s14 =	smax.u32 s14, $0x1;
	[sflag:s3] =	ssyncadd.s32 $0xFFFFC000  }
0x2a: {  	[tilespmem:s7], [sflag:$0x1] =	stream.indirect.gather [hbm4b:s5+s6], $0x80, s6, s6, $0xb8;
	[tilespmem:$0x4100] =	vst v63  }
0x2b: {  	p0 =	sne.s32 s14, $0x1;
	_ =	swait.ge [sflag:s8], $0x4000  }
.Ltmp0:
0x2c: {  	[sflag:s8] =	ssyncset.done $0x0;
	(pc) =	sbr.rel @!p0 .LBB2_2-.Ltmp0, $4  }
0x2d: {  	s13 =	sadd.s32 s13, s16;
	[sflag:s8] =	ssyncadd.s32 $0xFFFFC000  }
0x2e: {  	[hbm4b:s13+s2] =	stream.linear.scatter [tilespmem:s7], [sflag:$0x2], $0x4000, $0x38;
	[tilespmem:$0x4100] =	vst v63  }
0x2f: {  	_ =	swait.ge [sflag:s3], $0x4000  }
0x30: {  	s14 =	sadd.s32 $0xFFFFFFFF, s14;
	[sflag:s3] =	ssyncset.done $0x0  }
.LBB2_1:
0x31: {  	p0 =	sne.s32 s14, $0x1;
	s14 =	sadd.s32 $0xFFFFFFFF, s14;
	[sflag:s3] =	ssyncadd.s32 $0xFFFFC000  }
0x32: {  	[tilespmem:s2], [sflag:$0x2] =	stream.linear.gather [hbm4b:s4+s2], $0x100, $0x38;
	[tilespmem:$0x4100] =	vst v63  }
0x33: {  	_ =	swait.ge [sflag:s3], $0x100  }
0x34: {  	[sflag:s3] =	ssyncset.done $0x0  }
0x35: {  	[sflag:s3] =	ssyncadd.s32 $0xFFFFFF00  }
0x36: {  	[tilespmem:s7], [sflag:$0x1] =	stream.indirect.gather [hbm4b:s5+s6], $0x80, s2, s6, $0xb8;
	[tilespmem:$0x4100] =	vst v63  }
0x37: {  	_ =	swait.ge [sflag:s8], $0x4000  }
0x38: {  	[sflag:s8] =	ssyncset.done $0x0  }
0x39: {  	[sflag:s8] =	ssyncadd.s32 $0xFFFFC000  }
0x3a: {  	[hbm4b:s9+s2] =	stream.linear.scatter [tilespmem:s7], [sflag:$0x2], $0x4000, $0x38;
	[tilespmem:$0x4100] =	vst v63  }
0x3b: {  	_ =	swait.ge [sflag:s3], $0x4000  }
0x3c: {  	[sflag:s3] =	ssyncset.done $0x0  }
0x3d: {  	[sflag:s3] =	ssyncadd.s32 $0xFFFFC000  }
0x3e: {  	[tilespmem:s7], [sflag:$0x1] =	stream.indirect.gather [hbm4b:s5+s6], $0x80, s6, s6, $0xb8;
	[tilespmem:$0x4100] =	vst v63  }
0x3f: {  	_ =	swait.ge [sflag:s8], $0x4000  }
0x40: {  	[sflag:s8] =	ssyncset.done $0x0  }
0x41: {  	[sflag:s8] =	ssyncadd.s32 $0xFFFFC000  }
0x42: {  	[hbm4b:s10+s2] =	stream.linear.scatter [tilespmem:s7], [sflag:$0x2], $0x4000, $0x38;
	[tilespmem:$0x4100] =	vst v63  }
0x43: {  	_ =	swait.ge [sflag:s3], $0x4000  }
0x44: {  	[sflag:s3] =	ssyncset.done $0x0  }
0x45: {  	[sflag:s3] =	ssyncadd.s32 $0xFFFFC000  }
0x46: {  	[tilespmem:s2], [sflag:$0x2] =	stream.linear.gather [hbm4b:s11+s2], $0x100, $0x38;
	[tilespmem:$0x4100] =	vst v63  }
0x47: {  	_ =	swait.ge [sflag:s3], $0x100  }
0x48: {  	[sflag:s3] =	ssyncset.done $0x0  }
0x49: {  	[sflag:s3] =	ssyncadd.s32 $0xFFFFFF00  }
0x4a: {  	[tilespmem:s7], [sflag:$0x1] =	stream.indirect.gather [hbm4b:s5+s6], $0x80, s2, s6, $0xb8;
	[tilespmem:$0x4100] =	vst v63  }
0x4b: {  	_ =	swait.ge [sflag:s8], $0x4000  }
0x4c: {  	[sflag:s8] =	ssyncset.done $0x0  }
0x4d: {  	[sflag:s8] =	ssyncadd.s32 $0xFFFFC000  }
0x4e: {  	[hbm4b:s12+s2] =	stream.linear.scatter [tilespmem:s7], [sflag:$0x2], $0x4000, $0x38;
	[tilespmem:$0x4100] =	vst v63  }
0x4f: {  	_ =	swait.ge [sflag:s3], $0x4000  }
0x50: {  	[sflag:s3] =	ssyncset.done $0x0  }
0x51: {  	[sflag:s3] =	ssyncadd.s32 $0xFFFFC000  }
0x52: {  	[tilespmem:s7], [sflag:$0x1] =	stream.indirect.gather [hbm4b:s5+s6], $0x80, s6, s6, $0xb8;
	[tilespmem:$0x4100] =	vst v63  }
0x53: {  	_ =	swait.ge [sflag:s8], $0x4000  }
.Ltmp1:
0x54: {  	[sflag:s8] =	ssyncset.done $0x0;
	(pc) =	sbr.rel @p0 .LBB2_1-.Ltmp1, $4  }
0x55: {  	[sflag:s8] =	ssyncadd.s32 $0xFFFFC000  }
0x56: {  	[hbm4b:s13+s2] =	stream.linear.scatter [tilespmem:s7], [sflag:$0x2], $0x4000, $0x38;
	[tilespmem:$0x4100] =	vst v63  }
0x57: {  	_ =	swait.ge [sflag:s3], $0x4000  }
0x58: {  	[sflag:s3] =	ssyncset.done $0x0  }
.LBB2_2:
0x59: {  	[sflag:s3] =	ssyncadd.s32 $0xFFFFC000  }
0x5a: {  	_ =	sfence.sel $0x180000  }
0x5b: {  	[bflag:$0x0] =	sbarrier.arrive $0xFFFF  }
0x5c: {  	p0 =	sne.s32 s0, $0x0;
	_ =	strace $0x90000050  }
0x5d: {  	s0 =	sadd.s32 @!p0 $0x100000, s1;
	[bflag:$0x2] =	sbarrier.arrive $0xFFFF  }
0x5e: {  	[sflag:s0] =	ssyncadd.tile.s32 @!p0 $0x1;
	_ =	shalt  }
.Lfunc_end2:
_tile_overlayer_lowered:
.L_overlay_start_2:
0x5f: {  	(tag) =	ssettag $0x2  }
0x60: {  	s0 =	rddreg [dreg:$0x0];
	s2 =	stileid.u32  }
0x61: {  	s1 =	rddreg [dreg:$0x1];
	p0 =	sne.s32 s2, $0x0  }
0x62: {  	s3 =	rddreg [dreg:$0x2];
	[bflag:$0x3] =	sbarrier.arrive $0xFFFF;
	s2 =	simm.s32 @!p0 $0x1C02  }
0x63: {  	[timem:s3], [sflag:s2] =	dma.local @!p0 [hbm:s0], s1  }
0x64: {  	s0 =	simm.s32 @!p0 $0x2  }
0x65: {  	_ =	swait.ge @!p0 [sflag:s0], s1  }
0x66: {  	s1 =	ssub.s32 @!p0 $0x0, s1;
	[sflag:s0] =	ssyncset.done @!p0 $0x0  }
0x67: {  	[sflag:s0] =	ssyncadd.s32 @!p0 s1  }
0x68: {  	[bflag:$0x3] =	sbarrier.arrive $0xFFFF  }
0x69: {  	_ =	shalt  }

// kernel: kernel.9.cloned.1.call-start
scs
__scs_entry_jumppad:
0x0: {  	(pc) =	sbr.rel $0x88, $3  }
0x1: {  	(tag) =	ssettag $0x0;
	lr =	simm.s32 $0x1  }
0x2: {  	[smem:$0x3F8F] =	sst lr;
	_ =	strace $0xD0000000  }
0x3: {  	_ = 	snop  }
0x4: {  	_ = 	snop  }
0x5: {  	_ = 	snop  }
0x6: {  	_ = 	snop  }
0x7: {  	_ = 	snop  }
__scs_overlays_trampoline_lowered:
0x8: {  	[smem:$0x3F9E] =	sst s0  }
0x9: {  	[smem:$0x3F9F] =	sst s1  }
0xa: {  	[smem:$0x3FA0] =	sst s2  }
0xb: {  	[smem:$0x3FA1] =	sst s3  }
0xc: {  	[smem:$0x3FA2] =	sst s4  }
0xd: {  	[smem:$0x3FA3] =	sst s5  }
0xe: {  	[smem:$0x3FA4] =	sst s6  }
0xf: {  	[smem:$0x3FA5] =	sst s7  }
0x10: {  	[smem:$0x3FA6] =	sst s8  }
0x11: {  	[smem:$0x3FA7] =	sst s9;
	s0 =	simm.s32 @!p0 $0x0  }
0x12: {  	s1 =	sld [smem:$0x3F8D];
	s0 =	simm.s32 @p0 $0x1  }
0x13: {  	[smem:$0x3FA8] =	sst s0;
	s0 =	simm.s32 @!p1 $0x0  }
0x14: {  	s2 =	sld [smem:$0x3F8C];
	s0 =	simm.s32 @p1 $0x1  }
0x15: {  	[smem:$0x3FA9] =	sst s0;
	s0 =	simm.s32 @!p2 $0x0  }
0x16: {  	s3 =	sld [smem:$0x3FDB];
	s0 =	simm.s32 @p2 $0x1  }
0x17: {  	s4 =	simm.s32 $0x1BF5;
	[smem:$0x3FAB] =	sst s0  }
0x18: {  	s0 =	sld [smem:$0x3F8E];
	_ =	swait.ge [sflag:s4], $0x0  }
0x19: {  	s7 =	sld [smem:$0x3F8F]  }
0x1a: {  	s8 =	sadd.s32 $0xFFFFE003, lr  }
0x1b: {  	s9 =	sadd.s32 $0xFFFFFEF7, lr;
	s5 =	simm.s32 $0xFFFFFFFF;
	p2 =	slt.u32 s8, $0xFFFFF086  }
0x1c: {  	p1 =	slt.u32 s9, $0xF7A;
	s5 =	simm.s32 @!p2 $0x0  }
0x1d: {  	s5 =	simm.s32 @p1 $0x1;
	p0 =	seq.s32 s7, s2  }
0x1e: {  	s7 =	smul.u32 @!p0 $0xF7A, s2;
	p2 =	seq.s32 @!p0 s5, $0x0  }
0x1f: {  	s9 =	smul.u32 $0xF7A, s1;
	s8 =	simm.s32 @!p0 $0x1BF5;
	p2 =	por !p2, p0  }
0x20: {  	[sflag:s8] =	ssyncset.s32 @!p0 $0xFFFFF086;
	s6 =	sadd.s32 @!p0 s3, s7;
	s7 =	simm.s32 @!p0 $0x108  }
0x21: {  	s3 =	sadd.s32 s3, s9;
	s6 =	sadd.s32 @!p0 $0x88, s6;
	s7 =	simm.s32 @p2 $0x1082  }
0x22: {  	[simem:s7], [sflag:s8] =	dma.local @!p0 [hbm:s6], $0xF7A  }
0x23: {  	s9 =	sor.u32 $0xD0000000, s2;
	s6 =	simm.s32 $0x108;
	_ =	swait.ge @!p0 [sflag:s8], $0x0  }
0x24: {  	s3 =	sadd.s32 $0x88, s3;
	s6 =	simm.s32 @!p1 $0x1082;
	[sflag:s4] =	ssyncset.s32 $0xFFFFF086  }
0x25: {  	[simem:s6], [sflag:s4] =	dma.local [hbm:s3], $0xF7A  }
0x26: {  	[smem:$0x3F8F] =	sst s1;
	(tag) =	ssettag s2;
	_ =	strace s9  }
0x27: {  	s1 =	sld [smem:$0x3F9F]  }
0x28: {  	s2 =	sld [smem:$0x3FA0]  }
0x29: {  	s4 =	sld [smem:$0x3FA2]  }
0x2a: {  	p0 =	seq.s32 s5, $0x0;
	s5 =	sld [smem:$0x3FA3]  }
0x2b: {  	s6 =	sld [smem:$0x3FA4]  }
0x2c: {  	s7 =	sld [smem:$0x3FA5]  }
0x2d: {  	s3 =	simm.s32 $0x108;
	s8 =	sld [smem:$0x3FA6]  }
0x2e: {  	s3 =	simm.s32 @!p0 $0x1082;
	s9 =	sld [smem:$0x3FA7]  }
0x2f: {  	lr =	sadd.s32 s0, s3;
	s0 =	sld [smem:$0x3F9E]  }
0x30: {  	s3 =	sld [smem:$0x3FA1]  }
0x31: {  	[smem:$0x3FAA] =	sst s10  }
0x32: {  	s10 =	sld [smem:$0x3FA8];
	_ =	sdelay $0x3  }
0x33: {  	p0 =	seq.s32 s10, $0x1;
	s10 =	sld [smem:$0x3FAA];
	_ =	sdelay $0x3  }
0x34: {  	[smem:$0x3FAA] =	sst s10  }
0x35: {  	s10 =	sld [smem:$0x3FA9];
	_ =	sdelay $0x3  }
0x36: {  	p1 =	seq.s32 s10, $0x1;
	s10 =	sld [smem:$0x3FAA];
	_ =	sdelay $0x3  }
0x37: {  	[smem:$0x3FAA] =	sst s10  }
0x38: {  	s10 =	sld [smem:$0x3FAB]  }
0x39: {  	_ = 	snop;
	(pc) =	sbr.ind lr, $3  }
0x3a: {  	_ = 	snop  }
0x3b: {  	_ = 	snop  }
0x3c: {  	p2 =	seq.s32 s10, $0x1;
	s10 =	sld [smem:$0x3FAA]  }
0x3d: {  	_ =	shalt  }
0x3e: {  	_ =	shalt  }
0x3f: {  	_ =	shalt  }
0x40: {  	_ =	shalt  }
0x41: {  	_ =	shalt  }
0x42: {  	_ =	shalt  }
0x43: {  	_ =	shalt  }
0x44: {  	_ =	shalt  }
0x45: {  	_ =	shalt  }
0x46: {  	_ =	shalt  }
0x47: {  	_ =	shalt  }
0x48: {  	_ =	shalt  }
0x49: {  	_ =	shalt  }
0x4a: {  	_ =	shalt  }
0x4b: {  	_ =	shalt  }
0x4c: {  	_ =	shalt  }
0x4d: {  	_ =	shalt  }
0x4e: {  	_ =	shalt  }
0x4f: {  	_ =	shalt  }
0x50: {  	_ =	shalt  }
0x51: {  	_ =	shalt  }
0x52: {  	_ =	shalt  }
0x53: {  	_ =	shalt  }
0x54: {  	_ =	shalt  }
0x55: {  	_ =	shalt  }
0x56: {  	_ =	shalt  }
0x57: {  	_ =	shalt  }
0x58: {  	_ =	shalt  }
0x59: {  	_ =	shalt  }
0x5a: {  	_ =	shalt  }
0x5b: {  	_ =	shalt  }
0x5c: {  	_ =	shalt  }
0x5d: {  	_ =	shalt  }
0x5e: {  	_ =	shalt  }
0x5f: {  	_ =	shalt  }
0x60: {  	_ =	shalt  }
0x61: {  	_ =	shalt  }
0x62: {  	_ =	shalt  }
0x63: {  	_ =	shalt  }
0x64: {  	_ =	shalt  }
0x65: {  	_ =	shalt  }
0x66: {  	_ =	shalt  }
0x67: {  	_ =	shalt  }
0x68: {  	_ =	shalt  }
0x69: {  	_ =	shalt  }
0x6a: {  	_ =	shalt  }
0x6b: {  	_ =	shalt  }
0x6c: {  	_ =	shalt  }
0x6d: {  	_ =	shalt  }
0x6e: {  	_ =	shalt  }
0x6f: {  	_ =	shalt  }
0x70: {  	_ =	shalt  }
0x71: {  	_ =	shalt  }
0x72: {  	_ =	shalt  }
0x73: {  	_ =	shalt  }
0x74: {  	_ =	shalt  }
0x75: {  	_ =	shalt  }
0x76: {  	_ =	shalt  }
0x77: {  	_ =	shalt  }
0x78: {  	_ =	shalt  }
0x79: {  	_ =	shalt  }
0x7a: {  	_ =	shalt  }
0x7b: {  	_ =	shalt  }
0x7c: {  	_ =	shalt  }
0x7d: {  	_ =	shalt  }
0x7e: {  	_ =	shalt  }
0x7f: {  	_ =	shalt  }
0x80: {  	_ =	shalt  }
0x81: {  	_ =	shalt  }
0x82: {  	_ =	shalt  }
0x83: {  	_ =	shalt  }
0x84: {  	_ =	shalt  }
0x85: {  	_ =	shalt  }
0x86: {  	_ =	shalt  }
0x87: {  	_ =	shalt  }
.Lfunc_end0:
.L_simem_size_0:
called_computation_lowered:
.L_overlay_start_0:
0x88: {  	s2 =	sld [smem:$0x3FD9]  }
0x89: {  	s3 =	sld [smem:$0x3FFE];
	_ =	sdelay $0x1  }
0x8a: {  	s1 =	srdreg.scid  }
0x8b: {  	s0 =	sand.u32 $0x1, s1  }
0x8c: {  	s14 =	sshll.u32 s0, $0xA;
	s2 =	sadd.s32 s3, s2  }
0x8d: {  	s2 =	sadd.s32 s2, s14  }
0x8e: {  	[smem:$0x3FB6] =	sst s2  }
0x8f: {  	_ = 	snop  }
0x90: {  	s2 =	sld [smem:$0x3FD0];
	_ =	sdelay $0x2  }
0x91: {  	s15 =	simm.s32 $0xA;
	s4 =	simm.s32 $0x10  }
0x92: {  	[smem:s4], [sflag:s15] =	dma.local [hbm:s2], $0x1  }
0x93: {  	_ =	swait.eq [sflag:s15], $0x1  }
0x94: {  	[sflag:s15] =	ssyncset.done $0x0  }
0x95: {  	s16 =	sld [smem:$0x10];
	[sflag:s15] =	ssyncadd.s32 $0xFFFFFFFF  }
0x96: {  	s17 =	sld [smem:$0x11];
	(tm) =	ssettm $0x1  }
0x97: {  	s18 =	sld [smem:$0x3FFB];
	_ =	sdelay $0x3  }
0x98: {  	_ =	strace s18  }
0x99: {  	s4 =	sld [smem:$0x3FFC];
	_ =	sdelay $0x3  }
0x9a: {  	_ =	strace s4  }
0x9b: {  	s4 =	sld [smem:$0x3FFD];
	_ =	sdelay $0x3  }
0x9c: {  	_ =	strace s4  }
0x9d: {  	_ =	strace $0x8FFFFFFF  }
0x9e: {  	s19 =	sld [smem:$0x3FDB];
	_ =	sdelay $0x1  }
0x9f: {  	s5 =	simm.s32 $_scs_section_size  }
0xa0: {  	s6 =	simm.s32 $_size__tile_overlayer_lowered;
	s7 =	simm.s32 $_tile_overlayer_lowered  }
0xa1: {  	s22 =	simm.s32 $0x1BFF;
	s21 =	sshll.u32 s7, $0x1;
	s4 =	sadd.s32 s5, s19  }
0xa2: {  	s8 =	simm.s32 $0x0;
	s20 =	sshll.u32 s6, $0x1;
	s6 =	sadd.s32 s21, s4  }
0xa3: {  	[timem:s8], [sflag:s22] =	dma.local [hbm:s6], s20  }
0xa4: {  	_ =	swait.ge [sflag:s22], s20  }
0xa5: {  	s5 =	ssub.s32 $0x0, s20;
	[sflag:s22] =	ssyncset.done $0x0  }
0xa6: {  	[sflag:s22] =	ssyncadd.s32 s5;
	_ =	sdelay $0x1  }
0xa7: {  	s23 =	simm.s32 $0x1B8B  }
0xa8: {  	_ =	swait.ge [sflag:s23], $0x1  }
0xa9: {  	[sflag:s23] =	ssyncset.done $0x0  }
0xaa: {  	s25 =	simm.s32 $0x1B8E;
	s24 =	sld [smem:$0x3FFE];
	[sflag:s23] =	ssyncadd.s32 $0xFFFFFFFF  }
0xab: {  	s26 =	simm.s32 $execute0_lowered;
	[smem:$0x3FD2] =	sst s25  }
0xac: {  	s6 =	sshll.u32 s26, $0x1;
	_ =	strace $0x80000046;
	[dreg:$0x1] =	wrdreg $0xFFFFFFFF  }
0xad: {  	s28 =	simm.s32 $_size_execute0_lowered;
	s4 =	sadd.s32 s4, s6;
	[dreg:$0x0] =	wrdreg $0x0  }
0xae: {  	s6 =	sshll.u32 s28, $0x1;
	[dreg:$0x2] =	wrdreg s4  }
0xaf: {  	[dreg:$0x3] =	wrdreg s6  }
0xb0: {  	[dreg:$0x4] =	wrdreg $0xC0  }
0xb1: {  	_ =	task [dreg:s8], $0x5FFFF  }
0xb2: {  	[dreg:$0x1] =	wrdreg $0xFFFFFFFF  }
0xb3: {  	[dreg:$0x0] =	wrdreg $0x60  }
0xb4: {  	[dreg:$0x2] =	wrdreg s17  }
0xb5: {  	[dreg:$0x3] =	wrdreg s16  }
0xb6: {  	[dreg:$0x4] =	wrdreg s24  }
0xb7: {  	[dreg:$0x5] =	wrdreg $0x9  }
0xb8: {  	_ =	task.clear_ibuf [dreg:s8], $0x6FFFF;
	_ =	strace $0x90000046  }
0xb9: {  	s29 =	simm.s32 $0x9;
	_ =	strace $0x80000048  }
0xba: {  	_ =	swait.ge [sflag:s29], $0x1  }
0xbb: {  	[sflag:s29] =	ssyncadd.s32 $0xFFFFFFFF  }
0xbc: {  	_ =	strace $0x90000048  }
0xbd: {  	_ =	sfence  }
0xbe: {  	s30 =	sld [smem:$0x0];
	_ =	sdelay $0x2  }
0xbf: {  	s31 =	sshll.u32 s1, $0xD;
	s1 =	sshrl.u32 s1, $0x2  }
0xc0: {  	s3 =	sand.u32 $0x4000, s31;
	s1 =	sadd.s32 s1, s30  }
0xc1: {  	s0 =	sor.u32 s3, s0;
	s1 =	sshll.u32 s1, $0x11  }
0xc2: {  	s0 =	sor.u32 s1, s0  }
0xc3: {  	s0 =	sadd.s32 $0x8F2B, s0  }
0xc4: {  	[sflag:s0] =	ssyncadd.remote.s32 $0x1  }
0xc5: {  	_ =	sfence.sel $0xFFFF  }
0xc6: {  	[dreg:$0x0] =	wrdreg $0xFFFFFFFF;
	(pc) =	sbr.abs _section_cstart, $3  }
0xc7: {  	[dreg:$0x1] =	wrdreg $0xFFFFFFFF  }
0xc8: {  	_ =	task.clear_ibuf [dreg:s8], $0x2FFFF;
	_ =	strace $0x9FFFFFFF  }
0xc9: {  	(tm) =	ssettm $0x7FFFFFFF  }
tec
execute0_lowered:
.L_overlay_start_1:
0x0: {  	(tag) =	ssettag $0x1  }
0x1: {  	s3 =	rddreg [dreg:$0x0]  }
0x2: {  	s4 =	rddreg [dreg:$0x1]  }
0x3: {  	s5 =	rddreg [dreg:$0x2]  }
0x4: {  	s1 =	srdreg.scid;
	s0 =	rddreg [dreg:$0x3]  }
0x5: {  	s2 =	simm.s32 $0x0;
	s16 =	simm.s32 $0x1;
	s17 =	simm.s32 $0x1000  }
0x6: {  	s18 =	simm.s32 $0x3800;
	s19 =	simm.s32 $0x6000;
	s20 =	simm.s32 $0x8800  }
0x7: {  	s21 =	simm.s32 $0xB000;
	s22 =	simm.s32 $0xD800;
	s6 =	sand.u32 $0x1, s1  }
0x8: {  	s23 =	simm.s32 $0x80;
	s1 =	stileid.u32;
	s7 =	smul.u32 $0x140000, s6  }
0x9: {  	s24 =	simm.s32 $0x400;
	[smem:$0x7FF] =	sst s2;
	s8 =	smul.u32 $0x14000, s1  }
0xa: {  	s9 =	sshll.u32 s1, $0xA;
	s10 =	sshll.u32 s6, $0x9;
	s6 =	ssub.s32 $0x2, s6  }
0xb: {  	_ =	strace $0x80000047;
	s9 =	sor.u32 s10, s9;
	s31 =	sshrl.u32 s6, $0x1  }
0xc: {  	s7 =	sadd.s32 s8, s7;
	s30 =	sadd.s32 s9, s5;
	s15 =	ssub.s32 s6, s31  }
0xd: {  	s3 =	sadd.s32 s3, s9;
	s4 =	sadd.s32 s4, s9;
	s7 =	sshrl.u32 s7, $0x3  }
0xe: {  	s6 =	sadd.s32 $0x8E00, s30;
	s8 =	sadd.s32 $0x21600, s30;
	s15 =	smax.u32 s15, $0x1  }
0xf: {  	s14 =	sadd.s32 s7, s5;
	s5 =	sadd.s32 $0x1A400, s30;
	s7 =	sadd.s32 $0x13200, s30  }
0x10: {  	s9 =	sadd.s32 $0x25600, s14;
	s10 =	sadd.s32 $0x25610, s14;
	s11 =	sadd.s32 $0x25620, s14  }
0x11: {  	v0 =	vimm.f32 $0.0e+00;
	v1 =	vimm.f32 $1.000000000e+00;
	s12 =	sadd.s32 $0x25630, s14;
	s13 =	sadd.s32 $0x25640, s14;
	s14 =	sadd.s32 $0x25650, s14  }
.LBB2_1:
0x12: {  	s25 =	simm.s32 $0x0  }
0x13: {  	[tilespmem:s25+$0xD800] =	vst v0  }
0x14: {  	[tilespmem:s25+$0x1000] =	vst v0  }
0x15: {  	[tilespmem:s25+$0x3800] =	vst v0  }
0x16: {  	[tilespmem:s25+$0x6000] =	vst v0  }
0x17: {  	s26 =	simm.s32 $0x40;
	[tilespmem:s25+$0x8800] =	vst v0  }
.LBB2_2:
0x18: {  	p0 =	sne.s32 s26, $0x9FC0;
	[tilespmem:s25+$0xB000] =	vst v0;
	s25 =	sshra.s32 s26, $0x2;
	s26 =	sadd.s32 $0x40, s26  }
.Ltmp0:
0x19: {  	[tilespmem:s25+$0xD800] =	vst v0;
	(pc) =	sbr.rel @p0 .LBB2_2-.Ltmp0, $4  }
0x1a: {  	[tilespmem:s25+$0x1000] =	vst v0  }
0x1b: {  	[tilespmem:s25+$0x3800] =	vst v0  }
0x1c: {  	[tilespmem:s25+$0x6000] =	vst v0  }
0x1d: {  	[tilespmem:s25+$0x8800] =	vst v0  }
0x1e: {  	[tilespmem:s25+$0xB000] =	vst v0;
	s25 =	simm.s32 $0x0  }
0x1f: {  	[tilespmem:s25], [sflag:$0x1] =	stream.linear.gather [hbm4b:s3+s25], $0xC80, $0x38;
	[tilespmem:$0x10000] =	vst v63  }
0x20: {  	_ =	swait.ge [sflag:s16], $0xC80  }
0x21: {  	[sflag:s16] =	ssyncset.done $0x0  }
0x22: {  	[sflag:s16] =	ssyncadd.s32 $0xFFFFF380  }
.LBB2_4:
0x23: {  	s26 =	sshra.s32 s25, $0x2  }
0x24: {  	v2 =	vld [tilespmem:s26+$0x0];
	_ =	sdelay $0x7  }
0x25: {  	[tilespmem:v2+s17+$0x0] =	vst.idx.add.f32.msk $0xffff, v1  }
0x26: {  	v2 =	vld [tilespmem:s26+$0x10];
	_ =	sdelay $0x7  }
0x27: {  	[tilespmem:v2+s17+$0x0] =	vst.idx.add.f32.msk $0xffff, v1  }
0x28: {  	v2 =	vld [tilespmem:s26+$0x20];
	_ =	sdelay $0x7  }
0x29: {  	[tilespmem:v2+s17+$0x0] =	vst.idx.add.f32.msk $0xffff, v1  }
0x2a: {  	v2 =	vld [tilespmem:s26+$0x30];
	_ =	sdelay $0x7  }
0x2b: {  	[tilespmem:v2+s17+$0x0] =	vst.idx.add.f32.msk $0xffff, v1  }
0x2c: {  	v2 =	vld [tilespmem:s26+$0x40];
	_ =	sdelay $0x7  }
0x2d: {  	[tilespmem:v2+s17+$0x0] =	vst.idx.add.f32.msk $0xffff, v1  }
0x2e: {  	v2 =	vld [tilespmem:s26+$0x50];
	_ =	sdelay $0x7  }
0x2f: {  	[tilespmem:v2+s17+$0x0] =	vst.idx.add.f32.msk $0xffff, v1  }
0x30: {  	v2 =	vld [tilespmem:s26+$0x60];
	_ =	sdelay $0x7  }
0x31: {  	[tilespmem:v2+s17+$0x0] =	vst.idx.add.f32.msk $0xffff, v1  }
0x32: {  	v2 =	vld [tilespmem:s26+$0x70];
	_ =	sdelay $0x2  }
0x33: {  	p0 =	sne.s32 s25, $0x3000  }
.Ltmp1:
0x34: {  	_ = 	snop;
	(pc) =	sbr.rel @p0 .LBB2_4-.Ltmp1, $2  }
0x35: {  	_ =	sdelay $0x2  }
0x36: {  	s25 =	sadd.s32 $0x200, s25;
	[tilespmem:v2+s17+$0x0] =	vst.idx.add.f32.msk $0xffff, v1  }
0x37: {  	s25 =	simm.s32 $0x0  }
0x38: {  	[tilespmem:s25], [sflag:$0x1] =	stream.linear.gather [hbm4b:s4+s25], $0xC80, $0x38;
	[tilespmem:$0x10000] =	vst v63  }
0x39: {  	_ =	swait.ge [sflag:s16], $0xC80  }
0x3a: {  	[sflag:s16] =	ssyncset.done $0x0  }
0x3b: {  	[sflag:s16] =	ssyncadd.s32 $0xFFFFF380  }
.LBB2_6:
0x3c: {  	s26 =	sshra.s32 s25, $0x2  }
0x3d: {  	v2 =	vld [tilespmem:s26+$0x0];
	_ =	sdelay $0x7  }
0x3e: {  	[tilespmem:v2+s18+$0x0] =	vst.idx.add.f32.msk $0xffff, v1  }
0x3f: {  	v2 =	vld [tilespmem:s26+$0x10];
	_ =	sdelay $0x7  }
0x40: {  	[tilespmem:v2+s18+$0x0] =	vst.idx.add.f32.msk $0xffff, v1  }
0x41: {  	v2 =	vld [tilespmem:s26+$0x20];
	_ =	sdelay $0x7  }
0x42: {  	[tilespmem:v2+s18+$0x0] =	vst.idx.add.f32.msk $0xffff, v1  }
0x43: {  	v2 =	vld [tilespmem:s26+$0x30];
	_ =	sdelay $0x7  }
0x44: {  	[tilespmem:v2+s18+$0x0] =	vst.idx.add.f32.msk $0xffff, v1  }
0x45: {  	v2 =	vld [tilespmem:s26+$0x40];
	_ =	sdelay $0x7  }
0x46: {  	[tilespmem:v2+s18+$0x0] =	vst.idx.add.f32.msk $0xffff, v1  }
0x47: {  	v2 =	vld [tilespmem:s26+$0x50];
	_ =	sdelay $0x7  }
0x48: {  	[tilespmem:v2+s18+$0x0] =	vst.idx.add.f32.msk $0xffff, v1  }
0x49: {  	v2 =	vld [tilespmem:s26+$0x60];
	_ =	sdelay $0x7  }
0x4a: {  	[tilespmem:v2+s18+$0x0] =	vst.idx.add.f32.msk $0xffff, v1  }
0x4b: {  	v2 =	vld [tilespmem:s26+$0x70];
	_ =	sdelay $0x2  }
0x4c: {  	p0 =	sne.s32 s25, $0x3000  }
.Ltmp2:
0x4d: {  	_ = 	snop;
	(pc) =	sbr.rel @p0 .LBB2_6-.Ltmp2, $2  }
0x4e: {  	_ =	sdelay $0x2  }
0x4f: {  	s25 =	sadd.s32 $0x200, s25;
	[tilespmem:v2+s18+$0x0] =	vst.idx.add.f32.msk $0xffff, v1  }
0x50: {  	s25 =	simm.s32 $0x0  }
0x51: {  	[tilespmem:s25], [sflag:$0x1] =	stream.linear.gather [hbm4b:s5+s25], $0xC80, $0x38;
	[tilespmem:$0x10000] =	vst v63  }
0x52: {  	_ =	swait.ge [sflag:s16], $0xC80  }
0x53: {  	[sflag:s16] =	ssyncset.done $0x0  }
0x54: {  	[sflag:s16] =	ssyncadd.s32 $0xFFFFF380  }
.LBB2_8:
0x55: {  	s26 =	sshra.s32 s25, $0x2  }
0x56: {  	v2 =	vld [tilespmem:s26+$0x0];
	_ =	sdelay $0x7  }
0x57: {  	[tilespmem:v2+s19+$0x0] =	vst.idx.add.f32.msk $0xffff, v1  }
0x58: {  	v2 =	vld [tilespmem:s26+$0x10];
	_ =	sdelay $0x7  }
0x59: {  	[tilespmem:v2+s19+$0x0] =	vst.idx.add.f32.msk $0xffff, v1  }
0x5a: {  	v2 =	vld [tilespmem:s26+$0x20];
	_ =	sdelay $0x7  }
0x5b: {  	[tilespmem:v2+s19+$0x0] =	vst.idx.add.f32.msk $0xffff, v1  }
0x5c: {  	v2 =	vld [tilespmem:s26+$0x30];
	_ =	sdelay $0x7  }
0x5d: {  	[tilespmem:v2+s19+$0x0] =	vst.idx.add.f32.msk $0xffff, v1  }
0x5e: {  	v2 =	vld [tilespmem:s26+$0x40];
	_ =	sdelay $0x7  }
0x5f: {  	[tilespmem:v2+s19+$0x0] =	vst.idx.add.f32.msk $0xffff, v1  }
0x60: {  	v2 =	vld [tilespmem:s26+$0x50];
	_ =	sdelay $0x7  }
0x61: {  	[tilespmem:v2+s19+$0x0] =	vst.idx.add.f32.msk $0xffff, v1  }
0x62: {  	v2 =	vld [tilespmem:s26+$0x60];
	_ =	sdelay $0x7  }
0x63: {  	[tilespmem:v2+s19+$0x0] =	vst.idx.add.f32.msk $0xffff, v1  }
0x64: {  	v2 =	vld [tilespmem:s26+$0x70];
	_ =	sdelay $0x2  }
0x65: {  	p0 =	sne.s32 s25, $0x3000  }
.Ltmp3:
0x66: {  	_ = 	snop;
	(pc) =	sbr.rel @p0 .LBB2_8-.Ltmp3, $2  }
0x67: {  	_ =	sdelay $0x2  }
0x68: {  	s25 =	sadd.s32 $0x200, s25;
	[tilespmem:v2+s19+$0x0] =	vst.idx.add.f32.msk $0xffff, v1  }
0x69: {  	s25 =	simm.s32 $0x0  }
0x6a: {  	[tilespmem:s25], [sflag:$0x1] =	stream.linear.gather [hbm4b:s6+s25], $0xC80, $0x38;
	[tilespmem:$0x10000] =	vst v63  }
0x6b: {  	_ =	swait.ge [sflag:s16], $0xC80  }
0x6c: {  	[sflag:s16] =	ssyncset.done $0x0  }
0x6d: {  	[sflag:s16] =	ssyncadd.s32 $0xFFFFF380  }
.LBB2_10:
0x6e: {  	s26 =	sshra.s32 s25, $0x2  }
0x6f: {  	v2 =	vld [tilespmem:s26+$0x0];
	_ =	sdelay $0x7  }
0x70: {  	[tilespmem:v2+s20+$0x0] =	vst.idx.add.f32.msk $0xffff, v1  }
0x71: {  	v2 =	vld [tilespmem:s26+$0x10];
	_ =	sdelay $0x7  }
0x72: {  	[tilespmem:v2+s20+$0x0] =	vst.idx.add.f32.msk $0xffff, v1  }
0x73: {  	v2 =	vld [tilespmem:s26+$0x20];
	_ =	sdelay $0x7  }
0x74: {  	[tilespmem:v2+s20+$0x0] =	vst.idx.add.f32.msk $0xffff, v1  }
0x75: {  	v2 =	vld [tilespmem:s26+$0x30];
	_ =	sdelay $0x7  }
0x76: {  	[tilespmem:v2+s20+$0x0] =	vst.idx.add.f32.msk $0xffff, v1  }
0x77: {  	v2 =	vld [tilespmem:s26+$0x40];
	_ =	sdelay $0x7  }
0x78: {  	[tilespmem:v2+s20+$0x0] =	vst.idx.add.f32.msk $0xffff, v1  }
0x79: {  	v2 =	vld [tilespmem:s26+$0x50];
	_ =	sdelay $0x7  }
0x7a: {  	[tilespmem:v2+s20+$0x0] =	vst.idx.add.f32.msk $0xffff, v1  }
0x7b: {  	v2 =	vld [tilespmem:s26+$0x60];
	_ =	sdelay $0x7  }
0x7c: {  	[tilespmem:v2+s20+$0x0] =	vst.idx.add.f32.msk $0xffff, v1  }
0x7d: {  	v2 =	vld [tilespmem:s26+$0x70];
	_ =	sdelay $0x2  }
0x7e: {  	p0 =	sne.s32 s25, $0x3000  }
.Ltmp4:
0x7f: {  	_ = 	snop;
	(pc) =	sbr.rel @p0 .LBB2_10-.Ltmp4, $2  }
0x80: {  	_ =	sdelay $0x2  }
0x81: {  	s25 =	sadd.s32 $0x200, s25;
	[tilespmem:v2+s20+$0x0] =	vst.idx.add.f32.msk $0xffff, v1  }
0x82: {  	s25 =	simm.s32 $0x0  }
0x83: {  	[tilespmem:s25], [sflag:$0x1] =	stream.linear.gather [hbm4b:s7+s25], $0xC80, $0x38;
	[tilespmem:$0x10000] =	vst v63  }
0x84: {  	_ =	swait.ge [sflag:s16], $0xC80  }
0x85: {  	[sflag:s16] =	ssyncset.done $0x0  }
0x86: {  	[sflag:s16] =	ssyncadd.s32 $0xFFFFF380  }
.LBB2_12:
0x87: {  	s26 =	sshra.s32 s25, $0x2  }
0x88: {  	v2 =	vld [tilespmem:s26+$0x0];
	_ =	sdelay $0x7  }
0x89: {  	[tilespmem:v2+s21+$0x0] =	vst.idx.add.f32.msk $0xffff, v1  }
0x8a: {  	v2 =	vld [tilespmem:s26+$0x10];
	_ =	sdelay $0x7  }
0x8b: {  	[tilespmem:v2+s21+$0x0] =	vst.idx.add.f32.msk $0xffff, v1  }
0x8c: {  	v2 =	vld [tilespmem:s26+$0x20];
	_ =	sdelay $0x7  }
0x8d: {  	[tilespmem:v2+s21+$0x0] =	vst.idx.add.f32.msk $0xffff, v1  }
0x8e: {  	v2 =	vld [tilespmem:s26+$0x30];
	_ =	sdelay $0x7  }
0x8f: {  	[tilespmem:v2+s21+$0x0] =	vst.idx.add.f32.msk $0xffff, v1  }
0x90: {  	v2 =	vld [tilespmem:s26+$0x40];
	_ =	sdelay $0x7  }
0x91: {  	[tilespmem:v2+s21+$0x0] =	vst.idx.add.f32.msk $0xffff, v1  }
0x92: {  	v2 =	vld [tilespmem:s26+$0x50];
	_ =	sdelay $0x7  }
0x93: {  	[tilespmem:v2+s21+$0x0] =	vst.idx.add.f32.msk $0xffff, v1  }
0x94: {  	v2 =	vld [tilespmem:s26+$0x60];
	_ =	sdelay $0x7  }
0x95: {  	[tilespmem:v2+s21+$0x0] =	vst.idx.add.f32.msk $0xffff, v1  }
0x96: {  	v2 =	vld [tilespmem:s26+$0x70];
	_ =	sdelay $0x2  }
0x97: {  	p0 =	sne.s32 s25, $0x3000  }
.Ltmp5:
0x98: {  	_ = 	snop;
	(pc) =	sbr.rel @p0 .LBB2_12-.Ltmp5, $2  }
0x99: {  	_ =	sdelay $0x2  }
0x9a: {  	s25 =	sadd.s32 $0x200, s25;
	[tilespmem:v2+s21+$0x0] =	vst.idx.add.f32.msk $0xffff, v1  }
0x9b: {  	s25 =	simm.s32 $0x0  }
0x9c: {  	[tilespmem:s25], [sflag:$0x1] =	stream.linear.gather [hbm4b:s8+s25], $0xC80, $0x38;
	[tilespmem:$0x10000] =	vst v63  }
0x9d: {  	_ =	swait.ge [sflag:s16], $0xC80  }
0x9e: {  	[sflag:s16] =	ssyncset.done $0x0  }
0x9f: {  	[sflag:s16] =	ssyncadd.s32 $0xFFFFF380  }
.LBB2_14:
0xa0: {  	s26 =	sshra.s32 s25, $0x2  }
0xa1: {  	v2 =	vld [tilespmem:s26+$0x0];
	_ =	sdelay $0x7  }
0xa2: {  	[tilespmem:v2+s22+$0x0] =	vst.idx.add.f32.msk $0xffff, v1  }
0xa3: {  	v2 =	vld [tilespmem:s26+$0x10];
	_ =	sdelay $0x7  }
0xa4: {  	[tilespmem:v2+s22+$0x0] =	vst.idx.add.f32.msk $0xffff, v1  }
0xa5: {  	v2 =	vld [tilespmem:s26+$0x20];
	_ =	sdelay $0x7  }
0xa6: {  	[tilespmem:v2+s22+$0x0] =	vst.idx.add.f32.msk $0xffff, v1  }
0xa7: {  	v2 =	vld [tilespmem:s26+$0x30];
	_ =	sdelay $0x7  }
0xa8: {  	[tilespmem:v2+s22+$0x0] =	vst.idx.add.f32.msk $0xffff, v1  }
0xa9: {  	v2 =	vld [tilespmem:s26+$0x40];
	_ =	sdelay $0x7  }
0xaa: {  	[tilespmem:v2+s22+$0x0] =	vst.idx.add.f32.msk $0xffff, v1  }
0xab: {  	v2 =	vld [tilespmem:s26+$0x50];
	_ =	sdelay $0x7  }
0xac: {  	[tilespmem:v2+s22+$0x0] =	vst.idx.add.f32.msk $0xffff, v1  }
0xad: {  	v2 =	vld [tilespmem:s26+$0x60];
	_ =	sdelay $0x7  }
0xae: {  	[tilespmem:v2+s22+$0x0] =	vst.idx.add.f32.msk $0xffff, v1  }
0xaf: {  	v2 =	vld [tilespmem:s26+$0x70];
	_ =	sdelay $0x2  }
0xb0: {  	p0 =	sne.s32 s25, $0x3000  }
.Ltmp6:
0xb1: {  	_ = 	snop;
	(pc) =	sbr.rel @p0 .LBB2_14-.Ltmp6, $2  }
0xb2: {  	_ =	sdelay $0x2  }
0xb3: {  	s25 =	sadd.s32 $0x200, s25;
	[tilespmem:v2+s22+$0x0] =	vst.idx.add.f32.msk $0xffff, v1  }
0xb4: {  	[hbm4b:s9+s23] =	stream.strided.scatter [tilespmem:s17], [sflag:$0x1], $0x2800, s24, s23, $0x38;
	[tilespmem:$0x10000] =	vst v63  }
0xb5: {  	_ =	swait.ge [sflag:s16], $0x2800  }
0xb6: {  	[sflag:s16] =	ssyncset.done $0x0  }
0xb7: {  	[sflag:s16] =	ssyncadd.s32 $0xFFFFD800  }
0xb8: {  	[hbm4b:s10+s23] =	stream.strided.scatter [tilespmem:s18], [sflag:$0x1], $0x2800, s24, s23, $0x38;
	[tilespmem:$0x10000] =	vst v63  }
0xb9: {  	_ =	swait.ge [sflag:s16], $0x2800  }
0xba: {  	[sflag:s16] =	ssyncset.done $0x0  }
0xbb: {  	[sflag:s16] =	ssyncadd.s32 $0xFFFFD800  }
0xbc: {  	[hbm4b:s11+s23] =	stream.strided.scatter [tilespmem:s19], [sflag:$0x1], $0x2800, s24, s23, $0x38;
	[tilespmem:$0x10000] =	vst v63  }
0xbd: {  	_ =	swait.ge [sflag:s16], $0x2800  }
0xbe: {  	[sflag:s16] =	ssyncset.done $0x0  }
0xbf: {  	[sflag:s16] =	ssyncadd.s32 $0xFFFFD800  }
0xc0: {  	[hbm4b:s12+s23] =	stream.strided.scatter [tilespmem:s20], [sflag:$0x1], $0x2800, s24, s23, $0x38;
	[tilespmem:$0x10000] =	vst v63  }
0xc1: {  	_ =	swait.ge [sflag:s16], $0x2800  }
0xc2: {  	[sflag:s16] =	ssyncset.done $0x0  }
0xc3: {  	[sflag:s16] =	ssyncadd.s32 $0xFFFFD800  }
0xc4: {  	[hbm4b:s13+s23] =	stream.strided.scatter [tilespmem:s21], [sflag:$0x1], $0x2800, s24, s23, $0x38;
	[tilespmem:$0x10000] =	vst v63  }
0xc5: {  	s2 =	sadd.s32 $0x1, s2;
	_ =	swait.ge [sflag:s16], $0x2800  }
0xc6: {  	p0 =	sne.s32 s2, s15;
	[sflag:s16] =	ssyncset.done $0x0  }
.Ltmp7:
0xc7: {  	[sflag:s16] =	ssyncadd.s32 $0xFFFFD800;
	(pc) =	sbr.rel @p0 .LBB2_1-.Ltmp7, $4  }
0xc8: {  	[hbm4b:s14+s23] =	stream.strided.scatter [tilespmem:s22], [sflag:$0x1], $0x2800, s24, s23, $0x38;
	[tilespmem:$0x10000] =	vst v63  }
0xc9: {  	_ =	swait.ge [sflag:s16], $0x2800  }
0xca: {  	[sflag:s16] =	ssyncset.done $0x0  }
0xcb: {  	[sflag:s16] =	ssyncadd.s32 $0xFFFFD800  }
0xcc: {  	_ =	sfence.sel $0x180000  }
0xcd: {  	[bflag:$0x0] =	sbarrier.arrive $0xFFFF  }
0xce: {  	p0 =	sne.s32 s1, $0x0;
	_ =	strace $0x90000047  }
0xcf: {  	s0 =	sadd.s32 @!p0 $0x100000, s0;
	[bflag:$0x2] =	sbarrier.arrive $0xFFFF  }
0xd0: {  	[sflag:s0] =	ssyncadd.tile.s32 @!p0 $0x1;
	_ =	shalt  }
.Lfunc_end2:
_tile_overlayer_lowered:
.L_overlay_start_2:
0xd1: {  	(tag) =	ssettag $0x2  }
0xd2: {  	s0 =	rddreg [dreg:$0x0];
	s2 =	stileid.u32  }
0xd3: {  	s1 =	rddreg [dreg:$0x1];
	p0 =	sne.s32 s2, $0x0  }
0xd4: {  	s3 =	rddreg [dreg:$0x2];
	[bflag:$0x3] =	sbarrier.arrive $0xFFFF;
	s2 =	simm.s32 @!p0 $0x1C01  }
0xd5: {  	[timem:s3], [sflag:s2] =	dma.local @!p0 [hbm:s0], s1  }
0xd6: {  	s0 =	simm.s32 @!p0 $0x1  }
0xd7: {  	_ =	swait.ge @!p0 [sflag:s0], s1  }
0xd8: {  	s1 =	ssub.s32 @!p0 $0x0, s1;
	[sflag:s0] =	ssyncset.done @!p0 $0x0  }
0xd9: {  	[sflag:s0] =	ssyncadd.s32 @!p0 s1  }
0xda: {  	[bflag:$0x3] =	sbarrier.arrive $0xFFFF  }
0xdb: {  	_ =	shalt  }

</sc_bundles>
